<compile_context>
chip_gen: v7x
topology: tpu7x:2x2x1
jax: 0.10.2.dev20260603
libtpu: 0.0.44.dev20260713+nightly
codegen_flags: <defaults>
</compile_context>

<pallas_src>
import functools

import jax
import jax.numpy as jnp
from jax import lax
from jax.experimental import pallas as pl
from jax.experimental.pallas import tpu as pltpu
from jax.experimental.pallas import tpu_sc as plsc

N = 10000
E = 320000
F_IN = 128
H = 256
C = 64

NC = 2
NS = 16
K = 128
CH0 = 80
CH1 = 80
CHMAX = max(CH0, CH1)
TOTC = CH0 + CH1
E_PAD = NS * (CH0 + CH1) * K
RPT = 632
NROWS = NS * RPT
DUMMY = 10008


def _make_seg_sum(P):
    FH = 64

    @functools.partial(
        pl.kernel,
        out_type=jax.ShapeDtypeStruct((NC, NROWS, 2 * FH), jnp.float32),
        mesh=plsc.VectorSubcoreMesh(core_axis_name="c", subcore_axis_name="s"),
        scratch_types=[
            pltpu.VMEM((CHMAX, K), jnp.int32),
            pltpu.VMEM((2, K), jnp.int32),
            pltpu.VMEM((2, K), jnp.int32),
            pltpu.VMEM((K, FH), jnp.float32),
            pltpu.VMEM((K, FH), jnp.float32),
            pltpu.VMEM_SHARED((NROWS, FH), jnp.float32),
            pltpu.VMEM_SHARED((NROWS, FH), jnp.float32),
            pltpu.SemaphoreType.DMA,
            pltpu.SemaphoreType.DMA,
        ],
        compiler_params=pltpu.CompilerParams(use_tc_tiling_on_sc=False),
    )
    def seg_sum(table, edges, zeros, out, edge_v, sidx, didx, rows0, rows1,
                acc, tbl, sem0, sem1):
        cid = lax.axis_index("c")
        sid = lax.axis_index("s")
        r0 = sid * RPT
        start = jnp.minimum(cid * CH0, TOTC - CHMAX)
        coff = cid * CH0 - start
        nch = jnp.where(cid == 0, CH0, CH1)

        pltpu.sync_copy(edges.at[sid].at[pl.ds(start, CHMAX)], edge_v)

        def unpack(c, b):
            for j in range(K // 16):
                p = edge_v.at[c + coff][pl.ds(16 * j, 16)]
                sidx.at[b][pl.ds(16 * j, 16)] = lax.bitwise_and(p, 0xFFFF)
                didx.at[b][pl.ds(16 * j, 16)] = lax.shift_right_logical(p, 16)

        for p in range(P):
            pltpu.sync_copy(table.at[pl.ds(r0, RPT), pl.ds(FH * p, FH)],
                            tbl.at[pl.ds(r0, RPT)])
            for t in range(7):
                pltpu.sync_copy(zeros, acc.at[pl.ds(r0 + 80 * t, 80)])
            pltpu.sync_copy(zeros.at[pl.ds(0, 72)],
                            acc.at[pl.ds(r0 + 560, 72)])
            plsc.subcore_barrier()

            @pl.when(nch > 0)
            def _():
                unpack(0, 0)
                pltpu.async_copy(tbl.at[sidx.at[0]], rows0, sem0)

            def body(i, carry):
                a = 2 * i
                unpack(a + 1, 1)
                pltpu.async_copy(tbl.at[sidx.at[1]], rows1, sem1)
                pltpu.make_async_copy(tbl.at[sidx.at[0]], rows0, sem0).wait()
                pltpu.sync_copy(rows0, acc.at[didx.at[0]], add=True)

                @pl.when(i < nch // 2 - 1)
                def _():
                    unpack(a + 2, 0)
                    pltpu.async_copy(tbl.at[sidx.at[0]], rows0, sem0)

                pltpu.make_async_copy(tbl.at[sidx.at[1]], rows1, sem1).wait()
                pltpu.sync_copy(rows1, acc.at[didx.at[1]], add=True)
                return carry

            lax.fori_loop(0, nch // 2, body, 0)
            plsc.subcore_barrier()

            pltpu.sync_copy(acc.at[pl.ds(r0, RPT)],
                            out.at[cid].at[pl.ds(r0, RPT),
                                           pl.ds(FH * p, FH)])

    return seg_sum


_seg_sum_2 = _make_seg_sum(2)
_seg_sum_1 = _make_seg_sum(1)


_EROWS = E // K
_EROWS_PAD = E_PAD // K


def _pack_body(ei_ref, o_ref):
    p = jnp.left_shift(ei_ref[1], 16) | ei_ref[0]
    fill = jnp.full((_EROWS_PAD - _EROWS, K), DUMMY << 16, jnp.int32)
    o_ref[...] = jnp.concatenate([p, fill], axis=0)


def _pack_edges(edge_index):
    out = pl.pallas_call(
        _pack_body,
        out_shape=jax.ShapeDtypeStruct((_EROWS_PAD, K), jnp.int32),
    )(edge_index.astype(jnp.int32).reshape(2, _EROWS, K))
    return out.reshape(NS, TOTC, K)


def _mlp_body(x_ref, a_ref, w1_ref, b1_ref, w2_ref, o_ref):
    h = x_ref[...] + a_ref[0] + a_ref[1]
    h1 = jnp.dot(h, w1_ref[...], preferred_element_type=jnp.float32)
    h1 = jnp.maximum(h1 + b1_ref[...], 0.0)
    v = jnp.dot(h1, w2_ref[...], preferred_element_type=jnp.float32)
    o_ref[...] = jnp.concatenate([v, jnp.zeros_like(v)], axis=1)


def _log_softmax_body(v_ref, a_ref, b2_ref, o_ref):
    h2 = (v_ref[...][:, :C] + a_ref[0][:, :C] + a_ref[1][:, :C]
          + b2_ref[...])
    m = jnp.max(h2, axis=1, keepdims=True)
    s = jnp.sum(jnp.exp(h2 - m), axis=1, keepdims=True)
    o_ref[...] = h2 - m - jnp.log(s)


_BR = 1000


def _mlp(x, aggr, W1, b1, W2):
    return pl.pallas_call(
        _mlp_body,
        grid=(N // _BR,),
        in_specs=[
            pl.BlockSpec((_BR, F_IN), lambda i: (i, 0)),
            pl.BlockSpec((NC, _BR, 2 * 64), lambda i: (0, i, 0)),
            pl.BlockSpec((F_IN, H), lambda i: (0, 0)),
            pl.BlockSpec((1, H), lambda i: (0, 0)),
            pl.BlockSpec((H, C), lambda i: (0, 0)),
        ],
        out_specs=pl.BlockSpec((_BR, 2 * C), lambda i: (i, 0)),
        out_shape=jax.ShapeDtypeStruct((NROWS, 2 * C), jnp.float32),
    )(x, aggr, W1, b1.reshape(1, H), W2)


def _log_softmax(v, aggr, b2):
    return pl.pallas_call(
        _log_softmax_body,
        grid=(N // _BR,),
        in_specs=[
            pl.BlockSpec((_BR, 2 * C), lambda i: (i, 0)),
            pl.BlockSpec((NC, _BR, 2 * C), lambda i: (0, i, 0)),
            pl.BlockSpec((1, C), lambda i: (0, 0)),
        ],
        out_specs=pl.BlockSpec((_BR, C), lambda i: (i, 0)),
        out_shape=jax.ShapeDtypeStruct((N, C), jnp.float32),
    )(v, aggr, b2.reshape(1, C))


def kernel(x, edge_index, W1, b1, W2, b2):
    edges = _pack_edges(edge_index)
    z64 = jnp.zeros((80, 64), jnp.float32)
    x_pad = jnp.concatenate([x, jnp.zeros((NROWS - N, F_IN), jnp.float32)])

    aggr1 = _seg_sum_2(x_pad, edges, z64)
    v = _mlp(x, aggr1, W1, b1, W2)
    aggr2 = _seg_sum_1(v, edges, z64)
    return _log_softmax(v, aggr2, b2)

# --- scband reference (transcript-rebuilt; emitter-appended) ---
"""Pipeline reference for scband-gin-net-56891136803145 (READ-ONLY COPY).

The authoritative reference and input builder live on the scoring server;
editing this copy changes nothing except your own understanding.
"""

import jax, jax.numpy as jnp
import numpy as np

N = 10000
E = 320000
F_IN = 128
H = 256
C = 64


def setup_inputs(seed: int = 0) -> dict:
    key = jax.random.key(seed)
    k1, k2, k3, k4, k5, k6 = jax.random.split(key, 6)
    x = jax.random.normal(k1, (N, F_IN), dtype=jnp.float32)
    edge_index = jax.random.randint(k2, (2, E), 0, N)
    W1 = jax.random.normal(k3, (F_IN, H), dtype=jnp.float32) * (1.0 / np.sqrt(F_IN))
    b1 = jnp.zeros((H,), dtype=jnp.float32)
    W2 = jax.random.normal(k4, (H, C), dtype=jnp.float32) * (1.0 / np.sqrt(H))
    b2 = jnp.zeros((C,), dtype=jnp.float32)
    return {"x": x, "edge_index": edge_index, "W1": W1, "b1": b1, "W2": W2, "b2": b2}


def reference(x, edge_index, W1, b1, W2, b2):
    # GINConv with eps=0: h = MLP((1+eps)*x + sum_{j in N(i)} x_j)
    src = edge_index[0]
    dst = edge_index[1]

    def gin_layer(h, W, b):
        msgs = jnp.take(h, src, axis=0)                      # gather source features
        aggr = jax.ops.segment_sum(msgs, dst, num_segments=N)  # scatter-add to dst nodes
        return (h + aggr) @ W + b

    h1 = jax.nn.relu(gin_layer(x, W1, b1))
    # F.dropout(training=self.training) is identity in eval mode
    h2 = gin_layer(h1, W2, b2)
    return jax.nn.log_softmax(h2, axis=1)

if __name__ == "__main__":
    import jax
    _d = setup_inputs()
    print(jax.jit(kernel)(*tuple(_d.values())))

</pallas_src>

<mosaic_0001>
#map = affine_map<(d0, d1) -> (0, 0)>
#map1 = affine_map<(d0, d1) -> (0, 0, 0)>
module attributes {stable_mosaic.version = 14 : i64} {
  func.func @seg_sum(%arg0: i32, %arg1: i32, %arg2: memref<10112x128xf32, #tpu.memory_space<hbm>>, %arg3: memref<16x160x128xi32, #tpu.memory_space<hbm>>, %arg4: memref<80x64xf32, #tpu.memory_space<hbm>>, %arg5: memref<2x10112x128xf32, #tpu.memory_space<hbm>>, %arg6: memref<80x128xi32, #tpu.memory_space<vmem>>, %arg7: memref<2x128xi32, #tpu.memory_space<vmem>>, %arg8: memref<2x128xi32, #tpu.memory_space<vmem>>, %arg9: memref<128x64xf32, #tpu.memory_space<vmem>>, %arg10: memref<128x64xf32, #tpu.memory_space<vmem>>, %arg11: memref<10112x64xf32, #tpu.memory_space<vmem_shared>>, %arg12: memref<10112x64xf32, #tpu.memory_space<vmem_shared>>, %arg13: memref<!tpu.dma_semaphore, #tpu.memory_space<semaphore_mem>>, %arg14: memref<!tpu.dma_semaphore, #tpu.memory_space<semaphore_mem>>) attributes {dimension_semantics = [#tpu.dimension_semantics<core_parallel>, #tpu.dimension_semantics<subcore_parallel>], iteration_bounds = array<i64: 2, 16>, scalar_prefetch = 0 : i64, scratch_operands = 9 : i64, tpu.core_type = #tpu.core_type<sc_vector_subcore>, window_params = [{transform_indices = #map}, {transform_indices = #map1}, {transform_indices = #map}, {transform_indices = #map1}]} {
    %mul3A = arith.constant 632 : i32
    %mul3A_0 = arith.muli %arg1, %mul3A : i32
    %mul3A_1 = arith.constant 80 : i32
    %mul3A_2 = arith.muli %arg0, %mul3A_1 : i32
    %min3A = arith.constant 80 : i32
    %min3A_3 = arith.minsi %mul3A_2, %min3A : i32
    %mul3A_4 = arith.constant 80 : i32
    %mul3A_5 = arith.muli %arg0, %mul3A_4 : i32
    %sub3A = arith.subi %mul3A_5, %min3A_3 : i32
    %eq3A = arith.constant 0 : i32
    %eq3A_6 = arith.cmpi eq, %arg0, %eq3A : i32
    %jit3A = arith.constant 80 : i32
    %jit3A_7 = arith.constant 80 : i32
    %select_n3A = arith.select %eq3A_6, %jit3A, %jit3A_7 : i32
    "tpu.region"() ({
      %run_scoped3A = tpu.sem_alloc : memref<!tpu.dma_semaphore, #tpu.memory_space<semaphore_mem>>
      %dma_start3A = arith.constant 0 : i32
      %dma_start3A_54 = arith.constant 0 : i32
      %dma_start3A_55 = tpu.memref_slice %arg3[%arg1, %dma_start3A, %dma_start3A_54] : memref<16x160x128xi32, #tpu.memory_space<hbm>> -> memref<1x160x128xi32, #tpu.memory_space<hbm>>
      %dma_start3A_56 = tpu.memref_squeeze %dma_start3A_55 : memref<1x160x128xi32, #tpu.memory_space<hbm>> -> memref<160x128xi32, #tpu.memory_space<hbm>>
      %dma_start3A_57 = arith.constant 0 : i32
      %dma_start3A_58 = tpu.memref_slice %dma_start3A_56[%min3A_3, %dma_start3A_57] : memref<160x128xi32, #tpu.memory_space<hbm>> -> memref<80x128xi32, #tpu.memory_space<hbm>>
      %dma_start3A_59 = arith.constant 0 : i32
      %dma_start3A_60 = arith.constant 0 : i32
      %dma_start3A_61 = tpu.memref_slice %arg3[%arg1, %dma_start3A_59, %dma_start3A_60] : memref<16x160x128xi32, #tpu.memory_space<hbm>> -> memref<1x160x128xi32, #tpu.memory_space<hbm>>
      %dma_start3A_62 = tpu.memref_squeeze %dma_start3A_61 : memref<1x160x128xi32, #tpu.memory_space<hbm>> -> memref<160x128xi32, #tpu.memory_space<hbm>>
      %dma_start3A_63 = arith.constant 0 : i32
      %dma_start3A_64 = tpu.memref_slice %dma_start3A_62[%min3A_3, %dma_start3A_63] : memref<160x128xi32, #tpu.memory_space<hbm>> -> memref<80x128xi32, #tpu.memory_space<hbm>>
      tpu.enqueue_dma source(%dma_start3A_64 : memref<80x128xi32, #tpu.memory_space<hbm>>) target(%arg6 : memref<80x128xi32, #tpu.memory_space<vmem>>) target_semaphore(%run_scoped3A : memref<!tpu.dma_semaphore, #tpu.memory_space<semaphore_mem>>)
      %dma_wait3A = arith.constant 0 : i32
      %dma_wait3A_65 = arith.constant 0 : i32
      %dma_wait3A_66 = tpu.memref_slice %arg3[%arg1, %dma_wait3A, %dma_wait3A_65] : memref<16x160x128xi32, #tpu.memory_space<hbm>> -> memref<1x160x128xi32, #tpu.memory_space<hbm>>
      %dma_wait3A_67 = tpu.memref_squeeze %dma_wait3A_66 : memref<1x160x128xi32, #tpu.memory_space<hbm>> -> memref<160x128xi32, #tpu.memory_space<hbm>>
      %dma_wait3A_68 = arith.constant 0 : i32
      %dma_wait3A_69 = tpu.memref_slice %dma_wait3A_67[%min3A_3, %dma_wait3A_68] : memref<160x128xi32, #tpu.memory_space<hbm>> -> memref<80x128xi32, #tpu.memory_space<hbm>>
      %dma_wait3A_70 = arith.constant 0 : i32
      %dma_wait3A_71 = arith.constant 0 : i32
      %dma_wait3A_72 = tpu.memref_slice %arg3[%arg1, %dma_wait3A_70, %dma_wait3A_71] : memref<16x160x128xi32, #tpu.memory_space<hbm>> -> memref<1x160x128xi32, #tpu.memory_space<hbm>>
      %dma_wait3A_73 = tpu.memref_squeeze %dma_wait3A_72 : memref<1x160x128xi32, #tpu.memory_space<hbm>> -> memref<160x128xi32, #tpu.memory_space<hbm>>
      %dma_wait3A_74 = arith.constant 0 : i32
      %dma_wait3A_75 = tpu.memref_slice %dma_wait3A_73[%min3A_3, %dma_wait3A_74] : memref<160x128xi32, #tpu.memory_space<hbm>> -> memref<80x128xi32, #tpu.memory_space<hbm>>
      tpu.wait_dma2 semaphore(%run_scoped3A : memref<!tpu.dma_semaphore, #tpu.memory_space<semaphore_mem>>) src(%dma_wait3A_75 : memref<80x128xi32, #tpu.memory_space<hbm>>) dst(%arg6 : memref<80x128xi32, #tpu.memory_space<vmem>>)
      tpu.yield
    }) : () -> ()
    "tpu.region"() ({
      %run_scoped3A = tpu.sem_alloc : memref<!tpu.dma_semaphore, #tpu.memory_space<semaphore_mem>>
      %dma_start3A = arith.constant 0 : i32
      %dma_start3A_54 = tpu.memref_slice %arg12[%mul3A_0, %dma_start3A] : memref<10112x64xf32, #tpu.memory_space<vmem_shared>> -> memref<632x64xf32, #tpu.memory_space<vmem_shared>>
      %dma_start3A_55 = arith.constant 0 : i32
      %dma_start3A_56 = tpu.memref_slice %arg2[%mul3A_0, %dma_start3A_55] : memref<10112x128xf32, #tpu.memory_space<hbm>> -> memref<632x64xf32, #tpu.memory_space<hbm>>
      tpu.enqueue_dma source(%dma_start3A_56 : memref<632x64xf32, #tpu.memory_space<hbm>>) target(%dma_start3A_54 : memref<632x64xf32, #tpu.memory_space<vmem_shared>>) target_semaphore(%run_scoped3A : memref<!tpu.dma_semaphore, #tpu.memory_space<semaphore_mem>>)
      %dma_wait3A = arith.constant 0 : i32
      %dma_wait3A_57 = tpu.memref_slice %arg12[%mul3A_0, %dma_wait3A] : memref<10112x64xf32, #tpu.memory_space<vmem_shared>> -> memref<632x64xf32, #tpu.memory_space<vmem_shared>>
      %dma_wait3A_58 = arith.constant 0 : i32
      %dma_wait3A_59 = tpu.memref_slice %arg2[%mul3A_0, %dma_wait3A_58] : memref<10112x128xf32, #tpu.memory_space<hbm>> -> memref<632x64xf32, #tpu.memory_space<hbm>>
      tpu.wait_dma2 semaphore(%run_scoped3A : memref<!tpu.dma_semaphore, #tpu.memory_space<semaphore_mem>>) src(%dma_wait3A_59 : memref<632x64xf32, #tpu.memory_space<hbm>>) dst(%dma_wait3A_57 : memref<632x64xf32, #tpu.memory_space<vmem_shared>>)
      tpu.yield
    }) : () -> ()
    %add3A = arith.constant 0 : i32
    %add3A_8 = arith.addi %mul3A_0, %add3A : i32
    "tpu.region"() ({
      %run_scoped3A = tpu.sem_alloc : memref<!tpu.dma_semaphore, #tpu.memory_space<semaphore_mem>>
      %dma_start3A = arith.constant 0 : i32
      %dma_start3A_54 = tpu.memref_slice %arg11[%add3A_8, %dma_start3A] : memref<10112x64xf32, #tpu.memory_space<vmem_shared>> -> memref<80x64xf32, #tpu.memory_space<vmem_shared>>
      tpu.enqueue_dma source(%arg4 : memref<80x64xf32, #tpu.memory_space<hbm>>) target(%dma_start3A_54 : memref<80x64xf32, #tpu.memory_space<vmem_shared>>) target_semaphore(%run_scoped3A : memref<!tpu.dma_semaphore, #tpu.memory_space<semaphore_mem>>)
      %dma_wait3A = arith.constant 0 : i32
      %dma_wait3A_55 = tpu.memref_slice %arg11[%add3A_8, %dma_wait3A] : memref<10112x64xf32, #tpu.memory_space<vmem_shared>> -> memref<80x64xf32, #tpu.memory_space<vmem_shared>>
      tpu.wait_dma2 semaphore(%run_scoped3A : memref<!tpu.dma_semaphore, #tpu.memory_space<semaphore_mem>>) src(%arg4 : memref<80x64xf32, #tpu.memory_space<hbm>>) dst(%dma_wait3A_55 : memref<80x64xf32, #tpu.memory_space<vmem_shared>>)
      tpu.yield
    }) : () -> ()
    %add3A_9 = arith.constant 80 : i32
    %add3A_10 = arith.addi %mul3A_0, %add3A_9 : i32
    "tpu.region"() ({
      %run_scoped3A = tpu.sem_alloc : memref<!tpu.dma_semaphore, #tpu.memory_space<semaphore_mem>>
      %dma_start3A = arith.constant 0 : i32
      %dma_start3A_54 = tpu.memref_slice %arg11[%add3A_10, %dma_start3A] : memref<10112x64xf32, #tpu.memory_space<vmem_shared>> -> memref<80x64xf32, #tpu.memory_space<vmem_shared>>
      tpu.enqueue_dma source(%arg4 : memref<80x64xf32, #tpu.memory_space<hbm>>) target(%dma_start3A_54 : memref<80x64xf32, #tpu.memory_space<vmem_shared>>) target_semaphore(%run_scoped3A : memref<!tpu.dma_semaphore, #tpu.memory_space<semaphore_mem>>)
      %dma_wait3A = arith.constant 0 : i32
      %dma_wait3A_55 = tpu.memref_slice %arg11[%add3A_10, %dma_wait3A] : memref<10112x64xf32, #tpu.memory_space<vmem_shared>> -> memref<80x64xf32, #tpu.memory_space<vmem_shared>>
      tpu.wait_dma2 semaphore(%run_scoped3A : memref<!tpu.dma_semaphore, #tpu.memory_space<semaphore_mem>>) src(%arg4 : memref<80x64xf32, #tpu.memory_space<hbm>>) dst(%dma_wait3A_55 : memref<80x64xf32, #tpu.memory_space<vmem_shared>>)
      tpu.yield
    }) : () -> ()
    %add3A_11 = arith.constant 160 : i32
    %add3A_12 = arith.addi %mul3A_0, %add3A_11 : i32
    "tpu.region"() ({
      %run_scoped3A = tpu.sem_alloc : memref<!tpu.dma_semaphore, #tpu.memory_space<semaphore_mem>>
      %dma_start3A = arith.constant 0 : i32
      %dma_start3A_54 = tpu.memref_slice %arg11[%add3A_12, %dma_start3A] : memref<10112x64xf32, #tpu.memory_space<vmem_shared>> -> memref<80x64xf32, #tpu.memory_space<vmem_shared>>
      tpu.enqueue_dma source(%arg4 : memref<80x64xf32, #tpu.memory_space<hbm>>) target(%dma_start3A_54 : memref<80x64xf32, #tpu.memory_space<vmem_shared>>) target_semaphore(%run_scoped3A : memref<!tpu.dma_semaphore, #tpu.memory_space<semaphore_mem>>)
      %dma_wait3A = arith.constant 0 : i32
      %dma_wait3A_55 = tpu.memref_slice %arg11[%add3A_12, %dma_wait3A] : memref<10112x64xf32, #tpu.memory_space<vmem_shared>> -> memref<80x64xf32, #tpu.memory_space<vmem_shared>>
      tpu.wait_dma2 semaphore(%run_scoped3A : memref<!tpu.dma_semaphore, #tpu.memory_space<semaphore_mem>>) src(%arg4 : memref<80x64xf32, #tpu.memory_space<hbm>>) dst(%dma_wait3A_55 : memref<80x64xf32, #tpu.memory_space<vmem_shared>>)
      tpu.yield
    }) : () -> ()
    %add3A_13 = arith.constant 240 : i32
    %add3A_14 = arith.addi %mul3A_0, %add3A_13 : i32
    "tpu.region"() ({
      %run_scoped3A = tpu.sem_alloc : memref<!tpu.dma_semaphore, #tpu.memory_space<semaphore_mem>>
      %dma_start3A = arith.constant 0 : i32
      %dma_start3A_54 = tpu.memref_slice %arg11[%add3A_14, %dma_start3A] : memref<10112x64xf32, #tpu.memory_space<vmem_shared>> -> memref<80x64xf32, #tpu.memory_space<vmem_shared>>
      tpu.enqueue_dma source(%arg4 : memref<80x64xf32, #tpu.memory_space<hbm>>) target(%dma_start3A_54 : memref<80x64xf32, #tpu.memory_space<vmem_shared>>) target_semaphore(%run_scoped3A : memref<!tpu.dma_semaphore, #tpu.memory_space<semaphore_mem>>)
      %dma_wait3A = arith.constant 0 : i32
      %dma_wait3A_55 = tpu.memref_slice %arg11[%add3A_14, %dma_wait3A] : memref<10112x64xf32, #tpu.memory_space<vmem_shared>> -> memref<80x64xf32, #tpu.memory_space<vmem_shared>>
      tpu.wait_dma2 semaphore(%run_scoped3A : memref<!tpu.dma_semaphore, #tpu.memory_space<semaphore_mem>>) src(%arg4 : memref<80x64xf32, #tpu.memory_space<hbm>>) dst(%dma_wait3A_55 : memref<80x64xf32, #tpu.memory_space<vmem_shared>>)
      tpu.yield
    }) : () -> ()
    %add3A_15 = arith.constant 320 : i32
    %add3A_16 = arith.addi %mul3A_0, %add3A_15 : i32
    "tpu.region"() ({
      %run_scoped3A = tpu.sem_alloc : memref<!tpu.dma_semaphore, #tpu.memory_space<semaphore_mem>>
      %dma_start3A = arith.constant 0 : i32
      %dma_start3A_54 = tpu.memref_slice %arg11[%add3A_16, %dma_start3A] : memref<10112x64xf32, #tpu.memory_space<vmem_shared>> -> memref<80x64xf32, #tpu.memory_space<vmem_shared>>
      tpu.enqueue_dma source(%arg4 : memref<80x64xf32, #tpu.memory_space<hbm>>) target(%dma_start3A_54 : memref<80x64xf32, #tpu.memory_space<vmem_shared>>) target_semaphore(%run_scoped3A : memref<!tpu.dma_semaphore, #tpu.memory_space<semaphore_mem>>)
      %dma_wait3A = arith.constant 0 : i32
      %dma_wait3A_55 = tpu.memref_slice %arg11[%add3A_16, %dma_wait3A] : memref<10112x64xf32, #tpu.memory_space<vmem_shared>> -> memref<80x64xf32, #tpu.memory_space<vmem_shared>>
      tpu.wait_dma2 semaphore(%run_scoped3A : memref<!tpu.dma_semaphore, #tpu.memory_space<semaphore_mem>>) src(%arg4 : memref<80x64xf32, #tpu.memory_space<hbm>>) dst(%dma_wait3A_55 : memref<80x64xf32, #tpu.memory_space<vmem_shared>>)
      tpu.yield
    }) : () -> ()
    %add3A_17 = arith.constant 400 : i32
    %add3A_18 = arith.addi %mul3A_0, %add3A_17 : i32
    "tpu.region"() ({
      %run_scoped3A = tpu.sem_alloc : memref<!tpu.dma_semaphore, #tpu.memory_space<semaphore_mem>>
      %dma_start3A = arith.constant 0 : i32
      %dma_start3A_54 = tpu.memref_slice %arg11[%add3A_18, %dma_start3A] : memref<10112x64xf32, #tpu.memory_space<vmem_shared>> -> memref<80x64xf32, #tpu.memory_space<vmem_shared>>
      tpu.enqueue_dma source(%arg4 : memref<80x64xf32, #tpu.memory_space<hbm>>) target(%dma_start3A_54 : memref<80x64xf32, #tpu.memory_space<vmem_shared>>) target_semaphore(%run_scoped3A : memref<!tpu.dma_semaphore, #tpu.memory_space<semaphore_mem>>)
      %dma_wait3A = arith.constant 0 : i32
      %dma_wait3A_55 = tpu.memref_slice %arg11[%add3A_18, %dma_wait3A] : memref<10112x64xf32, #tpu.memory_space<vmem_shared>> -> memref<80x64xf32, #tpu.memory_space<vmem_shared>>
      tpu.wait_dma2 semaphore(%run_scoped3A : memref<!tpu.dma_semaphore, #tpu.memory_space<semaphore_mem>>) src(%arg4 : memref<80x64xf32, #tpu.memory_space<hbm>>) dst(%dma_wait3A_55 : memref<80x64xf32, #tpu.memory_space<vmem_shared>>)
      tpu.yield
    }) : () -> ()
    %add3A_19 = arith.constant 480 : i32
    %add3A_20 = arith.addi %mul3A_0, %add3A_19 : i32
    "tpu.region"() ({
      %run_scoped3A = tpu.sem_alloc : memref<!tpu.dma_semaphore, #tpu.memory_space<semaphore_mem>>
      %dma_start3A = arith.constant 0 : i32
      %dma_start3A_54 = tpu.memref_slice %arg11[%add3A_20, %dma_start3A] : memref<10112x64xf32, #tpu.memory_space<vmem_shared>> -> memref<80x64xf32, #tpu.memory_space<vmem_shared>>
      tpu.enqueue_dma source(%arg4 : memref<80x64xf32, #tpu.memory_space<hbm>>) target(%dma_start3A_54 : memref<80x64xf32, #tpu.memory_space<vmem_shared>>) target_semaphore(%run_scoped3A : memref<!tpu.dma_semaphore, #tpu.memory_space<semaphore_mem>>)
      %dma_wait3A = arith.constant 0 : i32
      %dma_wait3A_55 = tpu.memref_slice %arg11[%add3A_20, %dma_wait3A] : memref<10112x64xf32, #tpu.memory_space<vmem_shared>> -> memref<80x64xf32, #tpu.memory_space<vmem_shared>>
      tpu.wait_dma2 semaphore(%run_scoped3A : memref<!tpu.dma_semaphore, #tpu.memory_space<semaphore_mem>>) src(%arg4 : memref<80x64xf32, #tpu.memory_space<hbm>>) dst(%dma_wait3A_55 : memref<80x64xf32, #tpu.memory_space<vmem_shared>>)
      tpu.yield
    }) : () -> ()
    %add3A_21 = arith.constant 560 : i32
    %add3A_22 = arith.addi %mul3A_0, %add3A_21 : i32
    "tpu.region"() ({
      %run_scoped3A = tpu.sem_alloc : memref<!tpu.dma_semaphore, #tpu.memory_space<semaphore_mem>>
      %dma_start3A = arith.constant 0 : i32
      %dma_start3A_54 = tpu.memref_slice %arg11[%add3A_22, %dma_start3A] : memref<10112x64xf32, #tpu.memory_space<vmem_shared>> -> memref<72x64xf32, #tpu.memory_space<vmem_shared>>
      %dma_start3A_55 = arith.constant 0 : i32
      %dma_start3A_56 = arith.constant 0 : i32
      %dma_start3A_57 = tpu.memref_slice %arg4[%dma_start3A_55, %dma_start3A_56] : memref<80x64xf32, #tpu.memory_space<hbm>> -> memref<72x64xf32, #tpu.memory_space<hbm>>
      tpu.enqueue_dma source(%dma_start3A_57 : memref<72x64xf32, #tpu.memory_space<hbm>>) target(%dma_start3A_54 : memref<72x64xf32, #tpu.memory_space<vmem_shared>>) target_semaphore(%run_scoped3A : memref<!tpu.dma_semaphore, #tpu.memory_space<semaphore_mem>>)
      %dma_wait3A = arith.constant 0 : i32
      %dma_wait3A_58 = tpu.memref_slice %arg11[%add3A_22, %dma_wait3A] : memref<10112x64xf32, #tpu.memory_space<vmem_shared>> -> memref<72x64xf32, #tpu.memory_space<vmem_shared>>
      %dma_wait3A_59 = arith.constant 0 : i32
      %dma_wait3A_60 = arith.constant 0 : i32
      %dma_wait3A_61 = tpu.memref_slice %arg4[%dma_wait3A_59, %dma_wait3A_60] : memref<80x64xf32, #tpu.memory_space<hbm>> -> memref<72x64xf32, #tpu.memory_space<hbm>>
      tpu.wait_dma2 semaphore(%run_scoped3A : memref<!tpu.dma_semaphore, #tpu.memory_space<semaphore_mem>>) src(%dma_wait3A_61 : memref<72x64xf32, #tpu.memory_space<hbm>>) dst(%dma_wait3A_58 : memref<72x64xf32, #tpu.memory_space<vmem_shared>>)
      tpu.yield
    }) : () -> ()
    %barrier3A = arith.constant 0 : index
    tpu.barrier barrier_id(%barrier3A)
    %gt3A = arith.constant 0 : i32
    %gt3A_23 = arith.cmpi sgt, %select_n3A, %gt3A : i32
    %convert_element_type3A = arith.extui %gt3A_23 : i1 to i32
    %cond3A = arith.constant 0 : i32
    %cond3A_24 = arith.cmpi ne, %convert_element_type3A, %cond3A : i32
    scf.if %cond3A_24 {
      %add3A_54 = arith.constant 0 : i32
      %add3A_55 = arith.addi %add3A_54, %sub3A : i32
      %get3A = arith.constant 0 : i32
      %get3A_56 = tpu.memref_slice %arg6[%add3A_55, %get3A] : memref<80x128xi32, #tpu.memory_space<vmem>> -> memref<1x128xi32, #tpu.memory_space<vmem>>
      %get3A_57 = tpu.memref_squeeze %get3A_56 : memref<1x128xi32, #tpu.memory_space<vmem>> -> memref<128xi32, #tpu.memory_space<vmem>>
      %get3A_58 = arith.constant 0 : index
      %get3A_59 = tpu.vector_load %get3A_57[%get3A_58] {strides = array<i32>} : memref<128xi32, #tpu.memory_space<vmem>>, vector<16xi32>,
      %get3A_60 = vector.shape_cast %get3A_59 : vector<16xi32> to vector<16xi32>
      %and3A_61 = arith.constant 65535 : i32
      %and3A_62 = vector.broadcast %and3A_61 : i32 to vector<16xi32>
      %and3A_63 = arith.andi %get3A_60, %and3A_62 : vector<16xi32>
      %swap3A = arith.constant 0 : i32
      %swap3A_64 = arith.constant 0 : i32
      %swap3A_65 = tpu.memref_slice %arg7[%swap3A, %swap3A_64] : memref<2x128xi32, #tpu.memory_space<vmem>> -> memref<1x128xi32, #tpu.memory_space<vmem>>
      %swap3A_66 = tpu.memref_squeeze %swap3A_65 : memref<1x128xi32, #tpu.memory_space<vmem>> -> memref<128xi32, #tpu.memory_space<vmem>>
      %swap3A_67 = arith.constant 0 : index
      %swap3A_68 = tpu.vector_load %swap3A_66[%swap3A_67] {strides = array<i32>} : memref<128xi32, #tpu.memory_space<vmem>>, vector<16xi32>,
      %swap3A_69 = vector.shape_cast %swap3A_68 : vector<16xi32> to vector<16xi32>
      %swap3A_70 = vector.shape_cast %and3A_63 : vector<16xi32> to vector<16xi32>
      tpu.vector_store %swap3A_66[%swap3A_67], %swap3A_70 {strides = array<i32>} : memref<128xi32, #tpu.memory_space<vmem>>, vector<16xi32>,
      %shift_right_logical3A = arith.constant 16 : i32
      %shift_right_logical3A_71 = vector.broadcast %shift_right_logical3A : i32 to vector<16xi32>
      %shift_right_logical3A_72 = arith.shrui %get3A_60, %shift_right_logical3A_71 : vector<16xi32>
      %swap3A_73 = arith.constant 0 : i32
      %swap3A_74 = arith.constant 0 : i32
      %swap3A_75 = tpu.memref_slice %arg8[%swap3A_73, %swap3A_74] : memref<2x128xi32, #tpu.memory_space<vmem>> -> memref<1x128xi32, #tpu.memory_space<vmem>>
      %swap3A_76 = tpu.memref_squeeze %swap3A_75 : memref<1x128xi32, #tpu.memory_space<vmem>> -> memref<128xi32, #tpu.memory_space<vmem>>
      %swap3A_77 = arith.constant 0 : index
      %swap3A_78 = tpu.vector_load %swap3A_76[%swap3A_77] {strides = array<i32>} : memref<128xi32, #tpu.memory_space<vmem>>, vector<16xi32>,
      %swap3A_79 = vector.shape_cast %swap3A_78 : vector<16xi32> to vector<16xi32>
      %swap3A_80 = vector.shape_cast %shift_right_logical3A_72 : vector<16xi32> to vector<16xi32>
      tpu.vector_store %swap3A_76[%swap3A_77], %swap3A_80 {strides = array<i32>} : memref<128xi32, #tpu.memory_space<vmem>>, vector<16xi32>,
      %add3A_81 = arith.constant 0 : i32
      %add3A_82 = arith.addi %add3A_81, %sub3A : i32
      %get3A_83 = arith.constant 0 : i32
      %get3A_84 = tpu.memref_slice %arg6[%add3A_82, %get3A_83] : memref<80x128xi32, #tpu.memory_space<vmem>> -> memref<1x128xi32, #tpu.memory_space<vmem>>
      %get3A_85 = tpu.memref_squeeze %get3A_84 : memref<1x128xi32, #tpu.memory_space<vmem>> -> memref<128xi32, #tpu.memory_space<vmem>>
      %get3A_86 = arith.constant 16 : index
      %get3A_87 = tpu.vector_load %get3A_85[%get3A_86] {strides = array<i32>} : memref<128xi32, #tpu.memory_space<vmem>>, vector<16xi32>,
      %get3A_88 = vector.shape_cast %get3A_87 : vector<16xi32> to vector<16xi32>
      %and3A_89 = arith.constant 65535 : i32
      %and3A_90 = vector.broadcast %and3A_89 : i32 to vector<16xi32>
      %and3A_91 = arith.andi %get3A_88, %and3A_90 : vector<16xi32>
      %swap3A_92 = arith.constant 0 : i32
      %swap3A_93 = arith.constant 0 : i32
      %swap3A_94 = tpu.memref_slice %arg7[%swap3A_92, %swap3A_93] : memref<2x128xi32, #tpu.memory_space<vmem>> -> memref<1x128xi32, #tpu.memory_space<vmem>>
      %swap3A_95 = tpu.memref_squeeze %swap3A_94 : memref<1x128xi32, #tpu.memory_space<vmem>> -> memref<128xi32, #tpu.memory_space<vmem>>
      %swap3A_96 = arith.constant 16 : index
      %swap3A_97 = tpu.vector_load %swap3A_95[%swap3A_96] {strides = array<i32>} : memref<128xi32, #tpu.memory_space<vmem>>, vector<16xi32>,
      %swap3A_98 = vector.shape_cast %swap3A_97 : vector<16xi32> to vector<16xi32>
      %swap3A_99 = vector.shape_cast %and3A_91 : vector<16xi32> to vector<16xi32>
      tpu.vector_store %swap3A_95[%swap3A_96], %swap3A_99 {strides = array<i32>} : memref<128xi32, #tpu.memory_space<vmem>>, vector<16xi32>,
      %shift_right_logical3A_100 = arith.constant 16 : i32
      %shift_right_logical3A_101 = vector.broadcast %shift_right_logical3A_100 : i32 to vector<16xi32>
      %shift_right_logical3A_102 = arith.shrui %get3A_88, %shift_right_logical3A_101 : vector<16xi32>
      %swap3A_103 = arith.constant 0 : i32
      %swap3A_104 = arith.constant 0 : i32
      %swap3A_105 = tpu.memref_slice %arg8[%swap3A_103, %swap3A_104] : memref<2x128xi32, #tpu.memory_space<vmem>> -> memref<1x128xi32, #tpu.memory_space<vmem>>
      %swap3A_106 = tpu.memref_squeeze %swap3A_105 : memref<1x128xi32, #tpu.memory_space<vmem>> -> memref<128xi32, #tpu.memory_space<vmem>>
      %swap3A_107 = arith.constant 16 : index
      %swap3A_108 = tpu.vector_load %swap3A_106[%swap3A_107] {strides = array<i32>} : memref<128xi32, #tpu.memory_space<vmem>>, vector<16xi32>,
      %swap3A_109 = vector.shape_cast %swap3A_108 : vector<16xi32> to vector<16xi32>
      %swap3A_110 = vector.shape_cast %shift_right_logical3A_102 : vector<16xi32> to vector<16xi32>
      tpu.vector_store %swap3A_106[%swap3A_107], %swap3A_110 {strides = array<i32>} : memref<128xi32, #tpu.memory_space<vmem>>, vector<16xi32>,
      %add3A_111 = arith.constant 0 : i32
      %add3A_112 = arith.addi %add3A_111, %sub3A : i32
      %get3A_113 = arith.constant 0 : i32
      %get3A_114 = tpu.memref_slice %arg6[%add3A_112, %get3A_113] : memref<80x128xi32, #tpu.memory_space<vmem>> -> memref<1x128xi32, #tpu.memory_space<vmem>>
      %get3A_115 = tpu.memref_squeeze %get3A_114 : memref<1x128xi32, #tpu.memory_space<vmem>> -> memref<128xi32, #tpu.memory_space<vmem>>
      %get3A_116 = arith.constant 32 : index
      %get3A_117 = tpu.vector_load %get3A_115[%get3A_116] {strides = array<i32>} : memref<128xi32, #tpu.memory_space<vmem>>, vector<16xi32>,
      %get3A_118 = vector.shape_cast %get3A_117 : vector<16xi32> to vector<16xi32>
      %and3A_119 = arith.constant 65535 : i32
      %and3A_120 = vector.broadcast %and3A_119 : i32 to vector<16xi32>
      %and3A_121 = arith.andi %get3A_118, %and3A_120 : vector<16xi32>
      %swap3A_122 = arith.constant 0 : i32
      %swap3A_123 = arith.constant 0 : i32
      %swap3A_124 = tpu.memref_slice %arg7[%swap3A_122, %swap3A_123] : memref<2x128xi32, #tpu.memory_space<vmem>> -> memref<1x128xi32, #tpu.memory_space<vmem>>
      %swap3A_125 = tpu.memref_squeeze %swap3A_124 : memref<1x128xi32, #tpu.memory_space<vmem>> -> memref<128xi32, #tpu.memory_space<vmem>>
      %swap3A_126 = arith.constant 32 : index
      %swap3A_127 = tpu.vector_load %swap3A_125[%swap3A_126] {strides = array<i32>} : memref<128xi32, #tpu.memory_space<vmem>>, vector<16xi32>,
      %swap3A_128 = vector.shape_cast %swap3A_127 : vector<16xi32> to vector<16xi32>
      %swap3A_129 = vector.shape_cast %and3A_121 : vector<16xi32> to vector<16xi32>
      tpu.vector_store %swap3A_125[%swap3A_126], %swap3A_129 {strides = array<i32>} : memref<128xi32, #tpu.memory_space<vmem>>, vector<16xi32>,
      %shift_right_logical3A_130 = arith.constant 16 : i32
      %shift_right_logical3A_131 = vector.broadcast %shift_right_logical3A_130 : i32 to vector<16xi32>
      %shift_right_logical3A_132 = arith.shrui %get3A_118, %shift_right_logical3A_131 : vector<16xi32>
      %swap3A_133 = arith.constant 0 : i32
      %swap3A_134 = arith.constant 0 : i32
      %swap3A_135 = tpu.memref_slice %arg8[%swap3A_133, %swap3A_134] : memref<2x128xi32, #tpu.memory_space<vmem>> -> memref<1x128xi32, #tpu.memory_space<vmem>>
      %swap3A_136 = tpu.memref_squeeze %swap3A_135 : memref<1x128xi32, #tpu.memory_space<vmem>> -> memref<128xi32, #tpu.memory_space<vmem>>
      %swap3A_137 = arith.constant 32 : index
      %swap3A_138 = tpu.vector_load %swap3A_136[%swap3A_137] {strides = array<i32>} : memref<128xi32, #tpu.memory_space<vmem>>, vector<16xi32>,
      %swap3A_139 = vector.shape_cast %swap3A_138 : vector<16xi32> to vector<16xi32>
      %swap3A_140 = vector.shape_cast %shift_right_logical3A_132 : vector<16xi32> to vector<16xi32>
      tpu.vector_store %swap3A_136[%swap3A_137], %swap3A_140 {strides = array<i32>} : memref<128xi32, #tpu.memory_space<vmem>>, vector<16xi32>,
      %add3A_141 = arith.constant 0 : i32
      %add3A_142 = arith.addi %add3A_141, %sub3A : i32
      %get3A_143 = arith.constant 0 : i32
      %get3A_144 = tpu.memref_slice %arg6[%add3A_142, %get3A_143] : memref<80x128xi32, #tpu.memory_space<vmem>> -> memref<1x128xi32, #tpu.memory_space<vmem>>
      %get3A_145 = tpu.memref_squeeze %get3A_144 : memref<1x128xi32, #tpu.memory_space<vmem>> -> memref<128xi32, #tpu.memory_space<vmem>>
      %get3A_146 = arith.constant 48 : index
      %get3A_147 = tpu.vector_load %get3A_145[%get3A_146] {strides = array<i32>} : memref<128xi32, #tpu.memory_space<vmem>>, vector<16xi32>,
      %get3A_148 = vector.shape_cast %get3A_147 : vector<16xi32> to vector<16xi32>
      %and3A_149 = arith.constant 65535 : i32
      %and3A_150 = vector.broadcast %and3A_149 : i32 to vector<16xi32>
      %and3A_151 = arith.andi %get3A_148, %and3A_150 : vector<16xi32>
      %swap3A_152 = arith.constant 0 : i32
      %swap3A_153 = arith.constant 0 : i32
      %swap3A_154 = tpu.memref_slice %arg7[%swap3A_152, %swap3A_153] : memref<2x128xi32, #tpu.memory_space<vmem>> -> memref<1x128xi32, #tpu.memory_space<vmem>>
      %swap3A_155 = tpu.memref_squeeze %swap3A_154 : memref<1x128xi32, #tpu.memory_space<vmem>> -> memref<128xi32, #tpu.memory_space<vmem>>
      %swap3A_156 = arith.constant 48 : index
      %swap3A_157 = tpu.vector_load %swap3A_155[%swap3A_156] {strides = array<i32>} : memref<128xi32, #tpu.memory_space<vmem>>, vector<16xi32>,
      %swap3A_158 = vector.shape_cast %swap3A_157 : vector<16xi32> to vector<16xi32>
      %swap3A_159 = vector.shape_cast %and3A_151 : vector<16xi32> to vector<16xi32>
      tpu.vector_store %swap3A_155[%swap3A_156], %swap3A_159 {strides = array<i32>} : memref<128xi32, #tpu.memory_space<vmem>>, vector<16xi32>,
      %shift_right_logical3A_160 = arith.constant 16 : i32
      %shift_right_logical3A_161 = vector.broadcast %shift_right_logical3A_160 : i32 to vector<16xi32>
      %shift_right_logical3A_162 = arith.shrui %get3A_148, %shift_right_logical3A_161 : vector<16xi32>
      %swap3A_163 = arith.constant 0 : i32
      %swap3A_164 = arith.constant 0 : i32
      %swap3A_165 = tpu.memref_slice %arg8[%swap3A_163, %swap3A_164] : memref<2x128xi32, #tpu.memory_space<vmem>> -> memref<1x128xi32, #tpu.memory_space<vmem>>
      %swap3A_166 = tpu.memref_squeeze %swap3A_165 : memref<1x128xi32, #tpu.memory_space<vmem>> -> memref<128xi32, #tpu.memory_space<vmem>>
      %swap3A_167 = arith.constant 48 : index
      %swap3A_168 = tpu.vector_load %swap3A_166[%swap3A_167] {strides = array<i32>} : memref<128xi32, #tpu.memory_space<vmem>>, vector<16xi32>,
      %swap3A_169 = vector.shape_cast %swap3A_168 : vector<16xi32> to vector<16xi32>
      %swap3A_170 = vector.shape_cast %shift_right_logical3A_162 : vector<16xi32> to vector<16xi32>
      tpu.vector_store %swap3A_166[%swap3A_167], %swap3A_170 {strides = array<i32>} : memref<128xi32, #tpu.memory_space<vmem>>, vector<16xi32>,
      %add3A_171 = arith.constant 0 : i32
      %add3A_172 = arith.addi %add3A_171, %sub3A : i32
      %get3A_173 = arith.constant 0 : i32
      %get3A_174 = tpu.memref_slice %arg6[%add3A_172, %get3A_173] : memref<80x128xi32, #tpu.memory_space<vmem>> -> memref<1x128xi32, #tpu.memory_space<vmem>>
      %get3A_175 = tpu.memref_squeeze %get3A_174 : memref<1x128xi32, #tpu.memory_space<vmem>> -> memref<128xi32, #tpu.memory_space<vmem>>
      %get3A_176 = arith.constant 64 : index
      %get3A_177 = tpu.vector_load %get3A_175[%get3A_176] {strides = array<i32>} : memref<128xi32, #tpu.memory_space<vmem>>, vector<16xi32>,
      %get3A_178 = vector.shape_cast %get3A_177 : vector<16xi32> to vector<16xi32>
      %and3A_179 = arith.constant 65535 : i32
      %and3A_180 = vector.broadcast %and3A_179 : i32 to vector<16xi32>
      %and3A_181 = arith.andi %get3A_178, %and3A_180 : vector<16xi32>
      %swap3A_182 = arith.constant 0 : i32
      %swap3A_183 = arith.constant 0 : i32
      %swap3A_184 = tpu.memref_slice %arg7[%swap3A_182, %swap3A_183] : memref<2x128xi32, #tpu.memory_space<vmem>> -> memref<1x128xi32, #tpu.memory_space<vmem>>
      %swap3A_185 = tpu.memref_squeeze %swap3A_184 : memref<1x128xi32, #tpu.memory_space<vmem>> -> memref<128xi32, #tpu.memory_space<vmem>>
      %swap3A_186 = arith.constant 64 : index
      %swap3A_187 = tpu.vector_load %swap3A_185[%swap3A_186] {strides = array<i32>} : memref<128xi32, #tpu.memory_space<vmem>>, vector<16xi32>,
      %swap3A_188 = vector.shape_cast %swap3A_187 : vector<16xi32> to vector<16xi32>
      %swap3A_189 = vector.shape_cast %and3A_181 : vector<16xi32> to vector<16xi32>
      tpu.vector_store %swap3A_185[%swap3A_186], %swap3A_189 {strides = array<i32>} : memref<128xi32, #tpu.memory_space<vmem>>, vector<16xi32>,
      %shift_right_logical3A_190 = arith.constant 16 : i32
      %shift_right_logical3A_191 = vector.broadcast %shift_right_logical3A_190 : i32 to vector<16xi32>
      %shift_right_logical3A_192 = arith.shrui %get3A_178, %shift_right_logical3A_191 : vector<16xi32>
      %swap3A_193 = arith.constant 0 : i32
      %swap3A_194 = arith.constant 0 : i32
      %swap3A_195 = tpu.memref_slice %arg8[%swap3A_193, %swap3A_194] : memref<2x128xi32, #tpu.memory_space<vmem>> -> memref<1x128xi32, #tpu.memory_space<vmem>>
      %swap3A_196 = tpu.memref_squeeze %swap3A_195 : memref<1x128xi32, #tpu.memory_space<vmem>> -> memref<128xi32, #tpu.memory_space<vmem>>
      %swap3A_197 = arith.constant 64 : index
      %swap3A_198 = tpu.vector_load %swap3A_196[%swap3A_197] {strides = array<i32>} : memref<128xi32, #tpu.memory_space<vmem>>, vector<16xi32>,
      %swap3A_199 = vector.shape_cast %swap3A_198 : vector<16xi32> to vector<16xi32>
      %swap3A_200 = vector.shape_cast %shift_right_logical3A_192 : vector<16xi32> to vector<16xi32>
      tpu.vector_store %swap3A_196[%swap3A_197], %swap3A_200 {strides = array<i32>} : memref<128xi32, #tpu.memory_space<vmem>>, vector<16xi32>,
      %add3A_201 = arith.constant 0 : i32
      %add3A_202 = arith.addi %add3A_201, %sub3A : i32
      %get3A_203 = arith.constant 0 : i32
      %get3A_204 = tpu.memref_slice %arg6[%add3A_202, %get3A_203] : memref<80x128xi32, #tpu.memory_space<vmem>> -> memref<1x128xi32, #tpu.memory_space<vmem>>
      %get3A_205 = tpu.memref_squeeze %get3A_204 : memref<1x128xi32, #tpu.memory_space<vmem>> -> memref<128xi32, #tpu.memory_space<vmem>>
      %get3A_206 = arith.constant 80 : index
      %get3A_207 = tpu.vector_load %get3A_205[%get3A_206] {strides = array<i32>} : memref<128xi32, #tpu.memory_space<vmem>>, vector<16xi32>,
      %get3A_208 = vector.shape_cast %get3A_207 : vector<16xi32> to vector<16xi32>
      %and3A_209 = arith.constant 65535 : i32
      %and3A_210 = vector.broadcast %and3A_209 : i32 to vector<16xi32>
      %and3A_211 = arith.andi %get3A_208, %and3A_210 : vector<16xi32>
      %swap3A_212 = arith.constant 0 : i32
      %swap3A_213 = arith.constant 0 : i32
      %swap3A_214 = tpu.memref_slice %arg7[%swap3A_212, %swap3A_213] : memref<2x128xi32, #tpu.memory_space<vmem>> -> memref<1x128xi32, #tpu.memory_space<vmem>>
      %swap3A_215 = tpu.memref_squeeze %swap3A_214 : memref<1x128xi32, #tpu.memory_space<vmem>> -> memref<128xi32, #tpu.memory_space<vmem>>
      %swap3A_216 = arith.constant 80 : index
      %swap3A_217 = tpu.vector_load %swap3A_215[%swap3A_216] {strides = array<i32>} : memref<128xi32, #tpu.memory_space<vmem>>, vector<16xi32>,
      %swap3A_218 = vector.shape_cast %swap3A_217 : vector<16xi32> to vector<16xi32>
      %swap3A_219 = vector.shape_cast %and3A_211 : vector<16xi32> to vector<16xi32>
      tpu.vector_store %swap3A_215[%swap3A_216], %swap3A_219 {strides = array<i32>} : memref<128xi32, #tpu.memory_space<vmem>>, vector<16xi32>,
      %shift_right_logical3A_220 = arith.constant 16 : i32
      %shift_right_logical3A_221 = vector.broadcast %shift_right_logical3A_220 : i32 to vector<16xi32>
      %shift_right_logical3A_222 = arith.shrui %get3A_208, %shift_right_logical3A_221 : vector<16xi32>
      %swap3A_223 = arith.constant 0 : i32
      %swap3A_224 = arith.constant 0 : i32
      %swap3A_225 = tpu.memref_slice %arg8[%swap3A_223, %swap3A_224] : memref<2x128xi32, #tpu.memory_space<vmem>> -> memref<1x128xi32, #tpu.memory_space<vmem>>
      %swap3A_226 = tpu.memref_squeeze %swap3A_225 : memref<1x128xi32, #tpu.memory_space<vmem>> -> memref<128xi32, #tpu.memory_space<vmem>>
      %swap3A_227 = arith.constant 80 : index
      %swap3A_228 = tpu.vector_load %swap3A_226[%swap3A_227] {strides = array<i32>} : memref<128xi32, #tpu.memory_space<vmem>>, vector<16xi32>,
      %swap3A_229 = vector.shape_cast %swap3A_228 : vector<16xi32> to vector<16xi32>
      %swap3A_230 = vector.shape_cast %shift_right_logical3A_222 : vector<16xi32> to vector<16xi32>
      tpu.vector_store %swap3A_226[%swap3A_227], %swap3A_230 {strides = array<i32>} : memref<128xi32, #tpu.memory_space<vmem>>, vector<16xi32>,
      %add3A_231 = arith.constant 0 : i32
      %add3A_232 = arith.addi %add3A_231, %sub3A : i32
      %get3A_233 = arith.constant 0 : i32
      %get3A_234 = tpu.memref_slice %arg6[%add3A_232, %get3A_233] : memref<80x128xi32, #tpu.memory_space<vmem>> -> memref<1x128xi32, #tpu.memory_space<vmem>>
      %get3A_235 = tpu.memref_squeeze %get3A_234 : memref<1x128xi32, #tpu.memory_space<vmem>> -> memref<128xi32, #tpu.memory_space<vmem>>
      %get3A_236 = arith.constant 96 : index
      %get3A_237 = tpu.vector_load %get3A_235[%get3A_236] {strides = array<i32>} : memref<128xi32, #tpu.memory_space<vmem>>, vector<16xi32>,
      %get3A_238 = vector.shape_cast %get3A_237 : vector<16xi32> to vector<16xi32>
      %and3A_239 = arith.constant 65535 : i32
      %and3A_240 = vector.broadcast %and3A_239 : i32 to vector<16xi32>
      %and3A_241 = arith.andi %get3A_238, %and3A_240 : vector<16xi32>
      %swap3A_242 = arith.constant 0 : i32
      %swap3A_243 = arith.constant 0 : i32
      %swap3A_244 = tpu.memref_slice %arg7[%swap3A_242, %swap3A_243] : memref<2x128xi32, #tpu.memory_space<vmem>> -> memref<1x128xi32, #tpu.memory_space<vmem>>
      %swap3A_245 = tpu.memref_squeeze %swap3A_244 : memref<1x128xi32, #tpu.memory_space<vmem>> -> memref<128xi32, #tpu.memory_space<vmem>>
      %swap3A_246 = arith.constant 96 : index
      %swap3A_247 = tpu.vector_load %swap3A_245[%swap3A_246] {strides = array<i32>} : memref<128xi32, #tpu.memory_space<vmem>>, vector<16xi32>,
      %swap3A_248 = vector.shape_cast %swap3A_247 : vector<16xi32> to vector<16xi32>
      %swap3A_249 = vector.shape_cast %and3A_241 : vector<16xi32> to vector<16xi32>
      tpu.vector_store %swap3A_245[%swap3A_246], %swap3A_249 {strides = array<i32>} : memref<128xi32, #tpu.memory_space<vmem>>, vector<16xi32>,
      %shift_right_logical3A_250 = arith.constant 16 : i32
      %shift_right_logical3A_251 = vector.broadcast %shift_right_logical3A_250 : i32 to vector<16xi32>
      %shift_right_logical3A_252 = arith.shrui %get3A_238, %shift_right_logical3A_251 : vector<16xi32>
      %swap3A_253 = arith.constant 0 : i32
      %swap3A_254 = arith.constant 0 : i32
      %swap3A_255 = tpu.memref_slice %arg8[%swap3A_253, %swap3A_254] : memref<2x128xi32, #tpu.memory_space<vmem>> -> memref<1x128xi32, #tpu.memory_space<vmem>>
      %swap3A_256 = tpu.memref_squeeze %swap3A_255 : memref<1x128xi32, #tpu.memory_space<vmem>> -> memref<128xi32, #tpu.memory_space<vmem>>
      %swap3A_257 = arith.constant 96 : index
      %swap3A_258 = tpu.vector_load %swap3A_256[%swap3A_257] {strides = array<i32>} : memref<128xi32, #tpu.memory_space<vmem>>, vector<16xi32>,
      %swap3A_259 = vector.shape_cast %swap3A_258 : vector<16xi32> to vector<16xi32>
      %swap3A_260 = vector.shape_cast %shift_right_logical3A_252 : vector<16xi32> to vector<16xi32>
      tpu.vector_store %swap3A_256[%swap3A_257], %swap3A_260 {strides = array<i32>} : memref<128xi32, #tpu.memory_space<vmem>>, vector<16xi32>,
      %add3A_261 = arith.constant 0 : i32
      %add3A_262 = arith.addi %add3A_261, %sub3A : i32
      %get3A_263 = arith.constant 0 : i32
      %get3A_264 = tpu.memref_slice %arg6[%add3A_262, %get3A_263] : memref<80x128xi32, #tpu.memory_space<vmem>> -> memref<1x128xi32, #tpu.memory_space<vmem>>
      %get3A_265 = tpu.memref_squeeze %get3A_264 : memref<1x128xi32, #tpu.memory_space<vmem>> -> memref<128xi32, #tpu.memory_space<vmem>>
      %get3A_266 = arith.constant 112 : index
      %get3A_267 = tpu.vector_load %get3A_265[%get3A_266] {strides = array<i32>} : memref<128xi32, #tpu.memory_space<vmem>>, vector<16xi32>,
      %get3A_268 = vector.shape_cast %get3A_267 : vector<16xi32> to vector<16xi32>
      %and3A_269 = arith.constant 65535 : i32
      %and3A_270 = vector.broadcast %and3A_269 : i32 to vector<16xi32>
      %and3A_271 = arith.andi %get3A_268, %and3A_270 : vector<16xi32>
      %swap3A_272 = arith.constant 0 : i32
      %swap3A_273 = arith.constant 0 : i32
      %swap3A_274 = tpu.memref_slice %arg7[%swap3A_272, %swap3A_273] : memref<2x128xi32, #tpu.memory_space<vmem>> -> memref<1x128xi32, #tpu.memory_space<vmem>>
      %swap3A_275 = tpu.memref_squeeze %swap3A_274 : memref<1x128xi32, #tpu.memory_space<vmem>> -> memref<128xi32, #tpu.memory_space<vmem>>
      %swap3A_276 = arith.constant 112 : index
      %swap3A_277 = tpu.vector_load %swap3A_275[%swap3A_276] {strides = array<i32>} : memref<128xi32, #tpu.memory_space<vmem>>, vector<16xi32>,
      %swap3A_278 = vector.shape_cast %swap3A_277 : vector<16xi32> to vector<16xi32>
      %swap3A_279 = vector.shape_cast %and3A_271 : vector<16xi32> to vector<16xi32>
      tpu.vector_store %swap3A_275[%swap3A_276], %swap3A_279 {strides = array<i32>} : memref<128xi32, #tpu.memory_space<vmem>>, vector<16xi32>,
      %shift_right_logical3A_280 = arith.constant 16 : i32
      %shift_right_logical3A_281 = vector.broadcast %shift_right_logical3A_280 : i32 to vector<16xi32>
      %shift_right_logical3A_282 = arith.shrui %get3A_268, %shift_right_logical3A_281 : vector<16xi32>
      %swap3A_283 = arith.constant 0 : i32
      %swap3A_284 = arith.constant 0 : i32
      %swap3A_285 = tpu.memref_slice %arg8[%swap3A_283, %swap3A_284] : memref<2x128xi32, #tpu.memory_space<vmem>> -> memref<1x128xi32, #tpu.memory_space<vmem>>
      %swap3A_286 = tpu.memref_squeeze %swap3A_285 : memref<1x128xi32, #tpu.memory_space<vmem>> -> memref<128xi32, #tpu.memory_space<vmem>>
      %swap3A_287 = arith.constant 112 : index
      %swap3A_288 = tpu.vector_load %swap3A_286[%swap3A_287] {strides = array<i32>} : memref<128xi32, #tpu.memory_space<vmem>>, vector<16xi32>,
      %swap3A_289 = vector.shape_cast %swap3A_288 : vector<16xi32> to vector<16xi32>
      %swap3A_290 = vector.shape_cast %shift_right_logical3A_282 : vector<16xi32> to vector<16xi32>
      tpu.vector_store %swap3A_286[%swap3A_287], %swap3A_290 {strides = array<i32>} : memref<128xi32, #tpu.memory_space<vmem>>, vector<16xi32>,
      %dma_start3A = arith.constant 0 : i32
      %dma_start3A_291 = arith.constant 0 : i32
      %dma_start3A_292 = tpu.memref_slice %arg7[%dma_start3A, %dma_start3A_291] : memref<2x128xi32, #tpu.memory_space<vmem>> -> memref<1x128xi32, #tpu.memory_space<vmem>>
      %dma_start3A_293 = tpu.memref_squeeze %dma_start3A_292 : memref<1x128xi32, #tpu.memory_space<vmem>> -> memref<128xi32, #tpu.memory_space<vmem>>
      %dma_start3A_294 = arith.constant 0 : i32
      %dma_start3A_295 = arith.constant 0 : i32
      %dma_start3A_296 = tpu.memref_slice %arg12[%dma_start3A_294, %dma_start3A_295] : memref<10112x64xf32, #tpu.memory_space<vmem_shared>> -> memref<10112x64xf32, #tpu.memory_space<vmem_shared>>
      tpu.enqueue_indirect_dma source(%dma_start3A_296 : memref<10112x64xf32, #tpu.memory_space<vmem_shared>>) target(%arg9 : memref<128x64xf32, #tpu.memory_space<vmem>>) offsets(%dma_start3A_293 : memref<128xi32, #tpu.memory_space<vmem>>) semaphore(%arg13 : memref<!tpu.dma_semaphore, #tpu.memory_space<semaphore_mem>>)
    } else {
    }
    %jit3A_25 = arith.constant 2 : i32
    %div3A = arith.divsi %select_n3A, %jit3A_25 : i32
    %sign3A = arith.constant 0 : i32
    %sign3A_26 = arith.cmpi sgt, %select_n3A, %sign3A : i32
    %sign3A_27 = arith.extui %sign3A_26 : i1 to i32
    %sign3A_28 = arith.constant 0 : i32
    %sign3A_29 = arith.cmpi slt, %select_n3A, %sign3A_28 : i32
    %sign3A_30 = arith.extui %sign3A_29 : i1 to i32
    %sign3A_31 = arith.subi %sign3A_27, %sign3A_30 : i32
    %sign3A_32 = arith.constant 0 : i32
    %sign3A_33 = arith.cmpi sgt, %jit3A_25, %sign3A_32 : i32
    %sign3A_34 = arith.extui %sign3A_33 : i1 to i32
    %sign3A_35 = arith.constant 0 : i32
    %sign3A_36 = arith.cmpi slt, %jit3A_25, %sign3A_35 : i32
    %sign3A_37 = arith.extui %sign3A_36 : i1 to i32
    %sign3A_38 = arith.subi %sign3A_34, %sign3A_37 : i32
    %ne3A = arith.cmpi ne, %sign3A_31, %sign3A_38 : i32
    %rem3A = arith.remsi %select_n3A, %jit3A_25 : i32
    %ne3A_39 = arith.constant 0 : i32
    %ne3A_40 = arith.cmpi ne, %rem3A, %ne3A_39 : i32
    %and3A = arith.andi %ne3A, %ne3A_40 : i1
    %sub3A_41 = arith.constant 1 : i32
    %sub3A_42 = arith.subi %div3A, %sub3A_41 : i32
    %select_n3A_43 = arith.select %and3A, %sub3A_42, %div3A : i32
    %while3A = arith.constant 0 : i32
    %while3A_44 = arith.constant 0 : i32
    %while3A_45 = arith.subi %select_n3A_43, %while3A_44 : i32
    %while3A_46 = arith.addi %while3A_44, %while3A_45 : i32
    %while3A_47 = arith.constant 1 : i32
    %while3A_48 = arith.divsi %while3A_45, %while3A_47 : i32
    %while3A_49 = arith.muli %while3A_48, %while3A_47 : i32
    %while3A_50 = arith.addi %while3A_44, %while3A_49 : i32
    %while3A_51 = arith.constant 1 : i32
    scf.for %while3A_54 = %while3A_44 to %while3A_50 step %while3A_51  : i32 {
      %mul3A_55 = arith.constant 2 : i32
      %mul3A_56 = arith.muli %mul3A_55, %while3A_54 : i32
      %add3A_57 = arith.constant 1 : i32
      %add3A_58 = arith.addi %mul3A_56, %add3A_57 : i32
      %add3A_59 = arith.addi %add3A_58, %sub3A : i32
      %get3A = arith.constant 0 : i32
      %get3A_60 = tpu.memref_slice %arg6[%add3A_59, %get3A] : memref<80x128xi32, #tpu.memory_space<vmem>> -> memref<1x128xi32, #tpu.memory_space<vmem>>
      %get3A_61 = tpu.memref_squeeze %get3A_60 : memref<1x128xi32, #tpu.memory_space<vmem>> -> memref<128xi32, #tpu.memory_space<vmem>>
      %get3A_62 = arith.constant 0 : index
      %get3A_63 = tpu.vector_load %get3A_61[%get3A_62] {strides = array<i32>} : memref<128xi32, #tpu.memory_space<vmem>>, vector<16xi32>,
      %get3A_64 = vector.shape_cast %get3A_63 : vector<16xi32> to vector<16xi32>
      %and3A_65 = arith.constant 65535 : i32
      %and3A_66 = vector.broadcast %and3A_65 : i32 to vector<16xi32>
      %and3A_67 = arith.andi %get3A_64, %and3A_66 : vector<16xi32>
      %swap3A = arith.constant 1 : i32
      %swap3A_68 = arith.constant 0 : i32
      %swap3A_69 = tpu.memref_slice %arg7[%swap3A, %swap3A_68] : memref<2x128xi32, #tpu.memory_space<vmem>> -> memref<1x128xi32, #tpu.memory_space<vmem>>
      %swap3A_70 = tpu.memref_squeeze %swap3A_69 : memref<1x128xi32, #tpu.memory_space<vmem>> -> memref<128xi32, #tpu.memory_space<vmem>>
      %swap3A_71 = arith.constant 0 : index
      %swap3A_72 = tpu.vector_load %swap3A_70[%swap3A_71] {strides = array<i32>} : memref<128xi32, #tpu.memory_space<vmem>>, vector<16xi32>,
      %swap3A_73 = vector.shape_cast %swap3A_72 : vector<16xi32> to vector<16xi32>
      %swap3A_74 = vector.shape_cast %and3A_67 : vector<16xi32> to vector<16xi32>
      tpu.vector_store %swap3A_70[%swap3A_71], %swap3A_74 {strides = array<i32>} : memref<128xi32, #tpu.memory_space<vmem>>, vector<16xi32>,
      %shift_right_logical3A = arith.constant 16 : i32
      %shift_right_logical3A_75 = vector.broadcast %shift_right_logical3A : i32 to vector<16xi32>
      %shift_right_logical3A_76 = arith.shrui %get3A_64, %shift_right_logical3A_75 : vector<16xi32>
      %swap3A_77 = arith.constant 1 : i32
      %swap3A_78 = arith.constant 0 : i32
      %swap3A_79 = tpu.memref_slice %arg8[%swap3A_77, %swap3A_78] : memref<2x128xi32, #tpu.memory_space<vmem>> -> memref<1x128xi32, #tpu.memory_space<vmem>>
      %swap3A_80 = tpu.memref_squeeze %swap3A_79 : memref<1x128xi32, #tpu.memory_space<vmem>> -> memref<128xi32, #tpu.memory_space<vmem>>
      %swap3A_81 = arith.constant 0 : index
      %swap3A_82 = tpu.vector_load %swap3A_80[%swap3A_81] {strides = array<i32>} : memref<128xi32, #tpu.memory_space<vmem>>, vector<16xi32>,
      %swap3A_83 = vector.shape_cast %swap3A_82 : vector<16xi32> to vector<16xi32>
      %swap3A_84 = vector.shape_cast %shift_right_logical3A_76 : vector<16xi32> to vector<16xi32>
      tpu.vector_store %swap3A_80[%swap3A_81], %swap3A_84 {strides = array<i32>} : memref<128xi32, #tpu.memory_space<vmem>>, vector<16xi32>,
      %add3A_85 = arith.addi %add3A_58, %sub3A : i32
      %get3A_86 = arith.constant 0 : i32
      %get3A_87 = tpu.memref_slice %arg6[%add3A_85, %get3A_86] : memref<80x128xi32, #tpu.memory_space<vmem>> -> memref<1x128xi32, #tpu.memory_space<vmem>>
      %get3A_88 = tpu.memref_squeeze %get3A_87 : memref<1x128xi32, #tpu.memory_space<vmem>> -> memref<128xi32, #tpu.memory_space<vmem>>
      %get3A_89 = arith.constant 16 : index
      %get3A_90 = tpu.vector_load %get3A_88[%get3A_89] {strides = array<i32>} : memref<128xi32, #tpu.memory_space<vmem>>, vector<16xi32>,
      %get3A_91 = vector.shape_cast %get3A_90 : vector<16xi32> to vector<16xi32>
      %and3A_92 = arith.constant 65535 : i32
      %and3A_93 = vector.broadcast %and3A_92 : i32 to vector<16xi32>
      %and3A_94 = arith.andi %get3A_91, %and3A_93 : vector<16xi32>
      %swap3A_95 = arith.constant 1 : i32
      %swap3A_96 = arith.constant 0 : i32
      %swap3A_97 = tpu.memref_slice %arg7[%swap3A_95, %swap3A_96] : memref<2x128xi32, #tpu.memory_space<vmem>> -> memref<1x128xi32, #tpu.memory_space<vmem>>
      %swap3A_98 = tpu.memref_squeeze %swap3A_97 : memref<1x128xi32, #tpu.memory_space<vmem>> -> memref<128xi32, #tpu.memory_space<vmem>>
      %swap3A_99 = arith.constant 16 : index
      %swap3A_100 = tpu.vector_load %swap3A_98[%swap3A_99] {strides = array<i32>} : memref<128xi32, #tpu.memory_space<vmem>>, vector<16xi32>,
      %swap3A_101 = vector.shape_cast %swap3A_100 : vector<16xi32> to vector<16xi32>
      %swap3A_102 = vector.shape_cast %and3A_94 : vector<16xi32> to vector<16xi32>
      tpu.vector_store %swap3A_98[%swap3A_99], %swap3A_102 {strides = array<i32>} : memref<128xi32, #tpu.memory_space<vmem>>, vector<16xi32>,
      %shift_right_logical3A_103 = arith.constant 16 : i32
      %shift_right_logical3A_104 = vector.broadcast %shift_right_logical3A_103 : i32 to vector<16xi32>
      %shift_right_logical3A_105 = arith.shrui %get3A_91, %shift_right_logical3A_104 : vector<16xi32>
      %swap3A_106 = arith.constant 1 : i32
      %swap3A_107 = arith.constant 0 : i32
      %swap3A_108 = tpu.memref_slice %arg8[%swap3A_106, %swap3A_107] : memref<2x128xi32, #tpu.memory_space<vmem>> -> memref<1x128xi32, #tpu.memory_space<vmem>>
      %swap3A_109 = tpu.memref_squeeze %swap3A_108 : memref<1x128xi32, #tpu.memory_space<vmem>> -> memref<128xi32, #tpu.memory_space<vmem>>
      %swap3A_110 = arith.constant 16 : index
      %swap3A_111 = tpu.vector_load %swap3A_109[%swap3A_110] {strides = array<i32>} : memref<128xi32, #tpu.memory_space<vmem>>, vector<16xi32>,
      %swap3A_112 = vector.shape_cast %swap3A_111 : vector<16xi32> to vector<16xi32>
      %swap3A_113 = vector.shape_cast %shift_right_logical3A_105 : vector<16xi32> to vector<16xi32>
      tpu.vector_store %swap3A_109[%swap3A_110], %swap3A_113 {strides = array<i32>} : memref<128xi32, #tpu.memory_space<vmem>>, vector<16xi32>,
      %add3A_114 = arith.addi %add3A_58, %sub3A : i32
      %get3A_115 = arith.constant 0 : i32
      %get3A_116 = tpu.memref_slice %arg6[%add3A_114, %get3A_115] : memref<80x128xi32, #tpu.memory_space<vmem>> -> memref<1x128xi32, #tpu.memory_space<vmem>>
      %get3A_117 = tpu.memref_squeeze %get3A_116 : memref<1x128xi32, #tpu.memory_space<vmem>> -> memref<128xi32, #tpu.memory_space<vmem>>
      %get3A_118 = arith.constant 32 : index
      %get3A_119 = tpu.vector_load %get3A_117[%get3A_118] {strides = array<i32>} : memref<128xi32, #tpu.memory_space<vmem>>, vector<16xi32>,
      %get3A_120 = vector.shape_cast %get3A_119 : vector<16xi32> to vector<16xi32>
      %and3A_121 = arith.constant 65535 : i32
      %and3A_122 = vector.broadcast %and3A_121 : i32 to vector<16xi32>
      %and3A_123 = arith.andi %get3A_120, %and3A_122 : vector<16xi32>
      %swap3A_124 = arith.constant 1 : i32
      %swap3A_125 = arith.constant 0 : i32
      %swap3A_126 = tpu.memref_slice %arg7[%swap3A_124, %swap3A_125] : memref<2x128xi32, #tpu.memory_space<vmem>> -> memref<1x128xi32, #tpu.memory_space<vmem>>
      %swap3A_127 = tpu.memref_squeeze %swap3A_126 : memref<1x128xi32, #tpu.memory_space<vmem>> -> memref<128xi32, #tpu.memory_space<vmem>>
      %swap3A_128 = arith.constant 32 : index
      %swap3A_129 = tpu.vector_load %swap3A_127[%swap3A_128] {strides = array<i32>} : memref<128xi32, #tpu.memory_space<vmem>>, vector<16xi32>,
      %swap3A_130 = vector.shape_cast %swap3A_129 : vector<16xi32> to vector<16xi32>
      %swap3A_131 = vector.shape_cast %and3A_123 : vector<16xi32> to vector<16xi32>
      tpu.vector_store %swap3A_127[%swap3A_128], %swap3A_131 {strides = array<i32>} : memref<128xi32, #tpu.memory_space<vmem>>, vector<16xi32>,
      %shift_right_logical3A_132 = arith.constant 16 : i32
      %shift_right_logical3A_133 = vector.broadcast %shift_right_logical3A_132 : i32 to vector<16xi32>
      %shift_right_logical3A_134 = arith.shrui %get3A_120, %shift_right_logical3A_133 : vector<16xi32>
      %swap3A_135 = arith.constant 1 : i32
      %swap3A_136 = arith.constant 0 : i32
      %swap3A_137 = tpu.memref_slice %arg8[%swap3A_135, %swap3A_136] : memref<2x128xi32, #tpu.memory_space<vmem>> -> memref<1x128xi32, #tpu.memory_space<vmem>>
      %swap3A_138 = tpu.memref_squeeze %swap3A_137 : memref<1x128xi32, #tpu.memory_space<vmem>> -> memref<128xi32, #tpu.memory_space<vmem>>
      %swap3A_139 = arith.constant 32 : index
      %swap3A_140 = tpu.vector_load %swap3A_138[%swap3A_139] {strides = array<i32>} : memref<128xi32, #tpu.memory_space<vmem>>, vector<16xi32>,
      %swap3A_141 = vector.shape_cast %swap3A_140 : vector<16xi32> to vector<16xi32>
      %swap3A_142 = vector.shape_cast %shift_right_logical3A_134 : vector<16xi32> to vector<16xi32>
      tpu.vector_store %swap3A_138[%swap3A_139], %swap3A_142 {strides = array<i32>} : memref<128xi32, #tpu.memory_space<vmem>>, vector<16xi32>,
      %add3A_143 = arith.addi %add3A_58, %sub3A : i32
      %get3A_144 = arith.constant 0 : i32
      %get3A_145 = tpu.memref_slice %arg6[%add3A_143, %get3A_144] : memref<80x128xi32, #tpu.memory_space<vmem>> -> memref<1x128xi32, #tpu.memory_space<vmem>>
      %get3A_146 = tpu.memref_squeeze %get3A_145 : memref<1x128xi32, #tpu.memory_space<vmem>> -> memref<128xi32, #tpu.memory_space<vmem>>
      %get3A_147 = arith.constant 48 : index
      %get3A_148 = tpu.vector_load %get3A_146[%get3A_147] {strides = array<i32>} : memref<128xi32, #tpu.memory_space<vmem>>, vector<16xi32>,
      %get3A_149 = vector.shape_cast %get3A_148 : vector<16xi32> to vector<16xi32>
      %and3A_150 = arith.constant 65535 : i32
      %and3A_151 = vector.broadcast %and3A_150 : i32 to vector<16xi32>
      %and3A_152 = arith.andi %get3A_149, %and3A_151 : vector<16xi32>
      %swap3A_153 = arith.constant 1 : i32
      %swap3A_154 = arith.constant 0 : i32
      %swap3A_155 = tpu.memref_slice %arg7[%swap3A_153, %swap3A_154] : memref<2x128xi32, #tpu.memory_space<vmem>> -> memref<1x128xi32, #tpu.memory_space<vmem>>
      %swap3A_156 = tpu.memref_squeeze %swap3A_155 : memref<1x128xi32, #tpu.memory_space<vmem>> -> memref<128xi32, #tpu.memory_space<vmem>>
      %swap3A_157 = arith.constant 48 : index
      %swap3A_158 = tpu.vector_load %swap3A_156[%swap3A_157] {strides = array<i32>} : memref<128xi32, #tpu.memory_space<vmem>>, vector<16xi32>,
      %swap3A_159 = vector.shape_cast %swap3A_158 : vector<16xi32> to vector<16xi32>
      %swap3A_160 = vector.shape_cast %and3A_152 : vector<16xi32> to vector<16xi32>
      tpu.vector_store %swap3A_156[%swap3A_157], %swap3A_160 {strides = array<i32>} : memref<128xi32, #tpu.memory_space<vmem>>, vector<16xi32>,
      %shift_right_logical3A_161 = arith.constant 16 : i32
      %shift_right_logical3A_162 = vector.broadcast %shift_right_logical3A_161 : i32 to vector<16xi32>
      %shift_right_logical3A_163 = arith.shrui %get3A_149, %shift_right_logical3A_162 : vector<16xi32>
      %swap3A_164 = arith.constant 1 : i32
      %swap3A_165 = arith.constant 0 : i32
      %swap3A_166 = tpu.memref_slice %arg8[%swap3A_164, %swap3A_165] : memref<2x128xi32, #tpu.memory_space<vmem>> -> memref<1x128xi32, #tpu.memory_space<vmem>>
      %swap3A_167 = tpu.memref_squeeze %swap3A_166 : memref<1x128xi32, #tpu.memory_space<vmem>> -> memref<128xi32, #tpu.memory_space<vmem>>
      %swap3A_168 = arith.constant 48 : index
      %swap3A_169 = tpu.vector_load %swap3A_167[%swap3A_168] {strides = array<i32>} : memref<128xi32, #tpu.memory_space<vmem>>, vector<16xi32>,
      %swap3A_170 = vector.shape_cast %swap3A_169 : vector<16xi32> to vector<16xi32>
      %swap3A_171 = vector.shape_cast %shift_right_logical3A_163 : vector<16xi32> to vector<16xi32>
      tpu.vector_store %swap3A_167[%swap3A_168], %swap3A_171 {strides = array<i32>} : memref<128xi32, #tpu.memory_space<vmem>>, vector<16xi32>,
      %add3A_172 = arith.addi %add3A_58, %sub3A : i32
      %get3A_173 = arith.constant 0 : i32
      %get3A_174 = tpu.memref_slice %arg6[%add3A_172, %get3A_173] : memref<80x128xi32, #tpu.memory_space<vmem>> -> memref<1x128xi32, #tpu.memory_space<vmem>>
      %get3A_175 = tpu.memref_squeeze %get3A_174 : memref<1x128xi32, #tpu.memory_space<vmem>> -> memref<128xi32, #tpu.memory_space<vmem>>
      %get3A_176 = arith.constant 64 : index
      %get3A_177 = tpu.vector_load %get3A_175[%get3A_176] {strides = array<i32>} : memref<128xi32, #tpu.memory_space<vmem>>, vector<16xi32>,
      %get3A_178 = vector.shape_cast %get3A_177 : vector<16xi32> to vector<16xi32>
      %and3A_179 = arith.constant 65535 : i32
      %and3A_180 = vector.broadcast %and3A_179 : i32 to vector<16xi32>
      %and3A_181 = arith.andi %get3A_178, %and3A_180 : vector<16xi32>
      %swap3A_182 = arith.constant 1 : i32
      %swap3A_183 = arith.constant 0 : i32
      %swap3A_184 = tpu.memref_slice %arg7[%swap3A_182, %swap3A_183] : memref<2x128xi32, #tpu.memory_space<vmem>> -> memref<1x128xi32, #tpu.memory_space<vmem>>
      %swap3A_185 = tpu.memref_squeeze %swap3A_184 : memref<1x128xi32, #tpu.memory_space<vmem>> -> memref<128xi32, #tpu.memory_space<vmem>>
      %swap3A_186 = arith.constant 64 : index
      %swap3A_187 = tpu.vector_load %swap3A_185[%swap3A_186] {strides = array<i32>} : memref<128xi32, #tpu.memory_space<vmem>>, vector<16xi32>,
      %swap3A_188 = vector.shape_cast %swap3A_187 : vector<16xi32> to vector<16xi32>
      %swap3A_189 = vector.shape_cast %and3A_181 : vector<16xi32> to vector<16xi32>
      tpu.vector_store %swap3A_185[%swap3A_186], %swap3A_189 {strides = array<i32>} : memref<128xi32, #tpu.memory_space<vmem>>, vector<16xi32>,
      %shift_right_logical3A_190 = arith.constant 16 : i32
      %shift_right_logical3A_191 = vector.broadcast %shift_right_logical3A_190 : i32 to vector<16xi32>
      %shift_right_logical3A_192 = arith.shrui %get3A_178, %shift_right_logical3A_191 : vector<16xi32>
      %swap3A_193 = arith.constant 1 : i32
      %swap3A_194 = arith.constant 0 : i32
      %swap3A_195 = tpu.memref_slice %arg8[%swap3A_193, %swap3A_194] : memref<2x128xi32, #tpu.memory_space<vmem>> -> memref<1x128xi32, #tpu.memory_space<vmem>>
      %swap3A_196 = tpu.memref_squeeze %swap3A_195 : memref<1x128xi32, #tpu.memory_space<vmem>> -> memref<128xi32, #tpu.memory_space<vmem>>
      %swap3A_197 = arith.constant 64 : index
      %swap3A_198 = tpu.vector_load %swap3A_196[%swap3A_197] {strides = array<i32>} : memref<128xi32, #tpu.memory_space<vmem>>, vector<16xi32>,
      %swap3A_199 = vector.shape_cast %swap3A_198 : vector<16xi32> to vector<16xi32>
      %swap3A_200 = vector.shape_cast %shift_right_logical3A_192 : vector<16xi32> to vector<16xi32>
      tpu.vector_store %swap3A_196[%swap3A_197], %swap3A_200 {strides = array<i32>} : memref<128xi32, #tpu.memory_space<vmem>>, vector<16xi32>,
      %add3A_201 = arith.addi %add3A_58, %sub3A : i32
      %get3A_202 = arith.constant 0 : i32
      %get3A_203 = tpu.memref_slice %arg6[%add3A_201, %get3A_202] : memref<80x128xi32, #tpu.memory_space<vmem>> -> memref<1x128xi32, #tpu.memory_space<vmem>>
      %get3A_204 = tpu.memref_squeeze %get3A_203 : memref<1x128xi32, #tpu.memory_space<vmem>> -> memref<128xi32, #tpu.memory_space<vmem>>
      %get3A_205 = arith.constant 80 : index
      %get3A_206 = tpu.vector_load %get3A_204[%get3A_205] {strides = array<i32>} : memref<128xi32, #tpu.memory_space<vmem>>, vector<16xi32>,
      %get3A_207 = vector.shape_cast %get3A_206 : vector<16xi32> to vector<16xi32>
      %and3A_208 = arith.constant 65535 : i32
      %and3A_209 = vector.broadcast %and3A_208 : i32 to vector<16xi32>
      %and3A_210 = arith.andi %get3A_207, %and3A_209 : vector<16xi32>
      %swap3A_211 = arith.constant 1 : i32
      %swap3A_212 = arith.constant 0 : i32
      %swap3A_213 = tpu.memref_slice %arg7[%swap3A_211, %swap3A_212] : memref<2x128xi32, #tpu.memory_space<vmem>> -> memref<1x128xi32, #tpu.memory_space<vmem>>
      %swap3A_214 = tpu.memref_squeeze %swap3A_213 : memref<1x128xi32, #tpu.memory_space<vmem>> -> memref<128xi32, #tpu.memory_space<vmem>>
      %swap3A_215 = arith.constant 80 : index
      %swap3A_216 = tpu.vector_load %swap3A_214[%swap3A_215] {strides = array<i32>} : memref<128xi32, #tpu.memory_space<vmem>>, vector<16xi32>,
      %swap3A_217 = vector.shape_cast %swap3A_216 : vector<16xi32> to vector<16xi32>
      %swap3A_218 = vector.shape_cast %and3A_210 : vector<16xi32> to vector<16xi32>
      tpu.vector_store %swap3A_214[%swap3A_215], %swap3A_218 {strides = array<i32>} : memref<128xi32, #tpu.memory_space<vmem>>, vector<16xi32>,
      %shift_right_logical3A_219 = arith.constant 16 : i32
      %shift_right_logical3A_220 = vector.broadcast %shift_right_logical3A_219 : i32 to vector<16xi32>
      %shift_right_logical3A_221 = arith.shrui %get3A_207, %shift_right_logical3A_220 : vector<16xi32>
      %swap3A_222 = arith.constant 1 : i32
      %swap3A_223 = arith.constant 0 : i32
      %swap3A_224 = tpu.memref_slice %arg8[%swap3A_222, %swap3A_223] : memref<2x128xi32, #tpu.memory_space<vmem>> -> memref<1x128xi32, #tpu.memory_space<vmem>>
      %swap3A_225 = tpu.memref_squeeze %swap3A_224 : memref<1x128xi32, #tpu.memory_space<vmem>> -> memref<128xi32, #tpu.memory_space<vmem>>
      %swap3A_226 = arith.constant 80 : index
      %swap3A_227 = tpu.vector_load %swap3A_225[%swap3A_226] {strides = array<i32>} : memref<128xi32, #tpu.memory_space<vmem>>, vector<16xi32>,
      %swap3A_228 = vector.shape_cast %swap3A_227 : vector<16xi32> to vector<16xi32>
      %swap3A_229 = vector.shape_cast %shift_right_logical3A_221 : vector<16xi32> to vector<16xi32>
      tpu.vector_store %swap3A_225[%swap3A_226], %swap3A_229 {strides = array<i32>} : memref<128xi32, #tpu.memory_space<vmem>>, vector<16xi32>,
      %add3A_230 = arith.addi %add3A_58, %sub3A : i32
      %get3A_231 = arith.constant 0 : i32
      %get3A_232 = tpu.memref_slice %arg6[%add3A_230, %get3A_231] : memref<80x128xi32, #tpu.memory_space<vmem>> -> memref<1x128xi32, #tpu.memory_space<vmem>>
      %get3A_233 = tpu.memref_squeeze %get3A_232 : memref<1x128xi32, #tpu.memory_space<vmem>> -> memref<128xi32, #tpu.memory_space<vmem>>
      %get3A_234 = arith.constant 96 : index
      %get3A_235 = tpu.vector_load %get3A_233[%get3A_234] {strides = array<i32>} : memref<128xi32, #tpu.memory_space<vmem>>, vector<16xi32>,
      %get3A_236 = vector.shape_cast %get3A_235 : vector<16xi32> to vector<16xi32>
      %and3A_237 = arith.constant 65535 : i32
      %and3A_238 = vector.broadcast %and3A_237 : i32 to vector<16xi32>
      %and3A_239 = arith.andi %get3A_236, %and3A_238 : vector<16xi32>
      %swap3A_240 = arith.constant 1 : i32
      %swap3A_241 = arith.constant 0 : i32
      %swap3A_242 = tpu.memref_slice %arg7[%swap3A_240, %swap3A_241] : memref<2x128xi32, #tpu.memory_space<vmem>> -> memref<1x128xi32, #tpu.memory_space<vmem>>
      %swap3A_243 = tpu.memref_squeeze %swap3A_242 : memref<1x128xi32, #tpu.memory_space<vmem>> -> memref<128xi32, #tpu.memory_space<vmem>>
      %swap3A_244 = arith.constant 96 : index
      %swap3A_245 = tpu.vector_load %swap3A_243[%swap3A_244] {strides = array<i32>} : memref<128xi32, #tpu.memory_space<vmem>>, vector<16xi32>,
      %swap3A_246 = vector.shape_cast %swap3A_245 : vector<16xi32> to vector<16xi32>
      %swap3A_247 = vector.shape_cast %and3A_239 : vector<16xi32> to vector<16xi32>
      tpu.vector_store %swap3A_243[%swap3A_244], %swap3A_247 {strides = array<i32>} : memref<128xi32, #tpu.memory_space<vmem>>, vector<16xi32>,
      %shift_right_logical3A_248 = arith.constant 16 : i32
      %shift_right_logical3A_249 = vector.broadcast %shift_right_logical3A_248 : i32 to vector<16xi32>
      %shift_right_logical3A_250 = arith.shrui %get3A_236, %shift_right_logical3A_249 : vector<16xi32>
      %swap3A_251 = arith.constant 1 : i32
      %swap3A_252 = arith.constant 0 : i32
      %swap3A_253 = tpu.memref_slice %arg8[%swap3A_251, %swap3A_252] : memref<2x128xi32, #tpu.memory_space<vmem>> -> memref<1x128xi32, #tpu.memory_space<vmem>>
      %swap3A_254 = tpu.memref_squeeze %swap3A_253 : memref<1x128xi32, #tpu.memory_space<vmem>> -> memref<128xi32, #tpu.memory_space<vmem>>
      %swap3A_255 = arith.constant 96 : index
      %swap3A_256 = tpu.vector_load %swap3A_254[%swap3A_255] {strides = array<i32>} : memref<128xi32, #tpu.memory_space<vmem>>, vector<16xi32>,
      %swap3A_257 = vector.shape_cast %swap3A_256 : vector<16xi32> to vector<16xi32>
      %swap3A_258 = vector.shape_cast %shift_right_logical3A_250 : vector<16xi32> to vector<16xi32>
      tpu.vector_store %swap3A_254[%swap3A_255], %swap3A_258 {strides = array<i32>} : memref<128xi32, #tpu.memory_space<vmem>>, vector<16xi32>,
      %add3A_259 = arith.addi %add3A_58, %sub3A : i32
      %get3A_260 = arith.constant 0 : i32
      %get3A_261 = tpu.memref_slice %arg6[%add3A_259, %get3A_260] : memref<80x128xi32, #tpu.memory_space<vmem>> -> memref<1x128xi32, #tpu.memory_space<vmem>>
      %get3A_262 = tpu.memref_squeeze %get3A_261 : memref<1x128xi32, #tpu.memory_space<vmem>> -> memref<128xi32, #tpu.memory_space<vmem>>
      %get3A_263 = arith.constant 112 : index
      %get3A_264 = tpu.vector_load %get3A_262[%get3A_263] {strides = array<i32>} : memref<128xi32, #tpu.memory_space<vmem>>, vector<16xi32>,
      %get3A_265 = vector.shape_cast %get3A_264 : vector<16xi32> to vector<16xi32>
      %and3A_266 = arith.constant 65535 : i32
      %and3A_267 = vector.broadcast %and3A_266 : i32 to vector<16xi32>
      %and3A_268 = arith.andi %get3A_265, %and3A_267 : vector<16xi32>
      %swap3A_269 = arith.constant 1 : i32
      %swap3A_270 = arith.constant 0 : i32
      %swap3A_271 = tpu.memref_slice %arg7[%swap3A_269, %swap3A_270] : memref<2x128xi32, #tpu.memory_space<vmem>> -> memref<1x128xi32, #tpu.memory_space<vmem>>
      %swap3A_272 = tpu.memref_squeeze %swap3A_271 : memref<1x128xi32, #tpu.memory_space<vmem>> -> memref<128xi32, #tpu.memory_space<vmem>>
      %swap3A_273 = arith.constant 112 : index
      %swap3A_274 = tpu.vector_load %swap3A_272[%swap3A_273] {strides = array<i32>} : memref<128xi32, #tpu.memory_space<vmem>>, vector<16xi32>,
      %swap3A_275 = vector.shape_cast %swap3A_274 : vector<16xi32> to vector<16xi32>
      %swap3A_276 = vector.shape_cast %and3A_268 : vector<16xi32> to vector<16xi32>
      tpu.vector_store %swap3A_272[%swap3A_273], %swap3A_276 {strides = array<i32>} : memref<128xi32, #tpu.memory_space<vmem>>, vector<16xi32>,
      %shift_right_logical3A_277 = arith.constant 16 : i32
      %shift_right_logical3A_278 = vector.broadcast %shift_right_logical3A_277 : i32 to vector<16xi32>
      %shift_right_logical3A_279 = arith.shrui %get3A_265, %shift_right_logical3A_278 : vector<16xi32>
      %swap3A_280 = arith.constant 1 : i32
      %swap3A_281 = arith.constant 0 : i32
      %swap3A_282 = tpu.memref_slice %arg8[%swap3A_280, %swap3A_281] : memref<2x128xi32, #tpu.memory_space<vmem>> -> memref<1x128xi32, #tpu.memory_space<vmem>>
      %swap3A_283 = tpu.memref_squeeze %swap3A_282 : memref<1x128xi32, #tpu.memory_space<vmem>> -> memref<128xi32, #tpu.memory_space<vmem>>
      %swap3A_284 = arith.constant 112 : index
      %swap3A_285 = tpu.vector_load %swap3A_283[%swap3A_284] {strides = array<i32>} : memref<128xi32, #tpu.memory_space<vmem>>, vector<16xi32>,
      %swap3A_286 = vector.shape_cast %swap3A_285 : vector<16xi32> to vector<16xi32>
      %swap3A_287 = vector.shape_cast %shift_right_logical3A_279 : vector<16xi32> to vector<16xi32>
      tpu.vector_store %swap3A_283[%swap3A_284], %swap3A_287 {strides = array<i32>} : memref<128xi32, #tpu.memory_space<vmem>>, vector<16xi32>,
      %dma_start3A = arith.constant 1 : i32
      %dma_start3A_288 = arith.constant 0 : i32
      %dma_start3A_289 = tpu.memref_slice %arg7[%dma_start3A, %dma_start3A_288] : memref<2x128xi32, #tpu.memory_space<vmem>> -> memref<1x128xi32, #tpu.memory_space<vmem>>
      %dma_start3A_290 = tpu.memref_squeeze %dma_start3A_289 : memref<1x128xi32, #tpu.memory_space<vmem>> -> memref<128xi32, #tpu.memory_space<vmem>>
      %dma_start3A_291 = arith.constant 0 : i32
      %dma_start3A_292 = arith.constant 0 : i32
      %dma_start3A_293 = tpu.memref_slice %arg12[%dma_start3A_291, %dma_start3A_292] : memref<10112x64xf32, #tpu.memory_space<vmem_shared>> -> memref<10112x64xf32, #tpu.memory_space<vmem_shared>>
      tpu.enqueue_indirect_dma source(%dma_start3A_293 : memref<10112x64xf32, #tpu.memory_space<vmem_shared>>) target(%arg10 : memref<128x64xf32, #tpu.memory_space<vmem>>) offsets(%dma_start3A_290 : memref<128xi32, #tpu.memory_space<vmem>>) semaphore(%arg14 : memref<!tpu.dma_semaphore, #tpu.memory_space<semaphore_mem>>)
      %dma_wait3A = arith.constant 0 : i32
      %dma_wait3A_294 = arith.constant 0 : i32
      %dma_wait3A_295 = tpu.memref_slice %arg7[%dma_wait3A, %dma_wait3A_294] : memref<2x128xi32, #tpu.memory_space<vmem>> -> memref<1x128xi32, #tpu.memory_space<vmem>>
      %dma_wait3A_296 = tpu.memref_squeeze %dma_wait3A_295 : memref<1x128xi32, #tpu.memory_space<vmem>> -> memref<128xi32, #tpu.memory_space<vmem>>
      %dma_wait3A_297 = arith.constant 0 : i32
      %dma_wait3A_298 = arith.constant 0 : i32
      %dma_wait3A_299 = tpu.memref_slice %arg12[%dma_wait3A_297, %dma_wait3A_298] : memref<10112x64xf32, #tpu.memory_space<vmem_shared>> -> memref<10112x64xf32, #tpu.memory_space<vmem_shared>>
      tpu.wait_indirect_dma semaphore(%arg13 : memref<!tpu.dma_semaphore, #tpu.memory_space<semaphore_mem>>) src(%dma_wait3A_299 : memref<10112x64xf32, #tpu.memory_space<vmem_shared>>) dst(%arg9 : memref<128x64xf32, #tpu.memory_space<vmem>>)
      %run_scoped3A = arith.constant 0 : i32
      "tpu.region"() ({
        %run_scoped3A_337 = tpu.sem_alloc : memref<!tpu.dma_semaphore, #tpu.memory_space<semaphore_mem>>
        %dma_start3A_338 = arith.constant 0 : i32
        %dma_start3A_339 = tpu.memref_slice %arg8[%run_scoped3A, %dma_start3A_338] : memref<2x128xi32, #tpu.memory_space<vmem>> -> memref<1x128xi32, #tpu.memory_space<vmem>>
        %dma_start3A_340 = tpu.memref_squeeze %dma_start3A_339 : memref<1x128xi32, #tpu.memory_space<vmem>> -> memref<128xi32, #tpu.memory_space<vmem>>
        %dma_start3A_341 = arith.constant 0 : i32
        %dma_start3A_342 = arith.constant 0 : i32
        %dma_start3A_343 = tpu.memref_slice %arg11[%dma_start3A_341, %dma_start3A_342] : memref<10112x64xf32, #tpu.memory_space<vmem_shared>> -> memref<10112x64xf32, #tpu.memory_space<vmem_shared>>
        tpu.enqueue_indirect_dma source(%arg9 : memref<128x64xf32, #tpu.memory_space<vmem>>) target(%dma_start3A_343 : memref<10112x64xf32, #tpu.memory_space<vmem_shared>>) offsets(%dma_start3A_340 : memref<128xi32, #tpu.memory_space<vmem>>) semaphore(%run_scoped3A_337 : memref<!tpu.dma_semaphore, #tpu.memory_space<semaphore_mem>>) {add = true}
        %dma_wait3A_344 = arith.constant 0 : i32
        %dma_wait3A_345 = tpu.memref_slice %arg8[%run_scoped3A, %dma_wait3A_344] : memref<2x128xi32, #tpu.memory_space<vmem>> -> memref<1x128xi32, #tpu.memory_space<vmem>>
        %dma_wait3A_346 = tpu.memref_squeeze %dma_wait3A_345 : memref<1x128xi32, #tpu.memory_space<vmem>> -> memref<128xi32, #tpu.memory_space<vmem>>
        %dma_wait3A_347 = arith.constant 0 : i32
        %dma_wait3A_348 = arith.constant 0 : i32
        %dma_wait3A_349 = tpu.memref_slice %arg11[%dma_wait3A_347, %dma_wait3A_348] : memref<10112x64xf32, #tpu.memory_space<vmem_shared>> -> memref<10112x64xf32, #tpu.memory_space<vmem_shared>>
        tpu.wait_indirect_dma semaphore(%run_scoped3A_337 : memref<!tpu.dma_semaphore, #tpu.memory_space<semaphore_mem>>) src(%arg9 : memref<128x64xf32, #tpu.memory_space<vmem>>) dst(%dma_wait3A_349 : memref<10112x64xf32, #tpu.memory_space<vmem_shared>>)
        tpu.yield
      }) : () -> ()
      %jit3A_300 = arith.constant 2 : i32
      %div3A_301 = arith.divsi %select_n3A, %jit3A_300 : i32
      %sign3A_302 = arith.constant 0 : i32
      %sign3A_303 = arith.cmpi sgt, %select_n3A, %sign3A_302 : i32
      %sign3A_304 = arith.extui %sign3A_303 : i1 to i32
      %sign3A_305 = arith.constant 0 : i32
      %sign3A_306 = arith.cmpi slt, %select_n3A, %sign3A_305 : i32
      %sign3A_307 = arith.extui %sign3A_306 : i1 to i32
      %sign3A_308 = arith.subi %sign3A_304, %sign3A_307 : i32
      %sign3A_309 = arith.constant 0 : i32
      %sign3A_310 = arith.cmpi sgt, %jit3A_300, %sign3A_309 : i32
      %sign3A_311 = arith.extui %sign3A_310 : i1 to i32
      %sign3A_312 = arith.constant 0 : i32
      %sign3A_313 = arith.cmpi slt, %jit3A_300, %sign3A_312 : i32
      %sign3A_314 = arith.extui %sign3A_313 : i1 to i32
      %sign3A_315 = arith.subi %sign3A_311, %sign3A_314 : i32
      %ne3A_316 = arith.cmpi ne, %sign3A_308, %sign3A_315 : i32
      %rem3A_317 = arith.remsi %select_n3A, %jit3A_300 : i32
      %ne3A_318 = arith.constant 0 : i32
      %ne3A_319 = arith.cmpi ne, %rem3A_317, %ne3A_318 : i32
      %and3A_320 = arith.andi %ne3A_316, %ne3A_319 : i1
      %sub3A_321 = arith.constant 1 : i32
      %sub3A_322 = arith.subi %div3A_301, %sub3A_321 : i32
      %select_n3A_323 = arith.select %and3A_320, %sub3A_322, %div3A_301 : i32
      %sub3A_324 = arith.constant 1 : i32
      %sub3A_325 = arith.subi %select_n3A_323, %sub3A_324 : i32
      %lt3A = arith.cmpi slt, %while3A_54, %sub3A_325 : i32
      %convert_element_type3A_326 = arith.extui %lt3A : i1 to i32
      %cond3A_327 = arith.constant 0 : i32
      %cond3A_328 = arith.cmpi ne, %convert_element_type3A_326, %cond3A_327 : i32
      scf.if %cond3A_328 {
        %add3A_337 = arith.constant 2 : i32
        %add3A_338 = arith.addi %mul3A_56, %add3A_337 : i32
        %add3A_339 = arith.addi %add3A_338, %sub3A : i32
        %get3A_340 = arith.constant 0 : i32
        %get3A_341 = tpu.memref_slice %arg6[%add3A_339, %get3A_340] : memref<80x128xi32, #tpu.memory_space<vmem>> -> memref<1x128xi32, #tpu.memory_space<vmem>>
        %get3A_342 = tpu.memref_squeeze %get3A_341 : memref<1x128xi32, #tpu.memory_space<vmem>> -> memref<128xi32, #tpu.memory_space<vmem>>
        %get3A_343 = arith.constant 0 : index
        %get3A_344 = tpu.vector_load %get3A_342[%get3A_343] {strides = array<i32>} : memref<128xi32, #tpu.memory_space<vmem>>, vector<16xi32>,
        %get3A_345 = vector.shape_cast %get3A_344 : vector<16xi32> to vector<16xi32>
        %and3A_346 = arith.constant 65535 : i32
        %and3A_347 = vector.broadcast %and3A_346 : i32 to vector<16xi32>
        %and3A_348 = arith.andi %get3A_345, %and3A_347 : vector<16xi32>
        %swap3A_349 = arith.constant 0 : i32
        %swap3A_350 = arith.constant 0 : i32
        %swap3A_351 = tpu.memref_slice %arg7[%swap3A_349, %swap3A_350] : memref<2x128xi32, #tpu.memory_space<vmem>> -> memref<1x128xi32, #tpu.memory_space<vmem>>
        %swap3A_352 = tpu.memref_squeeze %swap3A_351 : memref<1x128xi32, #tpu.memory_space<vmem>> -> memref<128xi32, #tpu.memory_space<vmem>>
        %swap3A_353 = arith.constant 0 : index
        %swap3A_354 = tpu.vector_load %swap3A_352[%swap3A_353] {strides = array<i32>} : memref<128xi32, #tpu.memory_space<vmem>>, vector<16xi32>,
        %swap3A_355 = vector.shape_cast %swap3A_354 : vector<16xi32> to vector<16xi32>
        %swap3A_356 = vector.shape_cast %and3A_348 : vector<16xi32> to vector<16xi32>
        tpu.vector_store %swap3A_352[%swap3A_353], %swap3A_356 {strides = array<i32>} : memref<128xi32, #tpu.memory_space<vmem>>, vector<16xi32>,
        %shift_right_logical3A_357 = arith.constant 16 : i32
        %shift_right_logical3A_358 = vector.broadcast %shift_right_logical3A_357 : i32 to vector<16xi32>
        %shift_right_logical3A_359 = arith.shrui %get3A_345, %shift_right_logical3A_358 : vector<16xi32>
        %swap3A_360 = arith.constant 0 : i32
        %swap3A_361 = arith.constant 0 : i32
        %swap3A_362 = tpu.memref_slice %arg8[%swap3A_360, %swap3A_361] : memref<2x128xi32, #tpu.memory_space<vmem>> -> memref<1x128xi32, #tpu.memory_space<vmem>>
        %swap3A_363 = tpu.memref_squeeze %swap3A_362 : memref<1x128xi32, #tpu.memory_space<vmem>> -> memref<128xi32, #tpu.memory_space<vmem>>
        %swap3A_364 = arith.constant 0 : index
        %swap3A_365 = tpu.vector_load %swap3A_363[%swap3A_364] {strides = array<i32>} : memref<128xi32, #tpu.memory_space<vmem>>, vector<16xi32>,
        %swap3A_366 = vector.shape_cast %swap3A_365 : vector<16xi32> to vector<16xi32>
        %swap3A_367 = vector.shape_cast %shift_right_logical3A_359 : vector<16xi32> to vector<16xi32>
        tpu.vector_store %swap3A_363[%swap3A_364], %swap3A_367 {strides = array<i32>} : memref<128xi32, #tpu.memory_space<vmem>>, vector<16xi32>,
        %add3A_368 = arith.addi %add3A_338, %sub3A : i32
        %get3A_369 = arith.constant 0 : i32
        %get3A_370 = tpu.memref_slice %arg6[%add3A_368, %get3A_369] : memref<80x128xi32, #tpu.memory_space<vmem>> -> memref<1x128xi32, #tpu.memory_space<vmem>>
        %get3A_371 = tpu.memref_squeeze %get3A_370 : memref<1x128xi32, #tpu.memory_space<vmem>> -> memref<128xi32, #tpu.memory_space<vmem>>
        %get3A_372 = arith.constant 16 : index
        %get3A_373 = tpu.vector_load %get3A_371[%get3A_372] {strides = array<i32>} : memref<128xi32, #tpu.memory_space<vmem>>, vector<16xi32>,
        %get3A_374 = vector.shape_cast %get3A_373 : vector<16xi32> to vector<16xi32>
        %and3A_375 = arith.constant 65535 : i32
        %and3A_376 = vector.broadcast %and3A_375 : i32 to vector<16xi32>
        %and3A_377 = arith.andi %get3A_374, %and3A_376 : vector<16xi32>
        %swap3A_378 = arith.constant 0 : i32
        %swap3A_379 = arith.constant 0 : i32
        %swap3A_380 = tpu.memref_slice %arg7[%swap3A_378, %swap3A_379] : memref<2x128xi32, #tpu.memory_space<vmem>> -> memref<1x128xi32, #tpu.memory_space<vmem>>
        %swap3A_381 = tpu.memref_squeeze %swap3A_380 : memref<1x128xi32, #tpu.memory_space<vmem>> -> memref<128xi32, #tpu.memory_space<vmem>>
        %swap3A_382 = arith.constant 16 : index
        %swap3A_383 = tpu.vector_load %swap3A_381[%swap3A_382] {strides = array<i32>} : memref<128xi32, #tpu.memory_space<vmem>>, vector<16xi32>,
        %swap3A_384 = vector.shape_cast %swap3A_383 : vector<16xi32> to vector<16xi32>
        %swap3A_385 = vector.shape_cast %and3A_377 : vector<16xi32> to vector<16xi32>
        tpu.vector_store %swap3A_381[%swap3A_382], %swap3A_385 {strides = array<i32>} : memref<128xi32, #tpu.memory_space<vmem>>, vector<16xi32>,
        %shift_right_logical3A_386 = arith.constant 16 : i32
        %shift_right_logical3A_387 = vector.broadcast %shift_right_logical3A_386 : i32 to vector<16xi32>
        %shift_right_logical3A_388 = arith.shrui %get3A_374, %shift_right_logical3A_387 : vector<16xi32>
        %swap3A_389 = arith.constant 0 : i32
        %swap3A_390 = arith.constant 0 : i32
        %swap3A_391 = tpu.memref_slice %arg8[%swap3A_389, %swap3A_390] : memref<2x128xi32, #tpu.memory_space<vmem>> -> memref<1x128xi32, #tpu.memory_space<vmem>>
        %swap3A_392 = tpu.memref_squeeze %swap3A_391 : memref<1x128xi32, #tpu.memory_space<vmem>> -> memref<128xi32, #tpu.memory_space<vmem>>
        %swap3A_393 = arith.constant 16 : index
        %swap3A_394 = tpu.vector_load %swap3A_392[%swap3A_393] {strides = array<i32>} : memref<128xi32, #tpu.memory_space<vmem>>, vector<16xi32>,
        %swap3A_395 = vector.shape_cast %swap3A_394 : vector<16xi32> to vector<16xi32>
        %swap3A_396 = vector.shape_cast %shift_right_logical3A_388 : vector<16xi32> to vector<16xi32>
        tpu.vector_store %swap3A_392[%swap3A_393], %swap3A_396 {strides = array<i32>} : memref<128xi32, #tpu.memory_space<vmem>>, vector<16xi32>,
        %add3A_397 = arith.addi %add3A_338, %sub3A : i32
        %get3A_398 = arith.constant 0 : i32
        %get3A_399 = tpu.memref_slice %arg6[%add3A_397, %get3A_398] : memref<80x128xi32, #tpu.memory_space<vmem>> -> memref<1x128xi32, #tpu.memory_space<vmem>>
        %get3A_400 = tpu.memref_squeeze %get3A_399 : memref<1x128xi32, #tpu.memory_space<vmem>> -> memref<128xi32, #tpu.memory_space<vmem>>
        %get3A_401 = arith.constant 32 : index
        %get3A_402 = tpu.vector_load %get3A_400[%get3A_401] {strides = array<i32>} : memref<128xi32, #tpu.memory_space<vmem>>, vector<16xi32>,
        %get3A_403 = vector.shape_cast %get3A_402 : vector<16xi32> to vector<16xi32>
        %and3A_404 = arith.constant 65535 : i32
        %and3A_405 = vector.broadcast %and3A_404 : i32 to vector<16xi32>
        %and3A_406 = arith.andi %get3A_403, %and3A_405 : vector<16xi32>
        %swap3A_407 = arith.constant 0 : i32
        %swap3A_408 = arith.constant 0 : i32
        %swap3A_409 = tpu.memref_slice %arg7[%swap3A_407, %swap3A_408] : memref<2x128xi32, #tpu.memory_space<vmem>> -> memref<1x128xi32, #tpu.memory_space<vmem>>
        %swap3A_410 = tpu.memref_squeeze %swap3A_409 : memref<1x128xi32, #tpu.memory_space<vmem>> -> memref<128xi32, #tpu.memory_space<vmem>>
        %swap3A_411 = arith.constant 32 : index
        %swap3A_412 = tpu.vector_load %swap3A_410[%swap3A_411] {strides = array<i32>} : memref<128xi32, #tpu.memory_space<vmem>>, vector<16xi32>,
        %swap3A_413 = vector.shape_cast %swap3A_412 : vector<16xi32> to vector<16xi32>
        %swap3A_414 = vector.shape_cast %and3A_406 : vector<16xi32> to vector<16xi32>
        tpu.vector_store %swap3A_410[%swap3A_411], %swap3A_414 {strides = array<i32>} : memref<128xi32, #tpu.memory_space<vmem>>, vector<16xi32>,
        %shift_right_logical3A_415 = arith.constant 16 : i32
        %shift_right_logical3A_416 = vector.broadcast %shift_right_logical3A_415 : i32 to vector<16xi32>
        %shift_right_logical3A_417 = arith.shrui %get3A_403, %shift_right_logical3A_416 : vector<16xi32>
        %swap3A_418 = arith.constant 0 : i32
        %swap3A_419 = arith.constant 0 : i32
        %swap3A_420 = tpu.memref_slice %arg8[%swap3A_418, %swap3A_419] : memref<2x128xi32, #tpu.memory_space<vmem>> -> memref<1x128xi32, #tpu.memory_space<vmem>>
        %swap3A_421 = tpu.memref_squeeze %swap3A_420 : memref<1x128xi32, #tpu.memory_space<vmem>> -> memref<128xi32, #tpu.memory_space<vmem>>
        %swap3A_422 = arith.constant 32 : index
        %swap3A_423 = tpu.vector_load %swap3A_421[%swap3A_422] {strides = array<i32>} : memref<128xi32, #tpu.memory_space<vmem>>, vector<16xi32>,
        %swap3A_424 = vector.shape_cast %swap3A_423 : vector<16xi32> to vector<16xi32>
        %swap3A_425 = vector.shape_cast %shift_right_logical3A_417 : vector<16xi32> to vector<16xi32>
        tpu.vector_store %swap3A_421[%swap3A_422], %swap3A_425 {strides = array<i32>} : memref<128xi32, #tpu.memory_space<vmem>>, vector<16xi32>,
        %add3A_426 = arith.addi %add3A_338, %sub3A : i32
        %get3A_427 = arith.constant 0 : i32
        %get3A_428 = tpu.memref_slice %arg6[%add3A_426, %get3A_427] : memref<80x128xi32, #tpu.memory_space<vmem>> -> memref<1x128xi32, #tpu.memory_space<vmem>>
        %get3A_429 = tpu.memref_squeeze %get3A_428 : memref<1x128xi32, #tpu.memory_space<vmem>> -> memref<128xi32, #tpu.memory_space<vmem>>
        %get3A_430 = arith.constant 48 : index
        %get3A_431 = tpu.vector_load %get3A_429[%get3A_430] {strides = array<i32>} : memref<128xi32, #tpu.memory_space<vmem>>, vector<16xi32>,
        %get3A_432 = vector.shape_cast %get3A_431 : vector<16xi32> to vector<16xi32>
        %and3A_433 = arith.constant 65535 : i32
        %and3A_434 = vector.broadcast %and3A_433 : i32 to vector<16xi32>
        %and3A_435 = arith.andi %get3A_432, %and3A_434 : vector<16xi32>
        %swap3A_436 = arith.constant 0 : i32
        %swap3A_437 = arith.constant 0 : i32
        %swap3A_438 = tpu.memref_slice %arg7[%swap3A_436, %swap3A_437] : memref<2x128xi32, #tpu.memory_space<vmem>> -> memref<1x128xi32, #tpu.memory_space<vmem>>
        %swap3A_439 = tpu.memref_squeeze %swap3A_438 : memref<1x128xi32, #tpu.memory_space<vmem>> -> memref<128xi32, #tpu.memory_space<vmem>>
        %swap3A_440 = arith.constant 48 : index
        %swap3A_441 = tpu.vector_load %swap3A_439[%swap3A_440] {strides = array<i32>} : memref<128xi32, #tpu.memory_space<vmem>>, vector<16xi32>,
        %swap3A_442 = vector.shape_cast %swap3A_441 : vector<16xi32> to vector<16xi32>
        %swap3A_443 = vector.shape_cast %and3A_435 : vector<16xi32> to vector<16xi32>
        tpu.vector_store %swap3A_439[%swap3A_440], %swap3A_443 {strides = array<i32>} : memref<128xi32, #tpu.memory_space<vmem>>, vector<16xi32>,
        %shift_right_logical3A_444 = arith.constant 16 : i32
        %shift_right_logical3A_445 = vector.broadcast %shift_right_logical3A_444 : i32 to vector<16xi32>
        %shift_right_logical3A_446 = arith.shrui %get3A_432, %shift_right_logical3A_445 : vector<16xi32>
        %swap3A_447 = arith.constant 0 : i32
        %swap3A_448 = arith.constant 0 : i32
        %swap3A_449 = tpu.memref_slice %arg8[%swap3A_447, %swap3A_448] : memref<2x128xi32, #tpu.memory_space<vmem>> -> memref<1x128xi32, #tpu.memory_space<vmem>>
        %swap3A_450 = tpu.memref_squeeze %swap3A_449 : memref<1x128xi32, #tpu.memory_space<vmem>> -> memref<128xi32, #tpu.memory_space<vmem>>
        %swap3A_451 = arith.constant 48 : index
        %swap3A_452 = tpu.vector_load %swap3A_450[%swap3A_451] {strides = array<i32>} : memref<128xi32, #tpu.memory_space<vmem>>, vector<16xi32>,
        %swap3A_453 = vector.shape_cast %swap3A_452 : vector<16xi32> to vector<16xi32>
        %swap3A_454 = vector.shape_cast %shift_right_logical3A_446 : vector<16xi32> to vector<16xi32>
        tpu.vector_store %swap3A_450[%swap3A_451], %swap3A_454 {strides = array<i32>} : memref<128xi32, #tpu.memory_space<vmem>>, vector<16xi32>,
        %add3A_455 = arith.addi %add3A_338, %sub3A : i32
        %get3A_456 = arith.constant 0 : i32
        %get3A_457 = tpu.memref_slice %arg6[%add3A_455, %get3A_456] : memref<80x128xi32, #tpu.memory_space<vmem>> -> memref<1x128xi32, #tpu.memory_space<vmem>>
        %get3A_458 = tpu.memref_squeeze %get3A_457 : memref<1x128xi32, #tpu.memory_space<vmem>> -> memref<128xi32, #tpu.memory_space<vmem>>
        %get3A_459 = arith.constant 64 : index
        %get3A_460 = tpu.vector_load %get3A_458[%get3A_459] {strides = array<i32>} : memref<128xi32, #tpu.memory_space<vmem>>, vector<16xi32>,
        %get3A_461 = vector.shape_cast %get3A_460 : vector<16xi32> to vector<16xi32>
        %and3A_462 = arith.constant 65535 : i32
        %and3A_463 = vector.broadcast %and3A_462 : i32 to vector<16xi32>
        %and3A_464 = arith.andi %get3A_461, %and3A_463 : vector<16xi32>
        %swap3A_465 = arith.constant 0 : i32
        %swap3A_466 = arith.constant 0 : i32
        %swap3A_467 = tpu.memref_slice %arg7[%swap3A_465, %swap3A_466] : memref<2x128xi32, #tpu.memory_space<vmem>> -> memref<1x128xi32, #tpu.memory_space<vmem>>
        %swap3A_468 = tpu.memref_squeeze %swap3A_467 : memref<1x128xi32, #tpu.memory_space<vmem>> -> memref<128xi32, #tpu.memory_space<vmem>>
        %swap3A_469 = arith.constant 64 : index
        %swap3A_470 = tpu.vector_load %swap3A_468[%swap3A_469] {strides = array<i32>} : memref<128xi32, #tpu.memory_space<vmem>>, vector<16xi32>,
        %swap3A_471 = vector.shape_cast %swap3A_470 : vector<16xi32> to vector<16xi32>
        %swap3A_472 = vector.shape_cast %and3A_464 : vector<16xi32> to vector<16xi32>
        tpu.vector_store %swap3A_468[%swap3A_469], %swap3A_472 {strides = array<i32>} : memref<128xi32, #tpu.memory_space<vmem>>, vector<16xi32>,
        %shift_right_logical3A_473 = arith.constant 16 : i32
        %shift_right_logical3A_474 = vector.broadcast %shift_right_logical3A_473 : i32 to vector<16xi32>
        %shift_right_logical3A_475 = arith.shrui %get3A_461, %shift_right_logical3A_474 : vector<16xi32>
        %swap3A_476 = arith.constant 0 : i32
        %swap3A_477 = arith.constant 0 : i32
        %swap3A_478 = tpu.memref_slice %arg8[%swap3A_476, %swap3A_477] : memref<2x128xi32, #tpu.memory_space<vmem>> -> memref<1x128xi32, #tpu.memory_space<vmem>>
        %swap3A_479 = tpu.memref_squeeze %swap3A_478 : memref<1x128xi32, #tpu.memory_space<vmem>> -> memref<128xi32, #tpu.memory_space<vmem>>
        %swap3A_480 = arith.constant 64 : index
        %swap3A_481 = tpu.vector_load %swap3A_479[%swap3A_480] {strides = array<i32>} : memref<128xi32, #tpu.memory_space<vmem>>, vector<16xi32>,
        %swap3A_482 = vector.shape_cast %swap3A_481 : vector<16xi32> to vector<16xi32>
        %swap3A_483 = vector.shape_cast %shift_right_logical3A_475 : vector<16xi32> to vector<16xi32>
        tpu.vector_store %swap3A_479[%swap3A_480], %swap3A_483 {strides = array<i32>} : memref<128xi32, #tpu.memory_space<vmem>>, vector<16xi32>,
        %add3A_484 = arith.addi %add3A_338, %sub3A : i32
        %get3A_485 = arith.constant 0 : i32
        %get3A_486 = tpu.memref_slice %arg6[%add3A_484, %get3A_485] : memref<80x128xi32, #tpu.memory_space<vmem>> -> memref<1x128xi32, #tpu.memory_space<vmem>>
        %get3A_487 = tpu.memref_squeeze %get3A_486 : memref<1x128xi32, #tpu.memory_space<vmem>> -> memref<128xi32, #tpu.memory_space<vmem>>
        %get3A_488 = arith.constant 80 : index
        %get3A_489 = tpu.vector_load %get3A_487[%get3A_488] {strides = array<i32>} : memref<128xi32, #tpu.memory_space<vmem>>, vector<16xi32>,
        %get3A_490 = vector.shape_cast %get3A_489 : vector<16xi32> to vector<16xi32>
        %and3A_491 = arith.constant 65535 : i32
        %and3A_492 = vector.broadcast %and3A_491 : i32 to vector<16xi32>
        %and3A_493 = arith.andi %get3A_490, %and3A_492 : vector<16xi32>
        %swap3A_494 = arith.constant 0 : i32
        %swap3A_495 = arith.constant 0 : i32
        %swap3A_496 = tpu.memref_slice %arg7[%swap3A_494, %swap3A_495] : memref<2x128xi32, #tpu.memory_space<vmem>> -> memref<1x128xi32, #tpu.memory_space<vmem>>
        %swap3A_497 = tpu.memref_squeeze %swap3A_496 : memref<1x128xi32, #tpu.memory_space<vmem>> -> memref<128xi32, #tpu.memory_space<vmem>>
        %swap3A_498 = arith.constant 80 : index
        %swap3A_499 = tpu.vector_load %swap3A_497[%swap3A_498] {strides = array<i32>} : memref<128xi32, #tpu.memory_space<vmem>>, vector<16xi32>,
        %swap3A_500 = vector.shape_cast %swap3A_499 : vector<16xi32> to vector<16xi32>
        %swap3A_501 = vector.shape_cast %and3A_493 : vector<16xi32> to vector<16xi32>
        tpu.vector_store %swap3A_497[%swap3A_498], %swap3A_501 {strides = array<i32>} : memref<128xi32, #tpu.memory_space<vmem>>, vector<16xi32>,
        %shift_right_logical3A_502 = arith.constant 16 : i32
        %shift_right_logical3A_503 = vector.broadcast %shift_right_logical3A_502 : i32 to vector<16xi32>
        %shift_right_logical3A_504 = arith.shrui %get3A_490, %shift_right_logical3A_503 : vector<16xi32>
        %swap3A_505 = arith.constant 0 : i32
        %swap3A_506 = arith.constant 0 : i32
        %swap3A_507 = tpu.memref_slice %arg8[%swap3A_505, %swap3A_506] : memref<2x128xi32, #tpu.memory_space<vmem>> -> memref<1x128xi32, #tpu.memory_space<vmem>>
        %swap3A_508 = tpu.memref_squeeze %swap3A_507 : memref<1x128xi32, #tpu.memory_space<vmem>> -> memref<128xi32, #tpu.memory_space<vmem>>
        %swap3A_509 = arith.constant 80 : index
        %swap3A_510 = tpu.vector_load %swap3A_508[%swap3A_509] {strides = array<i32>} : memref<128xi32, #tpu.memory_space<vmem>>, vector<16xi32>,
        %swap3A_511 = vector.shape_cast %swap3A_510 : vector<16xi32> to vector<16xi32>
        %swap3A_512 = vector.shape_cast %shift_right_logical3A_504 : vector<16xi32> to vector<16xi32>
        tpu.vector_store %swap3A_508[%swap3A_509], %swap3A_512 {strides = array<i32>} : memref<128xi32, #tpu.memory_space<vmem>>, vector<16xi32>,
        %add3A_513 = arith.addi %add3A_338, %sub3A : i32
        %get3A_514 = arith.constant 0 : i32
        %get3A_515 = tpu.memref_slice %arg6[%add3A_513, %get3A_514] : memref<80x128xi32, #tpu.memory_space<vmem>> -> memref<1x128xi32, #tpu.memory_space<vmem>>
        %get3A_516 = tpu.memref_squeeze %get3A_515 : memref<1x128xi32, #tpu.memory_space<vmem>> -> memref<128xi32, #tpu.memory_space<vmem>>
        %get3A_517 = arith.constant 96 : index
        %get3A_518 = tpu.vector_load %get3A_516[%get3A_517] {strides = array<i32>} : memref<128xi32, #tpu.memory_space<vmem>>, vector<16xi32>,
        %get3A_519 = vector.shape_cast %get3A_518 : vector<16xi32> to vector<16xi32>
        %and3A_520 = arith.constant 65535 : i32
        %and3A_521 = vector.broadcast %and3A_520 : i32 to vector<16xi32>
        %and3A_522 = arith.andi %get3A_519, %and3A_521 : vector<16xi32>
        %swap3A_523 = arith.constant 0 : i32
        %swap3A_524 = arith.constant 0 : i32
        %swap3A_525 = tpu.memref_slice %arg7[%swap3A_523, %swap3A_524] : memref<2x128xi32, #tpu.memory_space<vmem>> -> memref<1x128xi32, #tpu.memory_space<vmem>>
        %swap3A_526 = tpu.memref_squeeze %swap3A_525 : memref<1x128xi32, #tpu.memory_space<vmem>> -> memref<128xi32, #tpu.memory_space<vmem>>
        %swap3A_527 = arith.constant 96 : index
        %swap3A_528 = tpu.vector_load %swap3A_526[%swap3A_527] {strides = array<i32>} : memref<128xi32, #tpu.memory_space<vmem>>, vector<16xi32>,
        %swap3A_529 = vector.shape_cast %swap3A_528 : vector<16xi32> to vector<16xi32>
        %swap3A_530 = vector.shape_cast %and3A_522 : vector<16xi32> to vector<16xi32>
        tpu.vector_store %swap3A_526[%swap3A_527], %swap3A_530 {strides = array<i32>} : memref<128xi32, #tpu.memory_space<vmem>>, vector<16xi32>,
        %shift_right_logical3A_531 = arith.constant 16 : i32
        %shift_right_logical3A_532 = vector.broadcast %shift_right_logical3A_531 : i32 to vector<16xi32>
        %shift_right_logical3A_533 = arith.shrui %get3A_519, %shift_right_logical3A_532 : vector<16xi32>
        %swap3A_534 = arith.constant 0 : i32
        %swap3A_535 = arith.constant 0 : i32
        %swap3A_536 = tpu.memref_slice %arg8[%swap3A_534, %swap3A_535] : memref<2x128xi32, #tpu.memory_space<vmem>> -> memref<1x128xi32, #tpu.memory_space<vmem>>
        %swap3A_537 = tpu.memref_squeeze %swap3A_536 : memref<1x128xi32, #tpu.memory_space<vmem>> -> memref<128xi32, #tpu.memory_space<vmem>>
        %swap3A_538 = arith.constant 96 : index
        %swap3A_539 = tpu.vector_load %swap3A_537[%swap3A_538] {strides = array<i32>} : memref<128xi32, #tpu.memory_space<vmem>>, vector<16xi32>,
        %swap3A_540 = vector.shape_cast %swap3A_539 : vector<16xi32> to vector<16xi32>
        %swap3A_541 = vector.shape_cast %shift_right_logical3A_533 : vector<16xi32> to vector<16xi32>
        tpu.vector_store %swap3A_537[%swap3A_538], %swap3A_541 {strides = array<i32>} : memref<128xi32, #tpu.memory_space<vmem>>, vector<16xi32>,
        %add3A_542 = arith.addi %add3A_338, %sub3A : i32
        %get3A_543 = arith.constant 0 : i32
        %get3A_544 = tpu.memref_slice %arg6[%add3A_542, %get3A_543] : memref<80x128xi32, #tpu.memory_space<vmem>> -> memref<1x128xi32, #tpu.memory_space<vmem>>
        %get3A_545 = tpu.memref_squeeze %get3A_544 : memref<1x128xi32, #tpu.memory_space<vmem>> -> memref<128xi32, #tpu.memory_space<vmem>>
        %get3A_546 = arith.constant 112 : index
        %get3A_547 = tpu.vector_load %get3A_545[%get3A_546] {strides = array<i32>} : memref<128xi32, #tpu.memory_space<vmem>>, vector<16xi32>,
        %get3A_548 = vector.shape_cast %get3A_547 : vector<16xi32> to vector<16xi32>
        %and3A_549 = arith.constant 65535 : i32
        %and3A_550 = vector.broadcast %and3A_549 : i32 to vector<16xi32>
        %and3A_551 = arith.andi %get3A_548, %and3A_550 : vector<16xi32>
        %swap3A_552 = arith.constant 0 : i32
        %swap3A_553 = arith.constant 0 : i32
        %swap3A_554 = tpu.memref_slice %arg7[%swap3A_552, %swap3A_553] : memref<2x128xi32, #tpu.memory_space<vmem>> -> memref<1x128xi32, #tpu.memory_space<vmem>>
        %swap3A_555 = tpu.memref_squeeze %swap3A_554 : memref<1x128xi32, #tpu.memory_space<vmem>> -> memref<128xi32, #tpu.memory_space<vmem>>
        %swap3A_556 = arith.constant 112 : index
        %swap3A_557 = tpu.vector_load %swap3A_555[%swap3A_556] {strides = array<i32>} : memref<128xi32, #tpu.memory_space<vmem>>, vector<16xi32>,
        %swap3A_558 = vector.shape_cast %swap3A_557 : vector<16xi32> to vector<16xi32>
        %swap3A_559 = vector.shape_cast %and3A_551 : vector<16xi32> to vector<16xi32>
        tpu.vector_store %swap3A_555[%swap3A_556], %swap3A_559 {strides = array<i32>} : memref<128xi32, #tpu.memory_space<vmem>>, vector<16xi32>,
        %shift_right_logical3A_560 = arith.constant 16 : i32
        %shift_right_logical3A_561 = vector.broadcast %shift_right_logical3A_560 : i32 to vector<16xi32>
        %shift_right_logical3A_562 = arith.shrui %get3A_548, %shift_right_logical3A_561 : vector<16xi32>
        %swap3A_563 = arith.constant 0 : i32
        %swap3A_564 = arith.constant 0 : i32
        %swap3A_565 = tpu.memref_slice %arg8[%swap3A_563, %swap3A_564] : memref<2x128xi32, #tpu.memory_space<vmem>> -> memref<1x128xi32, #tpu.memory_space<vmem>>
        %swap3A_566 = tpu.memref_squeeze %swap3A_565 : memref<1x128xi32, #tpu.memory_space<vmem>> -> memref<128xi32, #tpu.memory_space<vmem>>
        %swap3A_567 = arith.constant 112 : index
        %swap3A_568 = tpu.vector_load %swap3A_566[%swap3A_567] {strides = array<i32>} : memref<128xi32, #tpu.memory_space<vmem>>, vector<16xi32>,
        %swap3A_569 = vector.shape_cast %swap3A_568 : vector<16xi32> to vector<16xi32>
        %swap3A_570 = vector.shape_cast %shift_right_logical3A_562 : vector<16xi32> to vector<16xi32>
        tpu.vector_store %swap3A_566[%swap3A_567], %swap3A_570 {strides = array<i32>} : memref<128xi32, #tpu.memory_space<vmem>>, vector<16xi32>,
        %dma_start3A_571 = arith.constant 0 : i32
        %dma_start3A_572 = arith.constant 0 : i32
        %dma_start3A_573 = tpu.memref_slice %arg7[%dma_start3A_571, %dma_start3A_572] : memref<2x128xi32, #tpu.memory_space<vmem>> -> memref<1x128xi32, #tpu.memory_space<vmem>>
        %dma_start3A_574 = tpu.memref_squeeze %dma_start3A_573 : memref<1x128xi32, #tpu.memory_space<vmem>> -> memref<128xi32, #tpu.memory_space<vmem>>
        %dma_start3A_575 = arith.constant 0 : i32
        %dma_start3A_576 = arith.constant 0 : i32
        %dma_start3A_577 = tpu.memref_slice %arg12[%dma_start3A_575, %dma_start3A_576] : memref<10112x64xf32, #tpu.memory_space<vmem_shared>> -> memref<10112x64xf32, #tpu.memory_space<vmem_shared>>
        tpu.enqueue_indirect_dma source(%dma_start3A_577 : memref<10112x64xf32, #tpu.memory_space<vmem_shared>>) target(%arg9 : memref<128x64xf32, #tpu.memory_space<vmem>>) offsets(%dma_start3A_574 : memref<128xi32, #tpu.memory_space<vmem>>) semaphore(%arg13 : memref<!tpu.dma_semaphore, #tpu.memory_space<semaphore_mem>>)
      } else {
      }
      %dma_wait3A_329 = arith.constant 1 : i32
      %dma_wait3A_330 = arith.constant 0 : i32
      %dma_wait3A_331 = tpu.memref_slice %arg7[%dma_wait3A_329, %dma_wait3A_330] : memref<2x128xi32, #tpu.memory_space<vmem>> -> memref<1x128xi32, #tpu.memory_space<vmem>>
      %dma_wait3A_332 = tpu.memref_squeeze %dma_wait3A_331 : memref<1x128xi32, #tpu.memory_space<vmem>> -> memref<128xi32, #tpu.memory_space<vmem>>
      %dma_wait3A_333 = arith.constant 0 : i32
      %dma_wait3A_334 = arith.constant 0 : i32
      %dma_wait3A_335 = tpu.memref_slice %arg12[%dma_wait3A_333, %dma_wait3A_334] : memref<10112x64xf32, #tpu.memory_space<vmem_shared>> -> memref<10112x64xf32, #tpu.memory_space<vmem_shared>>
      tpu.wait_indirect_dma semaphore(%arg14 : memref<!tpu.dma_semaphore, #tpu.memory_space<semaphore_mem>>) src(%dma_wait3A_335 : memref<10112x64xf32, #tpu.memory_space<vmem_shared>>) dst(%arg10 : memref<128x64xf32, #tpu.memory_space<vmem>>)
      %run_scoped3A_336 = arith.constant 1 : i32
      "tpu.region"() ({
        %run_scoped3A_337 = tpu.sem_alloc : memref<!tpu.dma_semaphore, #tpu.memory_space<semaphore_mem>>
        %dma_start3A_338 = arith.constant 0 : i32
        %dma_start3A_339 = tpu.memref_slice %arg8[%run_scoped3A_336, %dma_start3A_338] : memref<2x128xi32, #tpu.memory_space<vmem>> -> memref<1x128xi32, #tpu.memory_space<vmem>>
        %dma_start3A_340 = tpu.memref_squeeze %dma_start3A_339 : memref<1x128xi32, #tpu.memory_space<vmem>> -> memref<128xi32, #tpu.memory_space<vmem>>
        %dma_start3A_341 = arith.constant 0 : i32
        %dma_start3A_342 = arith.constant 0 : i32
        %dma_start3A_343 = tpu.memref_slice %arg11[%dma_start3A_341, %dma_start3A_342] : memref<10112x64xf32, #tpu.memory_space<vmem_shared>> -> memref<10112x64xf32, #tpu.memory_space<vmem_shared>>
        tpu.enqueue_indirect_dma source(%arg10 : memref<128x64xf32, #tpu.memory_space<vmem>>) target(%dma_start3A_343 : memref<10112x64xf32, #tpu.memory_space<vmem_shared>>) offsets(%dma_start3A_340 : memref<128xi32, #tpu.memory_space<vmem>>) semaphore(%run_scoped3A_337 : memref<!tpu.dma_semaphore, #tpu.memory_space<semaphore_mem>>) {add = true}
        %dma_wait3A_344 = arith.constant 0 : i32
        %dma_wait3A_345 = tpu.memref_slice %arg8[%run_scoped3A_336, %dma_wait3A_344] : memref<2x128xi32, #tpu.memory_space<vmem>> -> memref<1x128xi32, #tpu.memory_space<vmem>>
        %dma_wait3A_346 = tpu.memref_squeeze %dma_wait3A_345 : memref<1x128xi32, #tpu.memory_space<vmem>> -> memref<128xi32, #tpu.memory_space<vmem>>
        %dma_wait3A_347 = arith.constant 0 : i32
        %dma_wait3A_348 = arith.constant 0 : i32
        %dma_wait3A_349 = tpu.memref_slice %arg11[%dma_wait3A_347, %dma_wait3A_348] : memref<10112x64xf32, #tpu.memory_space<vmem_shared>> -> memref<10112x64xf32, #tpu.memory_space<vmem_shared>>
        tpu.wait_indirect_dma semaphore(%run_scoped3A_337 : memref<!tpu.dma_semaphore, #tpu.memory_space<semaphore_mem>>) src(%arg10 : memref<128x64xf32, #tpu.memory_space<vmem>>) dst(%dma_wait3A_349 : memref<10112x64xf32, #tpu.memory_space<vmem_shared>>)
        tpu.yield
      }) : () -> ()
    }
    %while3A_52 = arith.constant 1 : i32
    scf.for %while3A_54 = %while3A_50 to %while3A_46 step %while3A_52  : i32 {
      %mul3A_55 = arith.constant 2 : i32
      %mul3A_56 = arith.muli %mul3A_55, %while3A_54 : i32
      %add3A_57 = arith.constant 1 : i32
      %add3A_58 = arith.addi %mul3A_56, %add3A_57 : i32
      %add3A_59 = arith.addi %add3A_58, %sub3A : i32
      %get3A = arith.constant 0 : i32
      %get3A_60 = tpu.memref_slice %arg6[%add3A_59, %get3A] : memref<80x128xi32, #tpu.memory_space<vmem>> -> memref<1x128xi32, #tpu.memory_space<vmem>>
      %get3A_61 = tpu.memref_squeeze %get3A_60 : memref<1x128xi32, #tpu.memory_space<vmem>> -> memref<128xi32, #tpu.memory_space<vmem>>
      %get3A_62 = arith.constant 0 : index
      %get3A_63 = tpu.vector_load %get3A_61[%get3A_62] {strides = array<i32>} : memref<128xi32, #tpu.memory_space<vmem>>, vector<16xi32>,
      %get3A_64 = vector.shape_cast %get3A_63 : vector<16xi32> to vector<16xi32>
      %and3A_65 = arith.constant 65535 : i32
      %and3A_66 = vector.broadcast %and3A_65 : i32 to vector<16xi32>
      %and3A_67 = arith.andi %get3A_64, %and3A_66 : vector<16xi32>
      %swap3A = arith.constant 1 : i32
      %swap3A_68 = arith.constant 0 : i32
      %swap3A_69 = tpu.memref_slice %arg7[%swap3A, %swap3A_68] : memref<2x128xi32, #tpu.memory_space<vmem>> -> memref<1x128xi32, #tpu.memory_space<vmem>>
      %swap3A_70 = tpu.memref_squeeze %swap3A_69 : memref<1x128xi32, #tpu.memory_space<vmem>> -> memref<128xi32, #tpu.memory_space<vmem>>
      %swap3A_71 = arith.constant 0 : index
      %swap3A_72 = tpu.vector_load %swap3A_70[%swap3A_71] {strides = array<i32>} : memref<128xi32, #tpu.memory_space<vmem>>, vector<16xi32>,
      %swap3A_73 = vector.shape_cast %swap3A_72 : vector<16xi32> to vector<16xi32>
      %swap3A_74 = vector.shape_cast %and3A_67 : vector<16xi32> to vector<16xi32>
      tpu.vector_store %swap3A_70[%swap3A_71], %swap3A_74 {strides = array<i32>} : memref<128xi32, #tpu.memory_space<vmem>>, vector<16xi32>,
      %shift_right_logical3A = arith.constant 16 : i32
      %shift_right_logical3A_75 = vector.broadcast %shift_right_logical3A : i32 to vector<16xi32>
      %shift_right_logical3A_76 = arith.shrui %get3A_64, %shift_right_logical3A_75 : vector<16xi32>
      %swap3A_77 = arith.constant 1 : i32
      %swap3A_78 = arith.constant 0 : i32
      %swap3A_79 = tpu.memref_slice %arg8[%swap3A_77, %swap3A_78] : memref<2x128xi32, #tpu.memory_space<vmem>> -> memref<1x128xi32, #tpu.memory_space<vmem>>
      %swap3A_80 = tpu.memref_squeeze %swap3A_79 : memref<1x128xi32, #tpu.memory_space<vmem>> -> memref<128xi32, #tpu.memory_space<vmem>>
      %swap3A_81 = arith.constant 0 : index
      %swap3A_82 = tpu.vector_load %swap3A_80[%swap3A_81] {strides = array<i32>} : memref<128xi32, #tpu.memory_space<vmem>>, vector<16xi32>,
      %swap3A_83 = vector.shape_cast %swap3A_82 : vector<16xi32> to vector<16xi32>
      %swap3A_84 = vector.shape_cast %shift_right_logical3A_76 : vector<16xi32> to vector<16xi32>
      tpu.vector_store %swap3A_80[%swap3A_81], %swap3A_84 {strides = array<i32>} : memref<128xi32, #tpu.memory_space<vmem>>, vector<16xi32>,
      %add3A_85 = arith.addi %add3A_58, %sub3A : i32
      %get3A_86 = arith.constant 0 : i32
      %get3A_87 = tpu.memref_slice %arg6[%add3A_85, %get3A_86] : memref<80x128xi32, #tpu.memory_space<vmem>> -> memref<1x128xi32, #tpu.memory_space<vmem>>
      %get3A_88 = tpu.memref_squeeze %get3A_87 : memref<1x128xi32, #tpu.memory_space<vmem>> -> memref<128xi32, #tpu.memory_space<vmem>>
      %get3A_89 = arith.constant 16 : index
      %get3A_90 = tpu.vector_load %get3A_88[%get3A_89] {strides = array<i32>} : memref<128xi32, #tpu.memory_space<vmem>>, vector<16xi32>,
      %get3A_91 = vector.shape_cast %get3A_90 : vector<16xi32> to vector<16xi32>
      %and3A_92 = arith.constant 65535 : i32
      %and3A_93 = vector.broadcast %and3A_92 : i32 to vector<16xi32>
      %and3A_94 = arith.andi %get3A_91, %and3A_93 : vector<16xi32>
      %swap3A_95 = arith.constant 1 : i32
      %swap3A_96 = arith.constant 0 : i32
      %swap3A_97 = tpu.memref_slice %arg7[%swap3A_95, %swap3A_96] : memref<2x128xi32, #tpu.memory_space<vmem>> -> memref<1x128xi32, #tpu.memory_space<vmem>>
      %swap3A_98 = tpu.memref_squeeze %swap3A_97 : memref<1x128xi32, #tpu.memory_space<vmem>> -> memref<128xi32, #tpu.memory_space<vmem>>
      %swap3A_99 = arith.constant 16 : index
      %swap3A_100 = tpu.vector_load %swap3A_98[%swap3A_99] {strides = array<i32>} : memref<128xi32, #tpu.memory_space<vmem>>, vector<16xi32>,
      %swap3A_101 = vector.shape_cast %swap3A_100 : vector<16xi32> to vector<16xi32>
      %swap3A_102 = vector.shape_cast %and3A_94 : vector<16xi32> to vector<16xi32>
      tpu.vector_store %swap3A_98[%swap3A_99], %swap3A_102 {strides = array<i32>} : memref<128xi32, #tpu.memory_space<vmem>>, vector<16xi32>,
      %shift_right_logical3A_103 = arith.constant 16 : i32
      %shift_right_logical3A_104 = vector.broadcast %shift_right_logical3A_103 : i32 to vector<16xi32>
      %shift_right_logical3A_105 = arith.shrui %get3A_91, %shift_right_logical3A_104 : vector<16xi32>
      %swap3A_106 = arith.constant 1 : i32
      %swap3A_107 = arith.constant 0 : i32
      %swap3A_108 = tpu.memref_slice %arg8[%swap3A_106, %swap3A_107] : memref<2x128xi32, #tpu.memory_space<vmem>> -> memref<1x128xi32, #tpu.memory_space<vmem>>
      %swap3A_109 = tpu.memref_squeeze %swap3A_108 : memref<1x128xi32, #tpu.memory_space<vmem>> -> memref<128xi32, #tpu.memory_space<vmem>>
      %swap3A_110 = arith.constant 16 : index
      %swap3A_111 = tpu.vector_load %swap3A_109[%swap3A_110] {strides = array<i32>} : memref<128xi32, #tpu.memory_space<vmem>>, vector<16xi32>,
      %swap3A_112 = vector.shape_cast %swap3A_111 : vector<16xi32> to vector<16xi32>
      %swap3A_113 = vector.shape_cast %shift_right_logical3A_105 : vector<16xi32> to vector<16xi32>
      tpu.vector_store %swap3A_109[%swap3A_110], %swap3A_113 {strides = array<i32>} : memref<128xi32, #tpu.memory_space<vmem>>, vector<16xi32>,
      %add3A_114 = arith.addi %add3A_58, %sub3A : i32
      %get3A_115 = arith.constant 0 : i32
      %get3A_116 = tpu.memref_slice %arg6[%add3A_114, %get3A_115] : memref<80x128xi32, #tpu.memory_space<vmem>> -> memref<1x128xi32, #tpu.memory_space<vmem>>
      %get3A_117 = tpu.memref_squeeze %get3A_116 : memref<1x128xi32, #tpu.memory_space<vmem>> -> memref<128xi32, #tpu.memory_space<vmem>>
      %get3A_118 = arith.constant 32 : index
      %get3A_119 = tpu.vector_load %get3A_117[%get3A_118] {strides = array<i32>} : memref<128xi32, #tpu.memory_space<vmem>>, vector<16xi32>,
      %get3A_120 = vector.shape_cast %get3A_119 : vector<16xi32> to vector<16xi32>
      %and3A_121 = arith.constant 65535 : i32
      %and3A_122 = vector.broadcast %and3A_121 : i32 to vector<16xi32>
      %and3A_123 = arith.andi %get3A_120, %and3A_122 : vector<16xi32>
      %swap3A_124 = arith.constant 1 : i32
      %swap3A_125 = arith.constant 0 : i32
      %swap3A_126 = tpu.memref_slice %arg7[%swap3A_124, %swap3A_125] : memref<2x128xi32, #tpu.memory_space<vmem>> -> memref<1x128xi32, #tpu.memory_space<vmem>>
      %swap3A_127 = tpu.memref_squeeze %swap3A_126 : memref<1x128xi32, #tpu.memory_space<vmem>> -> memref<128xi32, #tpu.memory_space<vmem>>
      %swap3A_128 = arith.constant 32 : index
      %swap3A_129 = tpu.vector_load %swap3A_127[%swap3A_128] {strides = array<i32>} : memref<128xi32, #tpu.memory_space<vmem>>, vector<16xi32>,
      %swap3A_130 = vector.shape_cast %swap3A_129 : vector<16xi32> to vector<16xi32>
      %swap3A_131 = vector.shape_cast %and3A_123 : vector<16xi32> to vector<16xi32>
      tpu.vector_store %swap3A_127[%swap3A_128], %swap3A_131 {strides = array<i32>} : memref<128xi32, #tpu.memory_space<vmem>>, vector<16xi32>,
      %shift_right_logical3A_132 = arith.constant 16 : i32
      %shift_right_logical3A_133 = vector.broadcast %shift_right_logical3A_132 : i32 to vector<16xi32>
      %shift_right_logical3A_134 = arith.shrui %get3A_120, %shift_right_logical3A_133 : vector<16xi32>
      %swap3A_135 = arith.constant 1 : i32
      %swap3A_136 = arith.constant 0 : i32
      %swap3A_137 = tpu.memref_slice %arg8[%swap3A_135, %swap3A_136] : memref<2x128xi32, #tpu.memory_space<vmem>> -> memref<1x128xi32, #tpu.memory_space<vmem>>
      %swap3A_138 = tpu.memref_squeeze %swap3A_137 : memref<1x128xi32, #tpu.memory_space<vmem>> -> memref<128xi32, #tpu.memory_space<vmem>>
      %swap3A_139 = arith.constant 32 : index
      %swap3A_140 = tpu.vector_load %swap3A_138[%swap3A_139] {strides = array<i32>} : memref<128xi32, #tpu.memory_space<vmem>>, vector<16xi32>,
      %swap3A_141 = vector.shape_cast %swap3A_140 : vector<16xi32> to vector<16xi32>
      %swap3A_142 = vector.shape_cast %shift_right_logical3A_134 : vector<16xi32> to vector<16xi32>
      tpu.vector_store %swap3A_138[%swap3A_139], %swap3A_142 {strides = array<i32>} : memref<128xi32, #tpu.memory_space<vmem>>, vector<16xi32>,
      %add3A_143 = arith.addi %add3A_58, %sub3A : i32
      %get3A_144 = arith.constant 0 : i32
      %get3A_145 = tpu.memref_slice %arg6[%add3A_143, %get3A_144] : memref<80x128xi32, #tpu.memory_space<vmem>> -> memref<1x128xi32, #tpu.memory_space<vmem>>
      %get3A_146 = tpu.memref_squeeze %get3A_145 : memref<1x128xi32, #tpu.memory_space<vmem>> -> memref<128xi32, #tpu.memory_space<vmem>>
      %get3A_147 = arith.constant 48 : index
      %get3A_148 = tpu.vector_load %get3A_146[%get3A_147] {strides = array<i32>} : memref<128xi32, #tpu.memory_space<vmem>>, vector<16xi32>,
      %get3A_149 = vector.shape_cast %get3A_148 : vector<16xi32> to vector<16xi32>
      %and3A_150 = arith.constant 65535 : i32
      %and3A_151 = vector.broadcast %and3A_150 : i32 to vector<16xi32>
      %and3A_152 = arith.andi %get3A_149, %and3A_151 : vector<16xi32>
      %swap3A_153 = arith.constant 1 : i32
      %swap3A_154 = arith.constant 0 : i32
      %swap3A_155 = tpu.memref_slice %arg7[%swap3A_153, %swap3A_154] : memref<2x128xi32, #tpu.memory_space<vmem>> -> memref<1x128xi32, #tpu.memory_space<vmem>>
      %swap3A_156 = tpu.memref_squeeze %swap3A_155 : memref<1x128xi32, #tpu.memory_space<vmem>> -> memref<128xi32, #tpu.memory_space<vmem>>
      %swap3A_157 = arith.constant 48 : index
      %swap3A_158 = tpu.vector_load %swap3A_156[%swap3A_157] {strides = array<i32>} : memref<128xi32, #tpu.memory_space<vmem>>, vector<16xi32>,
      %swap3A_159 = vector.shape_cast %swap3A_158 : vector<16xi32> to vector<16xi32>
      %swap3A_160 = vector.shape_cast %and3A_152 : vector<16xi32> to vector<16xi32>
      tpu.vector_store %swap3A_156[%swap3A_157], %swap3A_160 {strides = array<i32>} : memref<128xi32, #tpu.memory_space<vmem>>, vector<16xi32>,
      %shift_right_logical3A_161 = arith.constant 16 : i32
      %shift_right_logical3A_162 = vector.broadcast %shift_right_logical3A_161 : i32 to vector<16xi32>
      %shift_right_logical3A_163 = arith.shrui %get3A_149, %shift_right_logical3A_162 : vector<16xi32>
      %swap3A_164 = arith.constant 1 : i32
      %swap3A_165 = arith.constant 0 : i32
      %swap3A_166 = tpu.memref_slice %arg8[%swap3A_164, %swap3A_165] : memref<2x128xi32, #tpu.memory_space<vmem>> -> memref<1x128xi32, #tpu.memory_space<vmem>>
      %swap3A_167 = tpu.memref_squeeze %swap3A_166 : memref<1x128xi32, #tpu.memory_space<vmem>> -> memref<128xi32, #tpu.memory_space<vmem>>
      %swap3A_168 = arith.constant 48 : index
      %swap3A_169 = tpu.vector_load %swap3A_167[%swap3A_168] {strides = array<i32>} : memref<128xi32, #tpu.memory_space<vmem>>, vector<16xi32>,
      %swap3A_170 = vector.shape_cast %swap3A_169 : vector<16xi32> to vector<16xi32>
      %swap3A_171 = vector.shape_cast %shift_right_logical3A_163 : vector<16xi32> to vector<16xi32>
      tpu.vector_store %swap3A_167[%swap3A_168], %swap3A_171 {strides = array<i32>} : memref<128xi32, #tpu.memory_space<vmem>>, vector<16xi32>,
      %add3A_172 = arith.addi %add3A_58, %sub3A : i32
      %get3A_173 = arith.constant 0 : i32
      %get3A_174 = tpu.memref_slice %arg6[%add3A_172, %get3A_173] : memref<80x128xi32, #tpu.memory_space<vmem>> -> memref<1x128xi32, #tpu.memory_space<vmem>>
      %get3A_175 = tpu.memref_squeeze %get3A_174 : memref<1x128xi32, #tpu.memory_space<vmem>> -> memref<128xi32, #tpu.memory_space<vmem>>
      %get3A_176 = arith.constant 64 : index
      %get3A_177 = tpu.vector_load %get3A_175[%get3A_176] {strides = array<i32>} : memref<128xi32, #tpu.memory_space<vmem>>, vector<16xi32>,
      %get3A_178 = vector.shape_cast %get3A_177 : vector<16xi32> to vector<16xi32>
      %and3A_179 = arith.constant 65535 : i32
      %and3A_180 = vector.broadcast %and3A_179 : i32 to vector<16xi32>
      %and3A_181 = arith.andi %get3A_178, %and3A_180 : vector<16xi32>
      %swap3A_182 = arith.constant 1 : i32
      %swap3A_183 = arith.constant 0 : i32
      %swap3A_184 = tpu.memref_slice %arg7[%swap3A_182, %swap3A_183] : memref<2x128xi32, #tpu.memory_space<vmem>> -> memref<1x128xi32, #tpu.memory_space<vmem>>
      %swap3A_185 = tpu.memref_squeeze %swap3A_184 : memref<1x128xi32, #tpu.memory_space<vmem>> -> memref<128xi32, #tpu.memory_space<vmem>>
      %swap3A_186 = arith.constant 64 : index
      %swap3A_187 = tpu.vector_load %swap3A_185[%swap3A_186] {strides = array<i32>} : memref<128xi32, #tpu.memory_space<vmem>>, vector<16xi32>,
      %swap3A_188 = vector.shape_cast %swap3A_187 : vector<16xi32> to vector<16xi32>
      %swap3A_189 = vector.shape_cast %and3A_181 : vector<16xi32> to vector<16xi32>
      tpu.vector_store %swap3A_185[%swap3A_186], %swap3A_189 {strides = array<i32>} : memref<128xi32, #tpu.memory_space<vmem>>, vector<16xi32>,
      %shift_right_logical3A_190 = arith.constant 16 : i32
      %shift_right_logical3A_191 = vector.broadcast %shift_right_logical3A_190 : i32 to vector<16xi32>
      %shift_right_logical3A_192 = arith.shrui %get3A_178, %shift_right_logical3A_191 : vector<16xi32>
      %swap3A_193 = arith.constant 1 : i32
      %swap3A_194 = arith.constant 0 : i32
      %swap3A_195 = tpu.memref_slice %arg8[%swap3A_193, %swap3A_194] : memref<2x128xi32, #tpu.memory_space<vmem>> -> memref<1x128xi32, #tpu.memory_space<vmem>>
      %swap3A_196 = tpu.memref_squeeze %swap3A_195 : memref<1x128xi32, #tpu.memory_space<vmem>> -> memref<128xi32, #tpu.memory_space<vmem>>
      %swap3A_197 = arith.constant 64 : index
      %swap3A_198 = tpu.vector_load %swap3A_196[%swap3A_197] {strides = array<i32>} : memref<128xi32, #tpu.memory_space<vmem>>, vector<16xi32>,
      %swap3A_199 = vector.shape_cast %swap3A_198 : vector<16xi32> to vector<16xi32>
      %swap3A_200 = vector.shape_cast %shift_right_logical3A_192 : vector<16xi32> to vector<16xi32>
      tpu.vector_store %swap3A_196[%swap3A_197], %swap3A_200 {strides = array<i32>} : memref<128xi32, #tpu.memory_space<vmem>>, vector<16xi32>,
      %add3A_201 = arith.addi %add3A_58, %sub3A : i32
      %get3A_202 = arith.constant 0 : i32
      %get3A_203 = tpu.memref_slice %arg6[%add3A_201, %get3A_202] : memref<80x128xi32, #tpu.memory_space<vmem>> -> memref<1x128xi32, #tpu.memory_space<vmem>>
      %get3A_204 = tpu.memref_squeeze %get3A_203 : memref<1x128xi32, #tpu.memory_space<vmem>> -> memref<128xi32, #tpu.memory_space<vmem>>
      %get3A_205 = arith.constant 80 : index
      %get3A_206 = tpu.vector_load %get3A_204[%get3A_205] {strides = array<i32>} : memref<128xi32, #tpu.memory_space<vmem>>, vector<16xi32>,
      %get3A_207 = vector.shape_cast %get3A_206 : vector<16xi32> to vector<16xi32>
      %and3A_208 = arith.constant 65535 : i32
      %and3A_209 = vector.broadcast %and3A_208 : i32 to vector<16xi32>
      %and3A_210 = arith.andi %get3A_207, %and3A_209 : vector<16xi32>
      %swap3A_211 = arith.constant 1 : i32
      %swap3A_212 = arith.constant 0 : i32
      %swap3A_213 = tpu.memref_slice %arg7[%swap3A_211, %swap3A_212] : memref<2x128xi32, #tpu.memory_space<vmem>> -> memref<1x128xi32, #tpu.memory_space<vmem>>
      %swap3A_214 = tpu.memref_squeeze %swap3A_213 : memref<1x128xi32, #tpu.memory_space<vmem>> -> memref<128xi32, #tpu.memory_space<vmem>>
      %swap3A_215 = arith.constant 80 : index
      %swap3A_216 = tpu.vector_load %swap3A_214[%swap3A_215] {strides = array<i32>} : memref<128xi32, #tpu.memory_space<vmem>>, vector<16xi32>,
      %swap3A_217 = vector.shape_cast %swap3A_216 : vector<16xi32> to vector<16xi32>
      %swap3A_218 = vector.shape_cast %and3A_210 : vector<16xi32> to vector<16xi32>
      tpu.vector_store %swap3A_214[%swap3A_215], %swap3A_218 {strides = array<i32>} : memref<128xi32, #tpu.memory_space<vmem>>, vector<16xi32>,
      %shift_right_logical3A_219 = arith.constant 16 : i32
      %shift_right_logical3A_220 = vector.broadcast %shift_right_logical3A_219 : i32 to vector<16xi32>
      %shift_right_logical3A_221 = arith.shrui %get3A_207, %shift_right_logical3A_220 : vector<16xi32>
      %swap3A_222 = arith.constant 1 : i32
      %swap3A_223 = arith.constant 0 : i32
      %swap3A_224 = tpu.memref_slice %arg8[%swap3A_222, %swap3A_223] : memref<2x128xi32, #tpu.memory_space<vmem>> -> memref<1x128xi32, #tpu.memory_space<vmem>>
      %swap3A_225 = tpu.memref_squeeze %swap3A_224 : memref<1x128xi32, #tpu.memory_space<vmem>> -> memref<128xi32, #tpu.memory_space<vmem>>
      %swap3A_226 = arith.constant 80 : index
      %swap3A_227 = tpu.vector_load %swap3A_225[%swap3A_226] {strides = array<i32>} : memref<128xi32, #tpu.memory_space<vmem>>, vector<16xi32>,
      %swap3A_228 = vector.shape_cast %swap3A_227 : vector<16xi32> to vector<16xi32>
      %swap3A_229 = vector.shape_cast %shift_right_logical3A_221 : vector<16xi32> to vector<16xi32>
      tpu.vector_store %swap3A_225[%swap3A_226], %swap3A_229 {strides = array<i32>} : memref<128xi32, #tpu.memory_space<vmem>>, vector<16xi32>,
      %add3A_230 = arith.addi %add3A_58, %sub3A : i32
      %get3A_231 = arith.constant 0 : i32
      %get3A_232 = tpu.memref_slice %arg6[%add3A_230, %get3A_231] : memref<80x128xi32, #tpu.memory_space<vmem>> -> memref<1x128xi32, #tpu.memory_space<vmem>>
      %get3A_233 = tpu.memref_squeeze %get3A_232 : memref<1x128xi32, #tpu.memory_space<vmem>> -> memref<128xi32, #tpu.memory_space<vmem>>
      %get3A_234 = arith.constant 96 : index
      %get3A_235 = tpu.vector_load %get3A_233[%get3A_234] {strides = array<i32>} : memref<128xi32, #tpu.memory_space<vmem>>, vector<16xi32>,
      %get3A_236 = vector.shape_cast %get3A_235 : vector<16xi32> to vector<16xi32>
      %and3A_237 = arith.constant 65535 : i32
      %and3A_238 = vector.broadcast %and3A_237 : i32 to vector<16xi32>
      %and3A_239 = arith.andi %get3A_236, %and3A_238 : vector<16xi32>
      %swap3A_240 = arith.constant 1 : i32
      %swap3A_241 = arith.constant 0 : i32
      %swap3A_242 = tpu.memref_slice %arg7[%swap3A_240, %swap3A_241] : memref<2x128xi32, #tpu.memory_space<vmem>> -> memref<1x128xi32, #tpu.memory_space<vmem>>
      %swap3A_243 = tpu.memref_squeeze %swap3A_242 : memref<1x128xi32, #tpu.memory_space<vmem>> -> memref<128xi32, #tpu.memory_space<vmem>>
      %swap3A_244 = arith.constant 96 : index
      %swap3A_245 = tpu.vector_load %swap3A_243[%swap3A_244] {strides = array<i32>} : memref<128xi32, #tpu.memory_space<vmem>>, vector<16xi32>,
      %swap3A_246 = vector.shape_cast %swap3A_245 : vector<16xi32> to vector<16xi32>
      %swap3A_247 = vector.shape_cast %and3A_239 : vector<16xi32> to vector<16xi32>
      tpu.vector_store %swap3A_243[%swap3A_244], %swap3A_247 {strides = array<i32>} : memref<128xi32, #tpu.memory_space<vmem>>, vector<16xi32>,
      %shift_right_logical3A_248 = arith.constant 16 : i32
      %shift_right_logical3A_249 = vector.broadcast %shift_right_logical3A_248 : i32 to vector<16xi32>
      %shift_right_logical3A_250 = arith.shrui %get3A_236, %shift_right_logical3A_249 : vector<16xi32>
      %swap3A_251 = arith.constant 1 : i32
      %swap3A_252 = arith.constant 0 : i32
      %swap3A_253 = tpu.memref_slice %arg8[%swap3A_251, %swap3A_252] : memref<2x128xi32, #tpu.memory_space<vmem>> -> memref<1x128xi32, #tpu.memory_space<vmem>>
      %swap3A_254 = tpu.memref_squeeze %swap3A_253 : memref<1x128xi32, #tpu.memory_space<vmem>> -> memref<128xi32, #tpu.memory_space<vmem>>
      %swap3A_255 = arith.constant 96 : index
      %swap3A_256 = tpu.vector_load %swap3A_254[%swap3A_255] {strides = array<i32>} : memref<128xi32, #tpu.memory_space<vmem>>, vector<16xi32>,
      %swap3A_257 = vector.shape_cast %swap3A_256 : vector<16xi32> to vector<16xi32>
      %swap3A_258 = vector.shape_cast %shift_right_logical3A_250 : vector<16xi32> to vector<16xi32>
      tpu.vector_store %swap3A_254[%swap3A_255], %swap3A_258 {strides = array<i32>} : memref<128xi32, #tpu.memory_space<vmem>>, vector<16xi32>,
      %add3A_259 = arith.addi %add3A_58, %sub3A : i32
      %get3A_260 = arith.constant 0 : i32
      %get3A_261 = tpu.memref_slice %arg6[%add3A_259, %get3A_260] : memref<80x128xi32, #tpu.memory_space<vmem>> -> memref<1x128xi32, #tpu.memory_space<vmem>>
      %get3A_262 = tpu.memref_squeeze %get3A_261 : memref<1x128xi32, #tpu.memory_space<vmem>> -> memref<128xi32, #tpu.memory_space<vmem>>
      %get3A_263 = arith.constant 112 : index
      %get3A_264 = tpu.vector_load %get3A_262[%get3A_263] {strides = array<i32>} : memref<128xi32, #tpu.memory_space<vmem>>, vector<16xi32>,
      %get3A_265 = vector.shape_cast %get3A_264 : vector<16xi32> to vector<16xi32>
      %and3A_266 = arith.constant 65535 : i32
      %and3A_267 = vector.broadcast %and3A_266 : i32 to vector<16xi32>
      %and3A_268 = arith.andi %get3A_265, %and3A_267 : vector<16xi32>
      %swap3A_269 = arith.constant 1 : i32
      %swap3A_270 = arith.constant 0 : i32
      %swap3A_271 = tpu.memref_slice %arg7[%swap3A_269, %swap3A_270] : memref<2x128xi32, #tpu.memory_space<vmem>> -> memref<1x128xi32, #tpu.memory_space<vmem>>
      %swap3A_272 = tpu.memref_squeeze %swap3A_271 : memref<1x128xi32, #tpu.memory_space<vmem>> -> memref<128xi32, #tpu.memory_space<vmem>>
      %swap3A_273 = arith.constant 112 : index
      %swap3A_274 = tpu.vector_load %swap3A_272[%swap3A_273] {strides = array<i32>} : memref<128xi32, #tpu.memory_space<vmem>>, vector<16xi32>,
      %swap3A_275 = vector.shape_cast %swap3A_274 : vector<16xi32> to vector<16xi32>
      %swap3A_276 = vector.shape_cast %and3A_268 : vector<16xi32> to vector<16xi32>
      tpu.vector_store %swap3A_272[%swap3A_273], %swap3A_276 {strides = array<i32>} : memref<128xi32, #tpu.memory_space<vmem>>, vector<16xi32>,
      %shift_right_logical3A_277 = arith.constant 16 : i32
      %shift_right_logical3A_278 = vector.broadcast %shift_right_logical3A_277 : i32 to vector<16xi32>
      %shift_right_logical3A_279 = arith.shrui %get3A_265, %shift_right_logical3A_278 : vector<16xi32>
      %swap3A_280 = arith.constant 1 : i32
      %swap3A_281 = arith.constant 0 : i32
      %swap3A_282 = tpu.memref_slice %arg8[%swap3A_280, %swap3A_281] : memref<2x128xi32, #tpu.memory_space<vmem>> -> memref<1x128xi32, #tpu.memory_space<vmem>>
      %swap3A_283 = tpu.memref_squeeze %swap3A_282 : memref<1x128xi32, #tpu.memory_space<vmem>> -> memref<128xi32, #tpu.memory_space<vmem>>
      %swap3A_284 = arith.constant 112 : index
      %swap3A_285 = tpu.vector_load %swap3A_283[%swap3A_284] {strides = array<i32>} : memref<128xi32, #tpu.memory_space<vmem>>, vector<16xi32>,
      %swap3A_286 = vector.shape_cast %swap3A_285 : vector<16xi32> to vector<16xi32>
      %swap3A_287 = vector.shape_cast %shift_right_logical3A_279 : vector<16xi32> to vector<16xi32>
      tpu.vector_store %swap3A_283[%swap3A_284], %swap3A_287 {strides = array<i32>} : memref<128xi32, #tpu.memory_space<vmem>>, vector<16xi32>,
      %dma_start3A = arith.constant 1 : i32
      %dma_start3A_288 = arith.constant 0 : i32
      %dma_start3A_289 = tpu.memref_slice %arg7[%dma_start3A, %dma_start3A_288] : memref<2x128xi32, #tpu.memory_space<vmem>> -> memref<1x128xi32, #tpu.memory_space<vmem>>
      %dma_start3A_290 = tpu.memref_squeeze %dma_start3A_289 : memref<1x128xi32, #tpu.memory_space<vmem>> -> memref<128xi32, #tpu.memory_space<vmem>>
      %dma_start3A_291 = arith.constant 0 : i32
      %dma_start3A_292 = arith.constant 0 : i32
      %dma_start3A_293 = tpu.memref_slice %arg12[%dma_start3A_291, %dma_start3A_292] : memref<10112x64xf32, #tpu.memory_space<vmem_shared>> -> memref<10112x64xf32, #tpu.memory_space<vmem_shared>>
      tpu.enqueue_indirect_dma source(%dma_start3A_293 : memref<10112x64xf32, #tpu.memory_space<vmem_shared>>) target(%arg10 : memref<128x64xf32, #tpu.memory_space<vmem>>) offsets(%dma_start3A_290 : memref<128xi32, #tpu.memory_space<vmem>>) semaphore(%arg14 : memref<!tpu.dma_semaphore, #tpu.memory_space<semaphore_mem>>)
      %dma_wait3A = arith.constant 0 : i32
      %dma_wait3A_294 = arith.constant 0 : i32
      %dma_wait3A_295 = tpu.memref_slice %arg7[%dma_wait3A, %dma_wait3A_294] : memref<2x128xi32, #tpu.memory_space<vmem>> -> memref<1x128xi32, #tpu.memory_space<vmem>>
      %dma_wait3A_296 = tpu.memref_squeeze %dma_wait3A_295 : memref<1x128xi32, #tpu.memory_space<vmem>> -> memref<128xi32, #tpu.memory_space<vmem>>
      %dma_wait3A_297 = arith.constant 0 : i32
      %dma_wait3A_298 = arith.constant 0 : i32
      %dma_wait3A_299 = tpu.memref_slice %arg12[%dma_wait3A_297, %dma_wait3A_298] : memref<10112x64xf32, #tpu.memory_space<vmem_shared>> -> memref<10112x64xf32, #tpu.memory_space<vmem_shared>>
      tpu.wait_indirect_dma semaphore(%arg13 : memref<!tpu.dma_semaphore, #tpu.memory_space<semaphore_mem>>) src(%dma_wait3A_299 : memref<10112x64xf32, #tpu.memory_space<vmem_shared>>) dst(%arg9 : memref<128x64xf32, #tpu.memory_space<vmem>>)
      %run_scoped3A = arith.constant 0 : i32
      "tpu.region"() ({
        %run_scoped3A_337 = tpu.sem_alloc : memref<!tpu.dma_semaphore, #tpu.memory_space<semaphore_mem>>
        %dma_start3A_338 = arith.constant 0 : i32
        %dma_start3A_339 = tpu.memref_slice %arg8[%run_scoped3A, %dma_start3A_338] : memref<2x128xi32, #tpu.memory_space<vmem>> -> memref<1x128xi32, #tpu.memory_space<vmem>>
        %dma_start3A_340 = tpu.memref_squeeze %dma_start3A_339 : memref<1x128xi32, #tpu.memory_space<vmem>> -> memref<128xi32, #tpu.memory_space<vmem>>
        %dma_start3A_341 = arith.constant 0 : i32
        %dma_start3A_342 = arith.constant 0 : i32
        %dma_start3A_343 = tpu.memref_slice %arg11[%dma_start3A_341, %dma_start3A_342] : memref<10112x64xf32, #tpu.memory_space<vmem_shared>> -> memref<10112x64xf32, #tpu.memory_space<vmem_shared>>
        tpu.enqueue_indirect_dma source(%arg9 : memref<128x64xf32, #tpu.memory_space<vmem>>) target(%dma_start3A_343 : memref<10112x64xf32, #tpu.memory_space<vmem_shared>>) offsets(%dma_start3A_340 : memref<128xi32, #tpu.memory_space<vmem>>) semaphore(%run_scoped3A_337 : memref<!tpu.dma_semaphore, #tpu.memory_space<semaphore_mem>>) {add = true}
        %dma_wait3A_344 = arith.constant 0 : i32
        %dma_wait3A_345 = tpu.memref_slice %arg8[%run_scoped3A, %dma_wait3A_344] : memref<2x128xi32, #tpu.memory_space<vmem>> -> memref<1x128xi32, #tpu.memory_space<vmem>>
        %dma_wait3A_346 = tpu.memref_squeeze %dma_wait3A_345 : memref<1x128xi32, #tpu.memory_space<vmem>> -> memref<128xi32, #tpu.memory_space<vmem>>
        %dma_wait3A_347 = arith.constant 0 : i32
        %dma_wait3A_348 = arith.constant 0 : i32
        %dma_wait3A_349 = tpu.memref_slice %arg11[%dma_wait3A_347, %dma_wait3A_348] : memref<10112x64xf32, #tpu.memory_space<vmem_shared>> -> memref<10112x64xf32, #tpu.memory_space<vmem_shared>>
        tpu.wait_indirect_dma semaphore(%run_scoped3A_337 : memref<!tpu.dma_semaphore, #tpu.memory_space<semaphore_mem>>) src(%arg9 : memref<128x64xf32, #tpu.memory_space<vmem>>) dst(%dma_wait3A_349 : memref<10112x64xf32, #tpu.memory_space<vmem_shared>>)
        tpu.yield
      }) : () -> ()
      %jit3A_300 = arith.constant 2 : i32
      %div3A_301 = arith.divsi %select_n3A, %jit3A_300 : i32
      %sign3A_302 = arith.constant 0 : i32
      %sign3A_303 = arith.cmpi sgt, %select_n3A, %sign3A_302 : i32
      %sign3A_304 = arith.extui %sign3A_303 : i1 to i32
      %sign3A_305 = arith.constant 0 : i32
      %sign3A_306 = arith.cmpi slt, %select_n3A, %sign3A_305 : i32
      %sign3A_307 = arith.extui %sign3A_306 : i1 to i32
      %sign3A_308 = arith.subi %sign3A_304, %sign3A_307 : i32
      %sign3A_309 = arith.constant 0 : i32
      %sign3A_310 = arith.cmpi sgt, %jit3A_300, %sign3A_309 : i32
      %sign3A_311 = arith.extui %sign3A_310 : i1 to i32
      %sign3A_312 = arith.constant 0 : i32
      %sign3A_313 = arith.cmpi slt, %jit3A_300, %sign3A_312 : i32
      %sign3A_314 = arith.extui %sign3A_313 : i1 to i32
      %sign3A_315 = arith.subi %sign3A_311, %sign3A_314 : i32
      %ne3A_316 = arith.cmpi ne, %sign3A_308, %sign3A_315 : i32
      %rem3A_317 = arith.remsi %select_n3A, %jit3A_300 : i32
      %ne3A_318 = arith.constant 0 : i32
      %ne3A_319 = arith.cmpi ne, %rem3A_317, %ne3A_318 : i32
      %and3A_320 = arith.andi %ne3A_316, %ne3A_319 : i1
      %sub3A_321 = arith.constant 1 : i32
      %sub3A_322 = arith.subi %div3A_301, %sub3A_321 : i32
      %select_n3A_323 = arith.select %and3A_320, %sub3A_322, %div3A_301 : i32
      %sub3A_324 = arith.constant 1 : i32
      %sub3A_325 = arith.subi %select_n3A_323, %sub3A_324 : i32
      %lt3A = arith.cmpi slt, %while3A_54, %sub3A_325 : i32
      %convert_element_type3A_326 = arith.extui %lt3A : i1 to i32
      %cond3A_327 = arith.constant 0 : i32
      %cond3A_328 = arith.cmpi ne, %convert_element_type3A_326, %cond3A_327 : i32
      scf.if %cond3A_328 {
        %add3A_337 = arith.constant 2 : i32
        %add3A_338 = arith.addi %mul3A_56, %add3A_337 : i32
        %add3A_339 = arith.addi %add3A_338, %sub3A : i32
        %get3A_340 = arith.constant 0 : i32
        %get3A_341 = tpu.memref_slice %arg6[%add3A_339, %get3A_340] : memref<80x128xi32, #tpu.memory_space<vmem>> -> memref<1x128xi32, #tpu.memory_space<vmem>>
        %get3A_342 = tpu.memref_squeeze %get3A_341 : memref<1x128xi32, #tpu.memory_space<vmem>> -> memref<128xi32, #tpu.memory_space<vmem>>
        %get3A_343 = arith.constant 0 : index
        %get3A_344 = tpu.vector_load %get3A_342[%get3A_343] {strides = array<i32>} : memref<128xi32, #tpu.memory_space<vmem>>, vector<16xi32>,
        %get3A_345 = vector.shape_cast %get3A_344 : vector<16xi32> to vector<16xi32>
        %and3A_346 = arith.constant 65535 : i32
        %and3A_347 = vector.broadcast %and3A_346 : i32 to vector<16xi32>
        %and3A_348 = arith.andi %get3A_345, %and3A_347 : vector<16xi32>
        %swap3A_349 = arith.constant 0 : i32
        %swap3A_350 = arith.constant 0 : i32
        %swap3A_351 = tpu.memref_slice %arg7[%swap3A_349, %swap3A_350] : memref<2x128xi32, #tpu.memory_space<vmem>> -> memref<1x128xi32, #tpu.memory_space<vmem>>
        %swap3A_352 = tpu.memref_squeeze %swap3A_351 : memref<1x128xi32, #tpu.memory_space<vmem>> -> memref<128xi32, #tpu.memory_space<vmem>>
        %swap3A_353 = arith.constant 0 : index
        %swap3A_354 = tpu.vector_load %swap3A_352[%swap3A_353] {strides = array<i32>} : memref<128xi32, #tpu.memory_space<vmem>>, vector<16xi32>,
        %swap3A_355 = vector.shape_cast %swap3A_354 : vector<16xi32> to vector<16xi32>
        %swap3A_356 = vector.shape_cast %and3A_348 : vector<16xi32> to vector<16xi32>
        tpu.vector_store %swap3A_352[%swap3A_353], %swap3A_356 {strides = array<i32>} : memref<128xi32, #tpu.memory_space<vmem>>, vector<16xi32>,
        %shift_right_logical3A_357 = arith.constant 16 : i32
        %shift_right_logical3A_358 = vector.broadcast %shift_right_logical3A_357 : i32 to vector<16xi32>
        %shift_right_logical3A_359 = arith.shrui %get3A_345, %shift_right_logical3A_358 : vector<16xi32>
        %swap3A_360 = arith.constant 0 : i32
        %swap3A_361 = arith.constant 0 : i32
        %swap3A_362 = tpu.memref_slice %arg8[%swap3A_360, %swap3A_361] : memref<2x128xi32, #tpu.memory_space<vmem>> -> memref<1x128xi32, #tpu.memory_space<vmem>>
        %swap3A_363 = tpu.memref_squeeze %swap3A_362 : memref<1x128xi32, #tpu.memory_space<vmem>> -> memref<128xi32, #tpu.memory_space<vmem>>
        %swap3A_364 = arith.constant 0 : index
        %swap3A_365 = tpu.vector_load %swap3A_363[%swap3A_364] {strides = array<i32>} : memref<128xi32, #tpu.memory_space<vmem>>, vector<16xi32>,
        %swap3A_366 = vector.shape_cast %swap3A_365 : vector<16xi32> to vector<16xi32>
        %swap3A_367 = vector.shape_cast %shift_right_logical3A_359 : vector<16xi32> to vector<16xi32>
        tpu.vector_store %swap3A_363[%swap3A_364], %swap3A_367 {strides = array<i32>} : memref<128xi32, #tpu.memory_space<vmem>>, vector<16xi32>,
        %add3A_368 = arith.addi %add3A_338, %sub3A : i32
        %get3A_369 = arith.constant 0 : i32
        %get3A_370 = tpu.memref_slice %arg6[%add3A_368, %get3A_369] : memref<80x128xi32, #tpu.memory_space<vmem>> -> memref<1x128xi32, #tpu.memory_space<vmem>>
        %get3A_371 = tpu.memref_squeeze %get3A_370 : memref<1x128xi32, #tpu.memory_space<vmem>> -> memref<128xi32, #tpu.memory_space<vmem>>
        %get3A_372 = arith.constant 16 : index
        %get3A_373 = tpu.vector_load %get3A_371[%get3A_372] {strides = array<i32>} : memref<128xi32, #tpu.memory_space<vmem>>, vector<16xi32>,
        %get3A_374 = vector.shape_cast %get3A_373 : vector<16xi32> to vector<16xi32>
        %and3A_375 = arith.constant 65535 : i32
        %and3A_376 = vector.broadcast %and3A_375 : i32 to vector<16xi32>
        %and3A_377 = arith.andi %get3A_374, %and3A_376 : vector<16xi32>
        %swap3A_378 = arith.constant 0 : i32
        %swap3A_379 = arith.constant 0 : i32
        %swap3A_380 = tpu.memref_slice %arg7[%swap3A_378, %swap3A_379] : memref<2x128xi32, #tpu.memory_space<vmem>> -> memref<1x128xi32, #tpu.memory_space<vmem>>
        %swap3A_381 = tpu.memref_squeeze %swap3A_380 : memref<1x128xi32, #tpu.memory_space<vmem>> -> memref<128xi32, #tpu.memory_space<vmem>>
        %swap3A_382 = arith.constant 16 : index
        %swap3A_383 = tpu.vector_load %swap3A_381[%swap3A_382] {strides = array<i32>} : memref<128xi32, #tpu.memory_space<vmem>>, vector<16xi32>,
        %swap3A_384 = vector.shape_cast %swap3A_383 : vector<16xi32> to vector<16xi32>
        %swap3A_385 = vector.shape_cast %and3A_377 : vector<16xi32> to vector<16xi32>
        tpu.vector_store %swap3A_381[%swap3A_382], %swap3A_385 {strides = array<i32>} : memref<128xi32, #tpu.memory_space<vmem>>, vector<16xi32>,
        %shift_right_logical3A_386 = arith.constant 16 : i32
        %shift_right_logical3A_387 = vector.broadcast %shift_right_logical3A_386 : i32 to vector<16xi32>
        %shift_right_logical3A_388 = arith.shrui %get3A_374, %shift_right_logical3A_387 : vector<16xi32>
        %swap3A_389 = arith.constant 0 : i32
        %swap3A_390 = arith.constant 0 : i32
        %swap3A_391 = tpu.memref_slice %arg8[%swap3A_389, %swap3A_390] : memref<2x128xi32, #tpu.memory_space<vmem>> -> memref<1x128xi32, #tpu.memory_space<vmem>>
        %swap3A_392 = tpu.memref_squeeze %swap3A_391 : memref<1x128xi32, #tpu.memory_space<vmem>> -> memref<128xi32, #tpu.memory_space<vmem>>
        %swap3A_393 = arith.constant 16 : index
        %swap3A_394 = tpu.vector_load %swap3A_392[%swap3A_393] {strides = array<i32>} : memref<128xi32, #tpu.memory_space<vmem>>, vector<16xi32>,
        %swap3A_395 = vector.shape_cast %swap3A_394 : vector<16xi32> to vector<16xi32>
        %swap3A_396 = vector.shape_cast %shift_right_logical3A_388 : vector<16xi32> to vector<16xi32>
        tpu.vector_store %swap3A_392[%swap3A_393], %swap3A_396 {strides = array<i32>} : memref<128xi32, #tpu.memory_space<vmem>>, vector<16xi32>,
        %add3A_397 = arith.addi %add3A_338, %sub3A : i32
        %get3A_398 = arith.constant 0 : i32
        %get3A_399 = tpu.memref_slice %arg6[%add3A_397, %get3A_398] : memref<80x128xi32, #tpu.memory_space<vmem>> -> memref<1x128xi32, #tpu.memory_space<vmem>>
        %get3A_400 = tpu.memref_squeeze %get3A_399 : memref<1x128xi32, #tpu.memory_space<vmem>> -> memref<128xi32, #tpu.memory_space<vmem>>
        %get3A_401 = arith.constant 32 : index
        %get3A_402 = tpu.vector_load %get3A_400[%get3A_401] {strides = array<i32>} : memref<128xi32, #tpu.memory_space<vmem>>, vector<16xi32>,
        %get3A_403 = vector.shape_cast %get3A_402 : vector<16xi32> to vector<16xi32>
        %and3A_404 = arith.constant 65535 : i32
        %and3A_405 = vector.broadcast %and3A_404 : i32 to vector<16xi32>
        %and3A_406 = arith.andi %get3A_403, %and3A_405 : vector<16xi32>
        %swap3A_407 = arith.constant 0 : i32
        %swap3A_408 = arith.constant 0 : i32
        %swap3A_409 = tpu.memref_slice %arg7[%swap3A_407, %swap3A_408] : memref<2x128xi32, #tpu.memory_space<vmem>> -> memref<1x128xi32, #tpu.memory_space<vmem>>
        %swap3A_410 = tpu.memref_squeeze %swap3A_409 : memref<1x128xi32, #tpu.memory_space<vmem>> -> memref<128xi32, #tpu.memory_space<vmem>>
        %swap3A_411 = arith.constant 32 : index
        %swap3A_412 = tpu.vector_load %swap3A_410[%swap3A_411] {strides = array<i32>} : memref<128xi32, #tpu.memory_space<vmem>>, vector<16xi32>,
        %swap3A_413 = vector.shape_cast %swap3A_412 : vector<16xi32> to vector<16xi32>
        %swap3A_414 = vector.shape_cast %and3A_406 : vector<16xi32> to vector<16xi32>
        tpu.vector_store %swap3A_410[%swap3A_411], %swap3A_414 {strides = array<i32>} : memref<128xi32, #tpu.memory_space<vmem>>, vector<16xi32>,
        %shift_right_logical3A_415 = arith.constant 16 : i32
        %shift_right_logical3A_416 = vector.broadcast %shift_right_logical3A_415 : i32 to vector<16xi32>
        %shift_right_logical3A_417 = arith.shrui %get3A_403, %shift_right_logical3A_416 : vector<16xi32>
        %swap3A_418 = arith.constant 0 : i32
        %swap3A_419 = arith.constant 0 : i32
        %swap3A_420 = tpu.memref_slice %arg8[%swap3A_418, %swap3A_419] : memref<2x128xi32, #tpu.memory_space<vmem>> -> memref<1x128xi32, #tpu.memory_space<vmem>>
        %swap3A_421 = tpu.memref_squeeze %swap3A_420 : memref<1x128xi32, #tpu.memory_space<vmem>> -> memref<128xi32, #tpu.memory_space<vmem>>
        %swap3A_422 = arith.constant 32 : index
        %swap3A_423 = tpu.vector_load %swap3A_421[%swap3A_422] {strides = array<i32>} : memref<128xi32, #tpu.memory_space<vmem>>, vector<16xi32>,
        %swap3A_424 = vector.shape_cast %swap3A_423 : vector<16xi32> to vector<16xi32>
        %swap3A_425 = vector.shape_cast %shift_right_logical3A_417 : vector<16xi32> to vector<16xi32>
        tpu.vector_store %swap3A_421[%swap3A_422], %swap3A_425 {strides = array<i32>} : memref<128xi32, #tpu.memory_space<vmem>>, vector<16xi32>,
        %add3A_426 = arith.addi %add3A_338, %sub3A : i32
        %get3A_427 = arith.constant 0 : i32
        %get3A_428 = tpu.memref_slice %arg6[%add3A_426, %get3A_427] : memref<80x128xi32, #tpu.memory_space<vmem>> -> memref<1x128xi32, #tpu.memory_space<vmem>>
        %get3A_429 = tpu.memref_squeeze %get3A_428 : memref<1x128xi32, #tpu.memory_space<vmem>> -> memref<128xi32, #tpu.memory_space<vmem>>
        %get3A_430 = arith.constant 48 : index
        %get3A_431 = tpu.vector_load %get3A_429[%get3A_430] {strides = array<i32>} : memref<128xi32, #tpu.memory_space<vmem>>, vector<16xi32>,
        %get3A_432 = vector.shape_cast %get3A_431 : vector<16xi32> to vector<16xi32>
        %and3A_433 = arith.constant 65535 : i32
        %and3A_434 = vector.broadcast %and3A_433 : i32 to vector<16xi32>
        %and3A_435 = arith.andi %get3A_432, %and3A_434 : vector<16xi32>
        %swap3A_436 = arith.constant 0 : i32
        %swap3A_437 = arith.constant 0 : i32
        %swap3A_438 = tpu.memref_slice %arg7[%swap3A_436, %swap3A_437] : memref<2x128xi32, #tpu.memory_space<vmem>> -> memref<1x128xi32, #tpu.memory_space<vmem>>
        %swap3A_439 = tpu.memref_squeeze %swap3A_438 : memref<1x128xi32, #tpu.memory_space<vmem>> -> memref<128xi32, #tpu.memory_space<vmem>>
        %swap3A_440 = arith.constant 48 : index
        %swap3A_441 = tpu.vector_load %swap3A_439[%swap3A_440] {strides = array<i32>} : memref<128xi32, #tpu.memory_space<vmem>>, vector<16xi32>,
        %swap3A_442 = vector.shape_cast %swap3A_441 : vector<16xi32> to vector<16xi32>
        %swap3A_443 = vector.shape_cast %and3A_435 : vector<16xi32> to vector<16xi32>
        tpu.vector_store %swap3A_439[%swap3A_440], %swap3A_443 {strides = array<i32>} : memref<128xi32, #tpu.memory_space<vmem>>, vector<16xi32>,
        %shift_right_logical3A_444 = arith.constant 16 : i32
        %shift_right_logical3A_445 = vector.broadcast %shift_right_logical3A_444 : i32 to vector<16xi32>
        %shift_right_logical3A_446 = arith.shrui %get3A_432, %shift_right_logical3A_445 : vector<16xi32>
        %swap3A_447 = arith.constant 0 : i32
        %swap3A_448 = arith.constant 0 : i32
        %swap3A_449 = tpu.memref_slice %arg8[%swap3A_447, %swap3A_448] : memref<2x128xi32, #tpu.memory_space<vmem>> -> memref<1x128xi32, #tpu.memory_space<vmem>>
        %swap3A_450 = tpu.memref_squeeze %swap3A_449 : memref<1x128xi32, #tpu.memory_space<vmem>> -> memref<128xi32, #tpu.memory_space<vmem>>
        %swap3A_451 = arith.constant 48 : index
        %swap3A_452 = tpu.vector_load %swap3A_450[%swap3A_451] {strides = array<i32>} : memref<128xi32, #tpu.memory_space<vmem>>, vector<16xi32>,
        %swap3A_453 = vector.shape_cast %swap3A_452 : vector<16xi32> to vector<16xi32>
        %swap3A_454 = vector.shape_cast %shift_right_logical3A_446 : vector<16xi32> to vector<16xi32>
        tpu.vector_store %swap3A_450[%swap3A_451], %swap3A_454 {strides = array<i32>} : memref<128xi32, #tpu.memory_space<vmem>>, vector<16xi32>,
        %add3A_455 = arith.addi %add3A_338, %sub3A : i32
        %get3A_456 = arith.constant 0 : i32
        %get3A_457 = tpu.memref_slice %arg6[%add3A_455, %get3A_456] : memref<80x128xi32, #tpu.memory_space<vmem>> -> memref<1x128xi32, #tpu.memory_space<vmem>>
        %get3A_458 = tpu.memref_squeeze %get3A_457 : memref<1x128xi32, #tpu.memory_space<vmem>> -> memref<128xi32, #tpu.memory_space<vmem>>
        %get3A_459 = arith.constant 64 : index
        %get3A_460 = tpu.vector_load %get3A_458[%get3A_459] {strides = array<i32>} : memref<128xi32, #tpu.memory_space<vmem>>, vector<16xi32>,
        %get3A_461 = vector.shape_cast %get3A_460 : vector<16xi32> to vector<16xi32>
        %and3A_462 = arith.constant 65535 : i32
        %and3A_463 = vector.broadcast %and3A_462 : i32 to vector<16xi32>
        %and3A_464 = arith.andi %get3A_461, %and3A_463 : vector<16xi32>
        %swap3A_465 = arith.constant 0 : i32
        %swap3A_466 = arith.constant 0 : i32
        %swap3A_467 = tpu.memref_slice %arg7[%swap3A_465, %swap3A_466] : memref<2x128xi32, #tpu.memory_space<vmem>> -> memref<1x128xi32, #tpu.memory_space<vmem>>
        %swap3A_468 = tpu.memref_squeeze %swap3A_467 : memref<1x128xi32, #tpu.memory_space<vmem>> -> memref<128xi32, #tpu.memory_space<vmem>>
        %swap3A_469 = arith.constant 64 : index
        %swap3A_470 = tpu.vector_load %swap3A_468[%swap3A_469] {strides = array<i32>} : memref<128xi32, #tpu.memory_space<vmem>>, vector<16xi32>,
        %swap3A_471 = vector.shape_cast %swap3A_470 : vector<16xi32> to vector<16xi32>
        %swap3A_472 = vector.shape_cast %and3A_464 : vector<16xi32> to vector<16xi32>
        tpu.vector_store %swap3A_468[%swap3A_469], %swap3A_472 {strides = array<i32>} : memref<128xi32, #tpu.memory_space<vmem>>, vector<16xi32>,
        %shift_right_logical3A_473 = arith.constant 16 : i32
        %shift_right_logical3A_474 = vector.broadcast %shift_right_logical3A_473 : i32 to vector<16xi32>
        %shift_right_logical3A_475 = arith.shrui %get3A_461, %shift_right_logical3A_474 : vector<16xi32>
        %swap3A_476 = arith.constant 0 : i32
        %swap3A_477 = arith.constant 0 : i32
        %swap3A_478 = tpu.memref_slice %arg8[%swap3A_476, %swap3A_477] : memref<2x128xi32, #tpu.memory_space<vmem>> -> memref<1x128xi32, #tpu.memory_space<vmem>>
        %swap3A_479 = tpu.memref_squeeze %swap3A_478 : memref<1x128xi32, #tpu.memory_space<vmem>> -> memref<128xi32, #tpu.memory_space<vmem>>
        %swap3A_480 = arith.constant 64 : index
        %swap3A_481 = tpu.vector_load %swap3A_479[%swap3A_480] {strides = array<i32>} : memref<128xi32, #tpu.memory_space<vmem>>, vector<16xi32>,
        %swap3A_482 = vector.shape_cast %swap3A_481 : vector<16xi32> to vector<16xi32>
        %swap3A_483 = vector.shape_cast %shift_right_logical3A_475 : vector<16xi32> to vector<16xi32>
        tpu.vector_store %swap3A_479[%swap3A_480], %swap3A_483 {strides = array<i32>} : memref<128xi32, #tpu.memory_space<vmem>>, vector<16xi32>,
        %add3A_484 = arith.addi %add3A_338, %sub3A : i32
        %get3A_485 = arith.constant 0 : i32
        %get3A_486 = tpu.memref_slice %arg6[%add3A_484, %get3A_485] : memref<80x128xi32, #tpu.memory_space<vmem>> -> memref<1x128xi32, #tpu.memory_space<vmem>>
        %get3A_487 = tpu.memref_squeeze %get3A_486 : memref<1x128xi32, #tpu.memory_space<vmem>> -> memref<128xi32, #tpu.memory_space<vmem>>
        %get3A_488 = arith.constant 80 : index
        %get3A_489 = tpu.vector_load %get3A_487[%get3A_488] {strides = array<i32>} : memref<128xi32, #tpu.memory_space<vmem>>, vector<16xi32>,
        %get3A_490 = vector.shape_cast %get3A_489 : vector<16xi32> to vector<16xi32>
        %and3A_491 = arith.constant 65535 : i32
        %and3A_492 = vector.broadcast %and3A_491 : i32 to vector<16xi32>
        %and3A_493 = arith.andi %get3A_490, %and3A_492 : vector<16xi32>
        %swap3A_494 = arith.constant 0 : i32
        %swap3A_495 = arith.constant 0 : i32
        %swap3A_496 = tpu.memref_slice %arg7[%swap3A_494, %swap3A_495] : memref<2x128xi32, #tpu.memory_space<vmem>> -> memref<1x128xi32, #tpu.memory_space<vmem>>
        %swap3A_497 = tpu.memref_squeeze %swap3A_496 : memref<1x128xi32, #tpu.memory_space<vmem>> -> memref<128xi32, #tpu.memory_space<vmem>>
        %swap3A_498 = arith.constant 80 : index
        %swap3A_499 = tpu.vector_load %swap3A_497[%swap3A_498] {strides = array<i32>} : memref<128xi32, #tpu.memory_space<vmem>>, vector<16xi32>,
        %swap3A_500 = vector.shape_cast %swap3A_499 : vector<16xi32> to vector<16xi32>
        %swap3A_501 = vector.shape_cast %and3A_493 : vector<16xi32> to vector<16xi32>
        tpu.vector_store %swap3A_497[%swap3A_498], %swap3A_501 {strides = array<i32>} : memref<128xi32, #tpu.memory_space<vmem>>, vector<16xi32>,
        %shift_right_logical3A_502 = arith.constant 16 : i32
        %shift_right_logical3A_503 = vector.broadcast %shift_right_logical3A_502 : i32 to vector<16xi32>
        %shift_right_logical3A_504 = arith.shrui %get3A_490, %shift_right_logical3A_503 : vector<16xi32>
        %swap3A_505 = arith.constant 0 : i32
        %swap3A_506 = arith.constant 0 : i32
        %swap3A_507 = tpu.memref_slice %arg8[%swap3A_505, %swap3A_506] : memref<2x128xi32, #tpu.memory_space<vmem>> -> memref<1x128xi32, #tpu.memory_space<vmem>>
        %swap3A_508 = tpu.memref_squeeze %swap3A_507 : memref<1x128xi32, #tpu.memory_space<vmem>> -> memref<128xi32, #tpu.memory_space<vmem>>
        %swap3A_509 = arith.constant 80 : index
        %swap3A_510 = tpu.vector_load %swap3A_508[%swap3A_509] {strides = array<i32>} : memref<128xi32, #tpu.memory_space<vmem>>, vector<16xi32>,
        %swap3A_511 = vector.shape_cast %swap3A_510 : vector<16xi32> to vector<16xi32>
        %swap3A_512 = vector.shape_cast %shift_right_logical3A_504 : vector<16xi32> to vector<16xi32>
        tpu.vector_store %swap3A_508[%swap3A_509], %swap3A_512 {strides = array<i32>} : memref<128xi32, #tpu.memory_space<vmem>>, vector<16xi32>,
        %add3A_513 = arith.addi %add3A_338, %sub3A : i32
        %get3A_514 = arith.constant 0 : i32
        %get3A_515 = tpu.memref_slice %arg6[%add3A_513, %get3A_514] : memref<80x128xi32, #tpu.memory_space<vmem>> -> memref<1x128xi32, #tpu.memory_space<vmem>>
        %get3A_516 = tpu.memref_squeeze %get3A_515 : memref<1x128xi32, #tpu.memory_space<vmem>> -> memref<128xi32, #tpu.memory_space<vmem>>
        %get3A_517 = arith.constant 96 : index
        %get3A_518 = tpu.vector_load %get3A_516[%get3A_517] {strides = array<i32>} : memref<128xi32, #tpu.memory_space<vmem>>, vector<16xi32>,
        %get3A_519 = vector.shape_cast %get3A_518 : vector<16xi32> to vector<16xi32>
        %and3A_520 = arith.constant 65535 : i32
        %and3A_521 = vector.broadcast %and3A_520 : i32 to vector<16xi32>
        %and3A_522 = arith.andi %get3A_519, %and3A_521 : vector<16xi32>
        %swap3A_523 = arith.constant 0 : i32
        %swap3A_524 = arith.constant 0 : i32
        %swap3A_525 = tpu.memref_slice %arg7[%swap3A_523, %swap3A_524] : memref<2x128xi32, #tpu.memory_space<vmem>> -> memref<1x128xi32, #tpu.memory_space<vmem>>
        %swap3A_526 = tpu.memref_squeeze %swap3A_525 : memref<1x128xi32, #tpu.memory_space<vmem>> -> memref<128xi32, #tpu.memory_space<vmem>>
        %swap3A_527 = arith.constant 96 : index
        %swap3A_528 = tpu.vector_load %swap3A_526[%swap3A_527] {strides = array<i32>} : memref<128xi32, #tpu.memory_space<vmem>>, vector<16xi32>,
        %swap3A_529 = vector.shape_cast %swap3A_528 : vector<16xi32> to vector<16xi32>
        %swap3A_530 = vector.shape_cast %and3A_522 : vector<16xi32> to vector<16xi32>
        tpu.vector_store %swap3A_526[%swap3A_527], %swap3A_530 {strides = array<i32>} : memref<128xi32, #tpu.memory_space<vmem>>, vector<16xi32>,
        %shift_right_logical3A_531 = arith.constant 16 : i32
        %shift_right_logical3A_532 = vector.broadcast %shift_right_logical3A_531 : i32 to vector<16xi32>
        %shift_right_logical3A_533 = arith.shrui %get3A_519, %shift_right_logical3A_532 : vector<16xi32>
        %swap3A_534 = arith.constant 0 : i32
        %swap3A_535 = arith.constant 0 : i32
        %swap3A_536 = tpu.memref_slice %arg8[%swap3A_534, %swap3A_535] : memref<2x128xi32, #tpu.memory_space<vmem>> -> memref<1x128xi32, #tpu.memory_space<vmem>>
        %swap3A_537 = tpu.memref_squeeze %swap3A_536 : memref<1x128xi32, #tpu.memory_space<vmem>> -> memref<128xi32, #tpu.memory_space<vmem>>
        %swap3A_538 = arith.constant 96 : index
        %swap3A_539 = tpu.vector_load %swap3A_537[%swap3A_538] {strides = array<i32>} : memref<128xi32, #tpu.memory_space<vmem>>, vector<16xi32>,
        %swap3A_540 = vector.shape_cast %swap3A_539 : vector<16xi32> to vector<16xi32>
        %swap3A_541 = vector.shape_cast %shift_right_logical3A_533 : vector<16xi32> to vector<16xi32>
        tpu.vector_store %swap3A_537[%swap3A_538], %swap3A_541 {strides = array<i32>} : memref<128xi32, #tpu.memory_space<vmem>>, vector<16xi32>,
        %add3A_542 = arith.addi %add3A_338, %sub3A : i32
        %get3A_543 = arith.constant 0 : i32
        %get3A_544 = tpu.memref_slice %arg6[%add3A_542, %get3A_543] : memref<80x128xi32, #tpu.memory_space<vmem>> -> memref<1x128xi32, #tpu.memory_space<vmem>>
        %get3A_545 = tpu.memref_squeeze %get3A_544 : memref<1x128xi32, #tpu.memory_space<vmem>> -> memref<128xi32, #tpu.memory_space<vmem>>
        %get3A_546 = arith.constant 112 : index
        %get3A_547 = tpu.vector_load %get3A_545[%get3A_546] {strides = array<i32>} : memref<128xi32, #tpu.memory_space<vmem>>, vector<16xi32>,
        %get3A_548 = vector.shape_cast %get3A_547 : vector<16xi32> to vector<16xi32>
        %and3A_549 = arith.constant 65535 : i32
        %and3A_550 = vector.broadcast %and3A_549 : i32 to vector<16xi32>
        %and3A_551 = arith.andi %get3A_548, %and3A_550 : vector<16xi32>
        %swap3A_552 = arith.constant 0 : i32
        %swap3A_553 = arith.constant 0 : i32
        %swap3A_554 = tpu.memref_slice %arg7[%swap3A_552, %swap3A_553] : memref<2x128xi32, #tpu.memory_space<vmem>> -> memref<1x128xi32, #tpu.memory_space<vmem>>
        %swap3A_555 = tpu.memref_squeeze %swap3A_554 : memref<1x128xi32, #tpu.memory_space<vmem>> -> memref<128xi32, #tpu.memory_space<vmem>>
        %swap3A_556 = arith.constant 112 : index
        %swap3A_557 = tpu.vector_load %swap3A_555[%swap3A_556] {strides = array<i32>} : memref<128xi32, #tpu.memory_space<vmem>>, vector<16xi32>,
        %swap3A_558 = vector.shape_cast %swap3A_557 : vector<16xi32> to vector<16xi32>
        %swap3A_559 = vector.shape_cast %and3A_551 : vector<16xi32> to vector<16xi32>
        tpu.vector_store %swap3A_555[%swap3A_556], %swap3A_559 {strides = array<i32>} : memref<128xi32, #tpu.memory_space<vmem>>, vector<16xi32>,
        %shift_right_logical3A_560 = arith.constant 16 : i32
        %shift_right_logical3A_561 = vector.broadcast %shift_right_logical3A_560 : i32 to vector<16xi32>
        %shift_right_logical3A_562 = arith.shrui %get3A_548, %shift_right_logical3A_561 : vector<16xi32>
        %swap3A_563 = arith.constant 0 : i32
        %swap3A_564 = arith.constant 0 : i32
        %swap3A_565 = tpu.memref_slice %arg8[%swap3A_563, %swap3A_564] : memref<2x128xi32, #tpu.memory_space<vmem>> -> memref<1x128xi32, #tpu.memory_space<vmem>>
        %swap3A_566 = tpu.memref_squeeze %swap3A_565 : memref<1x128xi32, #tpu.memory_space<vmem>> -> memref<128xi32, #tpu.memory_space<vmem>>
        %swap3A_567 = arith.constant 112 : index
        %swap3A_568 = tpu.vector_load %swap3A_566[%swap3A_567] {strides = array<i32>} : memref<128xi32, #tpu.memory_space<vmem>>, vector<16xi32>,
        %swap3A_569 = vector.shape_cast %swap3A_568 : vector<16xi32> to vector<16xi32>
        %swap3A_570 = vector.shape_cast %shift_right_logical3A_562 : vector<16xi32> to vector<16xi32>
        tpu.vector_store %swap3A_566[%swap3A_567], %swap3A_570 {strides = array<i32>} : memref<128xi32, #tpu.memory_space<vmem>>, vector<16xi32>,
        %dma_start3A_571 = arith.constant 0 : i32
        %dma_start3A_572 = arith.constant 0 : i32
        %dma_start3A_573 = tpu.memref_slice %arg7[%dma_start3A_571, %dma_start3A_572] : memref<2x128xi32, #tpu.memory_space<vmem>> -> memref<1x128xi32, #tpu.memory_space<vmem>>
        %dma_start3A_574 = tpu.memref_squeeze %dma_start3A_573 : memref<1x128xi32, #tpu.memory_space<vmem>> -> memref<128xi32, #tpu.memory_space<vmem>>
        %dma_start3A_575 = arith.constant 0 : i32
        %dma_start3A_576 = arith.constant 0 : i32
        %dma_start3A_577 = tpu.memref_slice %arg12[%dma_start3A_575, %dma_start3A_576] : memref<10112x64xf32, #tpu.memory_space<vmem_shared>> -> memref<10112x64xf32, #tpu.memory_space<vmem_shared>>
        tpu.enqueue_indirect_dma source(%dma_start3A_577 : memref<10112x64xf32, #tpu.memory_space<vmem_shared>>) target(%arg9 : memref<128x64xf32, #tpu.memory_space<vmem>>) offsets(%dma_start3A_574 : memref<128xi32, #tpu.memory_space<vmem>>) semaphore(%arg13 : memref<!tpu.dma_semaphore, #tpu.memory_space<semaphore_mem>>)
      } else {
      }
      %dma_wait3A_329 = arith.constant 1 : i32
      %dma_wait3A_330 = arith.constant 0 : i32
      %dma_wait3A_331 = tpu.memref_slice %arg7[%dma_wait3A_329, %dma_wait3A_330] : memref<2x128xi32, #tpu.memory_space<vmem>> -> memref<1x128xi32, #tpu.memory_space<vmem>>
      %dma_wait3A_332 = tpu.memref_squeeze %dma_wait3A_331 : memref<1x128xi32, #tpu.memory_space<vmem>> -> memref<128xi32, #tpu.memory_space<vmem>>
      %dma_wait3A_333 = arith.constant 0 : i32
      %dma_wait3A_334 = arith.constant 0 : i32
      %dma_wait3A_335 = tpu.memref_slice %arg12[%dma_wait3A_333, %dma_wait3A_334] : memref<10112x64xf32, #tpu.memory_space<vmem_shared>> -> memref<10112x64xf32, #tpu.memory_space<vmem_shared>>
      tpu.wait_indirect_dma semaphore(%arg14 : memref<!tpu.dma_semaphore, #tpu.memory_space<semaphore_mem>>) src(%dma_wait3A_335 : memref<10112x64xf32, #tpu.memory_space<vmem_shared>>) dst(%arg10 : memref<128x64xf32, #tpu.memory_space<vmem>>)
      %run_scoped3A_336 = arith.constant 1 : i32
      "tpu.region"() ({
        %run_scoped3A_337 = tpu.sem_alloc : memref<!tpu.dma_semaphore, #tpu.memory_space<semaphore_mem>>
        %dma_start3A_338 = arith.constant 0 : i32
        %dma_start3A_339 = tpu.memref_slice %arg8[%run_scoped3A_336, %dma_start3A_338] : memref<2x128xi32, #tpu.memory_space<vmem>> -> memref<1x128xi32, #tpu.memory_space<vmem>>
        %dma_start3A_340 = tpu.memref_squeeze %dma_start3A_339 : memref<1x128xi32, #tpu.memory_space<vmem>> -> memref<128xi32, #tpu.memory_space<vmem>>
        %dma_start3A_341 = arith.constant 0 : i32
        %dma_start3A_342 = arith.constant 0 : i32
        %dma_start3A_343 = tpu.memref_slice %arg11[%dma_start3A_341, %dma_start3A_342] : memref<10112x64xf32, #tpu.memory_space<vmem_shared>> -> memref<10112x64xf32, #tpu.memory_space<vmem_shared>>
        tpu.enqueue_indirect_dma source(%arg10 : memref<128x64xf32, #tpu.memory_space<vmem>>) target(%dma_start3A_343 : memref<10112x64xf32, #tpu.memory_space<vmem_shared>>) offsets(%dma_start3A_340 : memref<128xi32, #tpu.memory_space<vmem>>) semaphore(%run_scoped3A_337 : memref<!tpu.dma_semaphore, #tpu.memory_space<semaphore_mem>>) {add = true}
        %dma_wait3A_344 = arith.constant 0 : i32
        %dma_wait3A_345 = tpu.memref_slice %arg8[%run_scoped3A_336, %dma_wait3A_344] : memref<2x128xi32, #tpu.memory_space<vmem>> -> memref<1x128xi32, #tpu.memory_space<vmem>>
        %dma_wait3A_346 = tpu.memref_squeeze %dma_wait3A_345 : memref<1x128xi32, #tpu.memory_space<vmem>> -> memref<128xi32, #tpu.memory_space<vmem>>
        %dma_wait3A_347 = arith.constant 0 : i32
        %dma_wait3A_348 = arith.constant 0 : i32
        %dma_wait3A_349 = tpu.memref_slice %arg11[%dma_wait3A_347, %dma_wait3A_348] : memref<10112x64xf32, #tpu.memory_space<vmem_shared>> -> memref<10112x64xf32, #tpu.memory_space<vmem_shared>>
        tpu.wait_indirect_dma semaphore(%run_scoped3A_337 : memref<!tpu.dma_semaphore, #tpu.memory_space<semaphore_mem>>) src(%arg10 : memref<128x64xf32, #tpu.memory_space<vmem>>) dst(%dma_wait3A_349 : memref<10112x64xf32, #tpu.memory_space<vmem_shared>>)
        tpu.yield
      }) : () -> ()
    }
    %barrier3A_53 = arith.constant 0 : index
    tpu.barrier barrier_id(%barrier3A_53)
    "tpu.region"() ({
      %run_scoped3A = tpu.sem_alloc : memref<!tpu.dma_semaphore, #tpu.memory_space<semaphore_mem>>
      %dma_start3A = arith.constant 0 : i32
      %dma_start3A_54 = arith.constant 0 : i32
      %dma_start3A_55 = tpu.memref_slice %arg5[%arg0, %dma_start3A, %dma_start3A_54] : memref<2x10112x128xf32, #tpu.memory_space<hbm>> -> memref<1x10112x128xf32, #tpu.memory_space<hbm>>
      %dma_start3A_56 = tpu.memref_squeeze %dma_start3A_55 : memref<1x10112x128xf32, #tpu.memory_space<hbm>> -> memref<10112x128xf32, #tpu.memory_space<hbm>>
      %dma_start3A_57 = arith.constant 0 : i32
      %dma_start3A_58 = tpu.memref_slice %dma_start3A_56[%mul3A_0, %dma_start3A_57] : memref<10112x128xf32, #tpu.memory_space<hbm>> -> memref<632x64xf32, #tpu.memory_space<hbm>>
      %dma_start3A_59 = arith.constant 0 : i32
      %dma_start3A_60 = tpu.memref_slice %arg11[%mul3A_0, %dma_start3A_59] : memref<10112x64xf32, #tpu.memory_space<vmem_shared>> -> memref<632x64xf32, #tpu.memory_space<vmem_shared>>
      tpu.enqueue_dma source(%dma_start3A_60 : memref<632x64xf32, #tpu.memory_space<vmem_shared>>) target(%dma_start3A_58 : memref<632x64xf32, #tpu.memory_space<hbm>>) target_semaphore(%run_scoped3A : memref<!tpu.dma_semaphore, #tpu.memory_space<semaphore_mem>>)
      %dma_wait3A = arith.constant 0 : i32
      %dma_wait3A_61 = arith.constant 0 : i32
      %dma_wait3A_62 = tpu.memref_slice %arg5[%arg0, %dma_wait3A, %dma_wait3A_61] : memref<2x10112x128xf32, #tpu.memory_space<hbm>> -> memref<1x10112x128xf32, #tpu.memory_space<hbm>>
      %dma_wait3A_63 = tpu.memref_squeeze %dma_wait3A_62 : memref<1x10112x128xf32, #tpu.memory_space<hbm>> -> memref<10112x128xf32, #tpu.memory_space<hbm>>
      %dma_wait3A_64 = arith.constant 0 : i32
      %dma_wait3A_65 = tpu.memref_slice %dma_wait3A_63[%mul3A_0, %dma_wait3A_64] : memref<10112x128xf32, #tpu.memory_space<hbm>> -> memref<632x64xf32, #tpu.memory_space<hbm>>
      %dma_wait3A_66 = arith.constant 0 : i32
      %dma_wait3A_67 = tpu.memref_slice %arg11[%mul3A_0, %dma_wait3A_66] : memref<10112x64xf32, #tpu.memory_space<vmem_shared>> -> memref<632x64xf32, #tpu.memory_space<vmem_shared>>
      tpu.wait_dma2 semaphore(%run_scoped3A : memref<!tpu.dma_semaphore, #tpu.memory_space<semaphore_mem>>) src(%dma_wait3A_67 : memref<632x64xf32, #tpu.memory_space<vmem_shared>>) dst(%dma_wait3A_65 : memref<632x64xf32, #tpu.memory_space<hbm>>)
      tpu.yield
    }) : () -> ()
    return
  }
}

#map = affine_map<(d0, d1) -> (0, 0)>
#map1 = affine_map<(d0, d1) -> (0, 0, 0)>
module attributes {stable_mosaic.version = 14 : i64} {
  func.func @seg_sum(%arg0: i32, %arg1: i32, %arg2: memref<10112x128xf32, #tpu.memory_space<hbm>>, %arg3: memref<16x160x128xi32, #tpu.memory_space<hbm>>, %arg4: memref<80x64xf32, #tpu.memory_space<hbm>>, %arg5: memref<2x10112x128xf32, #tpu.memory_space<hbm>>, %arg6: memref<80x128xi32, #tpu.memory_space<vmem>>, %arg7: memref<2x128xi32, #tpu.memory_space<vmem>>, %arg8: memref<2x128xi32, #tpu.memory_space<vmem>>, %arg9: memref<128x64xf32, #tpu.memory_space<vmem>>, %arg10: memref<128x64xf32, #tpu.memory_space<vmem>>, %arg11: memref<10112x64xf32, #tpu.memory_space<vmem_shared>>, %arg12: memref<10112x64xf32, #tpu.memory_space<vmem_shared>>, %arg13: memref<!tpu.dma_semaphore, #tpu.memory_space<semaphore_mem>>, %arg14: memref<!tpu.dma_semaphore, #tpu.memory_space<semaphore_mem>>) attributes {dimension_semantics = [#tpu.dimension_semantics<core_parallel>, #tpu.dimension_semantics<subcore_parallel>], iteration_bounds = array<i64: 2, 16>, scalar_prefetch = 0 : i64, scratch_operands = 9 : i64, tpu.core_type = #tpu.core_type<sc_vector_subcore>, window_params = [{transform_indices = #map}, {transform_indices = #map1}, {transform_indices = #map}, {transform_indices = #map1}]} {
    %mul3A = arith.constant 632 : i32
    %mul3A_0 = arith.muli %arg1, %mul3A : i32
    %mul3A_1 = arith.constant 80 : i32
    %mul3A_2 = arith.muli %arg0, %mul3A_1 : i32
    %min3A = arith.constant 80 : i32
    %min3A_3 = arith.minsi %mul3A_2, %min3A : i32
    %mul3A_4 = arith.constant 80 : i32
    %mul3A_5 = arith.muli %arg0, %mul3A_4 : i32
    %sub3A = arith.subi %mul3A_5, %min3A_3 : i32
    %eq3A = arith.constant 0 : i32
    %eq3A_6 = arith.cmpi eq, %arg0, %eq3A : i32
    %jit3A = arith.constant 80 : i32
    %jit3A_7 = arith.constant 80 : i32
    %select_n3A = arith.select %eq3A_6, %jit3A, %jit3A_7 : i32
    "tpu.region"() ({
      %run_scoped3A = tpu.sem_alloc : memref<!tpu.dma_semaphore, #tpu.memory_space<semaphore_mem>>
      %dma_start3A = arith.constant 0 : i32
      %dma_start3A_111 = arith.constant 0 : i32
      %dma_start3A_112 = tpu.memref_slice %arg3[%arg1, %dma_start3A, %dma_start3A_111] : memref<16x160x128xi32, #tpu.memory_space<hbm>> -> memref<1x160x128xi32, #tpu.memory_space<hbm>>
      %dma_start3A_113 = tpu.memref_squeeze %dma_start3A_112 : memref<1x160x128xi32, #tpu.memory_space<hbm>> -> memref<160x128xi32, #tpu.memory_space<hbm>>
      %dma_start3A_114 = arith.constant 0 : i32
      %dma_start3A_115 = tpu.memref_slice %dma_start3A_113[%min3A_3, %dma_start3A_114] : memref<160x128xi32, #tpu.memory_space<hbm>> -> memref<80x128xi32, #tpu.memory_space<hbm>>
      %dma_start3A_116 = arith.constant 0 : i32
      %dma_start3A_117 = arith.constant 0 : i32
      %dma_start3A_118 = tpu.memref_slice %arg3[%arg1, %dma_start3A_116, %dma_start3A_117] : memref<16x160x128xi32, #tpu.memory_space<hbm>> -> memref<1x160x128xi32, #tpu.memory_space<hbm>>
      %dma_start3A_119 = tpu.memref_squeeze %dma_start3A_118 : memref<1x160x128xi32, #tpu.memory_space<hbm>> -> memref<160x128xi32, #tpu.memory_space<hbm>>
      %dma_start3A_120 = arith.constant 0 : i32
      %dma_start3A_121 = tpu.memref_slice %dma_start3A_119[%min3A_3, %dma_start3A_120] : memref<160x128xi32, #tpu.memory_space<hbm>> -> memref<80x128xi32, #tpu.memory_space<hbm>>
      tpu.enqueue_dma source(%dma_start3A_121 : memref<80x128xi32, #tpu.memory_space<hbm>>) target(%arg6 : memref<80x128xi32, #tpu.memory_space<vmem>>) target_semaphore(%run_scoped3A : memref<!tpu.dma_semaphore, #tpu.memory_space<semaphore_mem>>)
      %dma_wait3A = arith.constant 0 : i32
      %dma_wait3A_122 = arith.constant 0 : i32
      %dma_wait3A_123 = tpu.memref_slice %arg3[%arg1, %dma_wait3A, %dma_wait3A_122] : memref<16x160x128xi32, #tpu.memory_space<hbm>> -> memref<1x160x128xi32, #tpu.memory_space<hbm>>
      %dma_wait3A_124 = tpu.memref_squeeze %dma_wait3A_123 : memref<1x160x128xi32, #tpu.memory_space<hbm>> -> memref<160x128xi32, #tpu.memory_space<hbm>>
      %dma_wait3A_125 = arith.constant 0 : i32
      %dma_wait3A_126 = tpu.memref_slice %dma_wait3A_124[%min3A_3, %dma_wait3A_125] : memref<160x128xi32, #tpu.memory_space<hbm>> -> memref<80x128xi32, #tpu.memory_space<hbm>>
      %dma_wait3A_127 = arith.constant 0 : i32
      %dma_wait3A_128 = arith.constant 0 : i32
      %dma_wait3A_129 = tpu.memref_slice %arg3[%arg1, %dma_wait3A_127, %dma_wait3A_128] : memref<16x160x128xi32, #tpu.memory_space<hbm>> -> memref<1x160x128xi32, #tpu.memory_space<hbm>>
      %dma_wait3A_130 = tpu.memref_squeeze %dma_wait3A_129 : memref<1x160x128xi32, #tpu.memory_space<hbm>> -> memref<160x128xi32, #tpu.memory_space<hbm>>
      %dma_wait3A_131 = arith.constant 0 : i32
      %dma_wait3A_132 = tpu.memref_slice %dma_wait3A_130[%min3A_3, %dma_wait3A_131] : memref<160x128xi32, #tpu.memory_space<hbm>> -> memref<80x128xi32, #tpu.memory_space<hbm>>
      tpu.wait_dma2 semaphore(%run_scoped3A : memref<!tpu.dma_semaphore, #tpu.memory_space<semaphore_mem>>) src(%dma_wait3A_132 : memref<80x128xi32, #tpu.memory_space<hbm>>) dst(%arg6 : memref<80x128xi32, #tpu.memory_space<vmem>>)
      tpu.yield
    }) : () -> ()
    "tpu.region"() ({
      %run_scoped3A = tpu.sem_alloc : memref<!tpu.dma_semaphore, #tpu.memory_space<semaphore_mem>>
      %dma_start3A = arith.constant 0 : i32
      %dma_start3A_111 = tpu.memref_slice %arg12[%mul3A_0, %dma_start3A] : memref<10112x64xf32, #tpu.memory_space<vmem_shared>> -> memref<632x64xf32, #tpu.memory_space<vmem_shared>>
      %dma_start3A_112 = arith.constant 0 : i32
      %dma_start3A_113 = tpu.memref_slice %arg2[%mul3A_0, %dma_start3A_112] : memref<10112x128xf32, #tpu.memory_space<hbm>> -> memref<632x64xf32, #tpu.memory_space<hbm>>
      tpu.enqueue_dma source(%dma_start3A_113 : memref<632x64xf32, #tpu.memory_space<hbm>>) target(%dma_start3A_111 : memref<632x64xf32, #tpu.memory_space<vmem_shared>>) target_semaphore(%run_scoped3A : memref<!tpu.dma_semaphore, #tpu.memory_space<semaphore_mem>>)
      %dma_wait3A = arith.constant 0 : i32
      %dma_wait3A_114 = tpu.memref_slice %arg12[%mul3A_0, %dma_wait3A] : memref<10112x64xf32, #tpu.memory_space<vmem_shared>> -> memref<632x64xf32, #tpu.memory_space<vmem_shared>>
      %dma_wait3A_115 = arith.constant 0 : i32
      %dma_wait3A_116 = tpu.memref_slice %arg2[%mul3A_0, %dma_wait3A_115] : memref<10112x128xf32, #tpu.memory_space<hbm>> -> memref<632x64xf32, #tpu.memory_space<hbm>>
      tpu.wait_dma2 semaphore(%run_scoped3A : memref<!tpu.dma_semaphore, #tpu.memory_space<semaphore_mem>>) src(%dma_wait3A_116 : memref<632x64xf32, #tpu.memory_space<hbm>>) dst(%dma_wait3A_114 : memref<632x64xf32, #tpu.memory_space<vmem_shared>>)
      tpu.yield
    }) : () -> ()
    %add3A = arith.constant 0 : i32
    %add3A_8 = arith.addi %mul3A_0, %add3A : i32
    "tpu.region"() ({
      %run_scoped3A = tpu.sem_alloc : memref<!tpu.dma_semaphore, #tpu.memory_space<semaphore_mem>>
      %dma_start3A = arith.constant 0 : i32
      %dma_start3A_111 = tpu.memref_slice %arg11[%add3A_8, %dma_start3A] : memref<10112x64xf32, #tpu.memory_space<vmem_shared>> -> memref<80x64xf32, #tpu.memory_space<vmem_shared>>
      tpu.enqueue_dma source(%arg4 : memref<80x64xf32, #tpu.memory_space<hbm>>) target(%dma_start3A_111 : memref<80x64xf32, #tpu.memory_space<vmem_shared>>) target_semaphore(%run_scoped3A : memref<!tpu.dma_semaphore, #tpu.memory_space<semaphore_mem>>)
      %dma_wait3A = arith.constant 0 : i32
      %dma_wait3A_112 = tpu.memref_slice %arg11[%add3A_8, %dma_wait3A] : memref<10112x64xf32, #tpu.memory_space<vmem_shared>> -> memref<80x64xf32, #tpu.memory_space<vmem_shared>>
      tpu.wait_dma2 semaphore(%run_scoped3A : memref<!tpu.dma_semaphore, #tpu.memory_space<semaphore_mem>>) src(%arg4 : memref<80x64xf32, #tpu.memory_space<hbm>>) dst(%dma_wait3A_112 : memref<80x64xf32, #tpu.memory_space<vmem_shared>>)
      tpu.yield
    }) : () -> ()
    %add3A_9 = arith.constant 80 : i32
    %add3A_10 = arith.addi %mul3A_0, %add3A_9 : i32
    "tpu.region"() ({
      %run_scoped3A = tpu.sem_alloc : memref<!tpu.dma_semaphore, #tpu.memory_space<semaphore_mem>>
      %dma_start3A = arith.constant 0 : i32
      %dma_start3A_111 = tpu.memref_slice %arg11[%add3A_10, %dma_start3A] : memref<10112x64xf32, #tpu.memory_space<vmem_shared>> -> memref<80x64xf32, #tpu.memory_space<vmem_shared>>
      tpu.enqueue_dma source(%arg4 : memref<80x64xf32, #tpu.memory_space<hbm>>) target(%dma_start3A_111 : memref<80x64xf32, #tpu.memory_space<vmem_shared>>) target_semaphore(%run_scoped3A : memref<!tpu.dma_semaphore, #tpu.memory_space<semaphore_mem>>)
      %dma_wait3A = arith.constant 0 : i32
      %dma_wait3A_112 = tpu.memref_slice %arg11[%add3A_10, %dma_wait3A] : memref<10112x64xf32, #tpu.memory_space<vmem_shared>> -> memref<80x64xf32, #tpu.memory_space<vmem_shared>>
      tpu.wait_dma2 semaphore(%run_scoped3A : memref<!tpu.dma_semaphore, #tpu.memory_space<semaphore_mem>>) src(%arg4 : memref<80x64xf32, #tpu.memory_space<hbm>>) dst(%dma_wait3A_112 : memref<80x64xf32, #tpu.memory_space<vmem_shared>>)
      tpu.yield
    }) : () -> ()
    %add3A_11 = arith.constant 160 : i32
    %add3A_12 = arith.addi %mul3A_0, %add3A_11 : i32
    "tpu.region"() ({
      %run_scoped3A = tpu.sem_alloc : memref<!tpu.dma_semaphore, #tpu.memory_space<semaphore_mem>>
      %dma_start3A = arith.constant 0 : i32
      %dma_start3A_111 = tpu.memref_slice %arg11[%add3A_12, %dma_start3A] : memref<10112x64xf32, #tpu.memory_space<vmem_shared>> -> memref<80x64xf32, #tpu.memory_space<vmem_shared>>
      tpu.enqueue_dma source(%arg4 : memref<80x64xf32, #tpu.memory_space<hbm>>) target(%dma_start3A_111 : memref<80x64xf32, #tpu.memory_space<vmem_shared>>) target_semaphore(%run_scoped3A : memref<!tpu.dma_semaphore, #tpu.memory_space<semaphore_mem>>)
      %dma_wait3A = arith.constant 0 : i32
      %dma_wait3A_112 = tpu.memref_slice %arg11[%add3A_12, %dma_wait3A] : memref<10112x64xf32, #tpu.memory_space<vmem_shared>> -> memref<80x64xf32, #tpu.memory_space<vmem_shared>>
      tpu.wait_dma2 semaphore(%run_scoped3A : memref<!tpu.dma_semaphore, #tpu.memory_space<semaphore_mem>>) src(%arg4 : memref<80x64xf32, #tpu.memory_space<hbm>>) dst(%dma_wait3A_112 : memref<80x64xf32, #tpu.memory_space<vmem_shared>>)
      tpu.yield
    }) : () -> ()
    %add3A_13 = arith.constant 240 : i32
    %add3A_14 = arith.addi %mul3A_0, %add3A_13 : i32
    "tpu.region"() ({
      %run_scoped3A = tpu.sem_alloc : memref<!tpu.dma_semaphore, #tpu.memory_space<semaphore_mem>>
      %dma_start3A = arith.constant 0 : i32
      %dma_start3A_111 = tpu.memref_slice %arg11[%add3A_14, %dma_start3A] : memref<10112x64xf32, #tpu.memory_space<vmem_shared>> -> memref<80x64xf32, #tpu.memory_space<vmem_shared>>
      tpu.enqueue_dma source(%arg4 : memref<80x64xf32, #tpu.memory_space<hbm>>) target(%dma_start3A_111 : memref<80x64xf32, #tpu.memory_space<vmem_shared>>) target_semaphore(%run_scoped3A : memref<!tpu.dma_semaphore, #tpu.memory_space<semaphore_mem>>)
      %dma_wait3A = arith.constant 0 : i32
      %dma_wait3A_112 = tpu.memref_slice %arg11[%add3A_14, %dma_wait3A] : memref<10112x64xf32, #tpu.memory_space<vmem_shared>> -> memref<80x64xf32, #tpu.memory_space<vmem_shared>>
      tpu.wait_dma2 semaphore(%run_scoped3A : memref<!tpu.dma_semaphore, #tpu.memory_space<semaphore_mem>>) src(%arg4 : memref<80x64xf32, #tpu.memory_space<hbm>>) dst(%dma_wait3A_112 : memref<80x64xf32, #tpu.memory_space<vmem_shared>>)
      tpu.yield
    }) : () -> ()
    %add3A_15 = arith.constant 320 : i32
    %add3A_16 = arith.addi %mul3A_0, %add3A_15 : i32
    "tpu.region"() ({
      %run_scoped3A = tpu.sem_alloc : memref<!tpu.dma_semaphore, #tpu.memory_space<semaphore_mem>>
      %dma_start3A = arith.constant 0 : i32
      %dma_start3A_111 = tpu.memref_slice %arg11[%add3A_16, %dma_start3A] : memref<10112x64xf32, #tpu.memory_space<vmem_shared>> -> memref<80x64xf32, #tpu.memory_space<vmem_shared>>
      tpu.enqueue_dma source(%arg4 : memref<80x64xf32, #tpu.memory_space<hbm>>) target(%dma_start3A_111 : memref<80x64xf32, #tpu.memory_space<vmem_shared>>) target_semaphore(%run_scoped3A : memref<!tpu.dma_semaphore, #tpu.memory_space<semaphore_mem>>)
      %dma_wait3A = arith.constant 0 : i32
      %dma_wait3A_112 = tpu.memref_slice %arg11[%add3A_16, %dma_wait3A] : memref<10112x64xf32, #tpu.memory_space<vmem_shared>> -> memref<80x64xf32, #tpu.memory_space<vmem_shared>>
      tpu.wait_dma2 semaphore(%run_scoped3A : memref<!tpu.dma_semaphore, #tpu.memory_space<semaphore_mem>>) src(%arg4 : memref<80x64xf32, #tpu.memory_space<hbm>>) dst(%dma_wait3A_112 : memref<80x64xf32, #tpu.memory_space<vmem_shared>>)
      tpu.yield
    }) : () -> ()
    %add3A_17 = arith.constant 400 : i32
    %add3A_18 = arith.addi %mul3A_0, %add3A_17 : i32
    "tpu.region"() ({
      %run_scoped3A = tpu.sem_alloc : memref<!tpu.dma_semaphore, #tpu.memory_space<semaphore_mem>>
      %dma_start3A = arith.constant 0 : i32
      %dma_start3A_111 = tpu.memref_slice %arg11[%add3A_18, %dma_start3A] : memref<10112x64xf32, #tpu.memory_space<vmem_shared>> -> memref<80x64xf32, #tpu.memory_space<vmem_shared>>
      tpu.enqueue_dma source(%arg4 : memref<80x64xf32, #tpu.memory_space<hbm>>) target(%dma_start3A_111 : memref<80x64xf32, #tpu.memory_space<vmem_shared>>) target_semaphore(%run_scoped3A : memref<!tpu.dma_semaphore, #tpu.memory_space<semaphore_mem>>)
      %dma_wait3A = arith.constant 0 : i32
      %dma_wait3A_112 = tpu.memref_slice %arg11[%add3A_18, %dma_wait3A] : memref<10112x64xf32, #tpu.memory_space<vmem_shared>> -> memref<80x64xf32, #tpu.memory_space<vmem_shared>>
      tpu.wait_dma2 semaphore(%run_scoped3A : memref<!tpu.dma_semaphore, #tpu.memory_space<semaphore_mem>>) src(%arg4 : memref<80x64xf32, #tpu.memory_space<hbm>>) dst(%dma_wait3A_112 : memref<80x64xf32, #tpu.memory_space<vmem_shared>>)
      tpu.yield
    }) : () -> ()
    %add3A_19 = arith.constant 480 : i32
    %add3A_20 = arith.addi %mul3A_0, %add3A_19 : i32
    "tpu.region"() ({
      %run_scoped3A = tpu.sem_alloc : memref<!tpu.dma_semaphore, #tpu.memory_space<semaphore_mem>>
      %dma_start3A = arith.constant 0 : i32
      %dma_start3A_111 = tpu.memref_slice %arg11[%add3A_20, %dma_start3A] : memref<10112x64xf32, #tpu.memory_space<vmem_shared>> -> memref<80x64xf32, #tpu.memory_space<vmem_shared>>
      tpu.enqueue_dma source(%arg4 : memref<80x64xf32, #tpu.memory_space<hbm>>) target(%dma_start3A_111 : memref<80x64xf32, #tpu.memory_space<vmem_shared>>) target_semaphore(%run_scoped3A : memref<!tpu.dma_semaphore, #tpu.memory_space<semaphore_mem>>)
      %dma_wait3A = arith.constant 0 : i32
      %dma_wait3A_112 = tpu.memref_slice %arg11[%add3A_20, %dma_wait3A] : memref<10112x64xf32, #tpu.memory_space<vmem_shared>> -> memref<80x64xf32, #tpu.memory_space<vmem_shared>>
      tpu.wait_dma2 semaphore(%run_scoped3A : memref<!tpu.dma_semaphore, #tpu.memory_space<semaphore_mem>>) src(%arg4 : memref<80x64xf32, #tpu.memory_space<hbm>>) dst(%dma_wait3A_112 : memref<80x64xf32, #tpu.memory_space<vmem_shared>>)
      tpu.yield
    }) : () -> ()
    %add3A_21 = arith.constant 560 : i32
    %add3A_22 = arith.addi %mul3A_0, %add3A_21 : i32
    "tpu.region"() ({
      %run_scoped3A = tpu.sem_alloc : memref<!tpu.dma_semaphore, #tpu.memory_space<semaphore_mem>>
      %dma_start3A = arith.constant 0 : i32
      %dma_start3A_111 = tpu.memref_slice %arg11[%add3A_22, %dma_start3A] : memref<10112x64xf32, #tpu.memory_space<vmem_shared>> -> memref<72x64xf32, #tpu.memory_space<vmem_shared>>
      %dma_start3A_112 = arith.constant 0 : i32
      %dma_start3A_113 = arith.constant 0 : i32
      %dma_start3A_114 = tpu.memref_slice %arg4[%dma_start3A_112, %dma_start3A_113] : memref<80x64xf32, #tpu.memory_space<hbm>> -> memref<72x64xf32, #tpu.memory_space<hbm>>
      tpu.enqueue_dma source(%dma_start3A_114 : memref<72x64xf32, #tpu.memory_space<hbm>>) target(%dma_start3A_111 : memref<72x64xf32, #tpu.memory_space<vmem_shared>>) target_semaphore(%run_scoped3A : memref<!tpu.dma_semaphore, #tpu.memory_space<semaphore_mem>>)
      %dma_wait3A = arith.constant 0 : i32
      %dma_wait3A_115 = tpu.memref_slice %arg11[%add3A_22, %dma_wait3A] : memref<10112x64xf32, #tpu.memory_space<vmem_shared>> -> memref<72x64xf32, #tpu.memory_space<vmem_shared>>
      %dma_wait3A_116 = arith.constant 0 : i32
      %dma_wait3A_117 = arith.constant 0 : i32
      %dma_wait3A_118 = tpu.memref_slice %arg4[%dma_wait3A_116, %dma_wait3A_117] : memref<80x64xf32, #tpu.memory_space<hbm>> -> memref<72x64xf32, #tpu.memory_space<hbm>>
      tpu.wait_dma2 semaphore(%run_scoped3A : memref<!tpu.dma_semaphore, #tpu.memory_space<semaphore_mem>>) src(%dma_wait3A_118 : memref<72x64xf32, #tpu.memory_space<hbm>>) dst(%dma_wait3A_115 : memref<72x64xf32, #tpu.memory_space<vmem_shared>>)
      tpu.yield
    }) : () -> ()
    %barrier3A = arith.constant 0 : index
    tpu.barrier barrier_id(%barrier3A)
    %gt3A = arith.constant 0 : i32
    %gt3A_23 = arith.cmpi sgt, %select_n3A, %gt3A : i32
    %convert_element_type3A = arith.extui %gt3A_23 : i1 to i32
    %cond3A = arith.constant 0 : i32
    %cond3A_24 = arith.cmpi ne, %convert_element_type3A, %cond3A : i32
    scf.if %cond3A_24 {
      %add3A_111 = arith.constant 0 : i32
      %add3A_112 = arith.addi %add3A_111, %sub3A : i32
      %get3A = arith.constant 0 : i32
      %get3A_113 = tpu.memref_slice %arg6[%add3A_112, %get3A] : memref<80x128xi32, #tpu.memory_space<vmem>> -> memref<1x128xi32, #tpu.memory_space<vmem>>
      %get3A_114 = tpu.memref_squeeze %get3A_113 : memref<1x128xi32, #tpu.memory_space<vmem>> -> memref<128xi32, #tpu.memory_space<vmem>>
      %get3A_115 = arith.constant 0 : index
      %get3A_116 = tpu.vector_load %get3A_114[%get3A_115] {strides = array<i32>} : memref<128xi32, #tpu.memory_space<vmem>>, vector<16xi32>,
      %get3A_117 = vector.shape_cast %get3A_116 : vector<16xi32> to vector<16xi32>
      %and3A_118 = arith.constant 65535 : i32
      %and3A_119 = vector.broadcast %and3A_118 : i32 to vector<16xi32>
      %and3A_120 = arith.andi %get3A_117, %and3A_119 : vector<16xi32>
      %swap3A = arith.constant 0 : i32
      %swap3A_121 = arith.constant 0 : i32
      %swap3A_122 = tpu.memref_slice %arg7[%swap3A, %swap3A_121] : memref<2x128xi32, #tpu.memory_space<vmem>> -> memref<1x128xi32, #tpu.memory_space<vmem>>
      %swap3A_123 = tpu.memref_squeeze %swap3A_122 : memref<1x128xi32, #tpu.memory_space<vmem>> -> memref<128xi32, #tpu.memory_space<vmem>>
      %swap3A_124 = arith.constant 0 : index
      %swap3A_125 = tpu.vector_load %swap3A_123[%swap3A_124] {strides = array<i32>} : memref<128xi32, #tpu.memory_space<vmem>>, vector<16xi32>,
      %swap3A_126 = vector.shape_cast %swap3A_125 : vector<16xi32> to vector<16xi32>
      %swap3A_127 = vector.shape_cast %and3A_120 : vector<16xi32> to vector<16xi32>
      tpu.vector_store %swap3A_123[%swap3A_124], %swap3A_127 {strides = array<i32>} : memref<128xi32, #tpu.memory_space<vmem>>, vector<16xi32>,
      %shift_right_logical3A = arith.constant 16 : i32
      %shift_right_logical3A_128 = vector.broadcast %shift_right_logical3A : i32 to vector<16xi32>
      %shift_right_logical3A_129 = arith.shrui %get3A_117, %shift_right_logical3A_128 : vector<16xi32>
      %swap3A_130 = arith.constant 0 : i32
      %swap3A_131 = arith.constant 0 : i32
      %swap3A_132 = tpu.memref_slice %arg8[%swap3A_130, %swap3A_131] : memref<2x128xi32, #tpu.memory_space<vmem>> -> memref<1x128xi32, #tpu.memory_space<vmem>>
      %swap3A_133 = tpu.memref_squeeze %swap3A_132 : memref<1x128xi32, #tpu.memory_space<vmem>> -> memref<128xi32, #tpu.memory_space<vmem>>
      %swap3A_134 = arith.constant 0 : index
      %swap3A_135 = tpu.vector_load %swap3A_133[%swap3A_134] {strides = array<i32>} : memref<128xi32, #tpu.memory_space<vmem>>, vector<16xi32>,
      %swap3A_136 = vector.shape_cast %swap3A_135 : vector<16xi32> to vector<16xi32>
      %swap3A_137 = vector.shape_cast %shift_right_logical3A_129 : vector<16xi32> to vector<16xi32>
      tpu.vector_store %swap3A_133[%swap3A_134], %swap3A_137 {strides = array<i32>} : memref<128xi32, #tpu.memory_space<vmem>>, vector<16xi32>,
      %add3A_138 = arith.constant 0 : i32
      %add3A_139 = arith.addi %add3A_138, %sub3A : i32
      %get3A_140 = arith.constant 0 : i32
      %get3A_141 = tpu.memref_slice %arg6[%add3A_139, %get3A_140] : memref<80x128xi32, #tpu.memory_space<vmem>> -> memref<1x128xi32, #tpu.memory_space<vmem>>
      %get3A_142 = tpu.memref_squeeze %get3A_141 : memref<1x128xi32, #tpu.memory_space<vmem>> -> memref<128xi32, #tpu.memory_space<vmem>>
      %get3A_143 = arith.constant 16 : index
      %get3A_144 = tpu.vector_load %get3A_142[%get3A_143] {strides = array<i32>} : memref<128xi32, #tpu.memory_space<vmem>>, vector<16xi32>,
      %get3A_145 = vector.shape_cast %get3A_144 : vector<16xi32> to vector<16xi32>
      %and3A_146 = arith.constant 65535 : i32
      %and3A_147 = vector.broadcast %and3A_146 : i32 to vector<16xi32>
      %and3A_148 = arith.andi %get3A_145, %and3A_147 : vector<16xi32>
      %swap3A_149 = arith.constant 0 : i32
      %swap3A_150 = arith.constant 0 : i32
      %swap3A_151 = tpu.memref_slice %arg7[%swap3A_149, %swap3A_150] : memref<2x128xi32, #tpu.memory_space<vmem>> -> memref<1x128xi32, #tpu.memory_space<vmem>>
      %swap3A_152 = tpu.memref_squeeze %swap3A_151 : memref<1x128xi32, #tpu.memory_space<vmem>> -> memref<128xi32, #tpu.memory_space<vmem>>
      %swap3A_153 = arith.constant 16 : index
      %swap3A_154 = tpu.vector_load %swap3A_152[%swap3A_153] {strides = array<i32>} : memref<128xi32, #tpu.memory_space<vmem>>, vector<16xi32>,
      %swap3A_155 = vector.shape_cast %swap3A_154 : vector<16xi32> to vector<16xi32>
      %swap3A_156 = vector.shape_cast %and3A_148 : vector<16xi32> to vector<16xi32>
      tpu.vector_store %swap3A_152[%swap3A_153], %swap3A_156 {strides = array<i32>} : memref<128xi32, #tpu.memory_space<vmem>>, vector<16xi32>,
      %shift_right_logical3A_157 = arith.constant 16 : i32
      %shift_right_logical3A_158 = vector.broadcast %shift_right_logical3A_157 : i32 to vector<16xi32>
      %shift_right_logical3A_159 = arith.shrui %get3A_145, %shift_right_logical3A_158 : vector<16xi32>
      %swap3A_160 = arith.constant 0 : i32
      %swap3A_161 = arith.constant 0 : i32
      %swap3A_162 = tpu.memref_slice %arg8[%swap3A_160, %swap3A_161] : memref<2x128xi32, #tpu.memory_space<vmem>> -> memref<1x128xi32, #tpu.memory_space<vmem>>
      %swap3A_163 = tpu.memref_squeeze %swap3A_162 : memref<1x128xi32, #tpu.memory_space<vmem>> -> memref<128xi32, #tpu.memory_space<vmem>>
      %swap3A_164 = arith.constant 16 : index
      %swap3A_165 = tpu.vector_load %swap3A_163[%swap3A_164] {strides = array<i32>} : memref<128xi32, #tpu.memory_space<vmem>>, vector<16xi32>,
      %swap3A_166 = vector.shape_cast %swap3A_165 : vector<16xi32> to vector<16xi32>
      %swap3A_167 = vector.shape_cast %shift_right_logical3A_159 : vector<16xi32> to vector<16xi32>
      tpu.vector_store %swap3A_163[%swap3A_164], %swap3A_167 {strides = array<i32>} : memref<128xi32, #tpu.memory_space<vmem>>, vector<16xi32>,
      %add3A_168 = arith.constant 0 : i32
      %add3A_169 = arith.addi %add3A_168, %sub3A : i32
      %get3A_170 = arith.constant 0 : i32
      %get3A_171 = tpu.memref_slice %arg6[%add3A_169, %get3A_170] : memref<80x128xi32, #tpu.memory_space<vmem>> -> memref<1x128xi32, #tpu.memory_space<vmem>>
      %get3A_172 = tpu.memref_squeeze %get3A_171 : memref<1x128xi32, #tpu.memory_space<vmem>> -> memref<128xi32, #tpu.memory_space<vmem>>
      %get3A_173 = arith.constant 32 : index
      %get3A_174 = tpu.vector_load %get3A_172[%get3A_173] {strides = array<i32>} : memref<128xi32, #tpu.memory_space<vmem>>, vector<16xi32>,
      %get3A_175 = vector.shape_cast %get3A_174 : vector<16xi32> to vector<16xi32>
      %and3A_176 = arith.constant 65535 : i32
      %and3A_177 = vector.broadcast %and3A_176 : i32 to vector<16xi32>
      %and3A_178 = arith.andi %get3A_175, %and3A_177 : vector<16xi32>
      %swap3A_179 = arith.constant 0 : i32
      %swap3A_180 = arith.constant 0 : i32
      %swap3A_181 = tpu.memref_slice %arg7[%swap3A_179, %swap3A_180] : memref<2x128xi32, #tpu.memory_space<vmem>> -> memref<1x128xi32, #tpu.memory_space<vmem>>
      %swap3A_182 = tpu.memref_squeeze %swap3A_181 : memref<1x128xi32, #tpu.memory_space<vmem>> -> memref<128xi32, #tpu.memory_space<vmem>>
      %swap3A_183 = arith.constant 32 : index
      %swap3A_184 = tpu.vector_load %swap3A_182[%swap3A_183] {strides = array<i32>} : memref<128xi32, #tpu.memory_space<vmem>>, vector<16xi32>,
      %swap3A_185 = vector.shape_cast %swap3A_184 : vector<16xi32> to vector<16xi32>
      %swap3A_186 = vector.shape_cast %and3A_178 : vector<16xi32> to vector<16xi32>
      tpu.vector_store %swap3A_182[%swap3A_183], %swap3A_186 {strides = array<i32>} : memref<128xi32, #tpu.memory_space<vmem>>, vector<16xi32>,
      %shift_right_logical3A_187 = arith.constant 16 : i32
      %shift_right_logical3A_188 = vector.broadcast %shift_right_logical3A_187 : i32 to vector<16xi32>
      %shift_right_logical3A_189 = arith.shrui %get3A_175, %shift_right_logical3A_188 : vector<16xi32>
      %swap3A_190 = arith.constant 0 : i32
      %swap3A_191 = arith.constant 0 : i32
      %swap3A_192 = tpu.memref_slice %arg8[%swap3A_190, %swap3A_191] : memref<2x128xi32, #tpu.memory_space<vmem>> -> memref<1x128xi32, #tpu.memory_space<vmem>>
      %swap3A_193 = tpu.memref_squeeze %swap3A_192 : memref<1x128xi32, #tpu.memory_space<vmem>> -> memref<128xi32, #tpu.memory_space<vmem>>
      %swap3A_194 = arith.constant 32 : index
      %swap3A_195 = tpu.vector_load %swap3A_193[%swap3A_194] {strides = array<i32>} : memref<128xi32, #tpu.memory_space<vmem>>, vector<16xi32>,
      %swap3A_196 = vector.shape_cast %swap3A_195 : vector<16xi32> to vector<16xi32>
      %swap3A_197 = vector.shape_cast %shift_right_logical3A_189 : vector<16xi32> to vector<16xi32>
      tpu.vector_store %swap3A_193[%swap3A_194], %swap3A_197 {strides = array<i32>} : memref<128xi32, #tpu.memory_space<vmem>>, vector<16xi32>,
      %add3A_198 = arith.constant 0 : i32
      %add3A_199 = arith.addi %add3A_198, %sub3A : i32
      %get3A_200 = arith.constant 0 : i32
      %get3A_201 = tpu.memref_slice %arg6[%add3A_199, %get3A_200] : memref<80x128xi32, #tpu.memory_space<vmem>> -> memref<1x128xi32, #tpu.memory_space<vmem>>
      %get3A_202 = tpu.memref_squeeze %get3A_201 : memref<1x128xi32, #tpu.memory_space<vmem>> -> memref<128xi32, #tpu.memory_space<vmem>>
      %get3A_203 = arith.constant 48 : index
      %get3A_204 = tpu.vector_load %get3A_202[%get3A_203] {strides = array<i32>} : memref<128xi32, #tpu.memory_space<vmem>>, vector<16xi32>,
      %get3A_205 = vector.shape_cast %get3A_204 : vector<16xi32> to vector<16xi32>
      %and3A_206 = arith.constant 65535 : i32
      %and3A_207 = vector.broadcast %and3A_206 : i32 to vector<16xi32>
      %and3A_208 = arith.andi %get3A_205, %and3A_207 : vector<16xi32>
      %swap3A_209 = arith.constant 0 : i32
      %swap3A_210 = arith.constant 0 : i32
      %swap3A_211 = tpu.memref_slice %arg7[%swap3A_209, %swap3A_210] : memref<2x128xi32, #tpu.memory_space<vmem>> -> memref<1x128xi32, #tpu.memory_space<vmem>>
      %swap3A_212 = tpu.memref_squeeze %swap3A_211 : memref<1x128xi32, #tpu.memory_space<vmem>> -> memref<128xi32, #tpu.memory_space<vmem>>
      %swap3A_213 = arith.constant 48 : index
      %swap3A_214 = tpu.vector_load %swap3A_212[%swap3A_213] {strides = array<i32>} : memref<128xi32, #tpu.memory_space<vmem>>, vector<16xi32>,
      %swap3A_215 = vector.shape_cast %swap3A_214 : vector<16xi32> to vector<16xi32>
      %swap3A_216 = vector.shape_cast %and3A_208 : vector<16xi32> to vector<16xi32>
      tpu.vector_store %swap3A_212[%swap3A_213], %swap3A_216 {strides = array<i32>} : memref<128xi32, #tpu.memory_space<vmem>>, vector<16xi32>,
      %shift_right_logical3A_217 = arith.constant 16 : i32
      %shift_right_logical3A_218 = vector.broadcast %shift_right_logical3A_217 : i32 to vector<16xi32>
      %shift_right_logical3A_219 = arith.shrui %get3A_205, %shift_right_logical3A_218 : vector<16xi32>
      %swap3A_220 = arith.constant 0 : i32
      %swap3A_221 = arith.constant 0 : i32
      %swap3A_222 = tpu.memref_slice %arg8[%swap3A_220, %swap3A_221] : memref<2x128xi32, #tpu.memory_space<vmem>> -> memref<1x128xi32, #tpu.memory_space<vmem>>
      %swap3A_223 = tpu.memref_squeeze %swap3A_222 : memref<1x128xi32, #tpu.memory_space<vmem>> -> memref<128xi32, #tpu.memory_space<vmem>>
      %swap3A_224 = arith.constant 48 : index
      %swap3A_225 = tpu.vector_load %swap3A_223[%swap3A_224] {strides = array<i32>} : memref<128xi32, #tpu.memory_space<vmem>>, vector<16xi32>,
      %swap3A_226 = vector.shape_cast %swap3A_225 : vector<16xi32> to vector<16xi32>
      %swap3A_227 = vector.shape_cast %shift_right_logical3A_219 : vector<16xi32> to vector<16xi32>
      tpu.vector_store %swap3A_223[%swap3A_224], %swap3A_227 {strides = array<i32>} : memref<128xi32, #tpu.memory_space<vmem>>, vector<16xi32>,
      %add3A_228 = arith.constant 0 : i32
      %add3A_229 = arith.addi %add3A_228, %sub3A : i32
      %get3A_230 = arith.constant 0 : i32
      %get3A_231 = tpu.memref_slice %arg6[%add3A_229, %get3A_230] : memref<80x128xi32, #tpu.memory_space<vmem>> -> memref<1x128xi32, #tpu.memory_space<vmem>>
      %get3A_232 = tpu.memref_squeeze %get3A_231 : memref<1x128xi32, #tpu.memory_space<vmem>> -> memref<128xi32, #tpu.memory_space<vmem>>
      %get3A_233 = arith.constant 64 : index
      %get3A_234 = tpu.vector_load %get3A_232[%get3A_233] {strides = array<i32>} : memref<128xi32, #tpu.memory_space<vmem>>, vector<16xi32>,
      %get3A_235 = vector.shape_cast %get3A_234 : vector<16xi32> to vector<16xi32>
      %and3A_236 = arith.constant 65535 : i32
      %and3A_237 = vector.broadcast %and3A_236 : i32 to vector<16xi32>
      %and3A_238 = arith.andi %get3A_235, %and3A_237 : vector<16xi32>
      %swap3A_239 = arith.constant 0 : i32
      %swap3A_240 = arith.constant 0 : i32
      %swap3A_241 = tpu.memref_slice %arg7[%swap3A_239, %swap3A_240] : memref<2x128xi32, #tpu.memory_space<vmem>> -> memref<1x128xi32, #tpu.memory_space<vmem>>
      %swap3A_242 = tpu.memref_squeeze %swap3A_241 : memref<1x128xi32, #tpu.memory_space<vmem>> -> memref<128xi32, #tpu.memory_space<vmem>>
      %swap3A_243 = arith.constant 64 : index
      %swap3A_244 = tpu.vector_load %swap3A_242[%swap3A_243] {strides = array<i32>} : memref<128xi32, #tpu.memory_space<vmem>>, vector<16xi32>,
      %swap3A_245 = vector.shape_cast %swap3A_244 : vector<16xi32> to vector<16xi32>
      %swap3A_246 = vector.shape_cast %and3A_238 : vector<16xi32> to vector<16xi32>
      tpu.vector_store %swap3A_242[%swap3A_243], %swap3A_246 {strides = array<i32>} : memref<128xi32, #tpu.memory_space<vmem>>, vector<16xi32>,
      %shift_right_logical3A_247 = arith.constant 16 : i32
      %shift_right_logical3A_248 = vector.broadcast %shift_right_logical3A_247 : i32 to vector<16xi32>
      %shift_right_logical3A_249 = arith.shrui %get3A_235, %shift_right_logical3A_248 : vector<16xi32>
      %swap3A_250 = arith.constant 0 : i32
      %swap3A_251 = arith.constant 0 : i32
      %swap3A_252 = tpu.memref_slice %arg8[%swap3A_250, %swap3A_251] : memref<2x128xi32, #tpu.memory_space<vmem>> -> memref<1x128xi32, #tpu.memory_space<vmem>>
      %swap3A_253 = tpu.memref_squeeze %swap3A_252 : memref<1x128xi32, #tpu.memory_space<vmem>> -> memref<128xi32, #tpu.memory_space<vmem>>
      %swap3A_254 = arith.constant 64 : index
      %swap3A_255 = tpu.vector_load %swap3A_253[%swap3A_254] {strides = array<i32>} : memref<128xi32, #tpu.memory_space<vmem>>, vector<16xi32>,
      %swap3A_256 = vector.shape_cast %swap3A_255 : vector<16xi32> to vector<16xi32>
      %swap3A_257 = vector.shape_cast %shift_right_logical3A_249 : vector<16xi32> to vector<16xi32>
      tpu.vector_store %swap3A_253[%swap3A_254], %swap3A_257 {strides = array<i32>} : memref<128xi32, #tpu.memory_space<vmem>>, vector<16xi32>,
      %add3A_258 = arith.constant 0 : i32
      %add3A_259 = arith.addi %add3A_258, %sub3A : i32
      %get3A_260 = arith.constant 0 : i32
      %get3A_261 = tpu.memref_slice %arg6[%add3A_259, %get3A_260] : memref<80x128xi32, #tpu.memory_space<vmem>> -> memref<1x128xi32, #tpu.memory_space<vmem>>
      %get3A_262 = tpu.memref_squeeze %get3A_261 : memref<1x128xi32, #tpu.memory_space<vmem>> -> memref<128xi32, #tpu.memory_space<vmem>>
      %get3A_263 = arith.constant 80 : index
      %get3A_264 = tpu.vector_load %get3A_262[%get3A_263] {strides = array<i32>} : memref<128xi32, #tpu.memory_space<vmem>>, vector<16xi32>,
      %get3A_265 = vector.shape_cast %get3A_264 : vector<16xi32> to vector<16xi32>
      %and3A_266 = arith.constant 65535 : i32
      %and3A_267 = vector.broadcast %and3A_266 : i32 to vector<16xi32>
      %and3A_268 = arith.andi %get3A_265, %and3A_267 : vector<16xi32>
      %swap3A_269 = arith.constant 0 : i32
      %swap3A_270 = arith.constant 0 : i32
      %swap3A_271 = tpu.memref_slice %arg7[%swap3A_269, %swap3A_270] : memref<2x128xi32, #tpu.memory_space<vmem>> -> memref<1x128xi32, #tpu.memory_space<vmem>>
      %swap3A_272 = tpu.memref_squeeze %swap3A_271 : memref<1x128xi32, #tpu.memory_space<vmem>> -> memref<128xi32, #tpu.memory_space<vmem>>
      %swap3A_273 = arith.constant 80 : index
      %swap3A_274 = tpu.vector_load %swap3A_272[%swap3A_273] {strides = array<i32>} : memref<128xi32, #tpu.memory_space<vmem>>, vector<16xi32>,
      %swap3A_275 = vector.shape_cast %swap3A_274 : vector<16xi32> to vector<16xi32>
      %swap3A_276 = vector.shape_cast %and3A_268 : vector<16xi32> to vector<16xi32>
      tpu.vector_store %swap3A_272[%swap3A_273], %swap3A_276 {strides = array<i32>} : memref<128xi32, #tpu.memory_space<vmem>>, vector<16xi32>,
      %shift_right_logical3A_277 = arith.constant 16 : i32
      %shift_right_logical3A_278 = vector.broadcast %shift_right_logical3A_277 : i32 to vector<16xi32>
      %shift_right_logical3A_279 = arith.shrui %get3A_265, %shift_right_logical3A_278 : vector<16xi32>
      %swap3A_280 = arith.constant 0 : i32
      %swap3A_281 = arith.constant 0 : i32
      %swap3A_282 = tpu.memref_slice %arg8[%swap3A_280, %swap3A_281] : memref<2x128xi32, #tpu.memory_space<vmem>> -> memref<1x128xi32, #tpu.memory_space<vmem>>
      %swap3A_283 = tpu.memref_squeeze %swap3A_282 : memref<1x128xi32, #tpu.memory_space<vmem>> -> memref<128xi32, #tpu.memory_space<vmem>>
      %swap3A_284 = arith.constant 80 : index
      %swap3A_285 = tpu.vector_load %swap3A_283[%swap3A_284] {strides = array<i32>} : memref<128xi32, #tpu.memory_space<vmem>>, vector<16xi32>,
      %swap3A_286 = vector.shape_cast %swap3A_285 : vector<16xi32> to vector<16xi32>
      %swap3A_287 = vector.shape_cast %shift_right_logical3A_279 : vector<16xi32> to vector<16xi32>
      tpu.vector_store %swap3A_283[%swap3A_284], %swap3A_287 {strides = array<i32>} : memref<128xi32, #tpu.memory_space<vmem>>, vector<16xi32>,
      %add3A_288 = arith.constant 0 : i32
      %add3A_289 = arith.addi %add3A_288, %sub3A : i32
      %get3A_290 = arith.constant 0 : i32
      %get3A_291 = tpu.memref_slice %arg6[%add3A_289, %get3A_290] : memref<80x128xi32, #tpu.memory_space<vmem>> -> memref<1x128xi32, #tpu.memory_space<vmem>>
      %get3A_292 = tpu.memref_squeeze %get3A_291 : memref<1x128xi32, #tpu.memory_space<vmem>> -> memref<128xi32, #tpu.memory_space<vmem>>
      %get3A_293 = arith.constant 96 : index
      %get3A_294 = tpu.vector_load %get3A_292[%get3A_293] {strides = array<i32>} : memref<128xi32, #tpu.memory_space<vmem>>, vector<16xi32>,
      %get3A_295 = vector.shape_cast %get3A_294 : vector<16xi32> to vector<16xi32>
      %and3A_296 = arith.constant 65535 : i32
      %and3A_297 = vector.broadcast %and3A_296 : i32 to vector<16xi32>
      %and3A_298 = arith.andi %get3A_295, %and3A_297 : vector<16xi32>
      %swap3A_299 = arith.constant 0 : i32
      %swap3A_300 = arith.constant 0 : i32
      %swap3A_301 = tpu.memref_slice %arg7[%swap3A_299, %swap3A_300] : memref<2x128xi32, #tpu.memory_space<vmem>> -> memref<1x128xi32, #tpu.memory_space<vmem>>
      %swap3A_302 = tpu.memref_squeeze %swap3A_301 : memref<1x128xi32, #tpu.memory_space<vmem>> -> memref<128xi32, #tpu.memory_space<vmem>>
      %swap3A_303 = arith.constant 96 : index
      %swap3A_304 = tpu.vector_load %swap3A_302[%swap3A_303] {strides = array<i32>} : memref<128xi32, #tpu.memory_space<vmem>>, vector<16xi32>,
      %swap3A_305 = vector.shape_cast %swap3A_304 : vector<16xi32> to vector<16xi32>
      %swap3A_306 = vector.shape_cast %and3A_298 : vector<16xi32> to vector<16xi32>
      tpu.vector_store %swap3A_302[%swap3A_303], %swap3A_306 {strides = array<i32>} : memref<128xi32, #tpu.memory_space<vmem>>, vector<16xi32>,
      %shift_right_logical3A_307 = arith.constant 16 : i32
      %shift_right_logical3A_308 = vector.broadcast %shift_right_logical3A_307 : i32 to vector<16xi32>
      %shift_right_logical3A_309 = arith.shrui %get3A_295, %shift_right_logical3A_308 : vector<16xi32>
      %swap3A_310 = arith.constant 0 : i32
      %swap3A_311 = arith.constant 0 : i32
      %swap3A_312 = tpu.memref_slice %arg8[%swap3A_310, %swap3A_311] : memref<2x128xi32, #tpu.memory_space<vmem>> -> memref<1x128xi32, #tpu.memory_space<vmem>>
      %swap3A_313 = tpu.memref_squeeze %swap3A_312 : memref<1x128xi32, #tpu.memory_space<vmem>> -> memref<128xi32, #tpu.memory_space<vmem>>
      %swap3A_314 = arith.constant 96 : index
      %swap3A_315 = tpu.vector_load %swap3A_313[%swap3A_314] {strides = array<i32>} : memref<128xi32, #tpu.memory_space<vmem>>, vector<16xi32>,
      %swap3A_316 = vector.shape_cast %swap3A_315 : vector<16xi32> to vector<16xi32>
      %swap3A_317 = vector.shape_cast %shift_right_logical3A_309 : vector<16xi32> to vector<16xi32>
      tpu.vector_store %swap3A_313[%swap3A_314], %swap3A_317 {strides = array<i32>} : memref<128xi32, #tpu.memory_space<vmem>>, vector<16xi32>,
      %add3A_318 = arith.constant 0 : i32
      %add3A_319 = arith.addi %add3A_318, %sub3A : i32
      %get3A_320 = arith.constant 0 : i32
      %get3A_321 = tpu.memref_slice %arg6[%add3A_319, %get3A_320] : memref<80x128xi32, #tpu.memory_space<vmem>> -> memref<1x128xi32, #tpu.memory_space<vmem>>
      %get3A_322 = tpu.memref_squeeze %get3A_321 : memref<1x128xi32, #tpu.memory_space<vmem>> -> memref<128xi32, #tpu.memory_space<vmem>>
      %get3A_323 = arith.constant 112 : index
      %get3A_324 = tpu.vector_load %get3A_322[%get3A_323] {strides = array<i32>} : memref<128xi32, #tpu.memory_space<vmem>>, vector<16xi32>,
      %get3A_325 = vector.shape_cast %get3A_324 : vector<16xi32> to vector<16xi32>
      %and3A_326 = arith.constant 65535 : i32
      %and3A_327 = vector.broadcast %and3A_326 : i32 to vector<16xi32>
      %and3A_328 = arith.andi %get3A_325, %and3A_327 : vector<16xi32>
      %swap3A_329 = arith.constant 0 : i32
      %swap3A_330 = arith.constant 0 : i32
      %swap3A_331 = tpu.memref_slice %arg7[%swap3A_329, %swap3A_330] : memref<2x128xi32, #tpu.memory_space<vmem>> -> memref<1x128xi32, #tpu.memory_space<vmem>>
      %swap3A_332 = tpu.memref_squeeze %swap3A_331 : memref<1x128xi32, #tpu.memory_space<vmem>> -> memref<128xi32, #tpu.memory_space<vmem>>
      %swap3A_333 = arith.constant 112 : index
      %swap3A_334 = tpu.vector_load %swap3A_332[%swap3A_333] {strides = array<i32>} : memref<128xi32, #tpu.memory_space<vmem>>, vector<16xi32>,
      %swap3A_335 = vector.shape_cast %swap3A_334 : vector<16xi32> to vector<16xi32>
      %swap3A_336 = vector.shape_cast %and3A_328 : vector<16xi32> to vector<16xi32>
      tpu.vector_store %swap3A_332[%swap3A_333], %swap3A_336 {strides = array<i32>} : memref<128xi32, #tpu.memory_space<vmem>>, vector<16xi32>,
      %shift_right_logical3A_337 = arith.constant 16 : i32
      %shift_right_logical3A_338 = vector.broadcast %shift_right_logical3A_337 : i32 to vector<16xi32>
      %shift_right_logical3A_339 = arith.shrui %get3A_325, %shift_right_logical3A_338 : vector<16xi32>
      %swap3A_340 = arith.constant 0 : i32
      %swap3A_341 = arith.constant 0 : i32
      %swap3A_342 = tpu.memref_slice %arg8[%swap3A_340, %swap3A_341] : memref<2x128xi32, #tpu.memory_space<vmem>> -> memref<1x128xi32, #tpu.memory_space<vmem>>
      %swap3A_343 = tpu.memref_squeeze %swap3A_342 : memref<1x128xi32, #tpu.memory_space<vmem>> -> memref<128xi32, #tpu.memory_space<vmem>>
      %swap3A_344 = arith.constant 112 : index
      %swap3A_345 = tpu.vector_load %swap3A_343[%swap3A_344] {strides = array<i32>} : memref<128xi32, #tpu.memory_space<vmem>>, vector<16xi32>,
      %swap3A_346 = vector.shape_cast %swap3A_345 : vector<16xi32> to vector<16xi32>
      %swap3A_347 = vector.shape_cast %shift_right_logical3A_339 : vector<16xi32> to vector<16xi32>
      tpu.vector_store %swap3A_343[%swap3A_344], %swap3A_347 {strides = array<i32>} : memref<128xi32, #tpu.memory_space<vmem>>, vector<16xi32>,
      %dma_start3A = arith.constant 0 : i32
      %dma_start3A_348 = arith.constant 0 : i32
      %dma_start3A_349 = tpu.memref_slice %arg7[%dma_start3A, %dma_start3A_348] : memref<2x128xi32, #tpu.memory_space<vmem>> -> memref<1x128xi32, #tpu.memory_space<vmem>>
      %dma_start3A_350 = tpu.memref_squeeze %dma_start3A_349 : memref<1x128xi32, #tpu.memory_space<vmem>> -> memref<128xi32, #tpu.memory_space<vmem>>
      %dma_start3A_351 = arith.constant 0 : i32
      %dma_start3A_352 = arith.constant 0 : i32
      %dma_start3A_353 = tpu.memref_slice %arg12[%dma_start3A_351, %dma_start3A_352] : memref<10112x64xf32, #tpu.memory_space<vmem_shared>> -> memref<10112x64xf32, #tpu.memory_space<vmem_shared>>
      tpu.enqueue_indirect_dma source(%dma_start3A_353 : memref<10112x64xf32, #tpu.memory_space<vmem_shared>>) target(%arg9 : memref<128x64xf32, #tpu.memory_space<vmem>>) offsets(%dma_start3A_350 : memref<128xi32, #tpu.memory_space<vmem>>) semaphore(%arg13 : memref<!tpu.dma_semaphore, #tpu.memory_space<semaphore_mem>>)
    } else {
    }
    %jit3A_25 = arith.constant 2 : i32
    %div3A = arith.divsi %select_n3A, %jit3A_25 : i32
    %sign3A = arith.constant 0 : i32
    %sign3A_26 = arith.cmpi sgt, %select_n3A, %sign3A : i32
    %sign3A_27 = arith.extui %sign3A_26 : i1 to i32
    %sign3A_28 = arith.constant 0 : i32
    %sign3A_29 = arith.cmpi slt, %select_n3A, %sign3A_28 : i32
    %sign3A_30 = arith.extui %sign3A_29 : i1 to i32
    %sign3A_31 = arith.subi %sign3A_27, %sign3A_30 : i32
    %sign3A_32 = arith.constant 0 : i32
    %sign3A_33 = arith.cmpi sgt, %jit3A_25, %sign3A_32 : i32
    %sign3A_34 = arith.extui %sign3A_33 : i1 to i32
    %sign3A_35 = arith.constant 0 : i32
    %sign3A_36 = arith.cmpi slt, %jit3A_25, %sign3A_35 : i32
    %sign3A_37 = arith.extui %sign3A_36 : i1 to i32
    %sign3A_38 = arith.subi %sign3A_34, %sign3A_37 : i32
    %ne3A = arith.cmpi ne, %sign3A_31, %sign3A_38 : i32
    %rem3A = arith.remsi %select_n3A, %jit3A_25 : i32
    %ne3A_39 = arith.constant 0 : i32
    %ne3A_40 = arith.cmpi ne, %rem3A, %ne3A_39 : i32
    %and3A = arith.andi %ne3A, %ne3A_40 : i1
    %sub3A_41 = arith.constant 1 : i32
    %sub3A_42 = arith.subi %div3A, %sub3A_41 : i32
    %select_n3A_43 = arith.select %and3A, %sub3A_42, %div3A : i32
    %while3A = arith.constant 0 : i32
    %while3A_44 = arith.constant 0 : i32
    %while3A_45 = arith.subi %select_n3A_43, %while3A_44 : i32
    %while3A_46 = arith.addi %while3A_44, %while3A_45 : i32
    %while3A_47 = arith.constant 1 : i32
    %while3A_48 = arith.divsi %while3A_45, %while3A_47 : i32
    %while3A_49 = arith.muli %while3A_48, %while3A_47 : i32
    %while3A_50 = arith.addi %while3A_44, %while3A_49 : i32
    %while3A_51 = arith.constant 1 : i32
    scf.for %while3A_111 = %while3A_44 to %while3A_50 step %while3A_51  : i32 {
      %mul3A_112 = arith.constant 2 : i32
      %mul3A_113 = arith.muli %mul3A_112, %while3A_111 : i32
      %add3A_114 = arith.constant 1 : i32
      %add3A_115 = arith.addi %mul3A_113, %add3A_114 : i32
      %add3A_116 = arith.addi %add3A_115, %sub3A : i32
      %get3A = arith.constant 0 : i32
      %get3A_117 = tpu.memref_slice %arg6[%add3A_116, %get3A] : memref<80x128xi32, #tpu.memory_space<vmem>> -> memref<1x128xi32, #tpu.memory_space<vmem>>
      %get3A_118 = tpu.memref_squeeze %get3A_117 : memref<1x128xi32, #tpu.memory_space<vmem>> -> memref<128xi32, #tpu.memory_space<vmem>>
      %get3A_119 = arith.constant 0 : index
      %get3A_120 = tpu.vector_load %get3A_118[%get3A_119] {strides = array<i32>} : memref<128xi32, #tpu.memory_space<vmem>>, vector<16xi32>,
      %get3A_121 = vector.shape_cast %get3A_120 : vector<16xi32> to vector<16xi32>
      %and3A_122 = arith.constant 65535 : i32
      %and3A_123 = vector.broadcast %and3A_122 : i32 to vector<16xi32>
      %and3A_124 = arith.andi %get3A_121, %and3A_123 : vector<16xi32>
      %swap3A = arith.constant 1 : i32
      %swap3A_125 = arith.constant 0 : i32
      %swap3A_126 = tpu.memref_slice %arg7[%swap3A, %swap3A_125] : memref<2x128xi32, #tpu.memory_space<vmem>> -> memref<1x128xi32, #tpu.memory_space<vmem>>
      %swap3A_127 = tpu.memref_squeeze %swap3A_126 : memref<1x128xi32, #tpu.memory_space<vmem>> -> memref<128xi32, #tpu.memory_space<vmem>>
      %swap3A_128 = arith.constant 0 : index
      %swap3A_129 = tpu.vector_load %swap3A_127[%swap3A_128] {strides = array<i32>} : memref<128xi32, #tpu.memory_space<vmem>>, vector<16xi32>,
      %swap3A_130 = vector.shape_cast %swap3A_129 : vector<16xi32> to vector<16xi32>
      %swap3A_131 = vector.shape_cast %and3A_124 : vector<16xi32> to vector<16xi32>
      tpu.vector_store %swap3A_127[%swap3A_128], %swap3A_131 {strides = array<i32>} : memref<128xi32, #tpu.memory_space<vmem>>, vector<16xi32>,
      %shift_right_logical3A = arith.constant 16 : i32
      %shift_right_logical3A_132 = vector.broadcast %shift_right_logical3A : i32 to vector<16xi32>
      %shift_right_logical3A_133 = arith.shrui %get3A_121, %shift_right_logical3A_132 : vector<16xi32>
      %swap3A_134 = arith.constant 1 : i32
      %swap3A_135 = arith.constant 0 : i32
      %swap3A_136 = tpu.memref_slice %arg8[%swap3A_134, %swap3A_135] : memref<2x128xi32, #tpu.memory_space<vmem>> -> memref<1x128xi32, #tpu.memory_space<vmem>>
      %swap3A_137 = tpu.memref_squeeze %swap3A_136 : memref<1x128xi32, #tpu.memory_space<vmem>> -> memref<128xi32, #tpu.memory_space<vmem>>
      %swap3A_138 = arith.constant 0 : index
      %swap3A_139 = tpu.vector_load %swap3A_137[%swap3A_138] {strides = array<i32>} : memref<128xi32, #tpu.memory_space<vmem>>, vector<16xi32>,
      %swap3A_140 = vector.shape_cast %swap3A_139 : vector<16xi32> to vector<16xi32>
      %swap3A_141 = vector.shape_cast %shift_right_logical3A_133 : vector<16xi32> to vector<16xi32>
      tpu.vector_store %swap3A_137[%swap3A_138], %swap3A_141 {strides = array<i32>} : memref<128xi32, #tpu.memory_space<vmem>>, vector<16xi32>,
      %add3A_142 = arith.addi %add3A_115, %sub3A : i32
      %get3A_143 = arith.constant 0 : i32
      %get3A_144 = tpu.memref_slice %arg6[%add3A_142, %get3A_143] : memref<80x128xi32, #tpu.memory_space<vmem>> -> memref<1x128xi32, #tpu.memory_space<vmem>>
      %get3A_145 = tpu.memref_squeeze %get3A_144 : memref<1x128xi32, #tpu.memory_space<vmem>> -> memref<128xi32, #tpu.memory_space<vmem>>
      %get3A_146 = arith.constant 16 : index
      %get3A_147 = tpu.vector_load %get3A_145[%get3A_146] {strides = array<i32>} : memref<128xi32, #tpu.memory_space<vmem>>, vector<16xi32>,
      %get3A_148 = vector.shape_cast %get3A_147 : vector<16xi32> to vector<16xi32>
      %and3A_149 = arith.constant 65535 : i32
      %and3A_150 = vector.broadcast %and3A_149 : i32 to vector<16xi32>
      %and3A_151 = arith.andi %get3A_148, %and3A_150 : vector<16xi32>
      %swap3A_152 = arith.constant 1 : i32
      %swap3A_153 = arith.constant 0 : i32
      %swap3A_154 = tpu.memref_slice %arg7[%swap3A_152, %swap3A_153] : memref<2x128xi32, #tpu.memory_space<vmem>> -> memref<1x128xi32, #tpu.memory_space<vmem>>
      %swap3A_155 = tpu.memref_squeeze %swap3A_154 : memref<1x128xi32, #tpu.memory_space<vmem>> -> memref<128xi32, #tpu.memory_space<vmem>>
      %swap3A_156 = arith.constant 16 : index
      %swap3A_157 = tpu.vector_load %swap3A_155[%swap3A_156] {strides = array<i32>} : memref<128xi32, #tpu.memory_space<vmem>>, vector<16xi32>,
      %swap3A_158 = vector.shape_cast %swap3A_157 : vector<16xi32> to vector<16xi32>
      %swap3A_159 = vector.shape_cast %and3A_151 : vector<16xi32> to vector<16xi32>
      tpu.vector_store %swap3A_155[%swap3A_156], %swap3A_159 {strides = array<i32>} : memref<128xi32, #tpu.memory_space<vmem>>, vector<16xi32>,
      %shift_right_logical3A_160 = arith.constant 16 : i32
      %shift_right_logical3A_161 = vector.broadcast %shift_right_logical3A_160 : i32 to vector<16xi32>
      %shift_right_logical3A_162 = arith.shrui %get3A_148, %shift_right_logical3A_161 : vector<16xi32>
      %swap3A_163 = arith.constant 1 : i32
      %swap3A_164 = arith.constant 0 : i32
      %swap3A_165 = tpu.memref_slice %arg8[%swap3A_163, %swap3A_164] : memref<2x128xi32, #tpu.memory_space<vmem>> -> memref<1x128xi32, #tpu.memory_space<vmem>>
      %swap3A_166 = tpu.memref_squeeze %swap3A_165 : memref<1x128xi32, #tpu.memory_space<vmem>> -> memref<128xi32, #tpu.memory_space<vmem>>
      %swap3A_167 = arith.constant 16 : index
      %swap3A_168 = tpu.vector_load %swap3A_166[%swap3A_167] {strides = array<i32>} : memref<128xi32, #tpu.memory_space<vmem>>, vector<16xi32>,
      %swap3A_169 = vector.shape_cast %swap3A_168 : vector<16xi32> to vector<16xi32>
      %swap3A_170 = vector.shape_cast %shift_right_logical3A_162 : vector<16xi32> to vector<16xi32>
      tpu.vector_store %swap3A_166[%swap3A_167], %swap3A_170 {strides = array<i32>} : memref<128xi32, #tpu.memory_space<vmem>>, vector<16xi32>,
      %add3A_171 = arith.addi %add3A_115, %sub3A : i32
      %get3A_172 = arith.constant 0 : i32
      %get3A_173 = tpu.memref_slice %arg6[%add3A_171, %get3A_172] : memref<80x128xi32, #tpu.memory_space<vmem>> -> memref<1x128xi32, #tpu.memory_space<vmem>>
      %get3A_174 = tpu.memref_squeeze %get3A_173 : memref<1x128xi32, #tpu.memory_space<vmem>> -> memref<128xi32, #tpu.memory_space<vmem>>
      %get3A_175 = arith.constant 32 : index
      %get3A_176 = tpu.vector_load %get3A_174[%get3A_175] {strides = array<i32>} : memref<128xi32, #tpu.memory_space<vmem>>, vector<16xi32>,
      %get3A_177 = vector.shape_cast %get3A_176 : vector<16xi32> to vector<16xi32>
      %and3A_178 = arith.constant 65535 : i32
      %and3A_179 = vector.broadcast %and3A_178 : i32 to vector<16xi32>
      %and3A_180 = arith.andi %get3A_177, %and3A_179 : vector<16xi32>
      %swap3A_181 = arith.constant 1 : i32
      %swap3A_182 = arith.constant 0 : i32
      %swap3A_183 = tpu.memref_slice %arg7[%swap3A_181, %swap3A_182] : memref<2x128xi32, #tpu.memory_space<vmem>> -> memref<1x128xi32, #tpu.memory_space<vmem>>
      %swap3A_184 = tpu.memref_squeeze %swap3A_183 : memref<1x128xi32, #tpu.memory_space<vmem>> -> memref<128xi32, #tpu.memory_space<vmem>>
      %swap3A_185 = arith.constant 32 : index
      %swap3A_186 = tpu.vector_load %swap3A_184[%swap3A_185] {strides = array<i32>} : memref<128xi32, #tpu.memory_space<vmem>>, vector<16xi32>,
      %swap3A_187 = vector.shape_cast %swap3A_186 : vector<16xi32> to vector<16xi32>
      %swap3A_188 = vector.shape_cast %and3A_180 : vector<16xi32> to vector<16xi32>
      tpu.vector_store %swap3A_184[%swap3A_185], %swap3A_188 {strides = array<i32>} : memref<128xi32, #tpu.memory_space<vmem>>, vector<16xi32>,
      %shift_right_logical3A_189 = arith.constant 16 : i32
      %shift_right_logical3A_190 = vector.broadcast %shift_right_logical3A_189 : i32 to vector<16xi32>
      %shift_right_logical3A_191 = arith.shrui %get3A_177, %shift_right_logical3A_190 : vector<16xi32>
      %swap3A_192 = arith.constant 1 : i32
      %swap3A_193 = arith.constant 0 : i32
      %swap3A_194 = tpu.memref_slice %arg8[%swap3A_192, %swap3A_193] : memref<2x128xi32, #tpu.memory_space<vmem>> -> memref<1x128xi32, #tpu.memory_space<vmem>>
      %swap3A_195 = tpu.memref_squeeze %swap3A_194 : memref<1x128xi32, #tpu.memory_space<vmem>> -> memref<128xi32, #tpu.memory_space<vmem>>
      %swap3A_196 = arith.constant 32 : index
      %swap3A_197 = tpu.vector_load %swap3A_195[%swap3A_196] {strides = array<i32>} : memref<128xi32, #tpu.memory_space<vmem>>, vector<16xi32>,
      %swap3A_198 = vector.shape_cast %swap3A_197 : vector<16xi32> to vector<16xi32>
      %swap3A_199 = vector.shape_cast %shift_right_logical3A_191 : vector<16xi32> to vector<16xi32>
      tpu.vector_store %swap3A_195[%swap3A_196], %swap3A_199 {strides = array<i32>} : memref<128xi32, #tpu.memory_space<vmem>>, vector<16xi32>,
      %add3A_200 = arith.addi %add3A_115, %sub3A : i32
      %get3A_201 = arith.constant 0 : i32
      %get3A_202 = tpu.memref_slice %arg6[%add3A_200, %get3A_201] : memref<80x128xi32, #tpu.memory_space<vmem>> -> memref<1x128xi32, #tpu.memory_space<vmem>>
      %get3A_203 = tpu.memref_squeeze %get3A_202 : memref<1x128xi32, #tpu.memory_space<vmem>> -> memref<128xi32, #tpu.memory_space<vmem>>
      %get3A_204 = arith.constant 48 : index
      %get3A_205 = tpu.vector_load %get3A_203[%get3A_204] {strides = array<i32>} : memref<128xi32, #tpu.memory_space<vmem>>, vector<16xi32>,
      %get3A_206 = vector.shape_cast %get3A_205 : vector<16xi32> to vector<16xi32>
      %and3A_207 = arith.constant 65535 : i32
      %and3A_208 = vector.broadcast %and3A_207 : i32 to vector<16xi32>
      %and3A_209 = arith.andi %get3A_206, %and3A_208 : vector<16xi32>
      %swap3A_210 = arith.constant 1 : i32
      %swap3A_211 = arith.constant 0 : i32
      %swap3A_212 = tpu.memref_slice %arg7[%swap3A_210, %swap3A_211] : memref<2x128xi32, #tpu.memory_space<vmem>> -> memref<1x128xi32, #tpu.memory_space<vmem>>
      %swap3A_213 = tpu.memref_squeeze %swap3A_212 : memref<1x128xi32, #tpu.memory_space<vmem>> -> memref<128xi32, #tpu.memory_space<vmem>>
      %swap3A_214 = arith.constant 48 : index
      %swap3A_215 = tpu.vector_load %swap3A_213[%swap3A_214] {strides = array<i32>} : memref<128xi32, #tpu.memory_space<vmem>>, vector<16xi32>,
      %swap3A_216 = vector.shape_cast %swap3A_215 : vector<16xi32> to vector<16xi32>
      %swap3A_217 = vector.shape_cast %and3A_209 : vector<16xi32> to vector<16xi32>
      tpu.vector_store %swap3A_213[%swap3A_214], %swap3A_217 {strides = array<i32>} : memref<128xi32, #tpu.memory_space<vmem>>, vector<16xi32>,
      %shift_right_logical3A_218 = arith.constant 16 : i32
      %shift_right_logical3A_219 = vector.broadcast %shift_right_logical3A_218 : i32 to vector<16xi32>
      %shift_right_logical3A_220 = arith.shrui %get3A_206, %shift_right_logical3A_219 : vector<16xi32>
      %swap3A_221 = arith.constant 1 : i32
      %swap3A_222 = arith.constant 0 : i32
      %swap3A_223 = tpu.memref_slice %arg8[%swap3A_221, %swap3A_222] : memref<2x128xi32, #tpu.memory_space<vmem>> -> memref<1x128xi32, #tpu.memory_space<vmem>>
      %swap3A_224 = tpu.memref_squeeze %swap3A_223 : memref<1x128xi32, #tpu.memory_space<vmem>> -> memref<128xi32, #tpu.memory_space<vmem>>
      %swap3A_225 = arith.constant 48 : index
      %swap3A_226 = tpu.vector_load %swap3A_224[%swap3A_225] {strides = array<i32>} : memref<128xi32, #tpu.memory_space<vmem>>, vector<16xi32>,
      %swap3A_227 = vector.shape_cast %swap3A_226 : vector<16xi32> to vector<16xi32>
      %swap3A_228 = vector.shape_cast %shift_right_logical3A_220 : vector<16xi32> to vector<16xi32>
      tpu.vector_store %swap3A_224[%swap3A_225], %swap3A_228 {strides = array<i32>} : memref<128xi32, #tpu.memory_space<vmem>>, vector<16xi32>,
      %add3A_229 = arith.addi %add3A_115, %sub3A : i32
      %get3A_230 = arith.constant 0 : i32
      %get3A_231 = tpu.memref_slice %arg6[%add3A_229, %get3A_230] : memref<80x128xi32, #tpu.memory_space<vmem>> -> memref<1x128xi32, #tpu.memory_space<vmem>>
      %get3A_232 = tpu.memref_squeeze %get3A_231 : memref<1x128xi32, #tpu.memory_space<vmem>> -> memref<128xi32, #tpu.memory_space<vmem>>
      %get3A_233 = arith.constant 64 : index
      %get3A_234 = tpu.vector_load %get3A_232[%get3A_233] {strides = array<i32>} : memref<128xi32, #tpu.memory_space<vmem>>, vector<16xi32>,
      %get3A_235 = vector.shape_cast %get3A_234 : vector<16xi32> to vector<16xi32>
      %and3A_236 = arith.constant 65535 : i32
      %and3A_237 = vector.broadcast %and3A_236 : i32 to vector<16xi32>
      %and3A_238 = arith.andi %get3A_235, %and3A_237 : vector<16xi32>
      %swap3A_239 = arith.constant 1 : i32
      %swap3A_240 = arith.constant 0 : i32
      %swap3A_241 = tpu.memref_slice %arg7[%swap3A_239, %swap3A_240] : memref<2x128xi32, #tpu.memory_space<vmem>> -> memref<1x128xi32, #tpu.memory_space<vmem>>
      %swap3A_242 = tpu.memref_squeeze %swap3A_241 : memref<1x128xi32, #tpu.memory_space<vmem>> -> memref<128xi32, #tpu.memory_space<vmem>>
      %swap3A_243 = arith.constant 64 : index
      %swap3A_244 = tpu.vector_load %swap3A_242[%swap3A_243] {strides = array<i32>} : memref<128xi32, #tpu.memory_space<vmem>>, vector<16xi32>,
      %swap3A_245 = vector.shape_cast %swap3A_244 : vector<16xi32> to vector<16xi32>
      %swap3A_246 = vector.shape_cast %and3A_238 : vector<16xi32> to vector<16xi32>
      tpu.vector_store %swap3A_242[%swap3A_243], %swap3A_246 {strides = array<i32>} : memref<128xi32, #tpu.memory_space<vmem>>, vector<16xi32>,
      %shift_right_logical3A_247 = arith.constant 16 : i32
      %shift_right_logical3A_248 = vector.broadcast %shift_right_logical3A_247 : i32 to vector<16xi32>
      %shift_right_logical3A_249 = arith.shrui %get3A_235, %shift_right_logical3A_248 : vector<16xi32>
      %swap3A_250 = arith.constant 1 : i32
      %swap3A_251 = arith.constant 0 : i32
      %swap3A_252 = tpu.memref_slice %arg8[%swap3A_250, %swap3A_251] : memref<2x128xi32, #tpu.memory_space<vmem>> -> memref<1x128xi32, #tpu.memory_space<vmem>>
      %swap3A_253 = tpu.memref_squeeze %swap3A_252 : memref<1x128xi32, #tpu.memory_space<vmem>> -> memref<128xi32, #tpu.memory_space<vmem>>
      %swap3A_254 = arith.constant 64 : index
      %swap3A_255 = tpu.vector_load %swap3A_253[%swap3A_254] {strides = array<i32>} : memref<128xi32, #tpu.memory_space<vmem>>, vector<16xi32>,
      %swap3A_256 = vector.shape_cast %swap3A_255 : vector<16xi32> to vector<16xi32>
      %swap3A_257 = vector.shape_cast %shift_right_logical3A_249 : vector<16xi32> to vector<16xi32>
      tpu.vector_store %swap3A_253[%swap3A_254], %swap3A_257 {strides = array<i32>} : memref<128xi32, #tpu.memory_space<vmem>>, vector<16xi32>,
      %add3A_258 = arith.addi %add3A_115, %sub3A : i32
      %get3A_259 = arith.constant 0 : i32
      %get3A_260 = tpu.memref_slice %arg6[%add3A_258, %get3A_259] : memref<80x128xi32, #tpu.memory_space<vmem>> -> memref<1x128xi32, #tpu.memory_space<vmem>>
      %get3A_261 = tpu.memref_squeeze %get3A_260 : memref<1x128xi32, #tpu.memory_space<vmem>> -> memref<128xi32, #tpu.memory_space<vmem>>
      %get3A_262 = arith.constant 80 : index
      %get3A_263 = tpu.vector_load %get3A_261[%get3A_262] {strides = array<i32>} : memref<128xi32, #tpu.memory_space<vmem>>, vector<16xi32>,
      %get3A_264 = vector.shape_cast %get3A_263 : vector<16xi32> to vector<16xi32>
      %and3A_265 = arith.constant 65535 : i32
      %and3A_266 = vector.broadcast %and3A_265 : i32 to vector<16xi32>
      %and3A_267 = arith.andi %get3A_264, %and3A_266 : vector<16xi32>
      %swap3A_268 = arith.constant 1 : i32
      %swap3A_269 = arith.constant 0 : i32
      %swap3A_270 = tpu.memref_slice %arg7[%swap3A_268, %swap3A_269] : memref<2x128xi32, #tpu.memory_space<vmem>> -> memref<1x128xi32, #tpu.memory_space<vmem>>
      %swap3A_271 = tpu.memref_squeeze %swap3A_270 : memref<1x128xi32, #tpu.memory_space<vmem>> -> memref<128xi32, #tpu.memory_space<vmem>>
      %swap3A_272 = arith.constant 80 : index
      %swap3A_273 = tpu.vector_load %swap3A_271[%swap3A_272] {strides = array<i32>} : memref<128xi32, #tpu.memory_space<vmem>>, vector<16xi32>,
      %swap3A_274 = vector.shape_cast %swap3A_273 : vector<16xi32> to vector<16xi32>
      %swap3A_275 = vector.shape_cast %and3A_267 : vector<16xi32> to vector<16xi32>
      tpu.vector_store %swap3A_271[%swap3A_272], %swap3A_275 {strides = array<i32>} : memref<128xi32, #tpu.memory_space<vmem>>, vector<16xi32>,
      %shift_right_logical3A_276 = arith.constant 16 : i32
      %shift_right_logical3A_277 = vector.broadcast %shift_right_logical3A_276 : i32 to vector<16xi32>
      %shift_right_logical3A_278 = arith.shrui %get3A_264, %shift_right_logical3A_277 : vector<16xi32>
      %swap3A_279 = arith.constant 1 : i32
      %swap3A_280 = arith.constant 0 : i32
      %swap3A_281 = tpu.memref_slice %arg8[%swap3A_279, %swap3A_280] : memref<2x128xi32, #tpu.memory_space<vmem>> -> memref<1x128xi32, #tpu.memory_space<vmem>>
      %swap3A_282 = tpu.memref_squeeze %swap3A_281 : memref<1x128xi32, #tpu.memory_space<vmem>> -> memref<128xi32, #tpu.memory_space<vmem>>
      %swap3A_283 = arith.constant 80 : index
      %swap3A_284 = tpu.vector_load %swap3A_282[%swap3A_283] {strides = array<i32>} : memref<128xi32, #tpu.memory_space<vmem>>, vector<16xi32>,
      %swap3A_285 = vector.shape_cast %swap3A_284 : vector<16xi32> to vector<16xi32>
      %swap3A_286 = vector.shape_cast %shift_right_logical3A_278 : vector<16xi32> to vector<16xi32>
      tpu.vector_store %swap3A_282[%swap3A_283], %swap3A_286 {strides = array<i32>} : memref<128xi32, #tpu.memory_space<vmem>>, vector<16xi32>,
      %add3A_287 = arith.addi %add3A_115, %sub3A : i32
      %get3A_288 = arith.constant 0 : i32
      %get3A_289 = tpu.memref_slice %arg6[%add3A_287, %get3A_288] : memref<80x128xi32, #tpu.memory_space<vmem>> -> memref<1x128xi32, #tpu.memory_space<vmem>>
      %get3A_290 = tpu.memref_squeeze %get3A_289 : memref<1x128xi32, #tpu.memory_space<vmem>> -> memref<128xi32, #tpu.memory_space<vmem>>
      %get3A_291 = arith.constant 96 : index
      %get3A_292 = tpu.vector_load %get3A_290[%get3A_291] {strides = array<i32>} : memref<128xi32, #tpu.memory_space<vmem>>, vector<16xi32>,
      %get3A_293 = vector.shape_cast %get3A_292 : vector<16xi32> to vector<16xi32>
      %and3A_294 = arith.constant 65535 : i32
      %and3A_295 = vector.broadcast %and3A_294 : i32 to vector<16xi32>
      %and3A_296 = arith.andi %get3A_293, %and3A_295 : vector<16xi32>
      %swap3A_297 = arith.constant 1 : i32
      %swap3A_298 = arith.constant 0 : i32
      %swap3A_299 = tpu.memref_slice %arg7[%swap3A_297, %swap3A_298] : memref<2x128xi32, #tpu.memory_space<vmem>> -> memref<1x128xi32, #tpu.memory_space<vmem>>
      %swap3A_300 = tpu.memref_squeeze %swap3A_299 : memref<1x128xi32, #tpu.memory_space<vmem>> -> memref<128xi32, #tpu.memory_space<vmem>>
      %swap3A_301 = arith.constant 96 : index
      %swap3A_302 = tpu.vector_load %swap3A_300[%swap3A_301] {strides = array<i32>} : memref<128xi32, #tpu.memory_space<vmem>>, vector<16xi32>,
      %swap3A_303 = vector.shape_cast %swap3A_302 : vector<16xi32> to vector<16xi32>
      %swap3A_304 = vector.shape_cast %and3A_296 : vector<16xi32> to vector<16xi32>
      tpu.vector_store %swap3A_300[%swap3A_301], %swap3A_304 {strides = array<i32>} : memref<128xi32, #tpu.memory_space<vmem>>, vector<16xi32>,
      %shift_right_logical3A_305 = arith.constant 16 : i32
      %shift_right_logical3A_306 = vector.broadcast %shift_right_logical3A_305 : i32 to vector<16xi32>
      %shift_right_logical3A_307 = arith.shrui %get3A_293, %shift_right_logical3A_306 : vector<16xi32>
      %swap3A_308 = arith.constant 1 : i32
      %swap3A_309 = arith.constant 0 : i32
      %swap3A_310 = tpu.memref_slice %arg8[%swap3A_308, %swap3A_309] : memref<2x128xi32, #tpu.memory_space<vmem>> -> memref<1x128xi32, #tpu.memory_space<vmem>>
      %swap3A_311 = tpu.memref_squeeze %swap3A_310 : memref<1x128xi32, #tpu.memory_space<vmem>> -> memref<128xi32, #tpu.memory_space<vmem>>
      %swap3A_312 = arith.constant 96 : index
      %swap3A_313 = tpu.vector_load %swap3A_311[%swap3A_312] {strides = array<i32>} : memref<128xi32, #tpu.memory_space<vmem>>, vector<16xi32>,
      %swap3A_314 = vector.shape_cast %swap3A_313 : vector<16xi32> to vector<16xi32>
      %swap3A_315 = vector.shape_cast %shift_right_logical3A_307 : vector<16xi32> to vector<16xi32>
      tpu.vector_store %swap3A_311[%swap3A_312], %swap3A_315 {strides = array<i32>} : memref<128xi32, #tpu.memory_space<vmem>>, vector<16xi32>,
      %add3A_316 = arith.addi %add3A_115, %sub3A : i32
      %get3A_317 = arith.constant 0 : i32
      %get3A_318 = tpu.memref_slice %arg6[%add3A_316, %get3A_317] : memref<80x128xi32, #tpu.memory_space<vmem>> -> memref<1x128xi32, #tpu.memory_space<vmem>>
      %get3A_319 = tpu.memref_squeeze %get3A_318 : memref<1x128xi32, #tpu.memory_space<vmem>> -> memref<128xi32, #tpu.memory_space<vmem>>
      %get3A_320 = arith.constant 112 : index
      %get3A_321 = tpu.vector_load %get3A_319[%get3A_320] {strides = array<i32>} : memref<128xi32, #tpu.memory_space<vmem>>, vector<16xi32>,
      %get3A_322 = vector.shape_cast %get3A_321 : vector<16xi32> to vector<16xi32>
      %and3A_323 = arith.constant 65535 : i32
      %and3A_324 = vector.broadcast %and3A_323 : i32 to vector<16xi32>
      %and3A_325 = arith.andi %get3A_322, %and3A_324 : vector<16xi32>
      %swap3A_326 = arith.constant 1 : i32
      %swap3A_327 = arith.constant 0 : i32
      %swap3A_328 = tpu.memref_slice %arg7[%swap3A_326, %swap3A_327] : memref<2x128xi32, #tpu.memory_space<vmem>> -> memref<1x128xi32, #tpu.memory_space<vmem>>
      %swap3A_329 = tpu.memref_squeeze %swap3A_328 : memref<1x128xi32, #tpu.memory_space<vmem>> -> memref<128xi32, #tpu.memory_space<vmem>>
      %swap3A_330 = arith.constant 112 : index
      %swap3A_331 = tpu.vector_load %swap3A_329[%swap3A_330] {strides = array<i32>} : memref<128xi32, #tpu.memory_space<vmem>>, vector<16xi32>,
      %swap3A_332 = vector.shape_cast %swap3A_331 : vector<16xi32> to vector<16xi32>
      %swap3A_333 = vector.shape_cast %and3A_325 : vector<16xi32> to vector<16xi32>
      tpu.vector_store %swap3A_329[%swap3A_330], %swap3A_333 {strides = array<i32>} : memref<128xi32, #tpu.memory_space<vmem>>, vector<16xi32>,
      %shift_right_logical3A_334 = arith.constant 16 : i32
      %shift_right_logical3A_335 = vector.broadcast %shift_right_logical3A_334 : i32 to vector<16xi32>
      %shift_right_logical3A_336 = arith.shrui %get3A_322, %shift_right_logical3A_335 : vector<16xi32>
      %swap3A_337 = arith.constant 1 : i32
      %swap3A_338 = arith.constant 0 : i32
      %swap3A_339 = tpu.memref_slice %arg8[%swap3A_337, %swap3A_338] : memref<2x128xi32, #tpu.memory_space<vmem>> -> memref<1x128xi32, #tpu.memory_space<vmem>>
      %swap3A_340 = tpu.memref_squeeze %swap3A_339 : memref<1x128xi32, #tpu.memory_space<vmem>> -> memref<128xi32, #tpu.memory_space<vmem>>
      %swap3A_341 = arith.constant 112 : index
      %swap3A_342 = tpu.vector_load %swap3A_340[%swap3A_341] {strides = array<i32>} : memref<128xi32, #tpu.memory_space<vmem>>, vector<16xi32>,
      %swap3A_343 = vector.shape_cast %swap3A_342 : vector<16xi32> to vector<16xi32>
      %swap3A_344 = vector.shape_cast %shift_right_logical3A_336 : vector<16xi32> to vector<16xi32>
      tpu.vector_store %swap3A_340[%swap3A_341], %swap3A_344 {strides = array<i32>} : memref<128xi32, #tpu.memory_space<vmem>>, vector<16xi32>,
      %dma_start3A = arith.constant 1 : i32
      %dma_start3A_345 = arith.constant 0 : i32
      %dma_start3A_346 = tpu.memref_slice %arg7[%dma_start3A, %dma_start3A_345] : memref<2x128xi32, #tpu.memory_space<vmem>> -> memref<1x128xi32, #tpu.memory_space<vmem>>
      %dma_start3A_347 = tpu.memref_squeeze %dma_start3A_346 : memref<1x128xi32, #tpu.memory_space<vmem>> -> memref<128xi32, #tpu.memory_space<vmem>>
      %dma_start3A_348 = arith.constant 0 : i32
      %dma_start3A_349 = arith.constant 0 : i32
      %dma_start3A_350 = tpu.memref_slice %arg12[%dma_start3A_348, %dma_start3A_349] : memref<10112x64xf32, #tpu.memory_space<vmem_shared>> -> memref<10112x64xf32, #tpu.memory_space<vmem_shared>>
      tpu.enqueue_indirect_dma source(%dma_start3A_350 : memref<10112x64xf32, #tpu.memory_space<vmem_shared>>) target(%arg10 : memref<128x64xf32, #tpu.memory_space<vmem>>) offsets(%dma_start3A_347 : memref<128xi32, #tpu.memory_space<vmem>>) semaphore(%arg14 : memref<!tpu.dma_semaphore, #tpu.memory_space<semaphore_mem>>)
      %dma_wait3A = arith.constant 0 : i32
      %dma_wait3A_351 = arith.constant 0 : i32
      %dma_wait3A_352 = tpu.memref_slice %arg7[%dma_wait3A, %dma_wait3A_351] : memref<2x128xi32, #tpu.memory_space<vmem>> -> memref<1x128xi32, #tpu.memory_space<vmem>>
      %dma_wait3A_353 = tpu.memref_squeeze %dma_wait3A_352 : memref<1x128xi32, #tpu.memory_space<vmem>> -> memref<128xi32, #tpu.memory_space<vmem>>
      %dma_wait3A_354 = arith.constant 0 : i32
      %dma_wait3A_355 = arith.constant 0 : i32
      %dma_wait3A_356 = tpu.memref_slice %arg12[%dma_wait3A_354, %dma_wait3A_355] : memref<10112x64xf32, #tpu.memory_space<vmem_shared>> -> memref<10112x64xf32, #tpu.memory_space<vmem_shared>>
      tpu.wait_indirect_dma semaphore(%arg13 : memref<!tpu.dma_semaphore, #tpu.memory_space<semaphore_mem>>) src(%dma_wait3A_356 : memref<10112x64xf32, #tpu.memory_space<vmem_shared>>) dst(%arg9 : memref<128x64xf32, #tpu.memory_space<vmem>>)
      %run_scoped3A = arith.constant 0 : i32
      "tpu.region"() ({
        %run_scoped3A_394 = tpu.sem_alloc : memref<!tpu.dma_semaphore, #tpu.memory_space<semaphore_mem>>
        %dma_start3A_395 = arith.constant 0 : i32
        %dma_start3A_396 = tpu.memref_slice %arg8[%run_scoped3A, %dma_start3A_395] : memref<2x128xi32, #tpu.memory_space<vmem>> -> memref<1x128xi32, #tpu.memory_space<vmem>>
        %dma_start3A_397 = tpu.memref_squeeze %dma_start3A_396 : memref<1x128xi32, #tpu.memory_space<vmem>> -> memref<128xi32, #tpu.memory_space<vmem>>
        %dma_start3A_398 = arith.constant 0 : i32
        %dma_start3A_399 = arith.constant 0 : i32
        %dma_start3A_400 = tpu.memref_slice %arg11[%dma_start3A_398, %dma_start3A_399] : memref<10112x64xf32, #tpu.memory_space<vmem_shared>> -> memref<10112x64xf32, #tpu.memory_space<vmem_shared>>
        tpu.enqueue_indirect_dma source(%arg9 : memref<128x64xf32, #tpu.memory_space<vmem>>) target(%dma_start3A_400 : memref<10112x64xf32, #tpu.memory_space<vmem_shared>>) offsets(%dma_start3A_397 : memref<128xi32, #tpu.memory_space<vmem>>) semaphore(%run_scoped3A_394 : memref<!tpu.dma_semaphore, #tpu.memory_space<semaphore_mem>>) {add = true}
        %dma_wait3A_401 = arith.constant 0 : i32
        %dma_wait3A_402 = tpu.memref_slice %arg8[%run_scoped3A, %dma_wait3A_401] : memref<2x128xi32, #tpu.memory_space<vmem>> -> memref<1x128xi32, #tpu.memory_space<vmem>>
        %dma_wait3A_403 = tpu.memref_squeeze %dma_wait3A_402 : memref<1x128xi32, #tpu.memory_space<vmem>> -> memref<128xi32, #tpu.memory_space<vmem>>
        %dma_wait3A_404 = arith.constant 0 : i32
        %dma_wait3A_405 = arith.constant 0 : i32
        %dma_wait3A_406 = tpu.memref_slice %arg11[%dma_wait3A_404, %dma_wait3A_405] : memref<10112x64xf32, #tpu.memory_space<vmem_shared>> -> memref<10112x64xf32, #tpu.memory_space<vmem_shared>>
        tpu.wait_indirect_dma semaphore(%run_scoped3A_394 : memref<!tpu.dma_semaphore, #tpu.memory_space<semaphore_mem>>) src(%arg9 : memref<128x64xf32, #tpu.memory_space<vmem>>) dst(%dma_wait3A_406 : memref<10112x64xf32, #tpu.memory_space<vmem_shared>>)
        tpu.yield
      }) : () -> ()
      %jit3A_357 = arith.constant 2 : i32
      %div3A_358 = arith.divsi %select_n3A, %jit3A_357 : i32
      %sign3A_359 = arith.constant 0 : i32
      %sign3A_360 = arith.cmpi sgt, %select_n3A, %sign3A_359 : i32
      %sign3A_361 = arith.extui %sign3A_360 : i1 to i32
      %sign3A_362 = arith.constant 0 : i32
      %sign3A_363 = arith.cmpi slt, %select_n3A, %sign3A_362 : i32
      %sign3A_364 = arith.extui %sign3A_363 : i1 to i32
      %sign3A_365 = arith.subi %sign3A_361, %sign3A_364 : i32
      %sign3A_366 = arith.constant 0 : i32
      %sign3A_367 = arith.cmpi sgt, %jit3A_357, %sign3A_366 : i32
      %sign3A_368 = arith.extui %sign3A_367 : i1 to i32
      %sign3A_369 = arith.constant 0 : i32
      %sign3A_370 = arith.cmpi slt, %jit3A_357, %sign3A_369 : i32
      %sign3A_371 = arith.extui %sign3A_370 : i1 to i32
      %sign3A_372 = arith.subi %sign3A_368, %sign3A_371 : i32
      %ne3A_373 = arith.cmpi ne, %sign3A_365, %sign3A_372 : i32
      %rem3A_374 = arith.remsi %select_n3A, %jit3A_357 : i32
      %ne3A_375 = arith.constant 0 : i32
      %ne3A_376 = arith.cmpi ne, %rem3A_374, %ne3A_375 : i32
      %and3A_377 = arith.andi %ne3A_373, %ne3A_376 : i1
      %sub3A_378 = arith.constant 1 : i32
      %sub3A_379 = arith.subi %div3A_358, %sub3A_378 : i32
      %select_n3A_380 = arith.select %and3A_377, %sub3A_379, %div3A_358 : i32
      %sub3A_381 = arith.constant 1 : i32
      %sub3A_382 = arith.subi %select_n3A_380, %sub3A_381 : i32
      %lt3A = arith.cmpi slt, %while3A_111, %sub3A_382 : i32
      %convert_element_type3A_383 = arith.extui %lt3A : i1 to i32
      %cond3A_384 = arith.constant 0 : i32
      %cond3A_385 = arith.cmpi ne, %convert_element_type3A_383, %cond3A_384 : i32
      scf.if %cond3A_385 {
        %add3A_394 = arith.constant 2 : i32
        %add3A_395 = arith.addi %mul3A_113, %add3A_394 : i32
        %add3A_396 = arith.addi %add3A_395, %sub3A : i32
        %get3A_397 = arith.constant 0 : i32
        %get3A_398 = tpu.memref_slice %arg6[%add3A_396, %get3A_397] : memref<80x128xi32, #tpu.memory_space<vmem>> -> memref<1x128xi32, #tpu.memory_space<vmem>>
        %get3A_399 = tpu.memref_squeeze %get3A_398 : memref<1x128xi32, #tpu.memory_space<vmem>> -> memref<128xi32, #tpu.memory_space<vmem>>
        %get3A_400 = arith.constant 0 : index
        %get3A_401 = tpu.vector_load %get3A_399[%get3A_400] {strides = array<i32>} : memref<128xi32, #tpu.memory_space<vmem>>, vector<16xi32>,
        %get3A_402 = vector.shape_cast %get3A_401 : vector<16xi32> to vector<16xi32>
        %and3A_403 = arith.constant 65535 : i32
        %and3A_404 = vector.broadcast %and3A_403 : i32 to vector<16xi32>
        %and3A_405 = arith.andi %get3A_402, %and3A_404 : vector<16xi32>
        %swap3A_406 = arith.constant 0 : i32
        %swap3A_407 = arith.constant 0 : i32
        %swap3A_408 = tpu.memref_slice %arg7[%swap3A_406, %swap3A_407] : memref<2x128xi32, #tpu.memory_space<vmem>> -> memref<1x128xi32, #tpu.memory_space<vmem>>
        %swap3A_409 = tpu.memref_squeeze %swap3A_408 : memref<1x128xi32, #tpu.memory_space<vmem>> -> memref<128xi32, #tpu.memory_space<vmem>>
        %swap3A_410 = arith.constant 0 : index
        %swap3A_411 = tpu.vector_load %swap3A_409[%swap3A_410] {strides = array<i32>} : memref<128xi32, #tpu.memory_space<vmem>>, vector<16xi32>,
        %swap3A_412 = vector.shape_cast %swap3A_411 : vector<16xi32> to vector<16xi32>
        %swap3A_413 = vector.shape_cast %and3A_405 : vector<16xi32> to vector<16xi32>
        tpu.vector_store %swap3A_409[%swap3A_410], %swap3A_413 {strides = array<i32>} : memref<128xi32, #tpu.memory_space<vmem>>, vector<16xi32>,
        %shift_right_logical3A_414 = arith.constant 16 : i32
        %shift_right_logical3A_415 = vector.broadcast %shift_right_logical3A_414 : i32 to vector<16xi32>
        %shift_right_logical3A_416 = arith.shrui %get3A_402, %shift_right_logical3A_415 : vector<16xi32>
        %swap3A_417 = arith.constant 0 : i32
        %swap3A_418 = arith.constant 0 : i32
        %swap3A_419 = tpu.memref_slice %arg8[%swap3A_417, %swap3A_418] : memref<2x128xi32, #tpu.memory_space<vmem>> -> memref<1x128xi32, #tpu.memory_space<vmem>>
        %swap3A_420 = tpu.memref_squeeze %swap3A_419 : memref<1x128xi32, #tpu.memory_space<vmem>> -> memref<128xi32, #tpu.memory_space<vmem>>
        %swap3A_421 = arith.constant 0 : index
        %swap3A_422 = tpu.vector_load %swap3A_420[%swap3A_421] {strides = array<i32>} : memref<128xi32, #tpu.memory_space<vmem>>, vector<16xi32>,
        %swap3A_423 = vector.shape_cast %swap3A_422 : vector<16xi32> to vector<16xi32>
        %swap3A_424 = vector.shape_cast %shift_right_logical3A_416 : vector<16xi32> to vector<16xi32>
        tpu.vector_store %swap3A_420[%swap3A_421], %swap3A_424 {strides = array<i32>} : memref<128xi32, #tpu.memory_space<vmem>>, vector<16xi32>,
        %add3A_425 = arith.addi %add3A_395, %sub3A : i32
        %get3A_426 = arith.constant 0 : i32
        %get3A_427 = tpu.memref_slice %arg6[%add3A_425, %get3A_426] : memref<80x128xi32, #tpu.memory_space<vmem>> -> memref<1x128xi32, #tpu.memory_space<vmem>>
        %get3A_428 = tpu.memref_squeeze %get3A_427 : memref<1x128xi32, #tpu.memory_space<vmem>> -> memref<128xi32, #tpu.memory_space<vmem>>
        %get3A_429 = arith.constant 16 : index
        %get3A_430 = tpu.vector_load %get3A_428[%get3A_429] {strides = array<i32>} : memref<128xi32, #tpu.memory_space<vmem>>, vector<16xi32>,
        %get3A_431 = vector.shape_cast %get3A_430 : vector<16xi32> to vector<16xi32>
        %and3A_432 = arith.constant 65535 : i32
        %and3A_433 = vector.broadcast %and3A_432 : i32 to vector<16xi32>
        %and3A_434 = arith.andi %get3A_431, %and3A_433 : vector<16xi32>
        %swap3A_435 = arith.constant 0 : i32
        %swap3A_436 = arith.constant 0 : i32
        %swap3A_437 = tpu.memref_slice %arg7[%swap3A_435, %swap3A_436] : memref<2x128xi32, #tpu.memory_space<vmem>> -> memref<1x128xi32, #tpu.memory_space<vmem>>
        %swap3A_438 = tpu.memref_squeeze %swap3A_437 : memref<1x128xi32, #tpu.memory_space<vmem>> -> memref<128xi32, #tpu.memory_space<vmem>>
        %swap3A_439 = arith.constant 16 : index
        %swap3A_440 = tpu.vector_load %swap3A_438[%swap3A_439] {strides = array<i32>} : memref<128xi32, #tpu.memory_space<vmem>>, vector<16xi32>,
        %swap3A_441 = vector.shape_cast %swap3A_440 : vector<16xi32> to vector<16xi32>
        %swap3A_442 = vector.shape_cast %and3A_434 : vector<16xi32> to vector<16xi32>
        tpu.vector_store %swap3A_438[%swap3A_439], %swap3A_442 {strides = array<i32>} : memref<128xi32, #tpu.memory_space<vmem>>, vector<16xi32>,
        %shift_right_logical3A_443 = arith.constant 16 : i32
        %shift_right_logical3A_444 = vector.broadcast %shift_right_logical3A_443 : i32 to vector<16xi32>
        %shift_right_logical3A_445 = arith.shrui %get3A_431, %shift_right_logical3A_444 : vector<16xi32>
        %swap3A_446 = arith.constant 0 : i32
        %swap3A_447 = arith.constant 0 : i32
        %swap3A_448 = tpu.memref_slice %arg8[%swap3A_446, %swap3A_447] : memref<2x128xi32, #tpu.memory_space<vmem>> -> memref<1x128xi32, #tpu.memory_space<vmem>>
        %swap3A_449 = tpu.memref_squeeze %swap3A_448 : memref<1x128xi32, #tpu.memory_space<vmem>> -> memref<128xi32, #tpu.memory_space<vmem>>
        %swap3A_450 = arith.constant 16 : index
        %swap3A_451 = tpu.vector_load %swap3A_449[%swap3A_450] {strides = array<i32>} : memref<128xi32, #tpu.memory_space<vmem>>, vector<16xi32>,
        %swap3A_452 = vector.shape_cast %swap3A_451 : vector<16xi32> to vector<16xi32>
        %swap3A_453 = vector.shape_cast %shift_right_logical3A_445 : vector<16xi32> to vector<16xi32>
        tpu.vector_store %swap3A_449[%swap3A_450], %swap3A_453 {strides = array<i32>} : memref<128xi32, #tpu.memory_space<vmem>>, vector<16xi32>,
        %add3A_454 = arith.addi %add3A_395, %sub3A : i32
        %get3A_455 = arith.constant 0 : i32
        %get3A_456 = tpu.memref_slice %arg6[%add3A_454, %get3A_455] : memref<80x128xi32, #tpu.memory_space<vmem>> -> memref<1x128xi32, #tpu.memory_space<vmem>>
        %get3A_457 = tpu.memref_squeeze %get3A_456 : memref<1x128xi32, #tpu.memory_space<vmem>> -> memref<128xi32, #tpu.memory_space<vmem>>
        %get3A_458 = arith.constant 32 : index
        %get3A_459 = tpu.vector_load %get3A_457[%get3A_458] {strides = array<i32>} : memref<128xi32, #tpu.memory_space<vmem>>, vector<16xi32>,
        %get3A_460 = vector.shape_cast %get3A_459 : vector<16xi32> to vector<16xi32>
        %and3A_461 = arith.constant 65535 : i32
        %and3A_462 = vector.broadcast %and3A_461 : i32 to vector<16xi32>
        %and3A_463 = arith.andi %get3A_460, %and3A_462 : vector<16xi32>
        %swap3A_464 = arith.constant 0 : i32
        %swap3A_465 = arith.constant 0 : i32
        %swap3A_466 = tpu.memref_slice %arg7[%swap3A_464, %swap3A_465] : memref<2x128xi32, #tpu.memory_space<vmem>> -> memref<1x128xi32, #tpu.memory_space<vmem>>
        %swap3A_467 = tpu.memref_squeeze %swap3A_466 : memref<1x128xi32, #tpu.memory_space<vmem>> -> memref<128xi32, #tpu.memory_space<vmem>>
        %swap3A_468 = arith.constant 32 : index
        %swap3A_469 = tpu.vector_load %swap3A_467[%swap3A_468] {strides = array<i32>} : memref<128xi32, #tpu.memory_space<vmem>>, vector<16xi32>,
        %swap3A_470 = vector.shape_cast %swap3A_469 : vector<16xi32> to vector<16xi32>
        %swap3A_471 = vector.shape_cast %and3A_463 : vector<16xi32> to vector<16xi32>
        tpu.vector_store %swap3A_467[%swap3A_468], %swap3A_471 {strides = array<i32>} : memref<128xi32, #tpu.memory_space<vmem>>, vector<16xi32>,
        %shift_right_logical3A_472 = arith.constant 16 : i32
        %shift_right_logical3A_473 = vector.broadcast %shift_right_logical3A_472 : i32 to vector<16xi32>
        %shift_right_logical3A_474 = arith.shrui %get3A_460, %shift_right_logical3A_473 : vector<16xi32>
        %swap3A_475 = arith.constant 0 : i32
        %swap3A_476 = arith.constant 0 : i32
        %swap3A_477 = tpu.memref_slice %arg8[%swap3A_475, %swap3A_476] : memref<2x128xi32, #tpu.memory_space<vmem>> -> memref<1x128xi32, #tpu.memory_space<vmem>>
        %swap3A_478 = tpu.memref_squeeze %swap3A_477 : memref<1x128xi32, #tpu.memory_space<vmem>> -> memref<128xi32, #tpu.memory_space<vmem>>
        %swap3A_479 = arith.constant 32 : index
        %swap3A_480 = tpu.vector_load %swap3A_478[%swap3A_479] {strides = array<i32>} : memref<128xi32, #tpu.memory_space<vmem>>, vector<16xi32>,
        %swap3A_481 = vector.shape_cast %swap3A_480 : vector<16xi32> to vector<16xi32>
        %swap3A_482 = vector.shape_cast %shift_right_logical3A_474 : vector<16xi32> to vector<16xi32>
        tpu.vector_store %swap3A_478[%swap3A_479], %swap3A_482 {strides = array<i32>} : memref<128xi32, #tpu.memory_space<vmem>>, vector<16xi32>,
        %add3A_483 = arith.addi %add3A_395, %sub3A : i32
        %get3A_484 = arith.constant 0 : i32
        %get3A_485 = tpu.memref_slice %arg6[%add3A_483, %get3A_484] : memref<80x128xi32, #tpu.memory_space<vmem>> -> memref<1x128xi32, #tpu.memory_space<vmem>>
        %get3A_486 = tpu.memref_squeeze %get3A_485 : memref<1x128xi32, #tpu.memory_space<vmem>> -> memref<128xi32, #tpu.memory_space<vmem>>
        %get3A_487 = arith.constant 48 : index
        %get3A_488 = tpu.vector_load %get3A_486[%get3A_487] {strides = array<i32>} : memref<128xi32, #tpu.memory_space<vmem>>, vector<16xi32>,
        %get3A_489 = vector.shape_cast %get3A_488 : vector<16xi32> to vector<16xi32>
        %and3A_490 = arith.constant 65535 : i32
        %and3A_491 = vector.broadcast %and3A_490 : i32 to vector<16xi32>
        %and3A_492 = arith.andi %get3A_489, %and3A_491 : vector<16xi32>
        %swap3A_493 = arith.constant 0 : i32
        %swap3A_494 = arith.constant 0 : i32
        %swap3A_495 = tpu.memref_slice %arg7[%swap3A_493, %swap3A_494] : memref<2x128xi32, #tpu.memory_space<vmem>> -> memref<1x128xi32, #tpu.memory_space<vmem>>
        %swap3A_496 = tpu.memref_squeeze %swap3A_495 : memref<1x128xi32, #tpu.memory_space<vmem>> -> memref<128xi32, #tpu.memory_space<vmem>>
        %swap3A_497 = arith.constant 48 : index
        %swap3A_498 = tpu.vector_load %swap3A_496[%swap3A_497] {strides = array<i32>} : memref<128xi32, #tpu.memory_space<vmem>>, vector<16xi32>,
        %swap3A_499 = vector.shape_cast %swap3A_498 : vector<16xi32> to vector<16xi32>
        %swap3A_500 = vector.shape_cast %and3A_492 : vector<16xi32> to vector<16xi32>
        tpu.vector_store %swap3A_496[%swap3A_497], %swap3A_500 {strides = array<i32>} : memref<128xi32, #tpu.memory_space<vmem>>, vector<16xi32>,
        %shift_right_logical3A_501 = arith.constant 16 : i32
        %shift_right_logical3A_502 = vector.broadcast %shift_right_logical3A_501 : i32 to vector<16xi32>
        %shift_right_logical3A_503 = arith.shrui %get3A_489, %shift_right_logical3A_502 : vector<16xi32>
        %swap3A_504 = arith.constant 0 : i32
        %swap3A_505 = arith.constant 0 : i32
        %swap3A_506 = tpu.memref_slice %arg8[%swap3A_504, %swap3A_505] : memref<2x128xi32, #tpu.memory_space<vmem>> -> memref<1x128xi32, #tpu.memory_space<vmem>>
        %swap3A_507 = tpu.memref_squeeze %swap3A_506 : memref<1x128xi32, #tpu.memory_space<vmem>> -> memref<128xi32, #tpu.memory_space<vmem>>
        %swap3A_508 = arith.constant 48 : index
        %swap3A_509 = tpu.vector_load %swap3A_507[%swap3A_508] {strides = array<i32>} : memref<128xi32, #tpu.memory_space<vmem>>, vector<16xi32>,
        %swap3A_510 = vector.shape_cast %swap3A_509 : vector<16xi32> to vector<16xi32>
        %swap3A_511 = vector.shape_cast %shift_right_logical3A_503 : vector<16xi32> to vector<16xi32>
        tpu.vector_store %swap3A_507[%swap3A_508], %swap3A_511 {strides = array<i32>} : memref<128xi32, #tpu.memory_space<vmem>>, vector<16xi32>,
        %add3A_512 = arith.addi %add3A_395, %sub3A : i32
        %get3A_513 = arith.constant 0 : i32
        %get3A_514 = tpu.memref_slice %arg6[%add3A_512, %get3A_513] : memref<80x128xi32, #tpu.memory_space<vmem>> -> memref<1x128xi32, #tpu.memory_space<vmem>>
        %get3A_515 = tpu.memref_squeeze %get3A_514 : memref<1x128xi32, #tpu.memory_space<vmem>> -> memref<128xi32, #tpu.memory_space<vmem>>
        %get3A_516 = arith.constant 64 : index
        %get3A_517 = tpu.vector_load %get3A_515[%get3A_516] {strides = array<i32>} : memref<128xi32, #tpu.memory_space<vmem>>, vector<16xi32>,
        %get3A_518 = vector.shape_cast %get3A_517 : vector<16xi32> to vector<16xi32>
        %and3A_519 = arith.constant 65535 : i32
        %and3A_520 = vector.broadcast %and3A_519 : i32 to vector<16xi32>
        %and3A_521 = arith.andi %get3A_518, %and3A_520 : vector<16xi32>
        %swap3A_522 = arith.constant 0 : i32
        %swap3A_523 = arith.constant 0 : i32
        %swap3A_524 = tpu.memref_slice %arg7[%swap3A_522, %swap3A_523] : memref<2x128xi32, #tpu.memory_space<vmem>> -> memref<1x128xi32, #tpu.memory_space<vmem>>
        %swap3A_525 = tpu.memref_squeeze %swap3A_524 : memref<1x128xi32, #tpu.memory_space<vmem>> -> memref<128xi32, #tpu.memory_space<vmem>>
        %swap3A_526 = arith.constant 64 : index
        %swap3A_527 = tpu.vector_load %swap3A_525[%swap3A_526] {strides = array<i32>} : memref<128xi32, #tpu.memory_space<vmem>>, vector<16xi32>,
        %swap3A_528 = vector.shape_cast %swap3A_527 : vector<16xi32> to vector<16xi32>
        %swap3A_529 = vector.shape_cast %and3A_521 : vector<16xi32> to vector<16xi32>
        tpu.vector_store %swap3A_525[%swap3A_526], %swap3A_529 {strides = array<i32>} : memref<128xi32, #tpu.memory_space<vmem>>, vector<16xi32>,
        %shift_right_logical3A_530 = arith.constant 16 : i32
        %shift_right_logical3A_531 = vector.broadcast %shift_right_logical3A_530 : i32 to vector<16xi32>
        %shift_right_logical3A_532 = arith.shrui %get3A_518, %shift_right_logical3A_531 : vector<16xi32>
        %swap3A_533 = arith.constant 0 : i32
        %swap3A_534 = arith.constant 0 : i32
        %swap3A_535 = tpu.memref_slice %arg8[%swap3A_533, %swap3A_534] : memref<2x128xi32, #tpu.memory_space<vmem>> -> memref<1x128xi32, #tpu.memory_space<vmem>>
        %swap3A_536 = tpu.memref_squeeze %swap3A_535 : memref<1x128xi32, #tpu.memory_space<vmem>> -> memref<128xi32, #tpu.memory_space<vmem>>
        %swap3A_537 = arith.constant 64 : index
        %swap3A_538 = tpu.vector_load %swap3A_536[%swap3A_537] {strides = array<i32>} : memref<128xi32, #tpu.memory_space<vmem>>, vector<16xi32>,
        %swap3A_539 = vector.shape_cast %swap3A_538 : vector<16xi32> to vector<16xi32>
        %swap3A_540 = vector.shape_cast %shift_right_logical3A_532 : vector<16xi32> to vector<16xi32>
        tpu.vector_store %swap3A_536[%swap3A_537], %swap3A_540 {strides = array<i32>} : memref<128xi32, #tpu.memory_space<vmem>>, vector<16xi32>,
        %add3A_541 = arith.addi %add3A_395, %sub3A : i32
        %get3A_542 = arith.constant 0 : i32
        %get3A_543 = tpu.memref_slice %arg6[%add3A_541, %get3A_542] : memref<80x128xi32, #tpu.memory_space<vmem>> -> memref<1x128xi32, #tpu.memory_space<vmem>>
        %get3A_544 = tpu.memref_squeeze %get3A_543 : memref<1x128xi32, #tpu.memory_space<vmem>> -> memref<128xi32, #tpu.memory_space<vmem>>
        %get3A_545 = arith.constant 80 : index
        %get3A_546 = tpu.vector_load %get3A_544[%get3A_545] {strides = array<i32>} : memref<128xi32, #tpu.memory_space<vmem>>, vector<16xi32>,
        %get3A_547 = vector.shape_cast %get3A_546 : vector<16xi32> to vector<16xi32>
        %and3A_548 = arith.constant 65535 : i32
        %and3A_549 = vector.broadcast %and3A_548 : i32 to vector<16xi32>
        %and3A_550 = arith.andi %get3A_547, %and3A_549 : vector<16xi32>
        %swap3A_551 = arith.constant 0 : i32
        %swap3A_552 = arith.constant 0 : i32
        %swap3A_553 = tpu.memref_slice %arg7[%swap3A_551, %swap3A_552] : memref<2x128xi32, #tpu.memory_space<vmem>> -> memref<1x128xi32, #tpu.memory_space<vmem>>
        %swap3A_554 = tpu.memref_squeeze %swap3A_553 : memref<1x128xi32, #tpu.memory_space<vmem>> -> memref<128xi32, #tpu.memory_space<vmem>>
        %swap3A_555 = arith.constant 80 : index
        %swap3A_556 = tpu.vector_load %swap3A_554[%swap3A_555] {strides = array<i32>} : memref<128xi32, #tpu.memory_space<vmem>>, vector<16xi32>,
        %swap3A_557 = vector.shape_cast %swap3A_556 : vector<16xi32> to vector<16xi32>
        %swap3A_558 = vector.shape_cast %and3A_550 : vector<16xi32> to vector<16xi32>
        tpu.vector_store %swap3A_554[%swap3A_555], %swap3A_558 {strides = array<i32>} : memref<128xi32, #tpu.memory_space<vmem>>, vector<16xi32>,
        %shift_right_logical3A_559 = arith.constant 16 : i32
        %shift_right_logical3A_560 = vector.broadcast %shift_right_logical3A_559 : i32 to vector<16xi32>
        %shift_right_logical3A_561 = arith.shrui %get3A_547, %shift_right_logical3A_560 : vector<16xi32>
        %swap3A_562 = arith.constant 0 : i32
        %swap3A_563 = arith.constant 0 : i32
        %swap3A_564 = tpu.memref_slice %arg8[%swap3A_562, %swap3A_563] : memref<2x128xi32, #tpu.memory_space<vmem>> -> memref<1x128xi32, #tpu.memory_space<vmem>>
        %swap3A_565 = tpu.memref_squeeze %swap3A_564 : memref<1x128xi32, #tpu.memory_space<vmem>> -> memref<128xi32, #tpu.memory_space<vmem>>
        %swap3A_566 = arith.constant 80 : index
        %swap3A_567 = tpu.vector_load %swap3A_565[%swap3A_566] {strides = array<i32>} : memref<128xi32, #tpu.memory_space<vmem>>, vector<16xi32>,
        %swap3A_568 = vector.shape_cast %swap3A_567 : vector<16xi32> to vector<16xi32>
        %swap3A_569 = vector.shape_cast %shift_right_logical3A_561 : vector<16xi32> to vector<16xi32>
        tpu.vector_store %swap3A_565[%swap3A_566], %swap3A_569 {strides = array<i32>} : memref<128xi32, #tpu.memory_space<vmem>>, vector<16xi32>,
        %add3A_570 = arith.addi %add3A_395, %sub3A : i32
        %get3A_571 = arith.constant 0 : i32
        %get3A_572 = tpu.memref_slice %arg6[%add3A_570, %get3A_571] : memref<80x128xi32, #tpu.memory_space<vmem>> -> memref<1x128xi32, #tpu.memory_space<vmem>>
        %get3A_573 = tpu.memref_squeeze %get3A_572 : memref<1x128xi32, #tpu.memory_space<vmem>> -> memref<128xi32, #tpu.memory_space<vmem>>
        %get3A_574 = arith.constant 96 : index
        %get3A_575 = tpu.vector_load %get3A_573[%get3A_574] {strides = array<i32>} : memref<128xi32, #tpu.memory_space<vmem>>, vector<16xi32>,
        %get3A_576 = vector.shape_cast %get3A_575 : vector<16xi32> to vector<16xi32>
        %and3A_577 = arith.constant 65535 : i32
        %and3A_578 = vector.broadcast %and3A_577 : i32 to vector<16xi32>
        %and3A_579 = arith.andi %get3A_576, %and3A_578 : vector<16xi32>
        %swap3A_580 = arith.constant 0 : i32
        %swap3A_581 = arith.constant 0 : i32
        %swap3A_582 = tpu.memref_slice %arg7[%swap3A_580, %swap3A_581] : memref<2x128xi32, #tpu.memory_space<vmem>> -> memref<1x128xi32, #tpu.memory_space<vmem>>
        %swap3A_583 = tpu.memref_squeeze %swap3A_582 : memref<1x128xi32, #tpu.memory_space<vmem>> -> memref<128xi32, #tpu.memory_space<vmem>>
        %swap3A_584 = arith.constant 96 : index
        %swap3A_585 = tpu.vector_load %swap3A_583[%swap3A_584] {strides = array<i32>} : memref<128xi32, #tpu.memory_space<vmem>>, vector<16xi32>,
        %swap3A_586 = vector.shape_cast %swap3A_585 : vector<16xi32> to vector<16xi32>
        %swap3A_587 = vector.shape_cast %and3A_579 : vector<16xi32> to vector<16xi32>
        tpu.vector_store %swap3A_583[%swap3A_584], %swap3A_587 {strides = array<i32>} : memref<128xi32, #tpu.memory_space<vmem>>, vector<16xi32>,
        %shift_right_logical3A_588 = arith.constant 16 : i32
        %shift_right_logical3A_589 = vector.broadcast %shift_right_logical3A_588 : i32 to vector<16xi32>
        %shift_right_logical3A_590 = arith.shrui %get3A_576, %shift_right_logical3A_589 : vector<16xi32>
        %swap3A_591 = arith.constant 0 : i32
        %swap3A_592 = arith.constant 0 : i32
        %swap3A_593 = tpu.memref_slice %arg8[%swap3A_591, %swap3A_592] : memref<2x128xi32, #tpu.memory_space<vmem>> -> memref<1x128xi32, #tpu.memory_space<vmem>>
        %swap3A_594 = tpu.memref_squeeze %swap3A_593 : memref<1x128xi32, #tpu.memory_space<vmem>> -> memref<128xi32, #tpu.memory_space<vmem>>
        %swap3A_595 = arith.constant 96 : index
        %swap3A_596 = tpu.vector_load %swap3A_594[%swap3A_595] {strides = array<i32>} : memref<128xi32, #tpu.memory_space<vmem>>, vector<16xi32>,
        %swap3A_597 = vector.shape_cast %swap3A_596 : vector<16xi32> to vector<16xi32>
        %swap3A_598 = vector.shape_cast %shift_right_logical3A_590 : vector<16xi32> to vector<16xi32>
        tpu.vector_store %swap3A_594[%swap3A_595], %swap3A_598 {strides = array<i32>} : memref<128xi32, #tpu.memory_space<vmem>>, vector<16xi32>,
        %add3A_599 = arith.addi %add3A_395, %sub3A : i32
        %get3A_600 = arith.constant 0 : i32
        %get3A_601 = tpu.memref_slice %arg6[%add3A_599, %get3A_600] : memref<80x128xi32, #tpu.memory_space<vmem>> -> memref<1x128xi32, #tpu.memory_space<vmem>>
        %get3A_602 = tpu.memref_squeeze %get3A_601 : memref<1x128xi32, #tpu.memory_space<vmem>> -> memref<128xi32, #tpu.memory_space<vmem>>
        %get3A_603 = arith.constant 112 : index
        %get3A_604 = tpu.vector_load %get3A_602[%get3A_603] {strides = array<i32>} : memref<128xi32, #tpu.memory_space<vmem>>, vector<16xi32>,
        %get3A_605 = vector.shape_cast %get3A_604 : vector<16xi32> to vector<16xi32>
        %and3A_606 = arith.constant 65535 : i32
        %and3A_607 = vector.broadcast %and3A_606 : i32 to vector<16xi32>
        %and3A_608 = arith.andi %get3A_605, %and3A_607 : vector<16xi32>
        %swap3A_609 = arith.constant 0 : i32
        %swap3A_610 = arith.constant 0 : i32
        %swap3A_611 = tpu.memref_slice %arg7[%swap3A_609, %swap3A_610] : memref<2x128xi32, #tpu.memory_space<vmem>> -> memref<1x128xi32, #tpu.memory_space<vmem>>
        %swap3A_612 = tpu.memref_squeeze %swap3A_611 : memref<1x128xi32, #tpu.memory_space<vmem>> -> memref<128xi32, #tpu.memory_space<vmem>>
        %swap3A_613 = arith.constant 112 : index
        %swap3A_614 = tpu.vector_load %swap3A_612[%swap3A_613] {strides = array<i32>} : memref<128xi32, #tpu.memory_space<vmem>>, vector<16xi32>,
        %swap3A_615 = vector.shape_cast %swap3A_614 : vector<16xi32> to vector<16xi32>
        %swap3A_616 = vector.shape_cast %and3A_608 : vector<16xi32> to vector<16xi32>
        tpu.vector_store %swap3A_612[%swap3A_613], %swap3A_616 {strides = array<i32>} : memref<128xi32, #tpu.memory_space<vmem>>, vector<16xi32>,
        %shift_right_logical3A_617 = arith.constant 16 : i32
        %shift_right_logical3A_618 = vector.broadcast %shift_right_logical3A_617 : i32 to vector<16xi32>
        %shift_right_logical3A_619 = arith.shrui %get3A_605, %shift_right_logical3A_618 : vector<16xi32>
        %swap3A_620 = arith.constant 0 : i32
        %swap3A_621 = arith.constant 0 : i32
        %swap3A_622 = tpu.memref_slice %arg8[%swap3A_620, %swap3A_621] : memref<2x128xi32, #tpu.memory_space<vmem>> -> memref<1x128xi32, #tpu.memory_space<vmem>>
        %swap3A_623 = tpu.memref_squeeze %swap3A_622 : memref<1x128xi32, #tpu.memory_space<vmem>> -> memref<128xi32, #tpu.memory_space<vmem>>
        %swap3A_624 = arith.constant 112 : index
        %swap3A_625 = tpu.vector_load %swap3A_623[%swap3A_624] {strides = array<i32>} : memref<128xi32, #tpu.memory_space<vmem>>, vector<16xi32>,
        %swap3A_626 = vector.shape_cast %swap3A_625 : vector<16xi32> to vector<16xi32>
        %swap3A_627 = vector.shape_cast %shift_right_logical3A_619 : vector<16xi32> to vector<16xi32>
        tpu.vector_store %swap3A_623[%swap3A_624], %swap3A_627 {strides = array<i32>} : memref<128xi32, #tpu.memory_space<vmem>>, vector<16xi32>,
        %dma_start3A_628 = arith.constant 0 : i32
        %dma_start3A_629 = arith.constant 0 : i32
        %dma_start3A_630 = tpu.memref_slice %arg7[%dma_start3A_628, %dma_start3A_629] : memref<2x128xi32, #tpu.memory_space<vmem>> -> memref<1x128xi32, #tpu.memory_space<vmem>>
        %dma_start3A_631 = tpu.memref_squeeze %dma_start3A_630 : memref<1x128xi32, #tpu.memory_space<vmem>> -> memref<128xi32, #tpu.memory_space<vmem>>
        %dma_start3A_632 = arith.constant 0 : i32
        %dma_start3A_633 = arith.constant 0 : i32
        %dma_start3A_634 = tpu.memref_slice %arg12[%dma_start3A_632, %dma_start3A_633] : memref<10112x64xf32, #tpu.memory_space<vmem_shared>> -> memref<10112x64xf32, #tpu.memory_space<vmem_shared>>
        tpu.enqueue_indirect_dma source(%dma_start3A_634 : memref<10112x64xf32, #tpu.memory_space<vmem_shared>>) target(%arg9 : memref<128x64xf32, #tpu.memory_space<vmem>>) offsets(%dma_start3A_631 : memref<128xi32, #tpu.memory_space<vmem>>) semaphore(%arg13 : memref<!tpu.dma_semaphore, #tpu.memory_space<semaphore_mem>>)
      } else {
      }
      %dma_wait3A_386 = arith.constant 1 : i32
      %dma_wait3A_387 = arith.constant 0 : i32
      %dma_wait3A_388 = tpu.memref_slice %arg7[%dma_wait3A_386, %dma_wait3A_387] : memref<2x128xi32, #tpu.memory_space<vmem>> -> memref<1x128xi32, #tpu.memory_space<vmem>>
      %dma_wait3A_389 = tpu.memref_squeeze %dma_wait3A_388 : memref<1x128xi32, #tpu.memory_space<vmem>> -> memref<128xi32, #tpu.memory_space<vmem>>
      %dma_wait3A_390 = arith.constant 0 : i32
      %dma_wait3A_391 = arith.constant 0 : i32
      %dma_wait3A_392 = tpu.memref_slice %arg12[%dma_wait3A_390, %dma_wait3A_391] : memref<10112x64xf32, #tpu.memory_space<vmem_shared>> -> memref<10112x64xf32, #tpu.memory_space<vmem_shared>>
      tpu.wait_indirect_dma semaphore(%arg14 : memref<!tpu.dma_semaphore, #tpu.memory_space<semaphore_mem>>) src(%dma_wait3A_392 : memref<10112x64xf32, #tpu.memory_space<vmem_shared>>) dst(%arg10 : memref<128x64xf32, #tpu.memory_space<vmem>>)
      %run_scoped3A_393 = arith.constant 1 : i32
      "tpu.region"() ({
        %run_scoped3A_394 = tpu.sem_alloc : memref<!tpu.dma_semaphore, #tpu.memory_space<semaphore_mem>>
        %dma_start3A_395 = arith.constant 0 : i32
        %dma_start3A_396 = tpu.memref_slice %arg8[%run_scoped3A_393, %dma_start3A_395] : memref<2x128xi32, #tpu.memory_space<vmem>> -> memref<1x128xi32, #tpu.memory_space<vmem>>
        %dma_start3A_397 = tpu.memref_squeeze %dma_start3A_396 : memref<1x128xi32, #tpu.memory_space<vmem>> -> memref<128xi32, #tpu.memory_space<vmem>>
        %dma_start3A_398 = arith.constant 0 : i32
        %dma_start3A_399 = arith.constant 0 : i32
        %dma_start3A_400 = tpu.memref_slice %arg11[%dma_start3A_398, %dma_start3A_399] : memref<10112x64xf32, #tpu.memory_space<vmem_shared>> -> memref<10112x64xf32, #tpu.memory_space<vmem_shared>>
        tpu.enqueue_indirect_dma source(%arg10 : memref<128x64xf32, #tpu.memory_space<vmem>>) target(%dma_start3A_400 : memref<10112x64xf32, #tpu.memory_space<vmem_shared>>) offsets(%dma_start3A_397 : memref<128xi32, #tpu.memory_space<vmem>>) semaphore(%run_scoped3A_394 : memref<!tpu.dma_semaphore, #tpu.memory_space<semaphore_mem>>) {add = true}
        %dma_wait3A_401 = arith.constant 0 : i32
        %dma_wait3A_402 = tpu.memref_slice %arg8[%run_scoped3A_393, %dma_wait3A_401] : memref<2x128xi32, #tpu.memory_space<vmem>> -> memref<1x128xi32, #tpu.memory_space<vmem>>
        %dma_wait3A_403 = tpu.memref_squeeze %dma_wait3A_402 : memref<1x128xi32, #tpu.memory_space<vmem>> -> memref<128xi32, #tpu.memory_space<vmem>>
        %dma_wait3A_404 = arith.constant 0 : i32
        %dma_wait3A_405 = arith.constant 0 : i32
        %dma_wait3A_406 = tpu.memref_slice %arg11[%dma_wait3A_404, %dma_wait3A_405] : memref<10112x64xf32, #tpu.memory_space<vmem_shared>> -> memref<10112x64xf32, #tpu.memory_space<vmem_shared>>
        tpu.wait_indirect_dma semaphore(%run_scoped3A_394 : memref<!tpu.dma_semaphore, #tpu.memory_space<semaphore_mem>>) src(%arg10 : memref<128x64xf32, #tpu.memory_space<vmem>>) dst(%dma_wait3A_406 : memref<10112x64xf32, #tpu.memory_space<vmem_shared>>)
        tpu.yield
      }) : () -> ()
    }
    %while3A_52 = arith.constant 1 : i32
    scf.for %while3A_111 = %while3A_50 to %while3A_46 step %while3A_52  : i32 {
      %mul3A_112 = arith.constant 2 : i32
      %mul3A_113 = arith.muli %mul3A_112, %while3A_111 : i32
      %add3A_114 = arith.constant 1 : i32
      %add3A_115 = arith.addi %mul3A_113, %add3A_114 : i32
      %add3A_116 = arith.addi %add3A_115, %sub3A : i32
      %get3A = arith.constant 0 : i32
      %get3A_117 = tpu.memref_slice %arg6[%add3A_116, %get3A] : memref<80x128xi32, #tpu.memory_space<vmem>> -> memref<1x128xi32, #tpu.memory_space<vmem>>
      %get3A_118 = tpu.memref_squeeze %get3A_117 : memref<1x128xi32, #tpu.memory_space<vmem>> -> memref<128xi32, #tpu.memory_space<vmem>>
      %get3A_119 = arith.constant 0 : index
      %get3A_120 = tpu.vector_load %get3A_118[%get3A_119] {strides = array<i32>} : memref<128xi32, #tpu.memory_space<vmem>>, vector<16xi32>,
      %get3A_121 = vector.shape_cast %get3A_120 : vector<16xi32> to vector<16xi32>
      %and3A_122 = arith.constant 65535 : i32
      %and3A_123 = vector.broadcast %and3A_122 : i32 to vector<16xi32>
      %and3A_124 = arith.andi %get3A_121, %and3A_123 : vector<16xi32>
      %swap3A = arith.constant 1 : i32
      %swap3A_125 = arith.constant 0 : i32
      %swap3A_126 = tpu.memref_slice %arg7[%swap3A, %swap3A_125] : memref<2x128xi32, #tpu.memory_space<vmem>> -> memref<1x128xi32, #tpu.memory_space<vmem>>
      %swap3A_127 = tpu.memref_squeeze %swap3A_126 : memref<1x128xi32, #tpu.memory_space<vmem>> -> memref<128xi32, #tpu.memory_space<vmem>>
      %swap3A_128 = arith.constant 0 : index
      %swap3A_129 = tpu.vector_load %swap3A_127[%swap3A_128] {strides = array<i32>} : memref<128xi32, #tpu.memory_space<vmem>>, vector<16xi32>,
      %swap3A_130 = vector.shape_cast %swap3A_129 : vector<16xi32> to vector<16xi32>
      %swap3A_131 = vector.shape_cast %and3A_124 : vector<16xi32> to vector<16xi32>
      tpu.vector_store %swap3A_127[%swap3A_128], %swap3A_131 {strides = array<i32>} : memref<128xi32, #tpu.memory_space<vmem>>, vector<16xi32>,
      %shift_right_logical3A = arith.constant 16 : i32
      %shift_right_logical3A_132 = vector.broadcast %shift_right_logical3A : i32 to vector<16xi32>
      %shift_right_logical3A_133 = arith.shrui %get3A_121, %shift_right_logical3A_132 : vector<16xi32>
      %swap3A_134 = arith.constant 1 : i32
      %swap3A_135 = arith.constant 0 : i32
      %swap3A_136 = tpu.memref_slice %arg8[%swap3A_134, %swap3A_135] : memref<2x128xi32, #tpu.memory_space<vmem>> -> memref<1x128xi32, #tpu.memory_space<vmem>>
      %swap3A_137 = tpu.memref_squeeze %swap3A_136 : memref<1x128xi32, #tpu.memory_space<vmem>> -> memref<128xi32, #tpu.memory_space<vmem>>
      %swap3A_138 = arith.constant 0 : index
      %swap3A_139 = tpu.vector_load %swap3A_137[%swap3A_138] {strides = array<i32>} : memref<128xi32, #tpu.memory_space<vmem>>, vector<16xi32>,
      %swap3A_140 = vector.shape_cast %swap3A_139 : vector<16xi32> to vector<16xi32>
      %swap3A_141 = vector.shape_cast %shift_right_logical3A_133 : vector<16xi32> to vector<16xi32>
      tpu.vector_store %swap3A_137[%swap3A_138], %swap3A_141 {strides = array<i32>} : memref<128xi32, #tpu.memory_space<vmem>>, vector<16xi32>,
      %add3A_142 = arith.addi %add3A_115, %sub3A : i32
      %get3A_143 = arith.constant 0 : i32
      %get3A_144 = tpu.memref_slice %arg6[%add3A_142, %get3A_143] : memref<80x128xi32, #tpu.memory_space<vmem>> -> memref<1x128xi32, #tpu.memory_space<vmem>>
      %get3A_145 = tpu.memref_squeeze %get3A_144 : memref<1x128xi32, #tpu.memory_space<vmem>> -> memref<128xi32, #tpu.memory_space<vmem>>
      %get3A_146 = arith.constant 16 : index
      %get3A_147 = tpu.vector_load %get3A_145[%get3A_146] {strides = array<i32>} : memref<128xi32, #tpu.memory_space<vmem>>, vector<16xi32>,
      %get3A_148 = vector.shape_cast %get3A_147 : vector<16xi32> to vector<16xi32>
      %and3A_149 = arith.constant 65535 : i32
      %and3A_150 = vector.broadcast %and3A_149 : i32 to vector<16xi32>
      %and3A_151 = arith.andi %get3A_148, %and3A_150 : vector<16xi32>
      %swap3A_152 = arith.constant 1 : i32
      %swap3A_153 = arith.constant 0 : i32
      %swap3A_154 = tpu.memref_slice %arg7[%swap3A_152, %swap3A_153] : memref<2x128xi32, #tpu.memory_space<vmem>> -> memref<1x128xi32, #tpu.memory_space<vmem>>
      %swap3A_155 = tpu.memref_squeeze %swap3A_154 : memref<1x128xi32, #tpu.memory_space<vmem>> -> memref<128xi32, #tpu.memory_space<vmem>>
      %swap3A_156 = arith.constant 16 : index
      %swap3A_157 = tpu.vector_load %swap3A_155[%swap3A_156] {strides = array<i32>} : memref<128xi32, #tpu.memory_space<vmem>>, vector<16xi32>,
      %swap3A_158 = vector.shape_cast %swap3A_157 : vector<16xi32> to vector<16xi32>
      %swap3A_159 = vector.shape_cast %and3A_151 : vector<16xi32> to vector<16xi32>
      tpu.vector_store %swap3A_155[%swap3A_156], %swap3A_159 {strides = array<i32>} : memref<128xi32, #tpu.memory_space<vmem>>, vector<16xi32>,
      %shift_right_logical3A_160 = arith.constant 16 : i32
      %shift_right_logical3A_161 = vector.broadcast %shift_right_logical3A_160 : i32 to vector<16xi32>
      %shift_right_logical3A_162 = arith.shrui %get3A_148, %shift_right_logical3A_161 : vector<16xi32>
      %swap3A_163 = arith.constant 1 : i32
      %swap3A_164 = arith.constant 0 : i32
      %swap3A_165 = tpu.memref_slice %arg8[%swap3A_163, %swap3A_164] : memref<2x128xi32, #tpu.memory_space<vmem>> -> memref<1x128xi32, #tpu.memory_space<vmem>>
      %swap3A_166 = tpu.memref_squeeze %swap3A_165 : memref<1x128xi32, #tpu.memory_space<vmem>> -> memref<128xi32, #tpu.memory_space<vmem>>
      %swap3A_167 = arith.constant 16 : index
      %swap3A_168 = tpu.vector_load %swap3A_166[%swap3A_167] {strides = array<i32>} : memref<128xi32, #tpu.memory_space<vmem>>, vector<16xi32>,
      %swap3A_169 = vector.shape_cast %swap3A_168 : vector<16xi32> to vector<16xi32>
      %swap3A_170 = vector.shape_cast %shift_right_logical3A_162 : vector<16xi32> to vector<16xi32>
      tpu.vector_store %swap3A_166[%swap3A_167], %swap3A_170 {strides = array<i32>} : memref<128xi32, #tpu.memory_space<vmem>>, vector<16xi32>,
      %add3A_171 = arith.addi %add3A_115, %sub3A : i32
      %get3A_172 = arith.constant 0 : i32
      %get3A_173 = tpu.memref_slice %arg6[%add3A_171, %get3A_172] : memref<80x128xi32, #tpu.memory_space<vmem>> -> memref<1x128xi32, #tpu.memory_space<vmem>>
      %get3A_174 = tpu.memref_squeeze %get3A_173 : memref<1x128xi32, #tpu.memory_space<vmem>> -> memref<128xi32, #tpu.memory_space<vmem>>
      %get3A_175 = arith.constant 32 : index
      %get3A_176 = tpu.vector_load %get3A_174[%get3A_175] {strides = array<i32>} : memref<128xi32, #tpu.memory_space<vmem>>, vector<16xi32>,
      %get3A_177 = vector.shape_cast %get3A_176 : vector<16xi32> to vector<16xi32>
      %and3A_178 = arith.constant 65535 : i32
      %and3A_179 = vector.broadcast %and3A_178 : i32 to vector<16xi32>
      %and3A_180 = arith.andi %get3A_177, %and3A_179 : vector<16xi32>
      %swap3A_181 = arith.constant 1 : i32
      %swap3A_182 = arith.constant 0 : i32
      %swap3A_183 = tpu.memref_slice %arg7[%swap3A_181, %swap3A_182] : memref<2x128xi32, #tpu.memory_space<vmem>> -> memref<1x128xi32, #tpu.memory_space<vmem>>
      %swap3A_184 = tpu.memref_squeeze %swap3A_183 : memref<1x128xi32, #tpu.memory_space<vmem>> -> memref<128xi32, #tpu.memory_space<vmem>>
      %swap3A_185 = arith.constant 32 : index
      %swap3A_186 = tpu.vector_load %swap3A_184[%swap3A_185] {strides = array<i32>} : memref<128xi32, #tpu.memory_space<vmem>>, vector<16xi32>,
      %swap3A_187 = vector.shape_cast %swap3A_186 : vector<16xi32> to vector<16xi32>
      %swap3A_188 = vector.shape_cast %and3A_180 : vector<16xi32> to vector<16xi32>
      tpu.vector_store %swap3A_184[%swap3A_185], %swap3A_188 {strides = array<i32>} : memref<128xi32, #tpu.memory_space<vmem>>, vector<16xi32>,
      %shift_right_logical3A_189 = arith.constant 16 : i32
      %shift_right_logical3A_190 = vector.broadcast %shift_right_logical3A_189 : i32 to vector<16xi32>
      %shift_right_logical3A_191 = arith.shrui %get3A_177, %shift_right_logical3A_190 : vector<16xi32>
      %swap3A_192 = arith.constant 1 : i32
      %swap3A_193 = arith.constant 0 : i32
      %swap3A_194 = tpu.memref_slice %arg8[%swap3A_192, %swap3A_193] : memref<2x128xi32, #tpu.memory_space<vmem>> -> memref<1x128xi32, #tpu.memory_space<vmem>>
      %swap3A_195 = tpu.memref_squeeze %swap3A_194 : memref<1x128xi32, #tpu.memory_space<vmem>> -> memref<128xi32, #tpu.memory_space<vmem>>
      %swap3A_196 = arith.constant 32 : index
      %swap3A_197 = tpu.vector_load %swap3A_195[%swap3A_196] {strides = array<i32>} : memref<128xi32, #tpu.memory_space<vmem>>, vector<16xi32>,
      %swap3A_198 = vector.shape_cast %swap3A_197 : vector<16xi32> to vector<16xi32>
      %swap3A_199 = vector.shape_cast %shift_right_logical3A_191 : vector<16xi32> to vector<16xi32>
      tpu.vector_store %swap3A_195[%swap3A_196], %swap3A_199 {strides = array<i32>} : memref<128xi32, #tpu.memory_space<vmem>>, vector<16xi32>,
      %add3A_200 = arith.addi %add3A_115, %sub3A : i32
      %get3A_201 = arith.constant 0 : i32
      %get3A_202 = tpu.memref_slice %arg6[%add3A_200, %get3A_201] : memref<80x128xi32, #tpu.memory_space<vmem>> -> memref<1x128xi32, #tpu.memory_space<vmem>>
      %get3A_203 = tpu.memref_squeeze %get3A_202 : memref<1x128xi32, #tpu.memory_space<vmem>> -> memref<128xi32, #tpu.memory_space<vmem>>
      %get3A_204 = arith.constant 48 : index
      %get3A_205 = tpu.vector_load %get3A_203[%get3A_204] {strides = array<i32>} : memref<128xi32, #tpu.memory_space<vmem>>, vector<16xi32>,
      %get3A_206 = vector.shape_cast %get3A_205 : vector<16xi32> to vector<16xi32>
      %and3A_207 = arith.constant 65535 : i32
      %and3A_208 = vector.broadcast %and3A_207 : i32 to vector<16xi32>
      %and3A_209 = arith.andi %get3A_206, %and3A_208 : vector<16xi32>
      %swap3A_210 = arith.constant 1 : i32
      %swap3A_211 = arith.constant 0 : i32
      %swap3A_212 = tpu.memref_slice %arg7[%swap3A_210, %swap3A_211] : memref<2x128xi32, #tpu.memory_space<vmem>> -> memref<1x128xi32, #tpu.memory_space<vmem>>
      %swap3A_213 = tpu.memref_squeeze %swap3A_212 : memref<1x128xi32, #tpu.memory_space<vmem>> -> memref<128xi32, #tpu.memory_space<vmem>>
      %swap3A_214 = arith.constant 48 : index
      %swap3A_215 = tpu.vector_load %swap3A_213[%swap3A_214] {strides = array<i32>} : memref<128xi32, #tpu.memory_space<vmem>>, vector<16xi32>,
      %swap3A_216 = vector.shape_cast %swap3A_215 : vector<16xi32> to vector<16xi32>
      %swap3A_217 = vector.shape_cast %and3A_209 : vector<16xi32> to vector<16xi32>
      tpu.vector_store %swap3A_213[%swap3A_214], %swap3A_217 {strides = array<i32>} : memref<128xi32, #tpu.memory_space<vmem>>, vector<16xi32>,
      %shift_right_logical3A_218 = arith.constant 16 : i32
      %shift_right_logical3A_219 = vector.broadcast %shift_right_logical3A_218 : i32 to vector<16xi32>
      %shift_right_logical3A_220 = arith.shrui %get3A_206, %shift_right_logical3A_219 : vector<16xi32>
      %swap3A_221 = arith.constant 1 : i32
      %swap3A_222 = arith.constant 0 : i32
      %swap3A_223 = tpu.memref_slice %arg8[%swap3A_221, %swap3A_222] : memref<2x128xi32, #tpu.memory_space<vmem>> -> memref<1x128xi32, #tpu.memory_space<vmem>>
      %swap3A_224 = tpu.memref_squeeze %swap3A_223 : memref<1x128xi32, #tpu.memory_space<vmem>> -> memref<128xi32, #tpu.memory_space<vmem>>
      %swap3A_225 = arith.constant 48 : index
      %swap3A_226 = tpu.vector_load %swap3A_224[%swap3A_225] {strides = array<i32>} : memref<128xi32, #tpu.memory_space<vmem>>, vector<16xi32>,
      %swap3A_227 = vector.shape_cast %swap3A_226 : vector<16xi32> to vector<16xi32>
      %swap3A_228 = vector.shape_cast %shift_right_logical3A_220 : vector<16xi32> to vector<16xi32>
      tpu.vector_store %swap3A_224[%swap3A_225], %swap3A_228 {strides = array<i32>} : memref<128xi32, #tpu.memory_space<vmem>>, vector<16xi32>,
      %add3A_229 = arith.addi %add3A_115, %sub3A : i32
      %get3A_230 = arith.constant 0 : i32
      %get3A_231 = tpu.memref_slice %arg6[%add3A_229, %get3A_230] : memref<80x128xi32, #tpu.memory_space<vmem>> -> memref<1x128xi32, #tpu.memory_space<vmem>>
      %get3A_232 = tpu.memref_squeeze %get3A_231 : memref<1x128xi32, #tpu.memory_space<vmem>> -> memref<128xi32, #tpu.memory_space<vmem>>
      %get3A_233 = arith.constant 64 : index
      %get3A_234 = tpu.vector_load %get3A_232[%get3A_233] {strides = array<i32>} : memref<128xi32, #tpu.memory_space<vmem>>, vector<16xi32>,
      %get3A_235 = vector.shape_cast %get3A_234 : vector<16xi32> to vector<16xi32>
      %and3A_236 = arith.constant 65535 : i32
      %and3A_237 = vector.broadcast %and3A_236 : i32 to vector<16xi32>
      %and3A_238 = arith.andi %get3A_235, %and3A_237 : vector<16xi32>
      %swap3A_239 = arith.constant 1 : i32
      %swap3A_240 = arith.constant 0 : i32
      %swap3A_241 = tpu.memref_slice %arg7[%swap3A_239, %swap3A_240] : memref<2x128xi32, #tpu.memory_space<vmem>> -> memref<1x128xi32, #tpu.memory_space<vmem>>
      %swap3A_242 = tpu.memref_squeeze %swap3A_241 : memref<1x128xi32, #tpu.memory_space<vmem>> -> memref<128xi32, #tpu.memory_space<vmem>>
      %swap3A_243 = arith.constant 64 : index
      %swap3A_244 = tpu.vector_load %swap3A_242[%swap3A_243] {strides = array<i32>} : memref<128xi32, #tpu.memory_space<vmem>>, vector<16xi32>,
      %swap3A_245 = vector.shape_cast %swap3A_244 : vector<16xi32> to vector<16xi32>
      %swap3A_246 = vector.shape_cast %and3A_238 : vector<16xi32> to vector<16xi32>
      tpu.vector_store %swap3A_242[%swap3A_243], %swap3A_246 {strides = array<i32>} : memref<128xi32, #tpu.memory_space<vmem>>, vector<16xi32>,
      %shift_right_logical3A_247 = arith.constant 16 : i32
      %shift_right_logical3A_248 = vector.broadcast %shift_right_logical3A_247 : i32 to vector<16xi32>
      %shift_right_logical3A_249 = arith.shrui %get3A_235, %shift_right_logical3A_248 : vector<16xi32>
      %swap3A_250 = arith.constant 1 : i32
      %swap3A_251 = arith.constant 0 : i32
      %swap3A_252 = tpu.memref_slice %arg8[%swap3A_250, %swap3A_251] : memref<2x128xi32, #tpu.memory_space<vmem>> -> memref<1x128xi32, #tpu.memory_space<vmem>>
      %swap3A_253 = tpu.memref_squeeze %swap3A_252 : memref<1x128xi32, #tpu.memory_space<vmem>> -> memref<128xi32, #tpu.memory_space<vmem>>
      %swap3A_254 = arith.constant 64 : index
      %swap3A_255 = tpu.vector_load %swap3A_253[%swap3A_254] {strides = array<i32>} : memref<128xi32, #tpu.memory_space<vmem>>, vector<16xi32>,
      %swap3A_256 = vector.shape_cast %swap3A_255 : vector<16xi32> to vector<16xi32>
      %swap3A_257 = vector.shape_cast %shift_right_logical3A_249 : vector<16xi32> to vector<16xi32>
      tpu.vector_store %swap3A_253[%swap3A_254], %swap3A_257 {strides = array<i32>} : memref<128xi32, #tpu.memory_space<vmem>>, vector<16xi32>,
      %add3A_258 = arith.addi %add3A_115, %sub3A : i32
      %get3A_259 = arith.constant 0 : i32
      %get3A_260 = tpu.memref_slice %arg6[%add3A_258, %get3A_259] : memref<80x128xi32, #tpu.memory_space<vmem>> -> memref<1x128xi32, #tpu.memory_space<vmem>>
      %get3A_261 = tpu.memref_squeeze %get3A_260 : memref<1x128xi32, #tpu.memory_space<vmem>> -> memref<128xi32, #tpu.memory_space<vmem>>
      %get3A_262 = arith.constant 80 : index
      %get3A_263 = tpu.vector_load %get3A_261[%get3A_262] {strides = array<i32>} : memref<128xi32, #tpu.memory_space<vmem>>, vector<16xi32>,
      %get3A_264 = vector.shape_cast %get3A_263 : vector<16xi32> to vector<16xi32>
      %and3A_265 = arith.constant 65535 : i32
      %and3A_266 = vector.broadcast %and3A_265 : i32 to vector<16xi32>
      %and3A_267 = arith.andi %get3A_264, %and3A_266 : vector<16xi32>
      %swap3A_268 = arith.constant 1 : i32
      %swap3A_269 = arith.constant 0 : i32
      %swap3A_270 = tpu.memref_slice %arg7[%swap3A_268, %swap3A_269] : memref<2x128xi32, #tpu.memory_space<vmem>> -> memref<1x128xi32, #tpu.memory_space<vmem>>
      %swap3A_271 = tpu.memref_squeeze %swap3A_270 : memref<1x128xi32, #tpu.memory_space<vmem>> -> memref<128xi32, #tpu.memory_space<vmem>>
      %swap3A_272 = arith.constant 80 : index
      %swap3A_273 = tpu.vector_load %swap3A_271[%swap3A_272] {strides = array<i32>} : memref<128xi32, #tpu.memory_space<vmem>>, vector<16xi32>,
      %swap3A_274 = vector.shape_cast %swap3A_273 : vector<16xi32> to vector<16xi32>
      %swap3A_275 = vector.shape_cast %and3A_267 : vector<16xi32> to vector<16xi32>
      tpu.vector_store %swap3A_271[%swap3A_272], %swap3A_275 {strides = array<i32>} : memref<128xi32, #tpu.memory_space<vmem>>, vector<16xi32>,
      %shift_right_logical3A_276 = arith.constant 16 : i32
      %shift_right_logical3A_277 = vector.broadcast %shift_right_logical3A_276 : i32 to vector<16xi32>
      %shift_right_logical3A_278 = arith.shrui %get3A_264, %shift_right_logical3A_277 : vector<16xi32>
      %swap3A_279 = arith.constant 1 : i32
      %swap3A_280 = arith.constant 0 : i32
      %swap3A_281 = tpu.memref_slice %arg8[%swap3A_279, %swap3A_280] : memref<2x128xi32, #tpu.memory_space<vmem>> -> memref<1x128xi32, #tpu.memory_space<vmem>>
      %swap3A_282 = tpu.memref_squeeze %swap3A_281 : memref<1x128xi32, #tpu.memory_space<vmem>> -> memref<128xi32, #tpu.memory_space<vmem>>
      %swap3A_283 = arith.constant 80 : index
      %swap3A_284 = tpu.vector_load %swap3A_282[%swap3A_283] {strides = array<i32>} : memref<128xi32, #tpu.memory_space<vmem>>, vector<16xi32>,
      %swap3A_285 = vector.shape_cast %swap3A_284 : vector<16xi32> to vector<16xi32>
      %swap3A_286 = vector.shape_cast %shift_right_logical3A_278 : vector<16xi32> to vector<16xi32>
      tpu.vector_store %swap3A_282[%swap3A_283], %swap3A_286 {strides = array<i32>} : memref<128xi32, #tpu.memory_space<vmem>>, vector<16xi32>,
      %add3A_287 = arith.addi %add3A_115, %sub3A : i32
      %get3A_288 = arith.constant 0 : i32
      %get3A_289 = tpu.memref_slice %arg6[%add3A_287, %get3A_288] : memref<80x128xi32, #tpu.memory_space<vmem>> -> memref<1x128xi32, #tpu.memory_space<vmem>>
      %get3A_290 = tpu.memref_squeeze %get3A_289 : memref<1x128xi32, #tpu.memory_space<vmem>> -> memref<128xi32, #tpu.memory_space<vmem>>
      %get3A_291 = arith.constant 96 : index
      %get3A_292 = tpu.vector_load %get3A_290[%get3A_291] {strides = array<i32>} : memref<128xi32, #tpu.memory_space<vmem>>, vector<16xi32>,
      %get3A_293 = vector.shape_cast %get3A_292 : vector<16xi32> to vector<16xi32>
      %and3A_294 = arith.constant 65535 : i32
      %and3A_295 = vector.broadcast %and3A_294 : i32 to vector<16xi32>
      %and3A_296 = arith.andi %get3A_293, %and3A_295 : vector<16xi32>
      %swap3A_297 = arith.constant 1 : i32
      %swap3A_298 = arith.constant 0 : i32
      %swap3A_299 = tpu.memref_slice %arg7[%swap3A_297, %swap3A_298] : memref<2x128xi32, #tpu.memory_space<vmem>> -> memref<1x128xi32, #tpu.memory_space<vmem>>
      %swap3A_300 = tpu.memref_squeeze %swap3A_299 : memref<1x128xi32, #tpu.memory_space<vmem>> -> memref<128xi32, #tpu.memory_space<vmem>>
      %swap3A_301 = arith.constant 96 : index
      %swap3A_302 = tpu.vector_load %swap3A_300[%swap3A_301] {strides = array<i32>} : memref<128xi32, #tpu.memory_space<vmem>>, vector<16xi32>,
      %swap3A_303 = vector.shape_cast %swap3A_302 : vector<16xi32> to vector<16xi32>
      %swap3A_304 = vector.shape_cast %and3A_296 : vector<16xi32> to vector<16xi32>
      tpu.vector_store %swap3A_300[%swap3A_301], %swap3A_304 {strides = array<i32>} : memref<128xi32, #tpu.memory_space<vmem>>, vector<16xi32>,
      %shift_right_logical3A_305 = arith.constant 16 : i32
      %shift_right_logical3A_306 = vector.broadcast %shift_right_logical3A_305 : i32 to vector<16xi32>
      %shift_right_logical3A_307 = arith.shrui %get3A_293, %shift_right_logical3A_306 : vector<16xi32>
      %swap3A_308 = arith.constant 1 : i32
      %swap3A_309 = arith.constant 0 : i32
      %swap3A_310 = tpu.memref_slice %arg8[%swap3A_308, %swap3A_309] : memref<2x128xi32, #tpu.memory_space<vmem>> -> memref<1x128xi32, #tpu.memory_space<vmem>>
      %swap3A_311 = tpu.memref_squeeze %swap3A_310 : memref<1x128xi32, #tpu.memory_space<vmem>> -> memref<128xi32, #tpu.memory_space<vmem>>
      %swap3A_312 = arith.constant 96 : index
      %swap3A_313 = tpu.vector_load %swap3A_311[%swap3A_312] {strides = array<i32>} : memref<128xi32, #tpu.memory_space<vmem>>, vector<16xi32>,
      %swap3A_314 = vector.shape_cast %swap3A_313 : vector<16xi32> to vector<16xi32>
      %swap3A_315 = vector.shape_cast %shift_right_logical3A_307 : vector<16xi32> to vector<16xi32>
      tpu.vector_store %swap3A_311[%swap3A_312], %swap3A_315 {strides = array<i32>} : memref<128xi32, #tpu.memory_space<vmem>>, vector<16xi32>,
      %add3A_316 = arith.addi %add3A_115, %sub3A : i32
      %get3A_317 = arith.constant 0 : i32
      %get3A_318 = tpu.memref_slice %arg6[%add3A_316, %get3A_317] : memref<80x128xi32, #tpu.memory_space<vmem>> -> memref<1x128xi32, #tpu.memory_space<vmem>>
      %get3A_319 = tpu.memref_squeeze %get3A_318 : memref<1x128xi32, #tpu.memory_space<vmem>> -> memref<128xi32, #tpu.memory_space<vmem>>
      %get3A_320 = arith.constant 112 : index
      %get3A_321 = tpu.vector_load %get3A_319[%get3A_320] {strides = array<i32>} : memref<128xi32, #tpu.memory_space<vmem>>, vector<16xi32>,
      %get3A_322 = vector.shape_cast %get3A_321 : vector<16xi32> to vector<16xi32>
      %and3A_323 = arith.constant 65535 : i32
      %and3A_324 = vector.broadcast %and3A_323 : i32 to vector<16xi32>
      %and3A_325 = arith.andi %get3A_322, %and3A_324 : vector<16xi32>
      %swap3A_326 = arith.constant 1 : i32
      %swap3A_327 = arith.constant 0 : i32
      %swap3A_328 = tpu.memref_slice %arg7[%swap3A_326, %swap3A_327] : memref<2x128xi32, #tpu.memory_space<vmem>> -> memref<1x128xi32, #tpu.memory_space<vmem>>
      %swap3A_329 = tpu.memref_squeeze %swap3A_328 : memref<1x128xi32, #tpu.memory_space<vmem>> -> memref<128xi32, #tpu.memory_space<vmem>>
      %swap3A_330 = arith.constant 112 : index
      %swap3A_331 = tpu.vector_load %swap3A_329[%swap3A_330] {strides = array<i32>} : memref<128xi32, #tpu.memory_space<vmem>>, vector<16xi32>,
      %swap3A_332 = vector.shape_cast %swap3A_331 : vector<16xi32> to vector<16xi32>
      %swap3A_333 = vector.shape_cast %and3A_325 : vector<16xi32> to vector<16xi32>
      tpu.vector_store %swap3A_329[%swap3A_330], %swap3A_333 {strides = array<i32>} : memref<128xi32, #tpu.memory_space<vmem>>, vector<16xi32>,
      %shift_right_logical3A_334 = arith.constant 16 : i32
      %shift_right_logical3A_335 = vector.broadcast %shift_right_logical3A_334 : i32 to vector<16xi32>
      %shift_right_logical3A_336 = arith.shrui %get3A_322, %shift_right_logical3A_335 : vector<16xi32>
      %swap3A_337 = arith.constant 1 : i32
      %swap3A_338 = arith.constant 0 : i32
      %swap3A_339 = tpu.memref_slice %arg8[%swap3A_337, %swap3A_338] : memref<2x128xi32, #tpu.memory_space<vmem>> -> memref<1x128xi32, #tpu.memory_space<vmem>>
      %swap3A_340 = tpu.memref_squeeze %swap3A_339 : memref<1x128xi32, #tpu.memory_space<vmem>> -> memref<128xi32, #tpu.memory_space<vmem>>
      %swap3A_341 = arith.constant 112 : index
      %swap3A_342 = tpu.vector_load %swap3A_340[%swap3A_341] {strides = array<i32>} : memref<128xi32, #tpu.memory_space<vmem>>, vector<16xi32>,
      %swap3A_343 = vector.shape_cast %swap3A_342 : vector<16xi32> to vector<16xi32>
      %swap3A_344 = vector.shape_cast %shift_right_logical3A_336 : vector<16xi32> to vector<16xi32>
      tpu.vector_store %swap3A_340[%swap3A_341], %swap3A_344 {strides = array<i32>} : memref<128xi32, #tpu.memory_space<vmem>>, vector<16xi32>,
      %dma_start3A = arith.constant 1 : i32
      %dma_start3A_345 = arith.constant 0 : i32
      %dma_start3A_346 = tpu.memref_slice %arg7[%dma_start3A, %dma_start3A_345] : memref<2x128xi32, #tpu.memory_space<vmem>> -> memref<1x128xi32, #tpu.memory_space<vmem>>
      %dma_start3A_347 = tpu.memref_squeeze %dma_start3A_346 : memref<1x128xi32, #tpu.memory_space<vmem>> -> memref<128xi32, #tpu.memory_space<vmem>>
      %dma_start3A_348 = arith.constant 0 : i32
      %dma_start3A_349 = arith.constant 0 : i32
      %dma_start3A_350 = tpu.memref_slice %arg12[%dma_start3A_348, %dma_start3A_349] : memref<10112x64xf32, #tpu.memory_space<vmem_shared>> -> memref<10112x64xf32, #tpu.memory_space<vmem_shared>>
      tpu.enqueue_indirect_dma source(%dma_start3A_350 : memref<10112x64xf32, #tpu.memory_space<vmem_shared>>) target(%arg10 : memref<128x64xf32, #tpu.memory_space<vmem>>) offsets(%dma_start3A_347 : memref<128xi32, #tpu.memory_space<vmem>>) semaphore(%arg14 : memref<!tpu.dma_semaphore, #tpu.memory_space<semaphore_mem>>)
      %dma_wait3A = arith.constant 0 : i32
      %dma_wait3A_351 = arith.constant 0 : i32
      %dma_wait3A_352 = tpu.memref_slice %arg7[%dma_wait3A, %dma_wait3A_351] : memref<2x128xi32, #tpu.memory_space<vmem>> -> memref<1x128xi32, #tpu.memory_space<vmem>>
      %dma_wait3A_353 = tpu.memref_squeeze %dma_wait3A_352 : memref<1x128xi32, #tpu.memory_space<vmem>> -> memref<128xi32, #tpu.memory_space<vmem>>
      %dma_wait3A_354 = arith.constant 0 : i32
      %dma_wait3A_355 = arith.constant 0 : i32
      %dma_wait3A_356 = tpu.memref_slice %arg12[%dma_wait3A_354, %dma_wait3A_355] : memref<10112x64xf32, #tpu.memory_space<vmem_shared>> -> memref<10112x64xf32, #tpu.memory_space<vmem_shared>>
      tpu.wait_indirect_dma semaphore(%arg13 : memref<!tpu.dma_semaphore, #tpu.memory_space<semaphore_mem>>) src(%dma_wait3A_356 : memref<10112x64xf32, #tpu.memory_space<vmem_shared>>) dst(%arg9 : memref<128x64xf32, #tpu.memory_space<vmem>>)
      %run_scoped3A = arith.constant 0 : i32
      "tpu.region"() ({
        %run_scoped3A_394 = tpu.sem_alloc : memref<!tpu.dma_semaphore, #tpu.memory_space<semaphore_mem>>
        %dma_start3A_395 = arith.constant 0 : i32
        %dma_start3A_396 = tpu.memref_slice %arg8[%run_scoped3A, %dma_start3A_395] : memref<2x128xi32, #tpu.memory_space<vmem>> -> memref<1x128xi32, #tpu.memory_space<vmem>>
        %dma_start3A_397 = tpu.memref_squeeze %dma_start3A_396 : memref<1x128xi32, #tpu.memory_space<vmem>> -> memref<128xi32, #tpu.memory_space<vmem>>
        %dma_start3A_398 = arith.constant 0 : i32
        %dma_start3A_399 = arith.constant 0 : i32
        %dma_start3A_400 = tpu.memref_slice %arg11[%dma_start3A_398, %dma_start3A_399] : memref<10112x64xf32, #tpu.memory_space<vmem_shared>> -> memref<10112x64xf32, #tpu.memory_space<vmem_shared>>
        tpu.enqueue_indirect_dma source(%arg9 : memref<128x64xf32, #tpu.memory_space<vmem>>) target(%dma_start3A_400 : memref<10112x64xf32, #tpu.memory_space<vmem_shared>>) offsets(%dma_start3A_397 : memref<128xi32, #tpu.memory_space<vmem>>) semaphore(%run_scoped3A_394 : memref<!tpu.dma_semaphore, #tpu.memory_space<semaphore_mem>>) {add = true}
        %dma_wait3A_401 = arith.constant 0 : i32
        %dma_wait3A_402 = tpu.memref_slice %arg8[%run_scoped3A, %dma_wait3A_401] : memref<2x128xi32, #tpu.memory_space<vmem>> -> memref<1x128xi32, #tpu.memory_space<vmem>>
        %dma_wait3A_403 = tpu.memref_squeeze %dma_wait3A_402 : memref<1x128xi32, #tpu.memory_space<vmem>> -> memref<128xi32, #tpu.memory_space<vmem>>
        %dma_wait3A_404 = arith.constant 0 : i32
        %dma_wait3A_405 = arith.constant 0 : i32
        %dma_wait3A_406 = tpu.memref_slice %arg11[%dma_wait3A_404, %dma_wait3A_405] : memref<10112x64xf32, #tpu.memory_space<vmem_shared>> -> memref<10112x64xf32, #tpu.memory_space<vmem_shared>>
        tpu.wait_indirect_dma semaphore(%run_scoped3A_394 : memref<!tpu.dma_semaphore, #tpu.memory_space<semaphore_mem>>) src(%arg9 : memref<128x64xf32, #tpu.memory_space<vmem>>) dst(%dma_wait3A_406 : memref<10112x64xf32, #tpu.memory_space<vmem_shared>>)
        tpu.yield
      }) : () -> ()
      %jit3A_357 = arith.constant 2 : i32
      %div3A_358 = arith.divsi %select_n3A, %jit3A_357 : i32
      %sign3A_359 = arith.constant 0 : i32
      %sign3A_360 = arith.cmpi sgt, %select_n3A, %sign3A_359 : i32
      %sign3A_361 = arith.extui %sign3A_360 : i1 to i32
      %sign3A_362 = arith.constant 0 : i32
      %sign3A_363 = arith.cmpi slt, %select_n3A, %sign3A_362 : i32
      %sign3A_364 = arith.extui %sign3A_363 : i1 to i32
      %sign3A_365 = arith.subi %sign3A_361, %sign3A_364 : i32
      %sign3A_366 = arith.constant 0 : i32
      %sign3A_367 = arith.cmpi sgt, %jit3A_357, %sign3A_366 : i32
      %sign3A_368 = arith.extui %sign3A_367 : i1 to i32
      %sign3A_369 = arith.constant 0 : i32
      %sign3A_370 = arith.cmpi slt, %jit3A_357, %sign3A_369 : i32
      %sign3A_371 = arith.extui %sign3A_370 : i1 to i32
      %sign3A_372 = arith.subi %sign3A_368, %sign3A_371 : i32
      %ne3A_373 = arith.cmpi ne, %sign3A_365, %sign3A_372 : i32
      %rem3A_374 = arith.remsi %select_n3A, %jit3A_357 : i32
      %ne3A_375 = arith.constant 0 : i32
      %ne3A_376 = arith.cmpi ne, %rem3A_374, %ne3A_375 : i32
      %and3A_377 = arith.andi %ne3A_373, %ne3A_376 : i1
      %sub3A_378 = arith.constant 1 : i32
      %sub3A_379 = arith.subi %div3A_358, %sub3A_378 : i32
      %select_n3A_380 = arith.select %and3A_377, %sub3A_379, %div3A_358 : i32
      %sub3A_381 = arith.constant 1 : i32
      %sub3A_382 = arith.subi %select_n3A_380, %sub3A_381 : i32
      %lt3A = arith.cmpi slt, %while3A_111, %sub3A_382 : i32
      %convert_element_type3A_383 = arith.extui %lt3A : i1 to i32
      %cond3A_384 = arith.constant 0 : i32
      %cond3A_385 = arith.cmpi ne, %convert_element_type3A_383, %cond3A_384 : i32
      scf.if %cond3A_385 {
        %add3A_394 = arith.constant 2 : i32
        %add3A_395 = arith.addi %mul3A_113, %add3A_394 : i32
        %add3A_396 = arith.addi %add3A_395, %sub3A : i32
        %get3A_397 = arith.constant 0 : i32
        %get3A_398 = tpu.memref_slice %arg6[%add3A_396, %get3A_397] : memref<80x128xi32, #tpu.memory_space<vmem>> -> memref<1x128xi32, #tpu.memory_space<vmem>>
        %get3A_399 = tpu.memref_squeeze %get3A_398 : memref<1x128xi32, #tpu.memory_space<vmem>> -> memref<128xi32, #tpu.memory_space<vmem>>
        %get3A_400 = arith.constant 0 : index
        %get3A_401 = tpu.vector_load %get3A_399[%get3A_400] {strides = array<i32>} : memref<128xi32, #tpu.memory_space<vmem>>, vector<16xi32>,
        %get3A_402 = vector.shape_cast %get3A_401 : vector<16xi32> to vector<16xi32>
        %and3A_403 = arith.constant 65535 : i32
        %and3A_404 = vector.broadcast %and3A_403 : i32 to vector<16xi32>
        %and3A_405 = arith.andi %get3A_402, %and3A_404 : vector<16xi32>
        %swap3A_406 = arith.constant 0 : i32
        %swap3A_407 = arith.constant 0 : i32
        %swap3A_408 = tpu.memref_slice %arg7[%swap3A_406, %swap3A_407] : memref<2x128xi32, #tpu.memory_space<vmem>> -> memref<1x128xi32, #tpu.memory_space<vmem>>
        %swap3A_409 = tpu.memref_squeeze %swap3A_408 : memref<1x128xi32, #tpu.memory_space<vmem>> -> memref<128xi32, #tpu.memory_space<vmem>>
        %swap3A_410 = arith.constant 0 : index
        %swap3A_411 = tpu.vector_load %swap3A_409[%swap3A_410] {strides = array<i32>} : memref<128xi32, #tpu.memory_space<vmem>>, vector<16xi32>,
        %swap3A_412 = vector.shape_cast %swap3A_411 : vector<16xi32> to vector<16xi32>
        %swap3A_413 = vector.shape_cast %and3A_405 : vector<16xi32> to vector<16xi32>
        tpu.vector_store %swap3A_409[%swap3A_410], %swap3A_413 {strides = array<i32>} : memref<128xi32, #tpu.memory_space<vmem>>, vector<16xi32>,
        %shift_right_logical3A_414 = arith.constant 16 : i32
        %shift_right_logical3A_415 = vector.broadcast %shift_right_logical3A_414 : i32 to vector<16xi32>
        %shift_right_logical3A_416 = arith.shrui %get3A_402, %shift_right_logical3A_415 : vector<16xi32>
        %swap3A_417 = arith.constant 0 : i32
        %swap3A_418 = arith.constant 0 : i32
        %swap3A_419 = tpu.memref_slice %arg8[%swap3A_417, %swap3A_418] : memref<2x128xi32, #tpu.memory_space<vmem>> -> memref<1x128xi32, #tpu.memory_space<vmem>>
        %swap3A_420 = tpu.memref_squeeze %swap3A_419 : memref<1x128xi32, #tpu.memory_space<vmem>> -> memref<128xi32, #tpu.memory_space<vmem>>
        %swap3A_421 = arith.constant 0 : index
        %swap3A_422 = tpu.vector_load %swap3A_420[%swap3A_421] {strides = array<i32>} : memref<128xi32, #tpu.memory_space<vmem>>, vector<16xi32>,
        %swap3A_423 = vector.shape_cast %swap3A_422 : vector<16xi32> to vector<16xi32>
        %swap3A_424 = vector.shape_cast %shift_right_logical3A_416 : vector<16xi32> to vector<16xi32>
        tpu.vector_store %swap3A_420[%swap3A_421], %swap3A_424 {strides = array<i32>} : memref<128xi32, #tpu.memory_space<vmem>>, vector<16xi32>,
        %add3A_425 = arith.addi %add3A_395, %sub3A : i32
        %get3A_426 = arith.constant 0 : i32
        %get3A_427 = tpu.memref_slice %arg6[%add3A_425, %get3A_426] : memref<80x128xi32, #tpu.memory_space<vmem>> -> memref<1x128xi32, #tpu.memory_space<vmem>>
        %get3A_428 = tpu.memref_squeeze %get3A_427 : memref<1x128xi32, #tpu.memory_space<vmem>> -> memref<128xi32, #tpu.memory_space<vmem>>
        %get3A_429 = arith.constant 16 : index
        %get3A_430 = tpu.vector_load %get3A_428[%get3A_429] {strides = array<i32>} : memref<128xi32, #tpu.memory_space<vmem>>, vector<16xi32>,
        %get3A_431 = vector.shape_cast %get3A_430 : vector<16xi32> to vector<16xi32>
        %and3A_432 = arith.constant 65535 : i32
        %and3A_433 = vector.broadcast %and3A_432 : i32 to vector<16xi32>
        %and3A_434 = arith.andi %get3A_431, %and3A_433 : vector<16xi32>
        %swap3A_435 = arith.constant 0 : i32
        %swap3A_436 = arith.constant 0 : i32
        %swap3A_437 = tpu.memref_slice %arg7[%swap3A_435, %swap3A_436] : memref<2x128xi32, #tpu.memory_space<vmem>> -> memref<1x128xi32, #tpu.memory_space<vmem>>
        %swap3A_438 = tpu.memref_squeeze %swap3A_437 : memref<1x128xi32, #tpu.memory_space<vmem>> -> memref<128xi32, #tpu.memory_space<vmem>>
        %swap3A_439 = arith.constant 16 : index
        %swap3A_440 = tpu.vector_load %swap3A_438[%swap3A_439] {strides = array<i32>} : memref<128xi32, #tpu.memory_space<vmem>>, vector<16xi32>,
        %swap3A_441 = vector.shape_cast %swap3A_440 : vector<16xi32> to vector<16xi32>
        %swap3A_442 = vector.shape_cast %and3A_434 : vector<16xi32> to vector<16xi32>
        tpu.vector_store %swap3A_438[%swap3A_439], %swap3A_442 {strides = array<i32>} : memref<128xi32, #tpu.memory_space<vmem>>, vector<16xi32>,
        %shift_right_logical3A_443 = arith.constant 16 : i32
        %shift_right_logical3A_444 = vector.broadcast %shift_right_logical3A_443 : i32 to vector<16xi32>
        %shift_right_logical3A_445 = arith.shrui %get3A_431, %shift_right_logical3A_444 : vector<16xi32>
        %swap3A_446 = arith.constant 0 : i32
        %swap3A_447 = arith.constant 0 : i32
        %swap3A_448 = tpu.memref_slice %arg8[%swap3A_446, %swap3A_447] : memref<2x128xi32, #tpu.memory_space<vmem>> -> memref<1x128xi32, #tpu.memory_space<vmem>>
        %swap3A_449 = tpu.memref_squeeze %swap3A_448 : memref<1x128xi32, #tpu.memory_space<vmem>> -> memref<128xi32, #tpu.memory_space<vmem>>
        %swap3A_450 = arith.constant 16 : index
        %swap3A_451 = tpu.vector_load %swap3A_449[%swap3A_450] {strides = array<i32>} : memref<128xi32, #tpu.memory_space<vmem>>, vector<16xi32>,
        %swap3A_452 = vector.shape_cast %swap3A_451 : vector<16xi32> to vector<16xi32>
        %swap3A_453 = vector.shape_cast %shift_right_logical3A_445 : vector<16xi32> to vector<16xi32>
        tpu.vector_store %swap3A_449[%swap3A_450], %swap3A_453 {strides = array<i32>} : memref<128xi32, #tpu.memory_space<vmem>>, vector<16xi32>,
        %add3A_454 = arith.addi %add3A_395, %sub3A : i32
        %get3A_455 = arith.constant 0 : i32
        %get3A_456 = tpu.memref_slice %arg6[%add3A_454, %get3A_455] : memref<80x128xi32, #tpu.memory_space<vmem>> -> memref<1x128xi32, #tpu.memory_space<vmem>>
        %get3A_457 = tpu.memref_squeeze %get3A_456 : memref<1x128xi32, #tpu.memory_space<vmem>> -> memref<128xi32, #tpu.memory_space<vmem>>
        %get3A_458 = arith.constant 32 : index
        %get3A_459 = tpu.vector_load %get3A_457[%get3A_458] {strides = array<i32>} : memref<128xi32, #tpu.memory_space<vmem>>, vector<16xi32>,
        %get3A_460 = vector.shape_cast %get3A_459 : vector<16xi32> to vector<16xi32>
        %and3A_461 = arith.constant 65535 : i32
        %and3A_462 = vector.broadcast %and3A_461 : i32 to vector<16xi32>
        %and3A_463 = arith.andi %get3A_460, %and3A_462 : vector<16xi32>
        %swap3A_464 = arith.constant 0 : i32
        %swap3A_465 = arith.constant 0 : i32
        %swap3A_466 = tpu.memref_slice %arg7[%swap3A_464, %swap3A_465] : memref<2x128xi32, #tpu.memory_space<vmem>> -> memref<1x128xi32, #tpu.memory_space<vmem>>
        %swap3A_467 = tpu.memref_squeeze %swap3A_466 : memref<1x128xi32, #tpu.memory_space<vmem>> -> memref<128xi32, #tpu.memory_space<vmem>>
        %swap3A_468 = arith.constant 32 : index
        %swap3A_469 = tpu.vector_load %swap3A_467[%swap3A_468] {strides = array<i32>} : memref<128xi32, #tpu.memory_space<vmem>>, vector<16xi32>,
        %swap3A_470 = vector.shape_cast %swap3A_469 : vector<16xi32> to vector<16xi32>
        %swap3A_471 = vector.shape_cast %and3A_463 : vector<16xi32> to vector<16xi32>
        tpu.vector_store %swap3A_467[%swap3A_468], %swap3A_471 {strides = array<i32>} : memref<128xi32, #tpu.memory_space<vmem>>, vector<16xi32>,
        %shift_right_logical3A_472 = arith.constant 16 : i32
        %shift_right_logical3A_473 = vector.broadcast %shift_right_logical3A_472 : i32 to vector<16xi32>
        %shift_right_logical3A_474 = arith.shrui %get3A_460, %shift_right_logical3A_473 : vector<16xi32>
        %swap3A_475 = arith.constant 0 : i32
        %swap3A_476 = arith.constant 0 : i32
        %swap3A_477 = tpu.memref_slice %arg8[%swap3A_475, %swap3A_476] : memref<2x128xi32, #tpu.memory_space<vmem>> -> memref<1x128xi32, #tpu.memory_space<vmem>>
        %swap3A_478 = tpu.memref_squeeze %swap3A_477 : memref<1x128xi32, #tpu.memory_space<vmem>> -> memref<128xi32, #tpu.memory_space<vmem>>
        %swap3A_479 = arith.constant 32 : index
        %swap3A_480 = tpu.vector_load %swap3A_478[%swap3A_479] {strides = array<i32>} : memref<128xi32, #tpu.memory_space<vmem>>, vector<16xi32>,
        %swap3A_481 = vector.shape_cast %swap3A_480 : vector<16xi32> to vector<16xi32>
        %swap3A_482 = vector.shape_cast %shift_right_logical3A_474 : vector<16xi32> to vector<16xi32>
        tpu.vector_store %swap3A_478[%swap3A_479], %swap3A_482 {strides = array<i32>} : memref<128xi32, #tpu.memory_space<vmem>>, vector<16xi32>,
        %add3A_483 = arith.addi %add3A_395, %sub3A : i32
        %get3A_484 = arith.constant 0 : i32
        %get3A_485 = tpu.memref_slice %arg6[%add3A_483, %get3A_484] : memref<80x128xi32, #tpu.memory_space<vmem>> -> memref<1x128xi32, #tpu.memory_space<vmem>>
        %get3A_486 = tpu.memref_squeeze %get3A_485 : memref<1x128xi32, #tpu.memory_space<vmem>> -> memref<128xi32, #tpu.memory_space<vmem>>
        %get3A_487 = arith.constant 48 : index
        %get3A_488 = tpu.vector_load %get3A_486[%get3A_487] {strides = array<i32>} : memref<128xi32, #tpu.memory_space<vmem>>, vector<16xi32>,
        %get3A_489 = vector.shape_cast %get3A_488 : vector<16xi32> to vector<16xi32>
        %and3A_490 = arith.constant 65535 : i32
        %and3A_491 = vector.broadcast %and3A_490 : i32 to vector<16xi32>
        %and3A_492 = arith.andi %get3A_489, %and3A_491 : vector<16xi32>
        %swap3A_493 = arith.constant 0 : i32
        %swap3A_494 = arith.constant 0 : i32
        %swap3A_495 = tpu.memref_slice %arg7[%swap3A_493, %swap3A_494] : memref<2x128xi32, #tpu.memory_space<vmem>> -> memref<1x128xi32, #tpu.memory_space<vmem>>
        %swap3A_496 = tpu.memref_squeeze %swap3A_495 : memref<1x128xi32, #tpu.memory_space<vmem>> -> memref<128xi32, #tpu.memory_space<vmem>>
        %swap3A_497 = arith.constant 48 : index
        %swap3A_498 = tpu.vector_load %swap3A_496[%swap3A_497] {strides = array<i32>} : memref<128xi32, #tpu.memory_space<vmem>>, vector<16xi32>,
        %swap3A_499 = vector.shape_cast %swap3A_498 : vector<16xi32> to vector<16xi32>
        %swap3A_500 = vector.shape_cast %and3A_492 : vector<16xi32> to vector<16xi32>
        tpu.vector_store %swap3A_496[%swap3A_497], %swap3A_500 {strides = array<i32>} : memref<128xi32, #tpu.memory_space<vmem>>, vector<16xi32>,
        %shift_right_logical3A_501 = arith.constant 16 : i32
        %shift_right_logical3A_502 = vector.broadcast %shift_right_logical3A_501 : i32 to vector<16xi32>
        %shift_right_logical3A_503 = arith.shrui %get3A_489, %shift_right_logical3A_502 : vector<16xi32>
        %swap3A_504 = arith.constant 0 : i32
        %swap3A_505 = arith.constant 0 : i32
        %swap3A_506 = tpu.memref_slice %arg8[%swap3A_504, %swap3A_505] : memref<2x128xi32, #tpu.memory_space<vmem>> -> memref<1x128xi32, #tpu.memory_space<vmem>>
        %swap3A_507 = tpu.memref_squeeze %swap3A_506 : memref<1x128xi32, #tpu.memory_space<vmem>> -> memref<128xi32, #tpu.memory_space<vmem>>
        %swap3A_508 = arith.constant 48 : index
        %swap3A_509 = tpu.vector_load %swap3A_507[%swap3A_508] {strides = array<i32>} : memref<128xi32, #tpu.memory_space<vmem>>, vector<16xi32>,
        %swap3A_510 = vector.shape_cast %swap3A_509 : vector<16xi32> to vector<16xi32>
        %swap3A_511 = vector.shape_cast %shift_right_logical3A_503 : vector<16xi32> to vector<16xi32>
        tpu.vector_store %swap3A_507[%swap3A_508], %swap3A_511 {strides = array<i32>} : memref<128xi32, #tpu.memory_space<vmem>>, vector<16xi32>,
        %add3A_512 = arith.addi %add3A_395, %sub3A : i32
        %get3A_513 = arith.constant 0 : i32
        %get3A_514 = tpu.memref_slice %arg6[%add3A_512, %get3A_513] : memref<80x128xi32, #tpu.memory_space<vmem>> -> memref<1x128xi32, #tpu.memory_space<vmem>>
        %get3A_515 = tpu.memref_squeeze %get3A_514 : memref<1x128xi32, #tpu.memory_space<vmem>> -> memref<128xi32, #tpu.memory_space<vmem>>
        %get3A_516 = arith.constant 64 : index
        %get3A_517 = tpu.vector_load %get3A_515[%get3A_516] {strides = array<i32>} : memref<128xi32, #tpu.memory_space<vmem>>, vector<16xi32>,
        %get3A_518 = vector.shape_cast %get3A_517 : vector<16xi32> to vector<16xi32>
        %and3A_519 = arith.constant 65535 : i32
        %and3A_520 = vector.broadcast %and3A_519 : i32 to vector<16xi32>
        %and3A_521 = arith.andi %get3A_518, %and3A_520 : vector<16xi32>
        %swap3A_522 = arith.constant 0 : i32
        %swap3A_523 = arith.constant 0 : i32
        %swap3A_524 = tpu.memref_slice %arg7[%swap3A_522, %swap3A_523] : memref<2x128xi32, #tpu.memory_space<vmem>> -> memref<1x128xi32, #tpu.memory_space<vmem>>
        %swap3A_525 = tpu.memref_squeeze %swap3A_524 : memref<1x128xi32, #tpu.memory_space<vmem>> -> memref<128xi32, #tpu.memory_space<vmem>>
        %swap3A_526 = arith.constant 64 : index
        %swap3A_527 = tpu.vector_load %swap3A_525[%swap3A_526] {strides = array<i32>} : memref<128xi32, #tpu.memory_space<vmem>>, vector<16xi32>,
        %swap3A_528 = vector.shape_cast %swap3A_527 : vector<16xi32> to vector<16xi32>
        %swap3A_529 = vector.shape_cast %and3A_521 : vector<16xi32> to vector<16xi32>
        tpu.vector_store %swap3A_525[%swap3A_526], %swap3A_529 {strides = array<i32>} : memref<128xi32, #tpu.memory_space<vmem>>, vector<16xi32>,
        %shift_right_logical3A_530 = arith.constant 16 : i32
        %shift_right_logical3A_531 = vector.broadcast %shift_right_logical3A_530 : i32 to vector<16xi32>
        %shift_right_logical3A_532 = arith.shrui %get3A_518, %shift_right_logical3A_531 : vector<16xi32>
        %swap3A_533 = arith.constant 0 : i32
        %swap3A_534 = arith.constant 0 : i32
        %swap3A_535 = tpu.memref_slice %arg8[%swap3A_533, %swap3A_534] : memref<2x128xi32, #tpu.memory_space<vmem>> -> memref<1x128xi32, #tpu.memory_space<vmem>>
        %swap3A_536 = tpu.memref_squeeze %swap3A_535 : memref<1x128xi32, #tpu.memory_space<vmem>> -> memref<128xi32, #tpu.memory_space<vmem>>
        %swap3A_537 = arith.constant 64 : index
        %swap3A_538 = tpu.vector_load %swap3A_536[%swap3A_537] {strides = array<i32>} : memref<128xi32, #tpu.memory_space<vmem>>, vector<16xi32>,
        %swap3A_539 = vector.shape_cast %swap3A_538 : vector<16xi32> to vector<16xi32>
        %swap3A_540 = vector.shape_cast %shift_right_logical3A_532 : vector<16xi32> to vector<16xi32>
        tpu.vector_store %swap3A_536[%swap3A_537], %swap3A_540 {strides = array<i32>} : memref<128xi32, #tpu.memory_space<vmem>>, vector<16xi32>,
        %add3A_541 = arith.addi %add3A_395, %sub3A : i32
        %get3A_542 = arith.constant 0 : i32
        %get3A_543 = tpu.memref_slice %arg6[%add3A_541, %get3A_542] : memref<80x128xi32, #tpu.memory_space<vmem>> -> memref<1x128xi32, #tpu.memory_space<vmem>>
        %get3A_544 = tpu.memref_squeeze %get3A_543 : memref<1x128xi32, #tpu.memory_space<vmem>> -> memref<128xi32, #tpu.memory_space<vmem>>
        %get3A_545 = arith.constant 80 : index
        %get3A_546 = tpu.vector_load %get3A_544[%get3A_545] {strides = array<i32>} : memref<128xi32, #tpu.memory_space<vmem>>, vector<16xi32>,
        %get3A_547 = vector.shape_cast %get3A_546 : vector<16xi32> to vector<16xi32>
        %and3A_548 = arith.constant 65535 : i32
        %and3A_549 = vector.broadcast %and3A_548 : i32 to vector<16xi32>
        %and3A_550 = arith.andi %get3A_547, %and3A_549 : vector<16xi32>
        %swap3A_551 = arith.constant 0 : i32
        %swap3A_552 = arith.constant 0 : i32
        %swap3A_553 = tpu.memref_slice %arg7[%swap3A_551, %swap3A_552] : memref<2x128xi32, #tpu.memory_space<vmem>> -> memref<1x128xi32, #tpu.memory_space<vmem>>
        %swap3A_554 = tpu.memref_squeeze %swap3A_553 : memref<1x128xi32, #tpu.memory_space<vmem>> -> memref<128xi32, #tpu.memory_space<vmem>>
        %swap3A_555 = arith.constant 80 : index
        %swap3A_556 = tpu.vector_load %swap3A_554[%swap3A_555] {strides = array<i32>} : memref<128xi32, #tpu.memory_space<vmem>>, vector<16xi32>,
        %swap3A_557 = vector.shape_cast %swap3A_556 : vector<16xi32> to vector<16xi32>
        %swap3A_558 = vector.shape_cast %and3A_550 : vector<16xi32> to vector<16xi32>
        tpu.vector_store %swap3A_554[%swap3A_555], %swap3A_558 {strides = array<i32>} : memref<128xi32, #tpu.memory_space<vmem>>, vector<16xi32>,
        %shift_right_logical3A_559 = arith.constant 16 : i32
        %shift_right_logical3A_560 = vector.broadcast %shift_right_logical3A_559 : i32 to vector<16xi32>
        %shift_right_logical3A_561 = arith.shrui %get3A_547, %shift_right_logical3A_560 : vector<16xi32>
        %swap3A_562 = arith.constant 0 : i32
        %swap3A_563 = arith.constant 0 : i32
        %swap3A_564 = tpu.memref_slice %arg8[%swap3A_562, %swap3A_563] : memref<2x128xi32, #tpu.memory_space<vmem>> -> memref<1x128xi32, #tpu.memory_space<vmem>>
        %swap3A_565 = tpu.memref_squeeze %swap3A_564 : memref<1x128xi32, #tpu.memory_space<vmem>> -> memref<128xi32, #tpu.memory_space<vmem>>
        %swap3A_566 = arith.constant 80 : index
        %swap3A_567 = tpu.vector_load %swap3A_565[%swap3A_566] {strides = array<i32>} : memref<128xi32, #tpu.memory_space<vmem>>, vector<16xi32>,
        %swap3A_568 = vector.shape_cast %swap3A_567 : vector<16xi32> to vector<16xi32>
        %swap3A_569 = vector.shape_cast %shift_right_logical3A_561 : vector<16xi32> to vector<16xi32>
        tpu.vector_store %swap3A_565[%swap3A_566], %swap3A_569 {strides = array<i32>} : memref<128xi32, #tpu.memory_space<vmem>>, vector<16xi32>,
        %add3A_570 = arith.addi %add3A_395, %sub3A : i32
        %get3A_571 = arith.constant 0 : i32
        %get3A_572 = tpu.memref_slice %arg6[%add3A_570, %get3A_571] : memref<80x128xi32, #tpu.memory_space<vmem>> -> memref<1x128xi32, #tpu.memory_space<vmem>>
        %get3A_573 = tpu.memref_squeeze %get3A_572 : memref<1x128xi32, #tpu.memory_space<vmem>> -> memref<128xi32, #tpu.memory_space<vmem>>
        %get3A_574 = arith.constant 96 : index
        %get3A_575 = tpu.vector_load %get3A_573[%get3A_574] {strides = array<i32>} : memref<128xi32, #tpu.memory_space<vmem>>, vector<16xi32>,
        %get3A_576 = vector.shape_cast %get3A_575 : vector<16xi32> to vector<16xi32>
        %and3A_577 = arith.constant 65535 : i32
        %and3A_578 = vector.broadcast %and3A_577 : i32 to vector<16xi32>
        %and3A_579 = arith.andi %get3A_576, %and3A_578 : vector<16xi32>
        %swap3A_580 = arith.constant 0 : i32
        %swap3A_581 = arith.constant 0 : i32
        %swap3A_582 = tpu.memref_slice %arg7[%swap3A_580, %swap3A_581] : memref<2x128xi32, #tpu.memory_space<vmem>> -> memref<1x128xi32, #tpu.memory_space<vmem>>
        %swap3A_583 = tpu.memref_squeeze %swap3A_582 : memref<1x128xi32, #tpu.memory_space<vmem>> -> memref<128xi32, #tpu.memory_space<vmem>>
        %swap3A_584 = arith.constant 96 : index
        %swap3A_585 = tpu.vector_load %swap3A_583[%swap3A_584] {strides = array<i32>} : memref<128xi32, #tpu.memory_space<vmem>>, vector<16xi32>,
        %swap3A_586 = vector.shape_cast %swap3A_585 : vector<16xi32> to vector<16xi32>
        %swap3A_587 = vector.shape_cast %and3A_579 : vector<16xi32> to vector<16xi32>
        tpu.vector_store %swap3A_583[%swap3A_584], %swap3A_587 {strides = array<i32>} : memref<128xi32, #tpu.memory_space<vmem>>, vector<16xi32>,
        %shift_right_logical3A_588 = arith.constant 16 : i32
        %shift_right_logical3A_589 = vector.broadcast %shift_right_logical3A_588 : i32 to vector<16xi32>
        %shift_right_logical3A_590 = arith.shrui %get3A_576, %shift_right_logical3A_589 : vector<16xi32>
        %swap3A_591 = arith.constant 0 : i32
        %swap3A_592 = arith.constant 0 : i32
        %swap3A_593 = tpu.memref_slice %arg8[%swap3A_591, %swap3A_592] : memref<2x128xi32, #tpu.memory_space<vmem>> -> memref<1x128xi32, #tpu.memory_space<vmem>>
        %swap3A_594 = tpu.memref_squeeze %swap3A_593 : memref<1x128xi32, #tpu.memory_space<vmem>> -> memref<128xi32, #tpu.memory_space<vmem>>
        %swap3A_595 = arith.constant 96 : index
        %swap3A_596 = tpu.vector_load %swap3A_594[%swap3A_595] {strides = array<i32>} : memref<128xi32, #tpu.memory_space<vmem>>, vector<16xi32>,
        %swap3A_597 = vector.shape_cast %swap3A_596 : vector<16xi32> to vector<16xi32>
        %swap3A_598 = vector.shape_cast %shift_right_logical3A_590 : vector<16xi32> to vector<16xi32>
        tpu.vector_store %swap3A_594[%swap3A_595], %swap3A_598 {strides = array<i32>} : memref<128xi32, #tpu.memory_space<vmem>>, vector<16xi32>,
        %add3A_599 = arith.addi %add3A_395, %sub3A : i32
        %get3A_600 = arith.constant 0 : i32
        %get3A_601 = tpu.memref_slice %arg6[%add3A_599, %get3A_600] : memref<80x128xi32, #tpu.memory_space<vmem>> -> memref<1x128xi32, #tpu.memory_space<vmem>>
        %get3A_602 = tpu.memref_squeeze %get3A_601 : memref<1x128xi32, #tpu.memory_space<vmem>> -> memref<128xi32, #tpu.memory_space<vmem>>
        %get3A_603 = arith.constant 112 : index
        %get3A_604 = tpu.vector_load %get3A_602[%get3A_603] {strides = array<i32>} : memref<128xi32, #tpu.memory_space<vmem>>, vector<16xi32>,
        %get3A_605 = vector.shape_cast %get3A_604 : vector<16xi32> to vector<16xi32>
        %and3A_606 = arith.constant 65535 : i32
        %and3A_607 = vector.broadcast %and3A_606 : i32 to vector<16xi32>
        %and3A_608 = arith.andi %get3A_605, %and3A_607 : vector<16xi32>
        %swap3A_609 = arith.constant 0 : i32
        %swap3A_610 = arith.constant 0 : i32
        %swap3A_611 = tpu.memref_slice %arg7[%swap3A_609, %swap3A_610] : memref<2x128xi32, #tpu.memory_space<vmem>> -> memref<1x128xi32, #tpu.memory_space<vmem>>
        %swap3A_612 = tpu.memref_squeeze %swap3A_611 : memref<1x128xi32, #tpu.memory_space<vmem>> -> memref<128xi32, #tpu.memory_space<vmem>>
        %swap3A_613 = arith.constant 112 : index
        %swap3A_614 = tpu.vector_load %swap3A_612[%swap3A_613] {strides = array<i32>} : memref<128xi32, #tpu.memory_space<vmem>>, vector<16xi32>,
        %swap3A_615 = vector.shape_cast %swap3A_614 : vector<16xi32> to vector<16xi32>
        %swap3A_616 = vector.shape_cast %and3A_608 : vector<16xi32> to vector<16xi32>
        tpu.vector_store %swap3A_612[%swap3A_613], %swap3A_616 {strides = array<i32>} : memref<128xi32, #tpu.memory_space<vmem>>, vector<16xi32>,
        %shift_right_logical3A_617 = arith.constant 16 : i32
        %shift_right_logical3A_618 = vector.broadcast %shift_right_logical3A_617 : i32 to vector<16xi32>
        %shift_right_logical3A_619 = arith.shrui %get3A_605, %shift_right_logical3A_618 : vector<16xi32>
        %swap3A_620 = arith.constant 0 : i32
        %swap3A_621 = arith.constant 0 : i32
        %swap3A_622 = tpu.memref_slice %arg8[%swap3A_620, %swap3A_621] : memref<2x128xi32, #tpu.memory_space<vmem>> -> memref<1x128xi32, #tpu.memory_space<vmem>>
        %swap3A_623 = tpu.memref_squeeze %swap3A_622 : memref<1x128xi32, #tpu.memory_space<vmem>> -> memref<128xi32, #tpu.memory_space<vmem>>
        %swap3A_624 = arith.constant 112 : index
        %swap3A_625 = tpu.vector_load %swap3A_623[%swap3A_624] {strides = array<i32>} : memref<128xi32, #tpu.memory_space<vmem>>, vector<16xi32>,
        %swap3A_626 = vector.shape_cast %swap3A_625 : vector<16xi32> to vector<16xi32>
        %swap3A_627 = vector.shape_cast %shift_right_logical3A_619 : vector<16xi32> to vector<16xi32>
        tpu.vector_store %swap3A_623[%swap3A_624], %swap3A_627 {strides = array<i32>} : memref<128xi32, #tpu.memory_space<vmem>>, vector<16xi32>,
        %dma_start3A_628 = arith.constant 0 : i32
        %dma_start3A_629 = arith.constant 0 : i32
        %dma_start3A_630 = tpu.memref_slice %arg7[%dma_start3A_628, %dma_start3A_629] : memref<2x128xi32, #tpu.memory_space<vmem>> -> memref<1x128xi32, #tpu.memory_space<vmem>>
        %dma_start3A_631 = tpu.memref_squeeze %dma_start3A_630 : memref<1x128xi32, #tpu.memory_space<vmem>> -> memref<128xi32, #tpu.memory_space<vmem>>
        %dma_start3A_632 = arith.constant 0 : i32
        %dma_start3A_633 = arith.constant 0 : i32
        %dma_start3A_634 = tpu.memref_slice %arg12[%dma_start3A_632, %dma_start3A_633] : memref<10112x64xf32, #tpu.memory_space<vmem_shared>> -> memref<10112x64xf32, #tpu.memory_space<vmem_shared>>
        tpu.enqueue_indirect_dma source(%dma_start3A_634 : memref<10112x64xf32, #tpu.memory_space<vmem_shared>>) target(%arg9 : memref<128x64xf32, #tpu.memory_space<vmem>>) offsets(%dma_start3A_631 : memref<128xi32, #tpu.memory_space<vmem>>) semaphore(%arg13 : memref<!tpu.dma_semaphore, #tpu.memory_space<semaphore_mem>>)
      } else {
      }
      %dma_wait3A_386 = arith.constant 1 : i32
      %dma_wait3A_387 = arith.constant 0 : i32
      %dma_wait3A_388 = tpu.memref_slice %arg7[%dma_wait3A_386, %dma_wait3A_387] : memref<2x128xi32, #tpu.memory_space<vmem>> -> memref<1x128xi32, #tpu.memory_space<vmem>>
      %dma_wait3A_389 = tpu.memref_squeeze %dma_wait3A_388 : memref<1x128xi32, #tpu.memory_space<vmem>> -> memref<128xi32, #tpu.memory_space<vmem>>
      %dma_wait3A_390 = arith.constant 0 : i32
      %dma_wait3A_391 = arith.constant 0 : i32
      %dma_wait3A_392 = tpu.memref_slice %arg12[%dma_wait3A_390, %dma_wait3A_391] : memref<10112x64xf32, #tpu.memory_space<vmem_shared>> -> memref<10112x64xf32, #tpu.memory_space<vmem_shared>>
      tpu.wait_indirect_dma semaphore(%arg14 : memref<!tpu.dma_semaphore, #tpu.memory_space<semaphore_mem>>) src(%dma_wait3A_392 : memref<10112x64xf32, #tpu.memory_space<vmem_shared>>) dst(%arg10 : memref<128x64xf32, #tpu.memory_space<vmem>>)
      %run_scoped3A_393 = arith.constant 1 : i32
      "tpu.region"() ({
        %run_scoped3A_394 = tpu.sem_alloc : memref<!tpu.dma_semaphore, #tpu.memory_space<semaphore_mem>>
        %dma_start3A_395 = arith.constant 0 : i32
        %dma_start3A_396 = tpu.memref_slice %arg8[%run_scoped3A_393, %dma_start3A_395] : memref<2x128xi32, #tpu.memory_space<vmem>> -> memref<1x128xi32, #tpu.memory_space<vmem>>
        %dma_start3A_397 = tpu.memref_squeeze %dma_start3A_396 : memref<1x128xi32, #tpu.memory_space<vmem>> -> memref<128xi32, #tpu.memory_space<vmem>>
        %dma_start3A_398 = arith.constant 0 : i32
        %dma_start3A_399 = arith.constant 0 : i32
        %dma_start3A_400 = tpu.memref_slice %arg11[%dma_start3A_398, %dma_start3A_399] : memref<10112x64xf32, #tpu.memory_space<vmem_shared>> -> memref<10112x64xf32, #tpu.memory_space<vmem_shared>>
        tpu.enqueue_indirect_dma source(%arg10 : memref<128x64xf32, #tpu.memory_space<vmem>>) target(%dma_start3A_400 : memref<10112x64xf32, #tpu.memory_space<vmem_shared>>) offsets(%dma_start3A_397 : memref<128xi32, #tpu.memory_space<vmem>>) semaphore(%run_scoped3A_394 : memref<!tpu.dma_semaphore, #tpu.memory_space<semaphore_mem>>) {add = true}
        %dma_wait3A_401 = arith.constant 0 : i32
        %dma_wait3A_402 = tpu.memref_slice %arg8[%run_scoped3A_393, %dma_wait3A_401] : memref<2x128xi32, #tpu.memory_space<vmem>> -> memref<1x128xi32, #tpu.memory_space<vmem>>
        %dma_wait3A_403 = tpu.memref_squeeze %dma_wait3A_402 : memref<1x128xi32, #tpu.memory_space<vmem>> -> memref<128xi32, #tpu.memory_space<vmem>>
        %dma_wait3A_404 = arith.constant 0 : i32
        %dma_wait3A_405 = arith.constant 0 : i32
        %dma_wait3A_406 = tpu.memref_slice %arg11[%dma_wait3A_404, %dma_wait3A_405] : memref<10112x64xf32, #tpu.memory_space<vmem_shared>> -> memref<10112x64xf32, #tpu.memory_space<vmem_shared>>
        tpu.wait_indirect_dma semaphore(%run_scoped3A_394 : memref<!tpu.dma_semaphore, #tpu.memory_space<semaphore_mem>>) src(%arg10 : memref<128x64xf32, #tpu.memory_space<vmem>>) dst(%dma_wait3A_406 : memref<10112x64xf32, #tpu.memory_space<vmem_shared>>)
        tpu.yield
      }) : () -> ()
    }
    %barrier3A_53 = arith.constant 0 : index
    tpu.barrier barrier_id(%barrier3A_53)
    "tpu.region"() ({
      %run_scoped3A = tpu.sem_alloc : memref<!tpu.dma_semaphore, #tpu.memory_space<semaphore_mem>>
      %dma_start3A = arith.constant 0 : i32
      %dma_start3A_111 = arith.constant 0 : i32
      %dma_start3A_112 = tpu.memref_slice %arg5[%arg0, %dma_start3A, %dma_start3A_111] : memref<2x10112x128xf32, #tpu.memory_space<hbm>> -> memref<1x10112x128xf32, #tpu.memory_space<hbm>>
      %dma_start3A_113 = tpu.memref_squeeze %dma_start3A_112 : memref<1x10112x128xf32, #tpu.memory_space<hbm>> -> memref<10112x128xf32, #tpu.memory_space<hbm>>
      %dma_start3A_114 = arith.constant 0 : i32
      %dma_start3A_115 = tpu.memref_slice %dma_start3A_113[%mul3A_0, %dma_start3A_114] : memref<10112x128xf32, #tpu.memory_space<hbm>> -> memref<632x64xf32, #tpu.memory_space<hbm>>
      %dma_start3A_116 = arith.constant 0 : i32
      %dma_start3A_117 = tpu.memref_slice %arg11[%mul3A_0, %dma_start3A_116] : memref<10112x64xf32, #tpu.memory_space<vmem_shared>> -> memref<632x64xf32, #tpu.memory_space<vmem_shared>>
      tpu.enqueue_dma source(%dma_start3A_117 : memref<632x64xf32, #tpu.memory_space<vmem_shared>>) target(%dma_start3A_115 : memref<632x64xf32, #tpu.memory_space<hbm>>) target_semaphore(%run_scoped3A : memref<!tpu.dma_semaphore, #tpu.memory_space<semaphore_mem>>)
      %dma_wait3A = arith.constant 0 : i32
      %dma_wait3A_118 = arith.constant 0 : i32
      %dma_wait3A_119 = tpu.memref_slice %arg5[%arg0, %dma_wait3A, %dma_wait3A_118] : memref<2x10112x128xf32, #tpu.memory_space<hbm>> -> memref<1x10112x128xf32, #tpu.memory_space<hbm>>
      %dma_wait3A_120 = tpu.memref_squeeze %dma_wait3A_119 : memref<1x10112x128xf32, #tpu.memory_space<hbm>> -> memref<10112x128xf32, #tpu.memory_space<hbm>>
      %dma_wait3A_121 = arith.constant 0 : i32
      %dma_wait3A_122 = tpu.memref_slice %dma_wait3A_120[%mul3A_0, %dma_wait3A_121] : memref<10112x128xf32, #tpu.memory_space<hbm>> -> memref<632x64xf32, #tpu.memory_space<hbm>>
      %dma_wait3A_123 = arith.constant 0 : i32
      %dma_wait3A_124 = tpu.memref_slice %arg11[%mul3A_0, %dma_wait3A_123] : memref<10112x64xf32, #tpu.memory_space<vmem_shared>> -> memref<632x64xf32, #tpu.memory_space<vmem_shared>>
      tpu.wait_dma2 semaphore(%run_scoped3A : memref<!tpu.dma_semaphore, #tpu.memory_space<semaphore_mem>>) src(%dma_wait3A_124 : memref<632x64xf32, #tpu.memory_space<vmem_shared>>) dst(%dma_wait3A_122 : memref<632x64xf32, #tpu.memory_space<hbm>>)
      tpu.yield
    }) : () -> ()
    "tpu.region"() ({
      %run_scoped3A = tpu.sem_alloc : memref<!tpu.dma_semaphore, #tpu.memory_space<semaphore_mem>>
      %dma_start3A = arith.constant 0 : i32
      %dma_start3A_111 = tpu.memref_slice %arg12[%mul3A_0, %dma_start3A] : memref<10112x64xf32, #tpu.memory_space<vmem_shared>> -> memref<632x64xf32, #tpu.memory_space<vmem_shared>>
      %dma_start3A_112 = arith.constant 64 : i32
      %dma_start3A_113 = tpu.memref_slice %arg2[%mul3A_0, %dma_start3A_112] : memref<10112x128xf32, #tpu.memory_space<hbm>> -> memref<632x64xf32, #tpu.memory_space<hbm>>
      tpu.enqueue_dma source(%dma_start3A_113 : memref<632x64xf32, #tpu.memory_space<hbm>>) target(%dma_start3A_111 : memref<632x64xf32, #tpu.memory_space<vmem_shared>>) target_semaphore(%run_scoped3A : memref<!tpu.dma_semaphore, #tpu.memory_space<semaphore_mem>>)
      %dma_wait3A = arith.constant 0 : i32
      %dma_wait3A_114 = tpu.memref_slice %arg12[%mul3A_0, %dma_wait3A] : memref<10112x64xf32, #tpu.memory_space<vmem_shared>> -> memref<632x64xf32, #tpu.memory_space<vmem_shared>>
      %dma_wait3A_115 = arith.constant 64 : i32
      %dma_wait3A_116 = tpu.memref_slice %arg2[%mul3A_0, %dma_wait3A_115] : memref<10112x128xf32, #tpu.memory_space<hbm>> -> memref<632x64xf32, #tpu.memory_space<hbm>>
      tpu.wait_dma2 semaphore(%run_scoped3A : memref<!tpu.dma_semaphore, #tpu.memory_space<semaphore_mem>>) src(%dma_wait3A_116 : memref<632x64xf32, #tpu.memory_space<hbm>>) dst(%dma_wait3A_114 : memref<632x64xf32, #tpu.memory_space<vmem_shared>>)
      tpu.yield
    }) : () -> ()
    %add3A_54 = arith.constant 0 : i32
    %add3A_55 = arith.addi %mul3A_0, %add3A_54 : i32
    "tpu.region"() ({
      %run_scoped3A = tpu.sem_alloc : memref<!tpu.dma_semaphore, #tpu.memory_space<semaphore_mem>>
      %dma_start3A = arith.constant 0 : i32
      %dma_start3A_111 = tpu.memref_slice %arg11[%add3A_55, %dma_start3A] : memref<10112x64xf32, #tpu.memory_space<vmem_shared>> -> memref<80x64xf32, #tpu.memory_space<vmem_shared>>
      tpu.enqueue_dma source(%arg4 : memref<80x64xf32, #tpu.memory_space<hbm>>) target(%dma_start3A_111 : memref<80x64xf32, #tpu.memory_space<vmem_shared>>) target_semaphore(%run_scoped3A : memref<!tpu.dma_semaphore, #tpu.memory_space<semaphore_mem>>)
      %dma_wait3A = arith.constant 0 : i32
      %dma_wait3A_112 = tpu.memref_slice %arg11[%add3A_55, %dma_wait3A] : memref<10112x64xf32, #tpu.memory_space<vmem_shared>> -> memref<80x64xf32, #tpu.memory_space<vmem_shared>>
      tpu.wait_dma2 semaphore(%run_scoped3A : memref<!tpu.dma_semaphore, #tpu.memory_space<semaphore_mem>>) src(%arg4 : memref<80x64xf32, #tpu.memory_space<hbm>>) dst(%dma_wait3A_112 : memref<80x64xf32, #tpu.memory_space<vmem_shared>>)
      tpu.yield
    }) : () -> ()
    %add3A_56 = arith.constant 80 : i32
    %add3A_57 = arith.addi %mul3A_0, %add3A_56 : i32
    "tpu.region"() ({
      %run_scoped3A = tpu.sem_alloc : memref<!tpu.dma_semaphore, #tpu.memory_space<semaphore_mem>>
      %dma_start3A = arith.constant 0 : i32
      %dma_start3A_111 = tpu.memref_slice %arg11[%add3A_57, %dma_start3A] : memref<10112x64xf32, #tpu.memory_space<vmem_shared>> -> memref<80x64xf32, #tpu.memory_space<vmem_shared>>
      tpu.enqueue_dma source(%arg4 : memref<80x64xf32, #tpu.memory_space<hbm>>) target(%dma_start3A_111 : memref<80x64xf32, #tpu.memory_space<vmem_shared>>) target_semaphore(%run_scoped3A : memref<!tpu.dma_semaphore, #tpu.memory_space<semaphore_mem>>)
      %dma_wait3A = arith.constant 0 : i32
      %dma_wait3A_112 = tpu.memref_slice %arg11[%add3A_57, %dma_wait3A] : memref<10112x64xf32, #tpu.memory_space<vmem_shared>> -> memref<80x64xf32, #tpu.memory_space<vmem_shared>>
      tpu.wait_dma2 semaphore(%run_scoped3A : memref<!tpu.dma_semaphore, #tpu.memory_space<semaphore_mem>>) src(%arg4 : memref<80x64xf32, #tpu.memory_space<hbm>>) dst(%dma_wait3A_112 : memref<80x64xf32, #tpu.memory_space<vmem_shared>>)
      tpu.yield
    }) : () -> ()
    %add3A_58 = arith.constant 160 : i32
    %add3A_59 = arith.addi %mul3A_0, %add3A_58 : i32
    "tpu.region"() ({
      %run_scoped3A = tpu.sem_alloc : memref<!tpu.dma_semaphore, #tpu.memory_space<semaphore_mem>>
      %dma_start3A = arith.constant 0 : i32
      %dma_start3A_111 = tpu.memref_slice %arg11[%add3A_59, %dma_start3A] : memref<10112x64xf32, #tpu.memory_space<vmem_shared>> -> memref<80x64xf32, #tpu.memory_space<vmem_shared>>
      tpu.enqueue_dma source(%arg4 : memref<80x64xf32, #tpu.memory_space<hbm>>) target(%dma_start3A_111 : memref<80x64xf32, #tpu.memory_space<vmem_shared>>) target_semaphore(%run_scoped3A : memref<!tpu.dma_semaphore, #tpu.memory_space<semaphore_mem>>)
      %dma_wait3A = arith.constant 0 : i32
      %dma_wait3A_112 = tpu.memref_slice %arg11[%add3A_59, %dma_wait3A] : memref<10112x64xf32, #tpu.memory_space<vmem_shared>> -> memref<80x64xf32, #tpu.memory_space<vmem_shared>>
      tpu.wait_dma2 semaphore(%run_scoped3A : memref<!tpu.dma_semaphore, #tpu.memory_space<semaphore_mem>>) src(%arg4 : memref<80x64xf32, #tpu.memory_space<hbm>>) dst(%dma_wait3A_112 : memref<80x64xf32, #tpu.memory_space<vmem_shared>>)
      tpu.yield
    }) : () -> ()
    %add3A_60 = arith.constant 240 : i32
    %add3A_61 = arith.addi %mul3A_0, %add3A_60 : i32
    "tpu.region"() ({
      %run_scoped3A = tpu.sem_alloc : memref<!tpu.dma_semaphore, #tpu.memory_space<semaphore_mem>>
      %dma_start3A = arith.constant 0 : i32
      %dma_start3A_111 = tpu.memref_slice %arg11[%add3A_61, %dma_start3A] : memref<10112x64xf32, #tpu.memory_space<vmem_shared>> -> memref<80x64xf32, #tpu.memory_space<vmem_shared>>
      tpu.enqueue_dma source(%arg4 : memref<80x64xf32, #tpu.memory_space<hbm>>) target(%dma_start3A_111 : memref<80x64xf32, #tpu.memory_space<vmem_shared>>) target_semaphore(%run_scoped3A : memref<!tpu.dma_semaphore, #tpu.memory_space<semaphore_mem>>)
      %dma_wait3A = arith.constant 0 : i32
      %dma_wait3A_112 = tpu.memref_slice %arg11[%add3A_61, %dma_wait3A] : memref<10112x64xf32, #tpu.memory_space<vmem_shared>> -> memref<80x64xf32, #tpu.memory_space<vmem_shared>>
      tpu.wait_dma2 semaphore(%run_scoped3A : memref<!tpu.dma_semaphore, #tpu.memory_space<semaphore_mem>>) src(%arg4 : memref<80x64xf32, #tpu.memory_space<hbm>>) dst(%dma_wait3A_112 : memref<80x64xf32, #tpu.memory_space<vmem_shared>>)
      tpu.yield
    }) : () -> ()
    %add3A_62 = arith.constant 320 : i32
    %add3A_63 = arith.addi %mul3A_0, %add3A_62 : i32
    "tpu.region"() ({
      %run_scoped3A = tpu.sem_alloc : memref<!tpu.dma_semaphore, #tpu.memory_space<semaphore_mem>>
      %dma_start3A = arith.constant 0 : i32
      %dma_start3A_111 = tpu.memref_slice %arg11[%add3A_63, %dma_start3A] : memref<10112x64xf32, #tpu.memory_space<vmem_shared>> -> memref<80x64xf32, #tpu.memory_space<vmem_shared>>
      tpu.enqueue_dma source(%arg4 : memref<80x64xf32, #tpu.memory_space<hbm>>) target(%dma_start3A_111 : memref<80x64xf32, #tpu.memory_space<vmem_shared>>) target_semaphore(%run_scoped3A : memref<!tpu.dma_semaphore, #tpu.memory_space<semaphore_mem>>)
      %dma_wait3A = arith.constant 0 : i32
      %dma_wait3A_112 = tpu.memref_slice %arg11[%add3A_63, %dma_wait3A] : memref<10112x64xf32, #tpu.memory_space<vmem_shared>> -> memref<80x64xf32, #tpu.memory_space<vmem_shared>>
      tpu.wait_dma2 semaphore(%run_scoped3A : memref<!tpu.dma_semaphore, #tpu.memory_space<semaphore_mem>>) src(%arg4 : memref<80x64xf32, #tpu.memory_space<hbm>>) dst(%dma_wait3A_112 : memref<80x64xf32, #tpu.memory_space<vmem_shared>>)
      tpu.yield
    }) : () -> ()
    %add3A_64 = arith.constant 400 : i32
    %add3A_65 = arith.addi %mul3A_0, %add3A_64 : i32
    "tpu.region"() ({
      %run_scoped3A = tpu.sem_alloc : memref<!tpu.dma_semaphore, #tpu.memory_space<semaphore_mem>>
      %dma_start3A = arith.constant 0 : i32
      %dma_start3A_111 = tpu.memref_slice %arg11[%add3A_65, %dma_start3A] : memref<10112x64xf32, #tpu.memory_space<vmem_shared>> -> memref<80x64xf32, #tpu.memory_space<vmem_shared>>
      tpu.enqueue_dma source(%arg4 : memref<80x64xf32, #tpu.memory_space<hbm>>) target(%dma_start3A_111 : memref<80x64xf32, #tpu.memory_space<vmem_shared>>) target_semaphore(%run_scoped3A : memref<!tpu.dma_semaphore, #tpu.memory_space<semaphore_mem>>)
      %dma_wait3A = arith.constant 0 : i32
      %dma_wait3A_112 = tpu.memref_slice %arg11[%add3A_65, %dma_wait3A] : memref<10112x64xf32, #tpu.memory_space<vmem_shared>> -> memref<80x64xf32, #tpu.memory_space<vmem_shared>>
      tpu.wait_dma2 semaphore(%run_scoped3A : memref<!tpu.dma_semaphore, #tpu.memory_space<semaphore_mem>>) src(%arg4 : memref<80x64xf32, #tpu.memory_space<hbm>>) dst(%dma_wait3A_112 : memref<80x64xf32, #tpu.memory_space<vmem_shared>>)
      tpu.yield
    }) : () -> ()
    %add3A_66 = arith.constant 480 : i32
    %add3A_67 = arith.addi %mul3A_0, %add3A_66 : i32
    "tpu.region"() ({
      %run_scoped3A = tpu.sem_alloc : memref<!tpu.dma_semaphore, #tpu.memory_space<semaphore_mem>>
      %dma_start3A = arith.constant 0 : i32
      %dma_start3A_111 = tpu.memref_slice %arg11[%add3A_67, %dma_start3A] : memref<10112x64xf32, #tpu.memory_space<vmem_shared>> -> memref<80x64xf32, #tpu.memory_space<vmem_shared>>
      tpu.enqueue_dma source(%arg4 : memref<80x64xf32, #tpu.memory_space<hbm>>) target(%dma_start3A_111 : memref<80x64xf32, #tpu.memory_space<vmem_shared>>) target_semaphore(%run_scoped3A : memref<!tpu.dma_semaphore, #tpu.memory_space<semaphore_mem>>)
      %dma_wait3A = arith.constant 0 : i32
      %dma_wait3A_112 = tpu.memref_slice %arg11[%add3A_67, %dma_wait3A] : memref<10112x64xf32, #tpu.memory_space<vmem_shared>> -> memref<80x64xf32, #tpu.memory_space<vmem_shared>>
      tpu.wait_dma2 semaphore(%run_scoped3A : memref<!tpu.dma_semaphore, #tpu.memory_space<semaphore_mem>>) src(%arg4 : memref<80x64xf32, #tpu.memory_space<hbm>>) dst(%dma_wait3A_112 : memref<80x64xf32, #tpu.memory_space<vmem_shared>>)
      tpu.yield
    }) : () -> ()
    %add3A_68 = arith.constant 560 : i32
    %add3A_69 = arith.addi %mul3A_0, %add3A_68 : i32
    "tpu.region"() ({
      %run_scoped3A = tpu.sem_alloc : memref<!tpu.dma_semaphore, #tpu.memory_space<semaphore_mem>>
      %dma_start3A = arith.constant 0 : i32
      %dma_start3A_111 = tpu.memref_slice %arg11[%add3A_69, %dma_start3A] : memref<10112x64xf32, #tpu.memory_space<vmem_shared>> -> memref<72x64xf32, #tpu.memory_space<vmem_shared>>
      %dma_start3A_112 = arith.constant 0 : i32
      %dma_start3A_113 = arith.constant 0 : i32
      %dma_start3A_114 = tpu.memref_slice %arg4[%dma_start3A_112, %dma_start3A_113] : memref<80x64xf32, #tpu.memory_space<hbm>> -> memref<72x64xf32, #tpu.memory_space<hbm>>
      tpu.enqueue_dma source(%dma_start3A_114 : memref<72x64xf32, #tpu.memory_space<hbm>>) target(%dma_start3A_111 : memref<72x64xf32, #tpu.memory_space<vmem_shared>>) target_semaphore(%run_scoped3A : memref<!tpu.dma_semaphore, #tpu.memory_space<semaphore_mem>>)
      %dma_wait3A = arith.constant 0 : i32
      %dma_wait3A_115 = tpu.memref_slice %arg11[%add3A_69, %dma_wait3A] : memref<10112x64xf32, #tpu.memory_space<vmem_shared>> -> memref<72x64xf32, #tpu.memory_space<vmem_shared>>
      %dma_wait3A_116 = arith.constant 0 : i32
      %dma_wait3A_117 = arith.constant 0 : i32
      %dma_wait3A_118 = tpu.memref_slice %arg4[%dma_wait3A_116, %dma_wait3A_117] : memref<80x64xf32, #tpu.memory_space<hbm>> -> memref<72x64xf32, #tpu.memory_space<hbm>>
      tpu.wait_dma2 semaphore(%run_scoped3A : memref<!tpu.dma_semaphore, #tpu.memory_space<semaphore_mem>>) src(%dma_wait3A_118 : memref<72x64xf32, #tpu.memory_space<hbm>>) dst(%dma_wait3A_115 : memref<72x64xf32, #tpu.memory_space<vmem_shared>>)
      tpu.yield
    }) : () -> ()
    %barrier3A_70 = arith.constant 0 : index
    tpu.barrier barrier_id(%barrier3A_70)
    %gt3A_71 = arith.constant 0 : i32
    %gt3A_72 = arith.cmpi sgt, %select_n3A, %gt3A_71 : i32
    %convert_element_type3A_73 = arith.extui %gt3A_72 : i1 to i32
    %cond3A_74 = arith.constant 0 : i32
    %cond3A_75 = arith.cmpi ne, %convert_element_type3A_73, %cond3A_74 : i32
    scf.if %cond3A_75 {
      %add3A_111 = arith.constant 0 : i32
      %add3A_112 = arith.addi %add3A_111, %sub3A : i32
      %get3A = arith.constant 0 : i32
      %get3A_113 = tpu.memref_slice %arg6[%add3A_112, %get3A] : memref<80x128xi32, #tpu.memory_space<vmem>> -> memref<1x128xi32, #tpu.memory_space<vmem>>
      %get3A_114 = tpu.memref_squeeze %get3A_113 : memref<1x128xi32, #tpu.memory_space<vmem>> -> memref<128xi32, #tpu.memory_space<vmem>>
      %get3A_115 = arith.constant 0 : index
      %get3A_116 = tpu.vector_load %get3A_114[%get3A_115] {strides = array<i32>} : memref<128xi32, #tpu.memory_space<vmem>>, vector<16xi32>,
      %get3A_117 = vector.shape_cast %get3A_116 : vector<16xi32> to vector<16xi32>
      %and3A_118 = arith.constant 65535 : i32
      %and3A_119 = vector.broadcast %and3A_118 : i32 to vector<16xi32>
      %and3A_120 = arith.andi %get3A_117, %and3A_119 : vector<16xi32>
      %swap3A = arith.constant 0 : i32
      %swap3A_121 = arith.constant 0 : i32
      %swap3A_122 = tpu.memref_slice %arg7[%swap3A, %swap3A_121] : memref<2x128xi32, #tpu.memory_space<vmem>> -> memref<1x128xi32, #tpu.memory_space<vmem>>
      %swap3A_123 = tpu.memref_squeeze %swap3A_122 : memref<1x128xi32, #tpu.memory_space<vmem>> -> memref<128xi32, #tpu.memory_space<vmem>>
      %swap3A_124 = arith.constant 0 : index
      %swap3A_125 = tpu.vector_load %swap3A_123[%swap3A_124] {strides = array<i32>} : memref<128xi32, #tpu.memory_space<vmem>>, vector<16xi32>,
      %swap3A_126 = vector.shape_cast %swap3A_125 : vector<16xi32> to vector<16xi32>
      %swap3A_127 = vector.shape_cast %and3A_120 : vector<16xi32> to vector<16xi32>
      tpu.vector_store %swap3A_123[%swap3A_124], %swap3A_127 {strides = array<i32>} : memref<128xi32, #tpu.memory_space<vmem>>, vector<16xi32>,
      %shift_right_logical3A = arith.constant 16 : i32
      %shift_right_logical3A_128 = vector.broadcast %shift_right_logical3A : i32 to vector<16xi32>
      %shift_right_logical3A_129 = arith.shrui %get3A_117, %shift_right_logical3A_128 : vector<16xi32>
      %swap3A_130 = arith.constant 0 : i32
      %swap3A_131 = arith.constant 0 : i32
      %swap3A_132 = tpu.memref_slice %arg8[%swap3A_130, %swap3A_131] : memref<2x128xi32, #tpu.memory_space<vmem>> -> memref<1x128xi32, #tpu.memory_space<vmem>>
      %swap3A_133 = tpu.memref_squeeze %swap3A_132 : memref<1x128xi32, #tpu.memory_space<vmem>> -> memref<128xi32, #tpu.memory_space<vmem>>
      %swap3A_134 = arith.constant 0 : index
      %swap3A_135 = tpu.vector_load %swap3A_133[%swap3A_134] {strides = array<i32>} : memref<128xi32, #tpu.memory_space<vmem>>, vector<16xi32>,
      %swap3A_136 = vector.shape_cast %swap3A_135 : vector<16xi32> to vector<16xi32>
      %swap3A_137 = vector.shape_cast %shift_right_logical3A_129 : vector<16xi32> to vector<16xi32>
      tpu.vector_store %swap3A_133[%swap3A_134], %swap3A_137 {strides = array<i32>} : memref<128xi32, #tpu.memory_space<vmem>>, vector<16xi32>,
      %add3A_138 = arith.constant 0 : i32
      %add3A_139 = arith.addi %add3A_138, %sub3A : i32
      %get3A_140 = arith.constant 0 : i32
      %get3A_141 = tpu.memref_slice %arg6[%add3A_139, %get3A_140] : memref<80x128xi32, #tpu.memory_space<vmem>> -> memref<1x128xi32, #tpu.memory_space<vmem>>
      %get3A_142 = tpu.memref_squeeze %get3A_141 : memref<1x128xi32, #tpu.memory_space<vmem>> -> memref<128xi32, #tpu.memory_space<vmem>>
      %get3A_143 = arith.constant 16 : index
      %get3A_144 = tpu.vector_load %get3A_142[%get3A_143] {strides = array<i32>} : memref<128xi32, #tpu.memory_space<vmem>>, vector<16xi32>,
      %get3A_145 = vector.shape_cast %get3A_144 : vector<16xi32> to vector<16xi32>
      %and3A_146 = arith.constant 65535 : i32
      %and3A_147 = vector.broadcast %and3A_146 : i32 to vector<16xi32>
      %and3A_148 = arith.andi %get3A_145, %and3A_147 : vector<16xi32>
      %swap3A_149 = arith.constant 0 : i32
      %swap3A_150 = arith.constant 0 : i32
      %swap3A_151 = tpu.memref_slice %arg7[%swap3A_149, %swap3A_150] : memref<2x128xi32, #tpu.memory_space<vmem>> -> memref<1x128xi32, #tpu.memory_space<vmem>>
      %swap3A_152 = tpu.memref_squeeze %swap3A_151 : memref<1x128xi32, #tpu.memory_space<vmem>> -> memref<128xi32, #tpu.memory_space<vmem>>
      %swap3A_153 = arith.constant 16 : index
      %swap3A_154 = tpu.vector_load %swap3A_152[%swap3A_153] {strides = array<i32>} : memref<128xi32, #tpu.memory_space<vmem>>, vector<16xi32>,
      %swap3A_155 = vector.shape_cast %swap3A_154 : vector<16xi32> to vector<16xi32>
      %swap3A_156 = vector.shape_cast %and3A_148 : vector<16xi32> to vector<16xi32>
      tpu.vector_store %swap3A_152[%swap3A_153], %swap3A_156 {strides = array<i32>} : memref<128xi32, #tpu.memory_space<vmem>>, vector<16xi32>,
      %shift_right_logical3A_157 = arith.constant 16 : i32
      %shift_right_logical3A_158 = vector.broadcast %shift_right_logical3A_157 : i32 to vector<16xi32>
      %shift_right_logical3A_159 = arith.shrui %get3A_145, %shift_right_logical3A_158 : vector<16xi32>
      %swap3A_160 = arith.constant 0 : i32
      %swap3A_161 = arith.constant 0 : i32
      %swap3A_162 = tpu.memref_slice %arg8[%swap3A_160, %swap3A_161] : memref<2x128xi32, #tpu.memory_space<vmem>> -> memref<1x128xi32, #tpu.memory_space<vmem>>
      %swap3A_163 = tpu.memref_squeeze %swap3A_162 : memref<1x128xi32, #tpu.memory_space<vmem>> -> memref<128xi32, #tpu.memory_space<vmem>>
      %swap3A_164 = arith.constant 16 : index
      %swap3A_165 = tpu.vector_load %swap3A_163[%swap3A_164] {strides = array<i32>} : memref<128xi32, #tpu.memory_space<vmem>>, vector<16xi32>,
      %swap3A_166 = vector.shape_cast %swap3A_165 : vector<16xi32> to vector<16xi32>
      %swap3A_167 = vector.shape_cast %shift_right_logical3A_159 : vector<16xi32> to vector<16xi32>
      tpu.vector_store %swap3A_163[%swap3A_164], %swap3A_167 {strides = array<i32>} : memref<128xi32, #tpu.memory_space<vmem>>, vector<16xi32>,
      %add3A_168 = arith.constant 0 : i32
      %add3A_169 = arith.addi %add3A_168, %sub3A : i32
      %get3A_170 = arith.constant 0 : i32
      %get3A_171 = tpu.memref_slice %arg6[%add3A_169, %get3A_170] : memref<80x128xi32, #tpu.memory_space<vmem>> -> memref<1x128xi32, #tpu.memory_space<vmem>>
      %get3A_172 = tpu.memref_squeeze %get3A_171 : memref<1x128xi32, #tpu.memory_space<vmem>> -> memref<128xi32, #tpu.memory_space<vmem>>
      %get3A_173 = arith.constant 32 : index
      %get3A_174 = tpu.vector_load %get3A_172[%get3A_173] {strides = array<i32>} : memref<128xi32, #tpu.memory_space<vmem>>, vector<16xi32>,
      %get3A_175 = vector.shape_cast %get3A_174 : vector<16xi32> to vector<16xi32>
      %and3A_176 = arith.constant 65535 : i32
      %and3A_177 = vector.broadcast %and3A_176 : i32 to vector<16xi32>
      %and3A_178 = arith.andi %get3A_175, %and3A_177 : vector<16xi32>
      %swap3A_179 = arith.constant 0 : i32
      %swap3A_180 = arith.constant 0 : i32
      %swap3A_181 = tpu.memref_slice %arg7[%swap3A_179, %swap3A_180] : memref<2x128xi32, #tpu.memory_space<vmem>> -> memref<1x128xi32, #tpu.memory_space<vmem>>
      %swap3A_182 = tpu.memref_squeeze %swap3A_181 : memref<1x128xi32, #tpu.memory_space<vmem>> -> memref<128xi32, #tpu.memory_space<vmem>>
      %swap3A_183 = arith.constant 32 : index
      %swap3A_184 = tpu.vector_load %swap3A_182[%swap3A_183] {strides = array<i32>} : memref<128xi32, #tpu.memory_space<vmem>>, vector<16xi32>,
      %swap3A_185 = vector.shape_cast %swap3A_184 : vector<16xi32> to vector<16xi32>
      %swap3A_186 = vector.shape_cast %and3A_178 : vector<16xi32> to vector<16xi32>
      tpu.vector_store %swap3A_182[%swap3A_183], %swap3A_186 {strides = array<i32>} : memref<128xi32, #tpu.memory_space<vmem>>, vector<16xi32>,
      %shift_right_logical3A_187 = arith.constant 16 : i32
      %shift_right_logical3A_188 = vector.broadcast %shift_right_logical3A_187 : i32 to vector<16xi32>
      %shift_right_logical3A_189 = arith.shrui %get3A_175, %shift_right_logical3A_188 : vector<16xi32>
      %swap3A_190 = arith.constant 0 : i32
      %swap3A_191 = arith.constant 0 : i32
      %swap3A_192 = tpu.memref_slice %arg8[%swap3A_190, %swap3A_191] : memref<2x128xi32, #tpu.memory_space<vmem>> -> memref<1x128xi32, #tpu.memory_space<vmem>>
      %swap3A_193 = tpu.memref_squeeze %swap3A_192 : memref<1x128xi32, #tpu.memory_space<vmem>> -> memref<128xi32, #tpu.memory_space<vmem>>
      %swap3A_194 = arith.constant 32 : index
      %swap3A_195 = tpu.vector_load %swap3A_193[%swap3A_194] {strides = array<i32>} : memref<128xi32, #tpu.memory_space<vmem>>, vector<16xi32>,
      %swap3A_196 = vector.shape_cast %swap3A_195 : vector<16xi32> to vector<16xi32>
      %swap3A_197 = vector.shape_cast %shift_right_logical3A_189 : vector<16xi32> to vector<16xi32>
      tpu.vector_store %swap3A_193[%swap3A_194], %swap3A_197 {strides = array<i32>} : memref<128xi32, #tpu.memory_space<vmem>>, vector<16xi32>,
      %add3A_198 = arith.constant 0 : i32
      %add3A_199 = arith.addi %add3A_198, %sub3A : i32
      %get3A_200 = arith.constant 0 : i32
      %get3A_201 = tpu.memref_slice %arg6[%add3A_199, %get3A_200] : memref<80x128xi32, #tpu.memory_space<vmem>> -> memref<1x128xi32, #tpu.memory_space<vmem>>
      %get3A_202 = tpu.memref_squeeze %get3A_201 : memref<1x128xi32, #tpu.memory_space<vmem>> -> memref<128xi32, #tpu.memory_space<vmem>>
      %get3A_203 = arith.constant 48 : index
      %get3A_204 = tpu.vector_load %get3A_202[%get3A_203] {strides = array<i32>} : memref<128xi32, #tpu.memory_space<vmem>>, vector<16xi32>,
      %get3A_205 = vector.shape_cast %get3A_204 : vector<16xi32> to vector<16xi32>
      %and3A_206 = arith.constant 65535 : i32
      %and3A_207 = vector.broadcast %and3A_206 : i32 to vector<16xi32>
      %and3A_208 = arith.andi %get3A_205, %and3A_207 : vector<16xi32>
      %swap3A_209 = arith.constant 0 : i32
      %swap3A_210 = arith.constant 0 : i32
      %swap3A_211 = tpu.memref_slice %arg7[%swap3A_209, %swap3A_210] : memref<2x128xi32, #tpu.memory_space<vmem>> -> memref<1x128xi32, #tpu.memory_space<vmem>>
      %swap3A_212 = tpu.memref_squeeze %swap3A_211 : memref<1x128xi32, #tpu.memory_space<vmem>> -> memref<128xi32, #tpu.memory_space<vmem>>
      %swap3A_213 = arith.constant 48 : index
      %swap3A_214 = tpu.vector_load %swap3A_212[%swap3A_213] {strides = array<i32>} : memref<128xi32, #tpu.memory_space<vmem>>, vector<16xi32>,
      %swap3A_215 = vector.shape_cast %swap3A_214 : vector<16xi32> to vector<16xi32>
      %swap3A_216 = vector.shape_cast %and3A_208 : vector<16xi32> to vector<16xi32>
      tpu.vector_store %swap3A_212[%swap3A_213], %swap3A_216 {strides = array<i32>} : memref<128xi32, #tpu.memory_space<vmem>>, vector<16xi32>,
      %shift_right_logical3A_217 = arith.constant 16 : i32
      %shift_right_logical3A_218 = vector.broadcast %shift_right_logical3A_217 : i32 to vector<16xi32>
      %shift_right_logical3A_219 = arith.shrui %get3A_205, %shift_right_logical3A_218 : vector<16xi32>
      %swap3A_220 = arith.constant 0 : i32
      %swap3A_221 = arith.constant 0 : i32
      %swap3A_222 = tpu.memref_slice %arg8[%swap3A_220, %swap3A_221] : memref<2x128xi32, #tpu.memory_space<vmem>> -> memref<1x128xi32, #tpu.memory_space<vmem>>
      %swap3A_223 = tpu.memref_squeeze %swap3A_222 : memref<1x128xi32, #tpu.memory_space<vmem>> -> memref<128xi32, #tpu.memory_space<vmem>>
      %swap3A_224 = arith.constant 48 : index
      %swap3A_225 = tpu.vector_load %swap3A_223[%swap3A_224] {strides = array<i32>} : memref<128xi32, #tpu.memory_space<vmem>>, vector<16xi32>,
      %swap3A_226 = vector.shape_cast %swap3A_225 : vector<16xi32> to vector<16xi32>
      %swap3A_227 = vector.shape_cast %shift_right_logical3A_219 : vector<16xi32> to vector<16xi32>
      tpu.vector_store %swap3A_223[%swap3A_224], %swap3A_227 {strides = array<i32>} : memref<128xi32, #tpu.memory_space<vmem>>, vector<16xi32>,
      %add3A_228 = arith.constant 0 : i32
      %add3A_229 = arith.addi %add3A_228, %sub3A : i32
      %get3A_230 = arith.constant 0 : i32
      %get3A_231 = tpu.memref_slice %arg6[%add3A_229, %get3A_230] : memref<80x128xi32, #tpu.memory_space<vmem>> -> memref<1x128xi32, #tpu.memory_space<vmem>>
      %get3A_232 = tpu.memref_squeeze %get3A_231 : memref<1x128xi32, #tpu.memory_space<vmem>> -> memref<128xi32, #tpu.memory_space<vmem>>
      %get3A_233 = arith.constant 64 : index
      %get3A_234 = tpu.vector_load %get3A_232[%get3A_233] {strides = array<i32>} : memref<128xi32, #tpu.memory_space<vmem>>, vector<16xi32>,
      %get3A_235 = vector.shape_cast %get3A_234 : vector<16xi32> to vector<16xi32>
      %and3A_236 = arith.constant 65535 : i32
      %and3A_237 = vector.broadcast %and3A_236 : i32 to vector<16xi32>
      %and3A_238 = arith.andi %get3A_235, %and3A_237 : vector<16xi32>
      %swap3A_239 = arith.constant 0 : i32
      %swap3A_240 = arith.constant 0 : i32
      %swap3A_241 = tpu.memref_slice %arg7[%swap3A_239, %swap3A_240] : memref<2x128xi32, #tpu.memory_space<vmem>> -> memref<1x128xi32, #tpu.memory_space<vmem>>
      %swap3A_242 = tpu.memref_squeeze %swap3A_241 : memref<1x128xi32, #tpu.memory_space<vmem>> -> memref<128xi32, #tpu.memory_space<vmem>>
      %swap3A_243 = arith.constant 64 : index
      %swap3A_244 = tpu.vector_load %swap3A_242[%swap3A_243] {strides = array<i32>} : memref<128xi32, #tpu.memory_space<vmem>>, vector<16xi32>,
      %swap3A_245 = vector.shape_cast %swap3A_244 : vector<16xi32> to vector<16xi32>
      %swap3A_246 = vector.shape_cast %and3A_238 : vector<16xi32> to vector<16xi32>
      tpu.vector_store %swap3A_242[%swap3A_243], %swap3A_246 {strides = array<i32>} : memref<128xi32, #tpu.memory_space<vmem>>, vector<16xi32>,
      %shift_right_logical3A_247 = arith.constant 16 : i32
      %shift_right_logical3A_248 = vector.broadcast %shift_right_logical3A_247 : i32 to vector<16xi32>
      %shift_right_logical3A_249 = arith.shrui %get3A_235, %shift_right_logical3A_248 : vector<16xi32>
      %swap3A_250 = arith.constant 0 : i32
      %swap3A_251 = arith.constant 0 : i32
      %swap3A_252 = tpu.memref_slice %arg8[%swap3A_250, %swap3A_251] : memref<2x128xi32, #tpu.memory_space<vmem>> -> memref<1x128xi32, #tpu.memory_space<vmem>>
      %swap3A_253 = tpu.memref_squeeze %swap3A_252 : memref<1x128xi32, #tpu.memory_space<vmem>> -> memref<128xi32, #tpu.memory_space<vmem>>
      %swap3A_254 = arith.constant 64 : index
      %swap3A_255 = tpu.vector_load %swap3A_253[%swap3A_254] {strides = array<i32>} : memref<128xi32, #tpu.memory_space<vmem>>, vector<16xi32>,
      %swap3A_256 = vector.shape_cast %swap3A_255 : vector<16xi32> to vector<16xi32>
      %swap3A_257 = vector.shape_cast %shift_right_logical3A_249 : vector<16xi32> to vector<16xi32>
      tpu.vector_store %swap3A_253[%swap3A_254], %swap3A_257 {strides = array<i32>} : memref<128xi32, #tpu.memory_space<vmem>>, vector<16xi32>,
      %add3A_258 = arith.constant 0 : i32
      %add3A_259 = arith.addi %add3A_258, %sub3A : i32
      %get3A_260 = arith.constant 0 : i32
      %get3A_261 = tpu.memref_slice %arg6[%add3A_259, %get3A_260] : memref<80x128xi32, #tpu.memory_space<vmem>> -> memref<1x128xi32, #tpu.memory_space<vmem>>
      %get3A_262 = tpu.memref_squeeze %get3A_261 : memref<1x128xi32, #tpu.memory_space<vmem>> -> memref<128xi32, #tpu.memory_space<vmem>>
      %get3A_263 = arith.constant 80 : index
      %get3A_264 = tpu.vector_load %get3A_262[%get3A_263] {strides = array<i32>} : memref<128xi32, #tpu.memory_space<vmem>>, vector<16xi32>,
      %get3A_265 = vector.shape_cast %get3A_264 : vector<16xi32> to vector<16xi32>
      %and3A_266 = arith.constant 65535 : i32
      %and3A_267 = vector.broadcast %and3A_266 : i32 to vector<16xi32>
      %and3A_268 = arith.andi %get3A_265, %and3A_267 : vector<16xi32>
      %swap3A_269 = arith.constant 0 : i32
      %swap3A_270 = arith.constant 0 : i32
      %swap3A_271 = tpu.memref_slice %arg7[%swap3A_269, %swap3A_270] : memref<2x128xi32, #tpu.memory_space<vmem>> -> memref<1x128xi32, #tpu.memory_space<vmem>>
      %swap3A_272 = tpu.memref_squeeze %swap3A_271 : memref<1x128xi32, #tpu.memory_space<vmem>> -> memref<128xi32, #tpu.memory_space<vmem>>
      %swap3A_273 = arith.constant 80 : index
      %swap3A_274 = tpu.vector_load %swap3A_272[%swap3A_273] {strides = array<i32>} : memref<128xi32, #tpu.memory_space<vmem>>, vector<16xi32>,
      %swap3A_275 = vector.shape_cast %swap3A_274 : vector<16xi32> to vector<16xi32>
      %swap3A_276 = vector.shape_cast %and3A_268 : vector<16xi32> to vector<16xi32>
      tpu.vector_store %swap3A_272[%swap3A_273], %swap3A_276 {strides = array<i32>} : memref<128xi32, #tpu.memory_space<vmem>>, vector<16xi32>,
      %shift_right_logical3A_277 = arith.constant 16 : i32
      %shift_right_logical3A_278 = vector.broadcast %shift_right_logical3A_277 : i32 to vector<16xi32>
      %shift_right_logical3A_279 = arith.shrui %get3A_265, %shift_right_logical3A_278 : vector<16xi32>
      %swap3A_280 = arith.constant 0 : i32
      %swap3A_281 = arith.constant 0 : i32
      %swap3A_282 = tpu.memref_slice %arg8[%swap3A_280, %swap3A_281] : memref<2x128xi32, #tpu.memory_space<vmem>> -> memref<1x128xi32, #tpu.memory_space<vmem>>
      %swap3A_283 = tpu.memref_squeeze %swap3A_282 : memref<1x128xi32, #tpu.memory_space<vmem>> -> memref<128xi32, #tpu.memory_space<vmem>>
      %swap3A_284 = arith.constant 80 : index
      %swap3A_285 = tpu.vector_load %swap3A_283[%swap3A_284] {strides = array<i32>} : memref<128xi32, #tpu.memory_space<vmem>>, vector<16xi32>,
      %swap3A_286 = vector.shape_cast %swap3A_285 : vector<16xi32> to vector<16xi32>
      %swap3A_287 = vector.shape_cast %shift_right_logical3A_279 : vector<16xi32> to vector<16xi32>
      tpu.vector_store %swap3A_283[%swap3A_284], %swap3A_287 {strides = array<i32>} : memref<128xi32, #tpu.memory_space<vmem>>, vector<16xi32>,
      %add3A_288 = arith.constant 0 : i32
      %add3A_289 = arith.addi %add3A_288, %sub3A : i32
      %get3A_290 = arith.constant 0 : i32
      %get3A_291 = tpu.memref_slice %arg6[%add3A_289, %get3A_290] : memref<80x128xi32, #tpu.memory_space<vmem>> -> memref<1x128xi32, #tpu.memory_space<vmem>>
      %get3A_292 = tpu.memref_squeeze %get3A_291 : memref<1x128xi32, #tpu.memory_space<vmem>> -> memref<128xi32, #tpu.memory_space<vmem>>
      %get3A_293 = arith.constant 96 : index
      %get3A_294 = tpu.vector_load %get3A_292[%get3A_293] {strides = array<i32>} : memref<128xi32, #tpu.memory_space<vmem>>, vector<16xi32>,
      %get3A_295 = vector.shape_cast %get3A_294 : vector<16xi32> to vector<16xi32>
      %and3A_296 = arith.constant 65535 : i32
      %and3A_297 = vector.broadcast %and3A_296 : i32 to vector<16xi32>
      %and3A_298 = arith.andi %get3A_295, %and3A_297 : vector<16xi32>
      %swap3A_299 = arith.constant 0 : i32
      %swap3A_300 = arith.constant 0 : i32
      %swap3A_301 = tpu.memref_slice %arg7[%swap3A_299, %swap3A_300] : memref<2x128xi32, #tpu.memory_space<vmem>> -> memref<1x128xi32, #tpu.memory_space<vmem>>
      %swap3A_302 = tpu.memref_squeeze %swap3A_301 : memref<1x128xi32, #tpu.memory_space<vmem>> -> memref<128xi32, #tpu.memory_space<vmem>>
      %swap3A_303 = arith.constant 96 : index
      %swap3A_304 = tpu.vector_load %swap3A_302[%swap3A_303] {strides = array<i32>} : memref<128xi32, #tpu.memory_space<vmem>>, vector<16xi32>,
      %swap3A_305 = vector.shape_cast %swap3A_304 : vector<16xi32> to vector<16xi32>
      %swap3A_306 = vector.shape_cast %and3A_298 : vector<16xi32> to vector<16xi32>
      tpu.vector_store %swap3A_302[%swap3A_303], %swap3A_306 {strides = array<i32>} : memref<128xi32, #tpu.memory_space<vmem>>, vector<16xi32>,
      %shift_right_logical3A_307 = arith.constant 16 : i32
      %shift_right_logical3A_308 = vector.broadcast %shift_right_logical3A_307 : i32 to vector<16xi32>
      %shift_right_logical3A_309 = arith.shrui %get3A_295, %shift_right_logical3A_308 : vector<16xi32>
      %swap3A_310 = arith.constant 0 : i32
      %swap3A_311 = arith.constant 0 : i32
      %swap3A_312 = tpu.memref_slice %arg8[%swap3A_310, %swap3A_311] : memref<2x128xi32, #tpu.memory_space<vmem>> -> memref<1x128xi32, #tpu.memory_space<vmem>>
      %swap3A_313 = tpu.memref_squeeze %swap3A_312 : memref<1x128xi32, #tpu.memory_space<vmem>> -> memref<128xi32, #tpu.memory_space<vmem>>
      %swap3A_314 = arith.constant 96 : index
      %swap3A_315 = tpu.vector_load %swap3A_313[%swap3A_314] {strides = array<i32>} : memref<128xi32, #tpu.memory_space<vmem>>, vector<16xi32>,
      %swap3A_316 = vector.shape_cast %swap3A_315 : vector<16xi32> to vector<16xi32>
      %swap3A_317 = vector.shape_cast %shift_right_logical3A_309 : vector<16xi32> to vector<16xi32>
      tpu.vector_store %swap3A_313[%swap3A_314], %swap3A_317 {strides = array<i32>} : memref<128xi32, #tpu.memory_space<vmem>>, vector<16xi32>,
      %add3A_318 = arith.constant 0 : i32
      %add3A_319 = arith.addi %add3A_318, %sub3A : i32
      %get3A_320 = arith.constant 0 : i32
      %get3A_321 = tpu.memref_slice %arg6[%add3A_319, %get3A_320] : memref<80x128xi32, #tpu.memory_space<vmem>> -> memref<1x128xi32, #tpu.memory_space<vmem>>
      %get3A_322 = tpu.memref_squeeze %get3A_321 : memref<1x128xi32, #tpu.memory_space<vmem>> -> memref<128xi32, #tpu.memory_space<vmem>>
      %get3A_323 = arith.constant 112 : index
      %get3A_324 = tpu.vector_load %get3A_322[%get3A_323] {strides = array<i32>} : memref<128xi32, #tpu.memory_space<vmem>>, vector<16xi32>,
      %get3A_325 = vector.shape_cast %get3A_324 : vector<16xi32> to vector<16xi32>
      %and3A_326 = arith.constant 65535 : i32
      %and3A_327 = vector.broadcast %and3A_326 : i32 to vector<16xi32>
      %and3A_328 = arith.andi %get3A_325, %and3A_327 : vector<16xi32>
      %swap3A_329 = arith.constant 0 : i32
      %swap3A_330 = arith.constant 0 : i32
      %swap3A_331 = tpu.memref_slice %arg7[%swap3A_329, %swap3A_330] : memref<2x128xi32, #tpu.memory_space<vmem>> -> memref<1x128xi32, #tpu.memory_space<vmem>>
      %swap3A_332 = tpu.memref_squeeze %swap3A_331 : memref<1x128xi32, #tpu.memory_space<vmem>> -> memref<128xi32, #tpu.memory_space<vmem>>
      %swap3A_333 = arith.constant 112 : index
      %swap3A_334 = tpu.vector_load %swap3A_332[%swap3A_333] {strides = array<i32>} : memref<128xi32, #tpu.memory_space<vmem>>, vector<16xi32>,
      %swap3A_335 = vector.shape_cast %swap3A_334 : vector<16xi32> to vector<16xi32>
      %swap3A_336 = vector.shape_cast %and3A_328 : vector<16xi32> to vector<16xi32>
      tpu.vector_store %swap3A_332[%swap3A_333], %swap3A_336 {strides = array<i32>} : memref<128xi32, #tpu.memory_space<vmem>>, vector<16xi32>,
      %shift_right_logical3A_337 = arith.constant 16 : i32
      %shift_right_logical3A_338 = vector.broadcast %shift_right_logical3A_337 : i32 to vector<16xi32>
      %shift_right_logical3A_339 = arith.shrui %get3A_325, %shift_right_logical3A_338 : vector<16xi32>
      %swap3A_340 = arith.constant 0 : i32
      %swap3A_341 = arith.constant 0 : i32
      %swap3A_342 = tpu.memref_slice %arg8[%swap3A_340, %swap3A_341] : memref<2x128xi32, #tpu.memory_space<vmem>> -> memref<1x128xi32, #tpu.memory_space<vmem>>
      %swap3A_343 = tpu.memref_squeeze %swap3A_342 : memref<1x128xi32, #tpu.memory_space<vmem>> -> memref<128xi32, #tpu.memory_space<vmem>>
      %swap3A_344 = arith.constant 112 : index
      %swap3A_345 = tpu.vector_load %swap3A_343[%swap3A_344] {strides = array<i32>} : memref<128xi32, #tpu.memory_space<vmem>>, vector<16xi32>,
      %swap3A_346 = vector.shape_cast %swap3A_345 : vector<16xi32> to vector<16xi32>
      %swap3A_347 = vector.shape_cast %shift_right_logical3A_339 : vector<16xi32> to vector<16xi32>
      tpu.vector_store %swap3A_343[%swap3A_344], %swap3A_347 {strides = array<i32>} : memref<128xi32, #tpu.memory_space<vmem>>, vector<16xi32>,
      %dma_start3A = arith.constant 0 : i32
      %dma_start3A_348 = arith.constant 0 : i32
      %dma_start3A_349 = tpu.memref_slice %arg7[%dma_start3A, %dma_start3A_348] : memref<2x128xi32, #tpu.memory_space<vmem>> -> memref<1x128xi32, #tpu.memory_space<vmem>>
      %dma_start3A_350 = tpu.memref_squeeze %dma_start3A_349 : memref<1x128xi32, #tpu.memory_space<vmem>> -> memref<128xi32, #tpu.memory_space<vmem>>
      %dma_start3A_351 = arith.constant 0 : i32
      %dma_start3A_352 = arith.constant 0 : i32
      %dma_start3A_353 = tpu.memref_slice %arg12[%dma_start3A_351, %dma_start3A_352] : memref<10112x64xf32, #tpu.memory_space<vmem_shared>> -> memref<10112x64xf32, #tpu.memory_space<vmem_shared>>
      tpu.enqueue_indirect_dma source(%dma_start3A_353 : memref<10112x64xf32, #tpu.memory_space<vmem_shared>>) target(%arg9 : memref<128x64xf32, #tpu.memory_space<vmem>>) offsets(%dma_start3A_350 : memref<128xi32, #tpu.memory_space<vmem>>) semaphore(%arg13 : memref<!tpu.dma_semaphore, #tpu.memory_space<semaphore_mem>>)
    } else {
    }
    %jit3A_76 = arith.constant 2 : i32
    %div3A_77 = arith.divsi %select_n3A, %jit3A_76 : i32
    %sign3A_78 = arith.constant 0 : i32
    %sign3A_79 = arith.cmpi sgt, %select_n3A, %sign3A_78 : i32
    %sign3A_80 = arith.extui %sign3A_79 : i1 to i32
    %sign3A_81 = arith.constant 0 : i32
    %sign3A_82 = arith.cmpi slt, %select_n3A, %sign3A_81 : i32
    %sign3A_83 = arith.extui %sign3A_82 : i1 to i32
    %sign3A_84 = arith.subi %sign3A_80, %sign3A_83 : i32
    %sign3A_85 = arith.constant 0 : i32
    %sign3A_86 = arith.cmpi sgt, %jit3A_76, %sign3A_85 : i32
    %sign3A_87 = arith.extui %sign3A_86 : i1 to i32
    %sign3A_88 = arith.constant 0 : i32
    %sign3A_89 = arith.cmpi slt, %jit3A_76, %sign3A_88 : i32
    %sign3A_90 = arith.extui %sign3A_89 : i1 to i32
    %sign3A_91 = arith.subi %sign3A_87, %sign3A_90 : i32
    %ne3A_92 = arith.cmpi ne, %sign3A_84, %sign3A_91 : i32
    %rem3A_93 = arith.remsi %select_n3A, %jit3A_76 : i32
    %ne3A_94 = arith.constant 0 : i32
    %ne3A_95 = arith.cmpi ne, %rem3A_93, %ne3A_94 : i32
    %and3A_96 = arith.andi %ne3A_92, %ne3A_95 : i1
    %sub3A_97 = arith.constant 1 : i32
    %sub3A_98 = arith.subi %div3A_77, %sub3A_97 : i32
    %select_n3A_99 = arith.select %and3A_96, %sub3A_98, %div3A_77 : i32
    %while3A_100 = arith.constant 0 : i32
    %while3A_101 = arith.constant 0 : i32
    %while3A_102 = arith.subi %select_n3A_99, %while3A_101 : i32
    %while3A_103 = arith.addi %while3A_101, %while3A_102 : i32
    %while3A_104 = arith.constant 1 : i32
    %while3A_105 = arith.divsi %while3A_102, %while3A_104 : i32
    %while3A_106 = arith.muli %while3A_105, %while3A_104 : i32
    %while3A_107 = arith.addi %while3A_101, %while3A_106 : i32
    %while3A_108 = arith.constant 1 : i32
    scf.for %while3A_111 = %while3A_101 to %while3A_107 step %while3A_108  : i32 {
      %mul3A_112 = arith.constant 2 : i32
      %mul3A_113 = arith.muli %mul3A_112, %while3A_111 : i32
      %add3A_114 = arith.constant 1 : i32
      %add3A_115 = arith.addi %mul3A_113, %add3A_114 : i32
      %add3A_116 = arith.addi %add3A_115, %sub3A : i32
      %get3A = arith.constant 0 : i32
      %get3A_117 = tpu.memref_slice %arg6[%add3A_116, %get3A] : memref<80x128xi32, #tpu.memory_space<vmem>> -> memref<1x128xi32, #tpu.memory_space<vmem>>
      %get3A_118 = tpu.memref_squeeze %get3A_117 : memref<1x128xi32, #tpu.memory_space<vmem>> -> memref<128xi32, #tpu.memory_space<vmem>>
      %get3A_119 = arith.constant 0 : index
      %get3A_120 = tpu.vector_load %get3A_118[%get3A_119] {strides = array<i32>} : memref<128xi32, #tpu.memory_space<vmem>>, vector<16xi32>,
      %get3A_121 = vector.shape_cast %get3A_120 : vector<16xi32> to vector<16xi32>
      %and3A_122 = arith.constant 65535 : i32
      %and3A_123 = vector.broadcast %and3A_122 : i32 to vector<16xi32>
      %and3A_124 = arith.andi %get3A_121, %and3A_123 : vector<16xi32>
      %swap3A = arith.constant 1 : i32
      %swap3A_125 = arith.constant 0 : i32
      %swap3A_126 = tpu.memref_slice %arg7[%swap3A, %swap3A_125] : memref<2x128xi32, #tpu.memory_space<vmem>> -> memref<1x128xi32, #tpu.memory_space<vmem>>
      %swap3A_127 = tpu.memref_squeeze %swap3A_126 : memref<1x128xi32, #tpu.memory_space<vmem>> -> memref<128xi32, #tpu.memory_space<vmem>>
      %swap3A_128 = arith.constant 0 : index
      %swap3A_129 = tpu.vector_load %swap3A_127[%swap3A_128] {strides = array<i32>} : memref<128xi32, #tpu.memory_space<vmem>>, vector<16xi32>,
      %swap3A_130 = vector.shape_cast %swap3A_129 : vector<16xi32> to vector<16xi32>
      %swap3A_131 = vector.shape_cast %and3A_124 : vector<16xi32> to vector<16xi32>
      tpu.vector_store %swap3A_127[%swap3A_128], %swap3A_131 {strides = array<i32>} : memref<128xi32, #tpu.memory_space<vmem>>, vector<16xi32>,
      %shift_right_logical3A = arith.constant 16 : i32
      %shift_right_logical3A_132 = vector.broadcast %shift_right_logical3A : i32 to vector<16xi32>
      %shift_right_logical3A_133 = arith.shrui %get3A_121, %shift_right_logical3A_132 : vector<16xi32>
      %swap3A_134 = arith.constant 1 : i32
      %swap3A_135 = arith.constant 0 : i32
      %swap3A_136 = tpu.memref_slice %arg8[%swap3A_134, %swap3A_135] : memref<2x128xi32, #tpu.memory_space<vmem>> -> memref<1x128xi32, #tpu.memory_space<vmem>>
      %swap3A_137 = tpu.memref_squeeze %swap3A_136 : memref<1x128xi32, #tpu.memory_space<vmem>> -> memref<128xi32, #tpu.memory_space<vmem>>
      %swap3A_138 = arith.constant 0 : index
      %swap3A_139 = tpu.vector_load %swap3A_137[%swap3A_138] {strides = array<i32>} : memref<128xi32, #tpu.memory_space<vmem>>, vector<16xi32>,
      %swap3A_140 = vector.shape_cast %swap3A_139 : vector<16xi32> to vector<16xi32>
      %swap3A_141 = vector.shape_cast %shift_right_logical3A_133 : vector<16xi32> to vector<16xi32>
      tpu.vector_store %swap3A_137[%swap3A_138], %swap3A_141 {strides = array<i32>} : memref<128xi32, #tpu.memory_space<vmem>>, vector<16xi32>,
      %add3A_142 = arith.addi %add3A_115, %sub3A : i32
      %get3A_143 = arith.constant 0 : i32
      %get3A_144 = tpu.memref_slice %arg6[%add3A_142, %get3A_143] : memref<80x128xi32, #tpu.memory_space<vmem>> -> memref<1x128xi32, #tpu.memory_space<vmem>>
      %get3A_145 = tpu.memref_squeeze %get3A_144 : memref<1x128xi32, #tpu.memory_space<vmem>> -> memref<128xi32, #tpu.memory_space<vmem>>
      %get3A_146 = arith.constant 16 : index
      %get3A_147 = tpu.vector_load %get3A_145[%get3A_146] {strides = array<i32>} : memref<128xi32, #tpu.memory_space<vmem>>, vector<16xi32>,
      %get3A_148 = vector.shape_cast %get3A_147 : vector<16xi32> to vector<16xi32>
      %and3A_149 = arith.constant 65535 : i32
      %and3A_150 = vector.broadcast %and3A_149 : i32 to vector<16xi32>
      %and3A_151 = arith.andi %get3A_148, %and3A_150 : vector<16xi32>
      %swap3A_152 = arith.constant 1 : i32
      %swap3A_153 = arith.constant 0 : i32
      %swap3A_154 = tpu.memref_slice %arg7[%swap3A_152, %swap3A_153] : memref<2x128xi32, #tpu.memory_space<vmem>> -> memref<1x128xi32, #tpu.memory_space<vmem>>
      %swap3A_155 = tpu.memref_squeeze %swap3A_154 : memref<1x128xi32, #tpu.memory_space<vmem>> -> memref<128xi32, #tpu.memory_space<vmem>>
      %swap3A_156 = arith.constant 16 : index
      %swap3A_157 = tpu.vector_load %swap3A_155[%swap3A_156] {strides = array<i32>} : memref<128xi32, #tpu.memory_space<vmem>>, vector<16xi32>,
      %swap3A_158 = vector.shape_cast %swap3A_157 : vector<16xi32> to vector<16xi32>
      %swap3A_159 = vector.shape_cast %and3A_151 : vector<16xi32> to vector<16xi32>
      tpu.vector_store %swap3A_155[%swap3A_156], %swap3A_159 {strides = array<i32>} : memref<128xi32, #tpu.memory_space<vmem>>, vector<16xi32>,
      %shift_right_logical3A_160 = arith.constant 16 : i32
      %shift_right_logical3A_161 = vector.broadcast %shift_right_logical3A_160 : i32 to vector<16xi32>
      %shift_right_logical3A_162 = arith.shrui %get3A_148, %shift_right_logical3A_161 : vector<16xi32>
      %swap3A_163 = arith.constant 1 : i32
      %swap3A_164 = arith.constant 0 : i32
      %swap3A_165 = tpu.memref_slice %arg8[%swap3A_163, %swap3A_164] : memref<2x128xi32, #tpu.memory_space<vmem>> -> memref<1x128xi32, #tpu.memory_space<vmem>>
      %swap3A_166 = tpu.memref_squeeze %swap3A_165 : memref<1x128xi32, #tpu.memory_space<vmem>> -> memref<128xi32, #tpu.memory_space<vmem>>
      %swap3A_167 = arith.constant 16 : index
      %swap3A_168 = tpu.vector_load %swap3A_166[%swap3A_167] {strides = array<i32>} : memref<128xi32, #tpu.memory_space<vmem>>, vector<16xi32>,
      %swap3A_169 = vector.shape_cast %swap3A_168 : vector<16xi32> to vector<16xi32>
      %swap3A_170 = vector.shape_cast %shift_right_logical3A_162 : vector<16xi32> to vector<16xi32>
      tpu.vector_store %swap3A_166[%swap3A_167], %swap3A_170 {strides = array<i32>} : memref<128xi32, #tpu.memory_space<vmem>>, vector<16xi32>,
      %add3A_171 = arith.addi %add3A_115, %sub3A : i32
      %get3A_172 = arith.constant 0 : i32
      %get3A_173 = tpu.memref_slice %arg6[%add3A_171, %get3A_172] : memref<80x128xi32, #tpu.memory_space<vmem>> -> memref<1x128xi32, #tpu.memory_space<vmem>>
      %get3A_174 = tpu.memref_squeeze %get3A_173 : memref<1x128xi32, #tpu.memory_space<vmem>> -> memref<128xi32, #tpu.memory_space<vmem>>
      %get3A_175 = arith.constant 32 : index
      %get3A_176 = tpu.vector_load %get3A_174[%get3A_175] {strides = array<i32>} : memref<128xi32, #tpu.memory_space<vmem>>, vector<16xi32>,
      %get3A_177 = vector.shape_cast %get3A_176 : vector<16xi32> to vector<16xi32>
      %and3A_178 = arith.constant 65535 : i32
      %and3A_179 = vector.broadcast %and3A_178 : i32 to vector<16xi32>
      %and3A_180 = arith.andi %get3A_177, %and3A_179 : vector<16xi32>
      %swap3A_181 = arith.constant 1 : i32
      %swap3A_182 = arith.constant 0 : i32
      %swap3A_183 = tpu.memref_slice %arg7[%swap3A_181, %swap3A_182] : memref<2x128xi32, #tpu.memory_space<vmem>> -> memref<1x128xi32, #tpu.memory_space<vmem>>
      %swap3A_184 = tpu.memref_squeeze %swap3A_183 : memref<1x128xi32, #tpu.memory_space<vmem>> -> memref<128xi32, #tpu.memory_space<vmem>>
      %swap3A_185 = arith.constant 32 : index
      %swap3A_186 = tpu.vector_load %swap3A_184[%swap3A_185] {strides = array<i32>} : memref<128xi32, #tpu.memory_space<vmem>>, vector<16xi32>,
      %swap3A_187 = vector.shape_cast %swap3A_186 : vector<16xi32> to vector<16xi32>
      %swap3A_188 = vector.shape_cast %and3A_180 : vector<16xi32> to vector<16xi32>
      tpu.vector_store %swap3A_184[%swap3A_185], %swap3A_188 {strides = array<i32>} : memref<128xi32, #tpu.memory_space<vmem>>, vector<16xi32>,
      %shift_right_logical3A_189 = arith.constant 16 : i32
      %shift_right_logical3A_190 = vector.broadcast %shift_right_logical3A_189 : i32 to vector<16xi32>
      %shift_right_logical3A_191 = arith.shrui %get3A_177, %shift_right_logical3A_190 : vector<16xi32>
      %swap3A_192 = arith.constant 1 : i32
      %swap3A_193 = arith.constant 0 : i32
      %swap3A_194 = tpu.memref_slice %arg8[%swap3A_192, %swap3A_193] : memref<2x128xi32, #tpu.memory_space<vmem>> -> memref<1x128xi32, #tpu.memory_space<vmem>>
      %swap3A_195 = tpu.memref_squeeze %swap3A_194 : memref<1x128xi32, #tpu.memory_space<vmem>> -> memref<128xi32, #tpu.memory_space<vmem>>
      %swap3A_196 = arith.constant 32 : index
      %swap3A_197 = tpu.vector_load %swap3A_195[%swap3A_196] {strides = array<i32>} : memref<128xi32, #tpu.memory_space<vmem>>, vector<16xi32>,
      %swap3A_198 = vector.shape_cast %swap3A_197 : vector<16xi32> to vector<16xi32>
      %swap3A_199 = vector.shape_cast %shift_right_logical3A_191 : vector<16xi32> to vector<16xi32>
      tpu.vector_store %swap3A_195[%swap3A_196], %swap3A_199 {strides = array<i32>} : memref<128xi32, #tpu.memory_space<vmem>>, vector<16xi32>,
      %add3A_200 = arith.addi %add3A_115, %sub3A : i32
      %get3A_201 = arith.constant 0 : i32
      %get3A_202 = tpu.memref_slice %arg6[%add3A_200, %get3A_201] : memref<80x128xi32, #tpu.memory_space<vmem>> -> memref<1x128xi32, #tpu.memory_space<vmem>>
      %get3A_203 = tpu.memref_squeeze %get3A_202 : memref<1x128xi32, #tpu.memory_space<vmem>> -> memref<128xi32, #tpu.memory_space<vmem>>
      %get3A_204 = arith.constant 48 : index
      %get3A_205 = tpu.vector_load %get3A_203[%get3A_204] {strides = array<i32>} : memref<128xi32, #tpu.memory_space<vmem>>, vector<16xi32>,
      %get3A_206 = vector.shape_cast %get3A_205 : vector<16xi32> to vector<16xi32>
      %and3A_207 = arith.constant 65535 : i32
      %and3A_208 = vector.broadcast %and3A_207 : i32 to vector<16xi32>
      %and3A_209 = arith.andi %get3A_206, %and3A_208 : vector<16xi32>
      %swap3A_210 = arith.constant 1 : i32
      %swap3A_211 = arith.constant 0 : i32
      %swap3A_212 = tpu.memref_slice %arg7[%swap3A_210, %swap3A_211] : memref<2x128xi32, #tpu.memory_space<vmem>> -> memref<1x128xi32, #tpu.memory_space<vmem>>
      %swap3A_213 = tpu.memref_squeeze %swap3A_212 : memref<1x128xi32, #tpu.memory_space<vmem>> -> memref<128xi32, #tpu.memory_space<vmem>>
      %swap3A_214 = arith.constant 48 : index
      %swap3A_215 = tpu.vector_load %swap3A_213[%swap3A_214] {strides = array<i32>} : memref<128xi32, #tpu.memory_space<vmem>>, vector<16xi32>,
      %swap3A_216 = vector.shape_cast %swap3A_215 : vector<16xi32> to vector<16xi32>
      %swap3A_217 = vector.shape_cast %and3A_209 : vector<16xi32> to vector<16xi32>
      tpu.vector_store %swap3A_213[%swap3A_214], %swap3A_217 {strides = array<i32>} : memref<128xi32, #tpu.memory_space<vmem>>, vector<16xi32>,
      %shift_right_logical3A_218 = arith.constant 16 : i32
      %shift_right_logical3A_219 = vector.broadcast %shift_right_logical3A_218 : i32 to vector<16xi32>
      %shift_right_logical3A_220 = arith.shrui %get3A_206, %shift_right_logical3A_219 : vector<16xi32>
      %swap3A_221 = arith.constant 1 : i32
      %swap3A_222 = arith.constant 0 : i32
      %swap3A_223 = tpu.memref_slice %arg8[%swap3A_221, %swap3A_222] : memref<2x128xi32, #tpu.memory_space<vmem>> -> memref<1x128xi32, #tpu.memory_space<vmem>>
      %swap3A_224 = tpu.memref_squeeze %swap3A_223 : memref<1x128xi32, #tpu.memory_space<vmem>> -> memref<128xi32, #tpu.memory_space<vmem>>
      %swap3A_225 = arith.constant 48 : index
      %swap3A_226 = tpu.vector_load %swap3A_224[%swap3A_225] {strides = array<i32>} : memref<128xi32, #tpu.memory_space<vmem>>, vector<16xi32>,
      %swap3A_227 = vector.shape_cast %swap3A_226 : vector<16xi32> to vector<16xi32>
      %swap3A_228 = vector.shape_cast %shift_right_logical3A_220 : vector<16xi32> to vector<16xi32>
      tpu.vector_store %swap3A_224[%swap3A_225], %swap3A_228 {strides = array<i32>} : memref<128xi32, #tpu.memory_space<vmem>>, vector<16xi32>,
      %add3A_229 = arith.addi %add3A_115, %sub3A : i32
      %get3A_230 = arith.constant 0 : i32
      %get3A_231 = tpu.memref_slice %arg6[%add3A_229, %get3A_230] : memref<80x128xi32, #tpu.memory_space<vmem>> -> memref<1x128xi32, #tpu.memory_space<vmem>>
      %get3A_232 = tpu.memref_squeeze %get3A_231 : memref<1x128xi32, #tpu.memory_space<vmem>> -> memref<128xi32, #tpu.memory_space<vmem>>
      %get3A_233 = arith.constant 64 : index
      %get3A_234 = tpu.vector_load %get3A_232[%get3A_233] {strides = array<i32>} : memref<128xi32, #tpu.memory_space<vmem>>, vector<16xi32>,
      %get3A_235 = vector.shape_cast %get3A_234 : vector<16xi32> to vector<16xi32>
      %and3A_236 = arith.constant 65535 : i32
      %and3A_237 = vector.broadcast %and3A_236 : i32 to vector<16xi32>
      %and3A_238 = arith.andi %get3A_235, %and3A_237 : vector<16xi32>
      %swap3A_239 = arith.constant 1 : i32
      %swap3A_240 = arith.constant 0 : i32
      %swap3A_241 = tpu.memref_slice %arg7[%swap3A_239, %swap3A_240] : memref<2x128xi32, #tpu.memory_space<vmem>> -> memref<1x128xi32, #tpu.memory_space<vmem>>
      %swap3A_242 = tpu.memref_squeeze %swap3A_241 : memref<1x128xi32, #tpu.memory_space<vmem>> -> memref<128xi32, #tpu.memory_space<vmem>>
      %swap3A_243 = arith.constant 64 : index
      %swap3A_244 = tpu.vector_load %swap3A_242[%swap3A_243] {strides = array<i32>} : memref<128xi32, #tpu.memory_space<vmem>>, vector<16xi32>,
      %swap3A_245 = vector.shape_cast %swap3A_244 : vector<16xi32> to vector<16xi32>
      %swap3A_246 = vector.shape_cast %and3A_238 : vector<16xi32> to vector<16xi32>
      tpu.vector_store %swap3A_242[%swap3A_243], %swap3A_246 {strides = array<i32>} : memref<128xi32, #tpu.memory_space<vmem>>, vector<16xi32>,
      %shift_right_logical3A_247 = arith.constant 16 : i32
      %shift_right_logical3A_248 = vector.broadcast %shift_right_logical3A_247 : i32 to vector<16xi32>
      %shift_right_logical3A_249 = arith.shrui %get3A_235, %shift_right_logical3A_248 : vector<16xi32>
      %swap3A_250 = arith.constant 1 : i32
      %swap3A_251 = arith.constant 0 : i32
      %swap3A_252 = tpu.memref_slice %arg8[%swap3A_250, %swap3A_251] : memref<2x128xi32, #tpu.memory_space<vmem>> -> memref<1x128xi32, #tpu.memory_space<vmem>>
      %swap3A_253 = tpu.memref_squeeze %swap3A_252 : memref<1x128xi32, #tpu.memory_space<vmem>> -> memref<128xi32, #tpu.memory_space<vmem>>
      %swap3A_254 = arith.constant 64 : index
      %swap3A_255 = tpu.vector_load %swap3A_253[%swap3A_254] {strides = array<i32>} : memref<128xi32, #tpu.memory_space<vmem>>, vector<16xi32>,
      %swap3A_256 = vector.shape_cast %swap3A_255 : vector<16xi32> to vector<16xi32>
      %swap3A_257 = vector.shape_cast %shift_right_logical3A_249 : vector<16xi32> to vector<16xi32>
      tpu.vector_store %swap3A_253[%swap3A_254], %swap3A_257 {strides = array<i32>} : memref<128xi32, #tpu.memory_space<vmem>>, vector<16xi32>,
      %add3A_258 = arith.addi %add3A_115, %sub3A : i32
      %get3A_259 = arith.constant 0 : i32
      %get3A_260 = tpu.memref_slice %arg6[%add3A_258, %get3A_259] : memref<80x128xi32, #tpu.memory_space<vmem>> -> memref<1x128xi32, #tpu.memory_space<vmem>>
      %get3A_261 = tpu.memref_squeeze %get3A_260 : memref<1x128xi32, #tpu.memory_space<vmem>> -> memref<128xi32, #tpu.memory_space<vmem>>
      %get3A_262 = arith.constant 80 : index
      %get3A_263 = tpu.vector_load %get3A_261[%get3A_262] {strides = array<i32>} : memref<128xi32, #tpu.memory_space<vmem>>, vector<16xi32>,
      %get3A_264 = vector.shape_cast %get3A_263 : vector<16xi32> to vector<16xi32>
      %and3A_265 = arith.constant 65535 : i32
      %and3A_266 = vector.broadcast %and3A_265 : i32 to vector<16xi32>
      %and3A_267 = arith.andi %get3A_264, %and3A_266 : vector<16xi32>
      %swap3A_268 = arith.constant 1 : i32
      %swap3A_269 = arith.constant 0 : i32
      %swap3A_270 = tpu.memref_slice %arg7[%swap3A_268, %swap3A_269] : memref<2x128xi32, #tpu.memory_space<vmem>> -> memref<1x128xi32, #tpu.memory_space<vmem>>
      %swap3A_271 = tpu.memref_squeeze %swap3A_270 : memref<1x128xi32, #tpu.memory_space<vmem>> -> memref<128xi32, #tpu.memory_space<vmem>>
      %swap3A_272 = arith.constant 80 : index
      %swap3A_273 = tpu.vector_load %swap3A_271[%swap3A_272] {strides = array<i32>} : memref<128xi32, #tpu.memory_space<vmem>>, vector<16xi32>,
      %swap3A_274 = vector.shape_cast %swap3A_273 : vector<16xi32> to vector<16xi32>
      %swap3A_275 = vector.shape_cast %and3A_267 : vector<16xi32> to vector<16xi32>
      tpu.vector_store %swap3A_271[%swap3A_272], %swap3A_275 {strides = array<i32>} : memref<128xi32, #tpu.memory_space<vmem>>, vector<16xi32>,
      %shift_right_logical3A_276 = arith.constant 16 : i32
      %shift_right_logical3A_277 = vector.broadcast %shift_right_logical3A_276 : i32 to vector<16xi32>
      %shift_right_logical3A_278 = arith.shrui %get3A_264, %shift_right_logical3A_277 : vector<16xi32>
      %swap3A_279 = arith.constant 1 : i32
      %swap3A_280 = arith.constant 0 : i32
      %swap3A_281 = tpu.memref_slice %arg8[%swap3A_279, %swap3A_280] : memref<2x128xi32, #tpu.memory_space<vmem>> -> memref<1x128xi32, #tpu.memory_space<vmem>>
      %swap3A_282 = tpu.memref_squeeze %swap3A_281 : memref<1x128xi32, #tpu.memory_space<vmem>> -> memref<128xi32, #tpu.memory_space<vmem>>
      %swap3A_283 = arith.constant 80 : index
      %swap3A_284 = tpu.vector_load %swap3A_282[%swap3A_283] {strides = array<i32>} : memref<128xi32, #tpu.memory_space<vmem>>, vector<16xi32>,
      %swap3A_285 = vector.shape_cast %swap3A_284 : vector<16xi32> to vector<16xi32>
      %swap3A_286 = vector.shape_cast %shift_right_logical3A_278 : vector<16xi32> to vector<16xi32>
      tpu.vector_store %swap3A_282[%swap3A_283], %swap3A_286 {strides = array<i32>} : memref<128xi32, #tpu.memory_space<vmem>>, vector<16xi32>,
      %add3A_287 = arith.addi %add3A_115, %sub3A : i32
      %get3A_288 = arith.constant 0 : i32
      %get3A_289 = tpu.memref_slice %arg6[%add3A_287, %get3A_288] : memref<80x128xi32, #tpu.memory_space<vmem>> -> memref<1x128xi32, #tpu.memory_space<vmem>>
      %get3A_290 = tpu.memref_squeeze %get3A_289 : memref<1x128xi32, #tpu.memory_space<vmem>> -> memref<128xi32, #tpu.memory_space<vmem>>
      %get3A_291 = arith.constant 96 : index
      %get3A_292 = tpu.vector_load %get3A_290[%get3A_291] {strides = array<i32>} : memref<128xi32, #tpu.memory_space<vmem>>, vector<16xi32>,
      %get3A_293 = vector.shape_cast %get3A_292 : vector<16xi32> to vector<16xi32>
      %and3A_294 = arith.constant 65535 : i32
      %and3A_295 = vector.broadcast %and3A_294 : i32 to vector<16xi32>
      %and3A_296 = arith.andi %get3A_293, %and3A_295 : vector<16xi32>
      %swap3A_297 = arith.constant 1 : i32
      %swap3A_298 = arith.constant 0 : i32
      %swap3A_299 = tpu.memref_slice %arg7[%swap3A_297, %swap3A_298] : memref<2x128xi32, #tpu.memory_space<vmem>> -> memref<1x128xi32, #tpu.memory_space<vmem>>
      %swap3A_300 = tpu.memref_squeeze %swap3A_299 : memref<1x128xi32, #tpu.memory_space<vmem>> -> memref<128xi32, #tpu.memory_space<vmem>>
      %swap3A_301 = arith.constant 96 : index
      %swap3A_302 = tpu.vector_load %swap3A_300[%swap3A_301] {strides = array<i32>} : memref<128xi32, #tpu.memory_space<vmem>>, vector<16xi32>,
      %swap3A_303 = vector.shape_cast %swap3A_302 : vector<16xi32> to vector<16xi32>
      %swap3A_304 = vector.shape_cast %and3A_296 : vector<16xi32> to vector<16xi32>
      tpu.vector_store %swap3A_300[%swap3A_301], %swap3A_304 {strides = array<i32>} : memref<128xi32, #tpu.memory_space<vmem>>, vector<16xi32>,
      %shift_right_logical3A_305 = arith.constant 16 : i32
      %shift_right_logical3A_306 = vector.broadcast %shift_right_logical3A_305 : i32 to vector<16xi32>
      %shift_right_logical3A_307 = arith.shrui %get3A_293, %shift_right_logical3A_306 : vector<16xi32>
      %swap3A_308 = arith.constant 1 : i32
      %swap3A_309 = arith.constant 0 : i32
      %swap3A_310 = tpu.memref_slice %arg8[%swap3A_308, %swap3A_309] : memref<2x128xi32, #tpu.memory_space<vmem>> -> memref<1x128xi32, #tpu.memory_space<vmem>>
      %swap3A_311 = tpu.memref_squeeze %swap3A_310 : memref<1x128xi32, #tpu.memory_space<vmem>> -> memref<128xi32, #tpu.memory_space<vmem>>
      %swap3A_312 = arith.constant 96 : index
      %swap3A_313 = tpu.vector_load %swap3A_311[%swap3A_312] {strides = array<i32>} : memref<128xi32, #tpu.memory_space<vmem>>, vector<16xi32>,
      %swap3A_314 = vector.shape_cast %swap3A_313 : vector<16xi32> to vector<16xi32>
      %swap3A_315 = vector.shape_cast %shift_right_logical3A_307 : vector<16xi32> to vector<16xi32>
      tpu.vector_store %swap3A_311[%swap3A_312], %swap3A_315 {strides = array<i32>} : memref<128xi32, #tpu.memory_space<vmem>>, vector<16xi32>,
      %add3A_316 = arith.addi %add3A_115, %sub3A : i32
      %get3A_317 = arith.constant 0 : i32
      %get3A_318 = tpu.memref_slice %arg6[%add3A_316, %get3A_317] : memref<80x128xi32, #tpu.memory_space<vmem>> -> memref<1x128xi32, #tpu.memory_space<vmem>>
      %get3A_319 = tpu.memref_squeeze %get3A_318 : memref<1x128xi32, #tpu.memory_space<vmem>> -> memref<128xi32, #tpu.memory_space<vmem>>
      %get3A_320 = arith.constant 112 : index
      %get3A_321 = tpu.vector_load %get3A_319[%get3A_320] {strides = array<i32>} : memref<128xi32, #tpu.memory_space<vmem>>, vector<16xi32>,
      %get3A_322 = vector.shape_cast %get3A_321 : vector<16xi32> to vector<16xi32>
      %and3A_323 = arith.constant 65535 : i32
      %and3A_324 = vector.broadcast %and3A_323 : i32 to vector<16xi32>
      %and3A_325 = arith.andi %get3A_322, %and3A_324 : vector<16xi32>
      %swap3A_326 = arith.constant 1 : i32
      %swap3A_327 = arith.constant 0 : i32
      %swap3A_328 = tpu.memref_slice %arg7[%swap3A_326, %swap3A_327] : memref<2x128xi32, #tpu.memory_space<vmem>> -> memref<1x128xi32, #tpu.memory_space<vmem>>
      %swap3A_329 = tpu.memref_squeeze %swap3A_328 : memref<1x128xi32, #tpu.memory_space<vmem>> -> memref<128xi32, #tpu.memory_space<vmem>>
      %swap3A_330 = arith.constant 112 : index
      %swap3A_331 = tpu.vector_load %swap3A_329[%swap3A_330] {strides = array<i32>} : memref<128xi32, #tpu.memory_space<vmem>>, vector<16xi32>,
      %swap3A_332 = vector.shape_cast %swap3A_331 : vector<16xi32> to vector<16xi32>
      %swap3A_333 = vector.shape_cast %and3A_325 : vector<16xi32> to vector<16xi32>
      tpu.vector_store %swap3A_329[%swap3A_330], %swap3A_333 {strides = array<i32>} : memref<128xi32, #tpu.memory_space<vmem>>, vector<16xi32>,
      %shift_right_logical3A_334 = arith.constant 16 : i32
      %shift_right_logical3A_335 = vector.broadcast %shift_right_logical3A_334 : i32 to vector<16xi32>
      %shift_right_logical3A_336 = arith.shrui %get3A_322, %shift_right_logical3A_335 : vector<16xi32>
      %swap3A_337 = arith.constant 1 : i32
      %swap3A_338 = arith.constant 0 : i32
      %swap3A_339 = tpu.memref_slice %arg8[%swap3A_337, %swap3A_338] : memref<2x128xi32, #tpu.memory_space<vmem>> -> memref<1x128xi32, #tpu.memory_space<vmem>>
      %swap3A_340 = tpu.memref_squeeze %swap3A_339 : memref<1x128xi32, #tpu.memory_space<vmem>> -> memref<128xi32, #tpu.memory_space<vmem>>
      %swap3A_341 = arith.constant 112 : index
      %swap3A_342 = tpu.vector_load %swap3A_340[%swap3A_341] {strides = array<i32>} : memref<128xi32, #tpu.memory_space<vmem>>, vector<16xi32>,
      %swap3A_343 = vector.shape_cast %swap3A_342 : vector<16xi32> to vector<16xi32>
      %swap3A_344 = vector.shape_cast %shift_right_logical3A_336 : vector<16xi32> to vector<16xi32>
      tpu.vector_store %swap3A_340[%swap3A_341], %swap3A_344 {strides = array<i32>} : memref<128xi32, #tpu.memory_space<vmem>>, vector<16xi32>,
      %dma_start3A = arith.constant 1 : i32
      %dma_start3A_345 = arith.constant 0 : i32
      %dma_start3A_346 = tpu.memref_slice %arg7[%dma_start3A, %dma_start3A_345] : memref<2x128xi32, #tpu.memory_space<vmem>> -> memref<1x128xi32, #tpu.memory_space<vmem>>
      %dma_start3A_347 = tpu.memref_squeeze %dma_start3A_346 : memref<1x128xi32, #tpu.memory_space<vmem>> -> memref<128xi32, #tpu.memory_space<vmem>>
      %dma_start3A_348 = arith.constant 0 : i32
      %dma_start3A_349 = arith.constant 0 : i32
      %dma_start3A_350 = tpu.memref_slice %arg12[%dma_start3A_348, %dma_start3A_349] : memref<10112x64xf32, #tpu.memory_space<vmem_shared>> -> memref<10112x64xf32, #tpu.memory_space<vmem_shared>>
      tpu.enqueue_indirect_dma source(%dma_start3A_350 : memref<10112x64xf32, #tpu.memory_space<vmem_shared>>) target(%arg10 : memref<128x64xf32, #tpu.memory_space<vmem>>) offsets(%dma_start3A_347 : memref<128xi32, #tpu.memory_space<vmem>>) semaphore(%arg14 : memref<!tpu.dma_semaphore, #tpu.memory_space<semaphore_mem>>)
      %dma_wait3A = arith.constant 0 : i32
      %dma_wait3A_351 = arith.constant 0 : i32
      %dma_wait3A_352 = tpu.memref_slice %arg7[%dma_wait3A, %dma_wait3A_351] : memref<2x128xi32, #tpu.memory_space<vmem>> -> memref<1x128xi32, #tpu.memory_space<vmem>>
      %dma_wait3A_353 = tpu.memref_squeeze %dma_wait3A_352 : memref<1x128xi32, #tpu.memory_space<vmem>> -> memref<128xi32, #tpu.memory_space<vmem>>
      %dma_wait3A_354 = arith.constant 0 : i32
      %dma_wait3A_355 = arith.constant 0 : i32
      %dma_wait3A_356 = tpu.memref_slice %arg12[%dma_wait3A_354, %dma_wait3A_355] : memref<10112x64xf32, #tpu.memory_space<vmem_shared>> -> memref<10112x64xf32, #tpu.memory_space<vmem_shared>>
      tpu.wait_indirect_dma semaphore(%arg13 : memref<!tpu.dma_semaphore, #tpu.memory_space<semaphore_mem>>) src(%dma_wait3A_356 : memref<10112x64xf32, #tpu.memory_space<vmem_shared>>) dst(%arg9 : memref<128x64xf32, #tpu.memory_space<vmem>>)
      %run_scoped3A = arith.constant 0 : i32
      "tpu.region"() ({
        %run_scoped3A_394 = tpu.sem_alloc : memref<!tpu.dma_semaphore, #tpu.memory_space<semaphore_mem>>
        %dma_start3A_395 = arith.constant 0 : i32
        %dma_start3A_396 = tpu.memref_slice %arg8[%run_scoped3A, %dma_start3A_395] : memref<2x128xi32, #tpu.memory_space<vmem>> -> memref<1x128xi32, #tpu.memory_space<vmem>>
        %dma_start3A_397 = tpu.memref_squeeze %dma_start3A_396 : memref<1x128xi32, #tpu.memory_space<vmem>> -> memref<128xi32, #tpu.memory_space<vmem>>
        %dma_start3A_398 = arith.constant 0 : i32
        %dma_start3A_399 = arith.constant 0 : i32
        %dma_start3A_400 = tpu.memref_slice %arg11[%dma_start3A_398, %dma_start3A_399] : memref<10112x64xf32, #tpu.memory_space<vmem_shared>> -> memref<10112x64xf32, #tpu.memory_space<vmem_shared>>
        tpu.enqueue_indirect_dma source(%arg9 : memref<128x64xf32, #tpu.memory_space<vmem>>) target(%dma_start3A_400 : memref<10112x64xf32, #tpu.memory_space<vmem_shared>>) offsets(%dma_start3A_397 : memref<128xi32, #tpu.memory_space<vmem>>) semaphore(%run_scoped3A_394 : memref<!tpu.dma_semaphore, #tpu.memory_space<semaphore_mem>>) {add = true}
        %dma_wait3A_401 = arith.constant 0 : i32
        %dma_wait3A_402 = tpu.memref_slice %arg8[%run_scoped3A, %dma_wait3A_401] : memref<2x128xi32, #tpu.memory_space<vmem>> -> memref<1x128xi32, #tpu.memory_space<vmem>>
        %dma_wait3A_403 = tpu.memref_squeeze %dma_wait3A_402 : memref<1x128xi32, #tpu.memory_space<vmem>> -> memref<128xi32, #tpu.memory_space<vmem>>
        %dma_wait3A_404 = arith.constant 0 : i32
        %dma_wait3A_405 = arith.constant 0 : i32
        %dma_wait3A_406 = tpu.memref_slice %arg11[%dma_wait3A_404, %dma_wait3A_405] : memref<10112x64xf32, #tpu.memory_space<vmem_shared>> -> memref<10112x64xf32, #tpu.memory_space<vmem_shared>>
        tpu.wait_indirect_dma semaphore(%run_scoped3A_394 : memref<!tpu.dma_semaphore, #tpu.memory_space<semaphore_mem>>) src(%arg9 : memref<128x64xf32, #tpu.memory_space<vmem>>) dst(%dma_wait3A_406 : memref<10112x64xf32, #tpu.memory_space<vmem_shared>>)
        tpu.yield
      }) : () -> ()
      %jit3A_357 = arith.constant 2 : i32
      %div3A_358 = arith.divsi %select_n3A, %jit3A_357 : i32
      %sign3A_359 = arith.constant 0 : i32
      %sign3A_360 = arith.cmpi sgt, %select_n3A, %sign3A_359 : i32
      %sign3A_361 = arith.extui %sign3A_360 : i1 to i32
      %sign3A_362 = arith.constant 0 : i32
      %sign3A_363 = arith.cmpi slt, %select_n3A, %sign3A_362 : i32
      %sign3A_364 = arith.extui %sign3A_363 : i1 to i32
      %sign3A_365 = arith.subi %sign3A_361, %sign3A_364 : i32
      %sign3A_366 = arith.constant 0 : i32
      %sign3A_367 = arith.cmpi sgt, %jit3A_357, %sign3A_366 : i32
      %sign3A_368 = arith.extui %sign3A_367 : i1 to i32
      %sign3A_369 = arith.constant 0 : i32
      %sign3A_370 = arith.cmpi slt, %jit3A_357, %sign3A_369 : i32
      %sign3A_371 = arith.extui %sign3A_370 : i1 to i32
      %sign3A_372 = arith.subi %sign3A_368, %sign3A_371 : i32
      %ne3A_373 = arith.cmpi ne, %sign3A_365, %sign3A_372 : i32
      %rem3A_374 = arith.remsi %select_n3A, %jit3A_357 : i32
      %ne3A_375 = arith.constant 0 : i32
      %ne3A_376 = arith.cmpi ne, %rem3A_374, %ne3A_375 : i32
      %and3A_377 = arith.andi %ne3A_373, %ne3A_376 : i1
      %sub3A_378 = arith.constant 1 : i32
      %sub3A_379 = arith.subi %div3A_358, %sub3A_378 : i32
      %select_n3A_380 = arith.select %and3A_377, %sub3A_379, %div3A_358 : i32
      %sub3A_381 = arith.constant 1 : i32
      %sub3A_382 = arith.subi %select_n3A_380, %sub3A_381 : i32
      %lt3A = arith.cmpi slt, %while3A_111, %sub3A_382 : i32
      %convert_element_type3A_383 = arith.extui %lt3A : i1 to i32
      %cond3A_384 = arith.constant 0 : i32
      %cond3A_385 = arith.cmpi ne, %convert_element_type3A_383, %cond3A_384 : i32
      scf.if %cond3A_385 {
        %add3A_394 = arith.constant 2 : i32
        %add3A_395 = arith.addi %mul3A_113, %add3A_394 : i32
        %add3A_396 = arith.addi %add3A_395, %sub3A : i32
        %get3A_397 = arith.constant 0 : i32
        %get3A_398 = tpu.memref_slice %arg6[%add3A_396, %get3A_397] : memref<80x128xi32, #tpu.memory_space<vmem>> -> memref<1x128xi32, #tpu.memory_space<vmem>>
        %get3A_399 = tpu.memref_squeeze %get3A_398 : memref<1x128xi32, #tpu.memory_space<vmem>> -> memref<128xi32, #tpu.memory_space<vmem>>
        %get3A_400 = arith.constant 0 : index
        %get3A_401 = tpu.vector_load %get3A_399[%get3A_400] {strides = array<i32>} : memref<128xi32, #tpu.memory_space<vmem>>, vector<16xi32>,
        %get3A_402 = vector.shape_cast %get3A_401 : vector<16xi32> to vector<16xi32>
        %and3A_403 = arith.constant 65535 : i32
        %and3A_404 = vector.broadcast %and3A_403 : i32 to vector<16xi32>
        %and3A_405 = arith.andi %get3A_402, %and3A_404 : vector<16xi32>
        %swap3A_406 = arith.constant 0 : i32
        %swap3A_407 = arith.constant 0 : i32
        %swap3A_408 = tpu.memref_slice %arg7[%swap3A_406, %swap3A_407] : memref<2x128xi32, #tpu.memory_space<vmem>> -> memref<1x128xi32, #tpu.memory_space<vmem>>
        %swap3A_409 = tpu.memref_squeeze %swap3A_408 : memref<1x128xi32, #tpu.memory_space<vmem>> -> memref<128xi32, #tpu.memory_space<vmem>>
        %swap3A_410 = arith.constant 0 : index
        %swap3A_411 = tpu.vector_load %swap3A_409[%swap3A_410] {strides = array<i32>} : memref<128xi32, #tpu.memory_space<vmem>>, vector<16xi32>,
        %swap3A_412 = vector.shape_cast %swap3A_411 : vector<16xi32> to vector<16xi32>
        %swap3A_413 = vector.shape_cast %and3A_405 : vector<16xi32> to vector<16xi32>
        tpu.vector_store %swap3A_409[%swap3A_410], %swap3A_413 {strides = array<i32>} : memref<128xi32, #tpu.memory_space<vmem>>, vector<16xi32>,
        %shift_right_logical3A_414 = arith.constant 16 : i32
        %shift_right_logical3A_415 = vector.broadcast %shift_right_logical3A_414 : i32 to vector<16xi32>
        %shift_right_logical3A_416 = arith.shrui %get3A_402, %shift_right_logical3A_415 : vector<16xi32>
        %swap3A_417 = arith.constant 0 : i32
        %swap3A_418 = arith.constant 0 : i32
        %swap3A_419 = tpu.memref_slice %arg8[%swap3A_417, %swap3A_418] : memref<2x128xi32, #tpu.memory_space<vmem>> -> memref<1x128xi32, #tpu.memory_space<vmem>>
        %swap3A_420 = tpu.memref_squeeze %swap3A_419 : memref<1x128xi32, #tpu.memory_space<vmem>> -> memref<128xi32, #tpu.memory_space<vmem>>
        %swap3A_421 = arith.constant 0 : index
        %swap3A_422 = tpu.vector_load %swap3A_420[%swap3A_421] {strides = array<i32>} : memref<128xi32, #tpu.memory_space<vmem>>, vector<16xi32>,
        %swap3A_423 = vector.shape_cast %swap3A_422 : vector<16xi32> to vector<16xi32>
        %swap3A_424 = vector.shape_cast %shift_right_logical3A_416 : vector<16xi32> to vector<16xi32>
        tpu.vector_store %swap3A_420[%swap3A_421], %swap3A_424 {strides = array<i32>} : memref<128xi32, #tpu.memory_space<vmem>>, vector<16xi32>,
        %add3A_425 = arith.addi %add3A_395, %sub3A : i32
        %get3A_426 = arith.constant 0 : i32
        %get3A_427 = tpu.memref_slice %arg6[%add3A_425, %get3A_426] : memref<80x128xi32, #tpu.memory_space<vmem>> -> memref<1x128xi32, #tpu.memory_space<vmem>>
        %get3A_428 = tpu.memref_squeeze %get3A_427 : memref<1x128xi32, #tpu.memory_space<vmem>> -> memref<128xi32, #tpu.memory_space<vmem>>
        %get3A_429 = arith.constant 16 : index
        %get3A_430 = tpu.vector_load %get3A_428[%get3A_429] {strides = array<i32>} : memref<128xi32, #tpu.memory_space<vmem>>, vector<16xi32>,
        %get3A_431 = vector.shape_cast %get3A_430 : vector<16xi32> to vector<16xi32>
        %and3A_432 = arith.constant 65535 : i32
        %and3A_433 = vector.broadcast %and3A_432 : i32 to vector<16xi32>
        %and3A_434 = arith.andi %get3A_431, %and3A_433 : vector<16xi32>
        %swap3A_435 = arith.constant 0 : i32
        %swap3A_436 = arith.constant 0 : i32
        %swap3A_437 = tpu.memref_slice %arg7[%swap3A_435, %swap3A_436] : memref<2x128xi32, #tpu.memory_space<vmem>> -> memref<1x128xi32, #tpu.memory_space<vmem>>
        %swap3A_438 = tpu.memref_squeeze %swap3A_437 : memref<1x128xi32, #tpu.memory_space<vmem>> -> memref<128xi32, #tpu.memory_space<vmem>>
        %swap3A_439 = arith.constant 16 : index
        %swap3A_440 = tpu.vector_load %swap3A_438[%swap3A_439] {strides = array<i32>} : memref<128xi32, #tpu.memory_space<vmem>>, vector<16xi32>,
        %swap3A_441 = vector.shape_cast %swap3A_440 : vector<16xi32> to vector<16xi32>
        %swap3A_442 = vector.shape_cast %and3A_434 : vector<16xi32> to vector<16xi32>
        tpu.vector_store %swap3A_438[%swap3A_439], %swap3A_442 {strides = array<i32>} : memref<128xi32, #tpu.memory_space<vmem>>, vector<16xi32>,
        %shift_right_logical3A_443 = arith.constant 16 : i32
        %shift_right_logical3A_444 = vector.broadcast %shift_right_logical3A_443 : i32 to vector<16xi32>
        %shift_right_logical3A_445 = arith.shrui %get3A_431, %shift_right_logical3A_444 : vector<16xi32>
        %swap3A_446 = arith.constant 0 : i32
        %swap3A_447 = arith.constant 0 : i32
        %swap3A_448 = tpu.memref_slice %arg8[%swap3A_446, %swap3A_447] : memref<2x128xi32, #tpu.memory_space<vmem>> -> memref<1x128xi32, #tpu.memory_space<vmem>>
        %swap3A_449 = tpu.memref_squeeze %swap3A_448 : memref<1x128xi32, #tpu.memory_space<vmem>> -> memref<128xi32, #tpu.memory_space<vmem>>
        %swap3A_450 = arith.constant 16 : index
        %swap3A_451 = tpu.vector_load %swap3A_449[%swap3A_450] {strides = array<i32>} : memref<128xi32, #tpu.memory_space<vmem>>, vector<16xi32>,
        %swap3A_452 = vector.shape_cast %swap3A_451 : vector<16xi32> to vector<16xi32>
        %swap3A_453 = vector.shape_cast %shift_right_logical3A_445 : vector<16xi32> to vector<16xi32>
        tpu.vector_store %swap3A_449[%swap3A_450], %swap3A_453 {strides = array<i32>} : memref<128xi32, #tpu.memory_space<vmem>>, vector<16xi32>,
        %add3A_454 = arith.addi %add3A_395, %sub3A : i32
        %get3A_455 = arith.constant 0 : i32
        %get3A_456 = tpu.memref_slice %arg6[%add3A_454, %get3A_455] : memref<80x128xi32, #tpu.memory_space<vmem>> -> memref<1x128xi32, #tpu.memory_space<vmem>>
        %get3A_457 = tpu.memref_squeeze %get3A_456 : memref<1x128xi32, #tpu.memory_space<vmem>> -> memref<128xi32, #tpu.memory_space<vmem>>
        %get3A_458 = arith.constant 32 : index
        %get3A_459 = tpu.vector_load %get3A_457[%get3A_458] {strides = array<i32>} : memref<128xi32, #tpu.memory_space<vmem>>, vector<16xi32>,
        %get3A_460 = vector.shape_cast %get3A_459 : vector<16xi32> to vector<16xi32>
        %and3A_461 = arith.constant 65535 : i32
        %and3A_462 = vector.broadcast %and3A_461 : i32 to vector<16xi32>
        %and3A_463 = arith.andi %get3A_460, %and3A_462 : vector<16xi32>
        %swap3A_464 = arith.constant 0 : i32
        %swap3A_465 = arith.constant 0 : i32
        %swap3A_466 = tpu.memref_slice %arg7[%swap3A_464, %swap3A_465] : memref<2x128xi32, #tpu.memory_space<vmem>> -> memref<1x128xi32, #tpu.memory_space<vmem>>
        %swap3A_467 = tpu.memref_squeeze %swap3A_466 : memref<1x128xi32, #tpu.memory_space<vmem>> -> memref<128xi32, #tpu.memory_space<vmem>>
        %swap3A_468 = arith.constant 32 : index
        %swap3A_469 = tpu.vector_load %swap3A_467[%swap3A_468] {strides = array<i32>} : memref<128xi32, #tpu.memory_space<vmem>>, vector<16xi32>,
        %swap3A_470 = vector.shape_cast %swap3A_469 : vector<16xi32> to vector<16xi32>
        %swap3A_471 = vector.shape_cast %and3A_463 : vector<16xi32> to vector<16xi32>
        tpu.vector_store %swap3A_467[%swap3A_468], %swap3A_471 {strides = array<i32>} : memref<128xi32, #tpu.memory_space<vmem>>, vector<16xi32>,
        %shift_right_logical3A_472 = arith.constant 16 : i32
        %shift_right_logical3A_473 = vector.broadcast %shift_right_logical3A_472 : i32 to vector<16xi32>
        %shift_right_logical3A_474 = arith.shrui %get3A_460, %shift_right_logical3A_473 : vector<16xi32>
        %swap3A_475 = arith.constant 0 : i32
        %swap3A_476 = arith.constant 0 : i32
        %swap3A_477 = tpu.memref_slice %arg8[%swap3A_475, %swap3A_476] : memref<2x128xi32, #tpu.memory_space<vmem>> -> memref<1x128xi32, #tpu.memory_space<vmem>>
        %swap3A_478 = tpu.memref_squeeze %swap3A_477 : memref<1x128xi32, #tpu.memory_space<vmem>> -> memref<128xi32, #tpu.memory_space<vmem>>
        %swap3A_479 = arith.constant 32 : index
        %swap3A_480 = tpu.vector_load %swap3A_478[%swap3A_479] {strides = array<i32>} : memref<128xi32, #tpu.memory_space<vmem>>, vector<16xi32>,
        %swap3A_481 = vector.shape_cast %swap3A_480 : vector<16xi32> to vector<16xi32>
        %swap3A_482 = vector.shape_cast %shift_right_logical3A_474 : vector<16xi32> to vector<16xi32>
        tpu.vector_store %swap3A_478[%swap3A_479], %swap3A_482 {strides = array<i32>} : memref<128xi32, #tpu.memory_space<vmem>>, vector<16xi32>,
        %add3A_483 = arith.addi %add3A_395, %sub3A : i32
        %get3A_484 = arith.constant 0 : i32
        %get3A_485 = tpu.memref_slice %arg6[%add3A_483, %get3A_484] : memref<80x128xi32, #tpu.memory_space<vmem>> -> memref<1x128xi32, #tpu.memory_space<vmem>>
        %get3A_486 = tpu.memref_squeeze %get3A_485 : memref<1x128xi32, #tpu.memory_space<vmem>> -> memref<128xi32, #tpu.memory_space<vmem>>
        %get3A_487 = arith.constant 48 : index
        %get3A_488 = tpu.vector_load %get3A_486[%get3A_487] {strides = array<i32>} : memref<128xi32, #tpu.memory_space<vmem>>, vector<16xi32>,
        %get3A_489 = vector.shape_cast %get3A_488 : vector<16xi32> to vector<16xi32>
        %and3A_490 = arith.constant 65535 : i32
        %and3A_491 = vector.broadcast %and3A_490 : i32 to vector<16xi32>
        %and3A_492 = arith.andi %get3A_489, %and3A_491 : vector<16xi32>
        %swap3A_493 = arith.constant 0 : i32
        %swap3A_494 = arith.constant 0 : i32
        %swap3A_495 = tpu.memref_slice %arg7[%swap3A_493, %swap3A_494] : memref<2x128xi32, #tpu.memory_space<vmem>> -> memref<1x128xi32, #tpu.memory_space<vmem>>
        %swap3A_496 = tpu.memref_squeeze %swap3A_495 : memref<1x128xi32, #tpu.memory_space<vmem>> -> memref<128xi32, #tpu.memory_space<vmem>>
        %swap3A_497 = arith.constant 48 : index
        %swap3A_498 = tpu.vector_load %swap3A_496[%swap3A_497] {strides = array<i32>} : memref<128xi32, #tpu.memory_space<vmem>>, vector<16xi32>,
        %swap3A_499 = vector.shape_cast %swap3A_498 : vector<16xi32> to vector<16xi32>
        %swap3A_500 = vector.shape_cast %and3A_492 : vector<16xi32> to vector<16xi32>
        tpu.vector_store %swap3A_496[%swap3A_497], %swap3A_500 {strides = array<i32>} : memref<128xi32, #tpu.memory_space<vmem>>, vector<16xi32>,
        %shift_right_logical3A_501 = arith.constant 16 : i32
        %shift_right_logical3A_502 = vector.broadcast %shift_right_logical3A_501 : i32 to vector<16xi32>
        %shift_right_logical3A_503 = arith.shrui %get3A_489, %shift_right_logical3A_502 : vector<16xi32>
        %swap3A_504 = arith.constant 0 : i32
        %swap3A_505 = arith.constant 0 : i32
        %swap3A_506 = tpu.memref_slice %arg8[%swap3A_504, %swap3A_505] : memref<2x128xi32, #tpu.memory_space<vmem>> -> memref<1x128xi32, #tpu.memory_space<vmem>>
        %swap3A_507 = tpu.memref_squeeze %swap3A_506 : memref<1x128xi32, #tpu.memory_space<vmem>> -> memref<128xi32, #tpu.memory_space<vmem>>
        %swap3A_508 = arith.constant 48 : index
        %swap3A_509 = tpu.vector_load %swap3A_507[%swap3A_508] {strides = array<i32>} : memref<128xi32, #tpu.memory_space<vmem>>, vector<16xi32>,
        %swap3A_510 = vector.shape_cast %swap3A_509 : vector<16xi32> to vector<16xi32>
        %swap3A_511 = vector.shape_cast %shift_right_logical3A_503 : vector<16xi32> to vector<16xi32>
        tpu.vector_store %swap3A_507[%swap3A_508], %swap3A_511 {strides = array<i32>} : memref<128xi32, #tpu.memory_space<vmem>>, vector<16xi32>,
        %add3A_512 = arith.addi %add3A_395, %sub3A : i32
        %get3A_513 = arith.constant 0 : i32
        %get3A_514 = tpu.memref_slice %arg6[%add3A_512, %get3A_513] : memref<80x128xi32, #tpu.memory_space<vmem>> -> memref<1x128xi32, #tpu.memory_space<vmem>>
        %get3A_515 = tpu.memref_squeeze %get3A_514 : memref<1x128xi32, #tpu.memory_space<vmem>> -> memref<128xi32, #tpu.memory_space<vmem>>
        %get3A_516 = arith.constant 64 : index
        %get3A_517 = tpu.vector_load %get3A_515[%get3A_516] {strides = array<i32>} : memref<128xi32, #tpu.memory_space<vmem>>, vector<16xi32>,
        %get3A_518 = vector.shape_cast %get3A_517 : vector<16xi32> to vector<16xi32>
        %and3A_519 = arith.constant 65535 : i32
        %and3A_520 = vector.broadcast %and3A_519 : i32 to vector<16xi32>
        %and3A_521 = arith.andi %get3A_518, %and3A_520 : vector<16xi32>
        %swap3A_522 = arith.constant 0 : i32
        %swap3A_523 = arith.constant 0 : i32
        %swap3A_524 = tpu.memref_slice %arg7[%swap3A_522, %swap3A_523] : memref<2x128xi32, #tpu.memory_space<vmem>> -> memref<1x128xi32, #tpu.memory_space<vmem>>
        %swap3A_525 = tpu.memref_squeeze %swap3A_524 : memref<1x128xi32, #tpu.memory_space<vmem>> -> memref<128xi32, #tpu.memory_space<vmem>>
        %swap3A_526 = arith.constant 64 : index
        %swap3A_527 = tpu.vector_load %swap3A_525[%swap3A_526] {strides = array<i32>} : memref<128xi32, #tpu.memory_space<vmem>>, vector<16xi32>,
        %swap3A_528 = vector.shape_cast %swap3A_527 : vector<16xi32> to vector<16xi32>
        %swap3A_529 = vector.shape_cast %and3A_521 : vector<16xi32> to vector<16xi32>
        tpu.vector_store %swap3A_525[%swap3A_526], %swap3A_529 {strides = array<i32>} : memref<128xi32, #tpu.memory_space<vmem>>, vector<16xi32>,
        %shift_right_logical3A_530 = arith.constant 16 : i32
        %shift_right_logical3A_531 = vector.broadcast %shift_right_logical3A_530 : i32 to vector<16xi32>
        %shift_right_logical3A_532 = arith.shrui %get3A_518, %shift_right_logical3A_531 : vector<16xi32>
        %swap3A_533 = arith.constant 0 : i32
        %swap3A_534 = arith.constant 0 : i32
        %swap3A_535 = tpu.memref_slice %arg8[%swap3A_533, %swap3A_534] : memref<2x128xi32, #tpu.memory_space<vmem>> -> memref<1x128xi32, #tpu.memory_space<vmem>>
        %swap3A_536 = tpu.memref_squeeze %swap3A_535 : memref<1x128xi32, #tpu.memory_space<vmem>> -> memref<128xi32, #tpu.memory_space<vmem>>
        %swap3A_537 = arith.constant 64 : index
        %swap3A_538 = tpu.vector_load %swap3A_536[%swap3A_537] {strides = array<i32>} : memref<128xi32, #tpu.memory_space<vmem>>, vector<16xi32>,
        %swap3A_539 = vector.shape_cast %swap3A_538 : vector<16xi32> to vector<16xi32>
        %swap3A_540 = vector.shape_cast %shift_right_logical3A_532 : vector<16xi32> to vector<16xi32>
        tpu.vector_store %swap3A_536[%swap3A_537], %swap3A_540 {strides = array<i32>} : memref<128xi32, #tpu.memory_space<vmem>>, vector<16xi32>,
        %add3A_541 = arith.addi %add3A_395, %sub3A : i32
        %get3A_542 = arith.constant 0 : i32
        %get3A_543 = tpu.memref_slice %arg6[%add3A_541, %get3A_542] : memref<80x128xi32, #tpu.memory_space<vmem>> -> memref<1x128xi32, #tpu.memory_space<vmem>>
        %get3A_544 = tpu.memref_squeeze %get3A_543 : memref<1x128xi32, #tpu.memory_space<vmem>> -> memref<128xi32, #tpu.memory_space<vmem>>
        %get3A_545 = arith.constant 80 : index
        %get3A_546 = tpu.vector_load %get3A_544[%get3A_545] {strides = array<i32>} : memref<128xi32, #tpu.memory_space<vmem>>, vector<16xi32>,
        %get3A_547 = vector.shape_cast %get3A_546 : vector<16xi32> to vector<16xi32>
        %and3A_548 = arith.constant 65535 : i32
        %and3A_549 = vector.broadcast %and3A_548 : i32 to vector<16xi32>
        %and3A_550 = arith.andi %get3A_547, %and3A_549 : vector<16xi32>
        %swap3A_551 = arith.constant 0 : i32
        %swap3A_552 = arith.constant 0 : i32
        %swap3A_553 = tpu.memref_slice %arg7[%swap3A_551, %swap3A_552] : memref<2x128xi32, #tpu.memory_space<vmem>> -> memref<1x128xi32, #tpu.memory_space<vmem>>
        %swap3A_554 = tpu.memref_squeeze %swap3A_553 : memref<1x128xi32, #tpu.memory_space<vmem>> -> memref<128xi32, #tpu.memory_space<vmem>>
        %swap3A_555 = arith.constant 80 : index
        %swap3A_556 = tpu.vector_load %swap3A_554[%swap3A_555] {strides = array<i32>} : memref<128xi32, #tpu.memory_space<vmem>>, vector<16xi32>,
        %swap3A_557 = vector.shape_cast %swap3A_556 : vector<16xi32> to vector<16xi32>
        %swap3A_558 = vector.shape_cast %and3A_550 : vector<16xi32> to vector<16xi32>
        tpu.vector_store %swap3A_554[%swap3A_555], %swap3A_558 {strides = array<i32>} : memref<128xi32, #tpu.memory_space<vmem>>, vector<16xi32>,
        %shift_right_logical3A_559 = arith.constant 16 : i32
        %shift_right_logical3A_560 = vector.broadcast %shift_right_logical3A_559 : i32 to vector<16xi32>
        %shift_right_logical3A_561 = arith.shrui %get3A_547, %shift_right_logical3A_560 : vector<16xi32>
        %swap3A_562 = arith.constant 0 : i32
        %swap3A_563 = arith.constant 0 : i32
        %swap3A_564 = tpu.memref_slice %arg8[%swap3A_562, %swap3A_563] : memref<2x128xi32, #tpu.memory_space<vmem>> -> memref<1x128xi32, #tpu.memory_space<vmem>>
        %swap3A_565 = tpu.memref_squeeze %swap3A_564 : memref<1x128xi32, #tpu.memory_space<vmem>> -> memref<128xi32, #tpu.memory_space<vmem>>
        %swap3A_566 = arith.constant 80 : index
        %swap3A_567 = tpu.vector_load %swap3A_565[%swap3A_566] {strides = array<i32>} : memref<128xi32, #tpu.memory_space<vmem>>, vector<16xi32>,
        %swap3A_568 = vector.shape_cast %swap3A_567 : vector<16xi32> to vector<16xi32>
        %swap3A_569 = vector.shape_cast %shift_right_logical3A_561 : vector<16xi32> to vector<16xi32>
        tpu.vector_store %swap3A_565[%swap3A_566], %swap3A_569 {strides = array<i32>} : memref<128xi32, #tpu.memory_space<vmem>>, vector<16xi32>,
        %add3A_570 = arith.addi %add3A_395, %sub3A : i32
        %get3A_571 = arith.constant 0 : i32
        %get3A_572 = tpu.memref_slice %arg6[%add3A_570, %get3A_571] : memref<80x128xi32, #tpu.memory_space<vmem>> -> memref<1x128xi32, #tpu.memory_space<vmem>>
        %get3A_573 = tpu.memref_squeeze %get3A_572 : memref<1x128xi32, #tpu.memory_space<vmem>> -> memref<128xi32, #tpu.memory_space<vmem>>
        %get3A_574 = arith.constant 96 : index
        %get3A_575 = tpu.vector_load %get3A_573[%get3A_574] {strides = array<i32>} : memref<128xi32, #tpu.memory_space<vmem>>, vector<16xi32>,
        %get3A_576 = vector.shape_cast %get3A_575 : vector<16xi32> to vector<16xi32>
        %and3A_577 = arith.constant 65535 : i32
        %and3A_578 = vector.broadcast %and3A_577 : i32 to vector<16xi32>
        %and3A_579 = arith.andi %get3A_576, %and3A_578 : vector<16xi32>
        %swap3A_580 = arith.constant 0 : i32
        %swap3A_581 = arith.constant 0 : i32
        %swap3A_582 = tpu.memref_slice %arg7[%swap3A_580, %swap3A_581] : memref<2x128xi32, #tpu.memory_space<vmem>> -> memref<1x128xi32, #tpu.memory_space<vmem>>
        %swap3A_583 = tpu.memref_squeeze %swap3A_582 : memref<1x128xi32, #tpu.memory_space<vmem>> -> memref<128xi32, #tpu.memory_space<vmem>>
        %swap3A_584 = arith.constant 96 : index
        %swap3A_585 = tpu.vector_load %swap3A_583[%swap3A_584] {strides = array<i32>} : memref<128xi32, #tpu.memory_space<vmem>>, vector<16xi32>,
        %swap3A_586 = vector.shape_cast %swap3A_585 : vector<16xi32> to vector<16xi32>
        %swap3A_587 = vector.shape_cast %and3A_579 : vector<16xi32> to vector<16xi32>
        tpu.vector_store %swap3A_583[%swap3A_584], %swap3A_587 {strides = array<i32>} : memref<128xi32, #tpu.memory_space<vmem>>, vector<16xi32>,
        %shift_right_logical3A_588 = arith.constant 16 : i32
        %shift_right_logical3A_589 = vector.broadcast %shift_right_logical3A_588 : i32 to vector<16xi32>
        %shift_right_logical3A_590 = arith.shrui %get3A_576, %shift_right_logical3A_589 : vector<16xi32>
        %swap3A_591 = arith.constant 0 : i32
        %swap3A_592 = arith.constant 0 : i32
        %swap3A_593 = tpu.memref_slice %arg8[%swap3A_591, %swap3A_592] : memref<2x128xi32, #tpu.memory_space<vmem>> -> memref<1x128xi32, #tpu.memory_space<vmem>>
        %swap3A_594 = tpu.memref_squeeze %swap3A_593 : memref<1x128xi32, #tpu.memory_space<vmem>> -> memref<128xi32, #tpu.memory_space<vmem>>
        %swap3A_595 = arith.constant 96 : index
        %swap3A_596 = tpu.vector_load %swap3A_594[%swap3A_595] {strides = array<i32>} : memref<128xi32, #tpu.memory_space<vmem>>, vector<16xi32>,
        %swap3A_597 = vector.shape_cast %swap3A_596 : vector<16xi32> to vector<16xi32>
        %swap3A_598 = vector.shape_cast %shift_right_logical3A_590 : vector<16xi32> to vector<16xi32>
        tpu.vector_store %swap3A_594[%swap3A_595], %swap3A_598 {strides = array<i32>} : memref<128xi32, #tpu.memory_space<vmem>>, vector<16xi32>,
        %add3A_599 = arith.addi %add3A_395, %sub3A : i32
        %get3A_600 = arith.constant 0 : i32
        %get3A_601 = tpu.memref_slice %arg6[%add3A_599, %get3A_600] : memref<80x128xi32, #tpu.memory_space<vmem>> -> memref<1x128xi32, #tpu.memory_space<vmem>>
        %get3A_602 = tpu.memref_squeeze %get3A_601 : memref<1x128xi32, #tpu.memory_space<vmem>> -> memref<128xi32, #tpu.memory_space<vmem>>
        %get3A_603 = arith.constant 112 : index
        %get3A_604 = tpu.vector_load %get3A_602[%get3A_603] {strides = array<i32>} : memref<128xi32, #tpu.memory_space<vmem>>, vector<16xi32>,
        %get3A_605 = vector.shape_cast %get3A_604 : vector<16xi32> to vector<16xi32>
        %and3A_606 = arith.constant 65535 : i32
        %and3A_607 = vector.broadcast %and3A_606 : i32 to vector<16xi32>
        %and3A_608 = arith.andi %get3A_605, %and3A_607 : vector<16xi32>
        %swap3A_609 = arith.constant 0 : i32
        %swap3A_610 = arith.constant 0 : i32
        %swap3A_611 = tpu.memref_slice %arg7[%swap3A_609, %swap3A_610] : memref<2x128xi32, #tpu.memory_space<vmem>> -> memref<1x128xi32, #tpu.memory_space<vmem>>
        %swap3A_612 = tpu.memref_squeeze %swap3A_611 : memref<1x128xi32, #tpu.memory_space<vmem>> -> memref<128xi32, #tpu.memory_space<vmem>>
        %swap3A_613 = arith.constant 112 : index
        %swap3A_614 = tpu.vector_load %swap3A_612[%swap3A_613] {strides = array<i32>} : memref<128xi32, #tpu.memory_space<vmem>>, vector<16xi32>,
        %swap3A_615 = vector.shape_cast %swap3A_614 : vector<16xi32> to vector<16xi32>
        %swap3A_616 = vector.shape_cast %and3A_608 : vector<16xi32> to vector<16xi32>
        tpu.vector_store %swap3A_612[%swap3A_613], %swap3A_616 {strides = array<i32>} : memref<128xi32, #tpu.memory_space<vmem>>, vector<16xi32>,
        %shift_right_logical3A_617 = arith.constant 16 : i32
        %shift_right_logical3A_618 = vector.broadcast %shift_right_logical3A_617 : i32 to vector<16xi32>
        %shift_right_logical3A_619 = arith.shrui %get3A_605, %shift_right_logical3A_618 : vector<16xi32>
        %swap3A_620 = arith.constant 0 : i32
        %swap3A_621 = arith.constant 0 : i32
        %swap3A_622 = tpu.memref_slice %arg8[%swap3A_620, %swap3A_621] : memref<2x128xi32, #tpu.memory_space<vmem>> -> memref<1x128xi32, #tpu.memory_space<vmem>>
        %swap3A_623 = tpu.memref_squeeze %swap3A_622 : memref<1x128xi32, #tpu.memory_space<vmem>> -> memref<128xi32, #tpu.memory_space<vmem>>
        %swap3A_624 = arith.constant 112 : index
        %swap3A_625 = tpu.vector_load %swap3A_623[%swap3A_624] {strides = array<i32>} : memref<128xi32, #tpu.memory_space<vmem>>, vector<16xi32>,
        %swap3A_626 = vector.shape_cast %swap3A_625 : vector<16xi32> to vector<16xi32>
        %swap3A_627 = vector.shape_cast %shift_right_logical3A_619 : vector<16xi32> to vector<16xi32>
        tpu.vector_store %swap3A_623[%swap3A_624], %swap3A_627 {strides = array<i32>} : memref<128xi32, #tpu.memory_space<vmem>>, vector<16xi32>,
        %dma_start3A_628 = arith.constant 0 : i32
        %dma_start3A_629 = arith.constant 0 : i32
        %dma_start3A_630 = tpu.memref_slice %arg7[%dma_start3A_628, %dma_start3A_629] : memref<2x128xi32, #tpu.memory_space<vmem>> -> memref<1x128xi32, #tpu.memory_space<vmem>>
        %dma_start3A_631 = tpu.memref_squeeze %dma_start3A_630 : memref<1x128xi32, #tpu.memory_space<vmem>> -> memref<128xi32, #tpu.memory_space<vmem>>
        %dma_start3A_632 = arith.constant 0 : i32
        %dma_start3A_633 = arith.constant 0 : i32
        %dma_start3A_634 = tpu.memref_slice %arg12[%dma_start3A_632, %dma_start3A_633] : memref<10112x64xf32, #tpu.memory_space<vmem_shared>> -> memref<10112x64xf32, #tpu.memory_space<vmem_shared>>
        tpu.enqueue_indirect_dma source(%dma_start3A_634 : memref<10112x64xf32, #tpu.memory_space<vmem_shared>>) target(%arg9 : memref<128x64xf32, #tpu.memory_space<vmem>>) offsets(%dma_start3A_631 : memref<128xi32, #tpu.memory_space<vmem>>) semaphore(%arg13 : memref<!tpu.dma_semaphore, #tpu.memory_space<semaphore_mem>>)
      } else {
      }
      %dma_wait3A_386 = arith.constant 1 : i32
      %dma_wait3A_387 = arith.constant 0 : i32
      %dma_wait3A_388 = tpu.memref_slice %arg7[%dma_wait3A_386, %dma_wait3A_387] : memref<2x128xi32, #tpu.memory_space<vmem>> -> memref<1x128xi32, #tpu.memory_space<vmem>>
      %dma_wait3A_389 = tpu.memref_squeeze %dma_wait3A_388 : memref<1x128xi32, #tpu.memory_space<vmem>> -> memref<128xi32, #tpu.memory_space<vmem>>
      %dma_wait3A_390 = arith.constant 0 : i32
      %dma_wait3A_391 = arith.constant 0 : i32
      %dma_wait3A_392 = tpu.memref_slice %arg12[%dma_wait3A_390, %dma_wait3A_391] : memref<10112x64xf32, #tpu.memory_space<vmem_shared>> -> memref<10112x64xf32, #tpu.memory_space<vmem_shared>>
      tpu.wait_indirect_dma semaphore(%arg14 : memref<!tpu.dma_semaphore, #tpu.memory_space<semaphore_mem>>) src(%dma_wait3A_392 : memref<10112x64xf32, #tpu.memory_space<vmem_shared>>) dst(%arg10 : memref<128x64xf32, #tpu.memory_space<vmem>>)
      %run_scoped3A_393 = arith.constant 1 : i32
      "tpu.region"() ({
        %run_scoped3A_394 = tpu.sem_alloc : memref<!tpu.dma_semaphore, #tpu.memory_space<semaphore_mem>>
        %dma_start3A_395 = arith.constant 0 : i32
        %dma_start3A_396 = tpu.memref_slice %arg8[%run_scoped3A_393, %dma_start3A_395] : memref<2x128xi32, #tpu.memory_space<vmem>> -> memref<1x128xi32, #tpu.memory_space<vmem>>
        %dma_start3A_397 = tpu.memref_squeeze %dma_start3A_396 : memref<1x128xi32, #tpu.memory_space<vmem>> -> memref<128xi32, #tpu.memory_space<vmem>>
        %dma_start3A_398 = arith.constant 0 : i32
        %dma_start3A_399 = arith.constant 0 : i32
        %dma_start3A_400 = tpu.memref_slice %arg11[%dma_start3A_398, %dma_start3A_399] : memref<10112x64xf32, #tpu.memory_space<vmem_shared>> -> memref<10112x64xf32, #tpu.memory_space<vmem_shared>>
        tpu.enqueue_indirect_dma source(%arg10 : memref<128x64xf32, #tpu.memory_space<vmem>>) target(%dma_start3A_400 : memref<10112x64xf32, #tpu.memory_space<vmem_shared>>) offsets(%dma_start3A_397 : memref<128xi32, #tpu.memory_space<vmem>>) semaphore(%run_scoped3A_394 : memref<!tpu.dma_semaphore, #tpu.memory_space<semaphore_mem>>) {add = true}
        %dma_wait3A_401 = arith.constant 0 : i32
        %dma_wait3A_402 = tpu.memref_slice %arg8[%run_scoped3A_393, %dma_wait3A_401] : memref<2x128xi32, #tpu.memory_space<vmem>> -> memref<1x128xi32, #tpu.memory_space<vmem>>
        %dma_wait3A_403 = tpu.memref_squeeze %dma_wait3A_402 : memref<1x128xi32, #tpu.memory_space<vmem>> -> memref<128xi32, #tpu.memory_space<vmem>>
        %dma_wait3A_404 = arith.constant 0 : i32
        %dma_wait3A_405 = arith.constant 0 : i32
        %dma_wait3A_406 = tpu.memref_slice %arg11[%dma_wait3A_404, %dma_wait3A_405] : memref<10112x64xf32, #tpu.memory_space<vmem_shared>> -> memref<10112x64xf32, #tpu.memory_space<vmem_shared>>
        tpu.wait_indirect_dma semaphore(%run_scoped3A_394 : memref<!tpu.dma_semaphore, #tpu.memory_space<semaphore_mem>>) src(%arg10 : memref<128x64xf32, #tpu.memory_space<vmem>>) dst(%dma_wait3A_406 : memref<10112x64xf32, #tpu.memory_space<vmem_shared>>)
        tpu.yield
      }) : () -> ()
    }
    %while3A_109 = arith.constant 1 : i32
    scf.for %while3A_111 = %while3A_107 to %while3A_103 step %while3A_109  : i32 {
      %mul3A_112 = arith.constant 2 : i32
      %mul3A_113 = arith.muli %mul3A_112, %while3A_111 : i32
      %add3A_114 = arith.constant 1 : i32
      %add3A_115 = arith.addi %mul3A_113, %add3A_114 : i32
      %add3A_116 = arith.addi %add3A_115, %sub3A : i32
      %get3A = arith.constant 0 : i32
      %get3A_117 = tpu.memref_slice %arg6[%add3A_116, %get3A] : memref<80x128xi32, #tpu.memory_space<vmem>> -> memref<1x128xi32, #tpu.memory_space<vmem>>
      %get3A_118 = tpu.memref_squeeze %get3A_117 : memref<1x128xi32, #tpu.memory_space<vmem>> -> memref<128xi32, #tpu.memory_space<vmem>>
      %get3A_119 = arith.constant 0 : index
      %get3A_120 = tpu.vector_load %get3A_118[%get3A_119] {strides = array<i32>} : memref<128xi32, #tpu.memory_space<vmem>>, vector<16xi32>,
      %get3A_121 = vector.shape_cast %get3A_120 : vector<16xi32> to vector<16xi32>
      %and3A_122 = arith.constant 65535 : i32
      %and3A_123 = vector.broadcast %and3A_122 : i32 to vector<16xi32>
      %and3A_124 = arith.andi %get3A_121, %and3A_123 : vector<16xi32>
      %swap3A = arith.constant 1 : i32
      %swap3A_125 = arith.constant 0 : i32
      %swap3A_126 = tpu.memref_slice %arg7[%swap3A, %swap3A_125] : memref<2x128xi32, #tpu.memory_space<vmem>> -> memref<1x128xi32, #tpu.memory_space<vmem>>
      %swap3A_127 = tpu.memref_squeeze %swap3A_126 : memref<1x128xi32, #tpu.memory_space<vmem>> -> memref<128xi32, #tpu.memory_space<vmem>>
      %swap3A_128 = arith.constant 0 : index
      %swap3A_129 = tpu.vector_load %swap3A_127[%swap3A_128] {strides = array<i32>} : memref<128xi32, #tpu.memory_space<vmem>>, vector<16xi32>,
      %swap3A_130 = vector.shape_cast %swap3A_129 : vector<16xi32> to vector<16xi32>
      %swap3A_131 = vector.shape_cast %and3A_124 : vector<16xi32> to vector<16xi32>
      tpu.vector_store %swap3A_127[%swap3A_128], %swap3A_131 {strides = array<i32>} : memref<128xi32, #tpu.memory_space<vmem>>, vector<16xi32>,
      %shift_right_logical3A = arith.constant 16 : i32
      %shift_right_logical3A_132 = vector.broadcast %shift_right_logical3A : i32 to vector<16xi32>
      %shift_right_logical3A_133 = arith.shrui %get3A_121, %shift_right_logical3A_132 : vector<16xi32>
      %swap3A_134 = arith.constant 1 : i32
      %swap3A_135 = arith.constant 0 : i32
      %swap3A_136 = tpu.memref_slice %arg8[%swap3A_134, %swap3A_135] : memref<2x128xi32, #tpu.memory_space<vmem>> -> memref<1x128xi32, #tpu.memory_space<vmem>>
      %swap3A_137 = tpu.memref_squeeze %swap3A_136 : memref<1x128xi32, #tpu.memory_space<vmem>> -> memref<128xi32, #tpu.memory_space<vmem>>
      %swap3A_138 = arith.constant 0 : index
      %swap3A_139 = tpu.vector_load %swap3A_137[%swap3A_138] {strides = array<i32>} : memref<128xi32, #tpu.memory_space<vmem>>, vector<16xi32>,
      %swap3A_140 = vector.shape_cast %swap3A_139 : vector<16xi32> to vector<16xi32>
      %swap3A_141 = vector.shape_cast %shift_right_logical3A_133 : vector<16xi32> to vector<16xi32>
      tpu.vector_store %swap3A_137[%swap3A_138], %swap3A_141 {strides = array<i32>} : memref<128xi32, #tpu.memory_space<vmem>>, vector<16xi32>,
      %add3A_142 = arith.addi %add3A_115, %sub3A : i32
      %get3A_143 = arith.constant 0 : i32
      %get3A_144 = tpu.memref_slice %arg6[%add3A_142, %get3A_143] : memref<80x128xi32, #tpu.memory_space<vmem>> -> memref<1x128xi32, #tpu.memory_space<vmem>>
      %get3A_145 = tpu.memref_squeeze %get3A_144 : memref<1x128xi32, #tpu.memory_space<vmem>> -> memref<128xi32, #tpu.memory_space<vmem>>
      %get3A_146 = arith.constant 16 : index
      %get3A_147 = tpu.vector_load %get3A_145[%get3A_146] {strides = array<i32>} : memref<128xi32, #tpu.memory_space<vmem>>, vector<16xi32>,
      %get3A_148 = vector.shape_cast %get3A_147 : vector<16xi32> to vector<16xi32>
      %and3A_149 = arith.constant 65535 : i32
      %and3A_150 = vector.broadcast %and3A_149 : i32 to vector<16xi32>
      %and3A_151 = arith.andi %get3A_148, %and3A_150 : vector<16xi32>
      %swap3A_152 = arith.constant 1 : i32
      %swap3A_153 = arith.constant 0 : i32
      %swap3A_154 = tpu.memref_slice %arg7[%swap3A_152, %swap3A_153] : memref<2x128xi32, #tpu.memory_space<vmem>> -> memref<1x128xi32, #tpu.memory_space<vmem>>
      %swap3A_155 = tpu.memref_squeeze %swap3A_154 : memref<1x128xi32, #tpu.memory_space<vmem>> -> memref<128xi32, #tpu.memory_space<vmem>>
      %swap3A_156 = arith.constant 16 : index
      %swap3A_157 = tpu.vector_load %swap3A_155[%swap3A_156] {strides = array<i32>} : memref<128xi32, #tpu.memory_space<vmem>>, vector<16xi32>,
      %swap3A_158 = vector.shape_cast %swap3A_157 : vector<16xi32> to vector<16xi32>
      %swap3A_159 = vector.shape_cast %and3A_151 : vector<16xi32> to vector<16xi32>
      tpu.vector_store %swap3A_155[%swap3A_156], %swap3A_159 {strides = array<i32>} : memref<128xi32, #tpu.memory_space<vmem>>, vector<16xi32>,
      %shift_right_logical3A_160 = arith.constant 16 : i32
      %shift_right_logical3A_161 = vector.broadcast %shift_right_logical3A_160 : i32 to vector<16xi32>
      %shift_right_logical3A_162 = arith.shrui %get3A_148, %shift_right_logical3A_161 : vector<16xi32>
      %swap3A_163 = arith.constant 1 : i32
      %swap3A_164 = arith.constant 0 : i32
      %swap3A_165 = tpu.memref_slice %arg8[%swap3A_163, %swap3A_164] : memref<2x128xi32, #tpu.memory_space<vmem>> -> memref<1x128xi32, #tpu.memory_space<vmem>>
      %swap3A_166 = tpu.memref_squeeze %swap3A_165 : memref<1x128xi32, #tpu.memory_space<vmem>> -> memref<128xi32, #tpu.memory_space<vmem>>
      %swap3A_167 = arith.constant 16 : index
      %swap3A_168 = tpu.vector_load %swap3A_166[%swap3A_167] {strides = array<i32>} : memref<128xi32, #tpu.memory_space<vmem>>, vector<16xi32>,
      %swap3A_169 = vector.shape_cast %swap3A_168 : vector<16xi32> to vector<16xi32>
      %swap3A_170 = vector.shape_cast %shift_right_logical3A_162 : vector<16xi32> to vector<16xi32>
      tpu.vector_store %swap3A_166[%swap3A_167], %swap3A_170 {strides = array<i32>} : memref<128xi32, #tpu.memory_space<vmem>>, vector<16xi32>,
      %add3A_171 = arith.addi %add3A_115, %sub3A : i32
      %get3A_172 = arith.constant 0 : i32
      %get3A_173 = tpu.memref_slice %arg6[%add3A_171, %get3A_172] : memref<80x128xi32, #tpu.memory_space<vmem>> -> memref<1x128xi32, #tpu.memory_space<vmem>>
      %get3A_174 = tpu.memref_squeeze %get3A_173 : memref<1x128xi32, #tpu.memory_space<vmem>> -> memref<128xi32, #tpu.memory_space<vmem>>
      %get3A_175 = arith.constant 32 : index
      %get3A_176 = tpu.vector_load %get3A_174[%get3A_175] {strides = array<i32>} : memref<128xi32, #tpu.memory_space<vmem>>, vector<16xi32>,
      %get3A_177 = vector.shape_cast %get3A_176 : vector<16xi32> to vector<16xi32>
      %and3A_178 = arith.constant 65535 : i32
      %and3A_179 = vector.broadcast %and3A_178 : i32 to vector<16xi32>
      %and3A_180 = arith.andi %get3A_177, %and3A_179 : vector<16xi32>
      %swap3A_181 = arith.constant 1 : i32
      %swap3A_182 = arith.constant 0 : i32
      %swap3A_183 = tpu.memref_slice %arg7[%swap3A_181, %swap3A_182] : memref<2x128xi32, #tpu.memory_space<vmem>> -> memref<1x128xi32, #tpu.memory_space<vmem>>
      %swap3A_184 = tpu.memref_squeeze %swap3A_183 : memref<1x128xi32, #tpu.memory_space<vmem>> -> memref<128xi32, #tpu.memory_space<vmem>>
      %swap3A_185 = arith.constant 32 : index
      %swap3A_186 = tpu.vector_load %swap3A_184[%swap3A_185] {strides = array<i32>} : memref<128xi32, #tpu.memory_space<vmem>>, vector<16xi32>,
      %swap3A_187 = vector.shape_cast %swap3A_186 : vector<16xi32> to vector<16xi32>
      %swap3A_188 = vector.shape_cast %and3A_180 : vector<16xi32> to vector<16xi32>
      tpu.vector_store %swap3A_184[%swap3A_185], %swap3A_188 {strides = array<i32>} : memref<128xi32, #tpu.memory_space<vmem>>, vector<16xi32>,
      %shift_right_logical3A_189 = arith.constant 16 : i32
      %shift_right_logical3A_190 = vector.broadcast %shift_right_logical3A_189 : i32 to vector<16xi32>
      %shift_right_logical3A_191 = arith.shrui %get3A_177, %shift_right_logical3A_190 : vector<16xi32>
      %swap3A_192 = arith.constant 1 : i32
      %swap3A_193 = arith.constant 0 : i32
      %swap3A_194 = tpu.memref_slice %arg8[%swap3A_192, %swap3A_193] : memref<2x128xi32, #tpu.memory_space<vmem>> -> memref<1x128xi32, #tpu.memory_space<vmem>>
      %swap3A_195 = tpu.memref_squeeze %swap3A_194 : memref<1x128xi32, #tpu.memory_space<vmem>> -> memref<128xi32, #tpu.memory_space<vmem>>
      %swap3A_196 = arith.constant 32 : index
      %swap3A_197 = tpu.vector_load %swap3A_195[%swap3A_196] {strides = array<i32>} : memref<128xi32, #tpu.memory_space<vmem>>, vector<16xi32>,
      %swap3A_198 = vector.shape_cast %swap3A_197 : vector<16xi32> to vector<16xi32>
      %swap3A_199 = vector.shape_cast %shift_right_logical3A_191 : vector<16xi32> to vector<16xi32>
      tpu.vector_store %swap3A_195[%swap3A_196], %swap3A_199 {strides = array<i32>} : memref<128xi32, #tpu.memory_space<vmem>>, vector<16xi32>,
      %add3A_200 = arith.addi %add3A_115, %sub3A : i32
      %get3A_201 = arith.constant 0 : i32
      %get3A_202 = tpu.memref_slice %arg6[%add3A_200, %get3A_201] : memref<80x128xi32, #tpu.memory_space<vmem>> -> memref<1x128xi32, #tpu.memory_space<vmem>>
      %get3A_203 = tpu.memref_squeeze %get3A_202 : memref<1x128xi32, #tpu.memory_space<vmem>> -> memref<128xi32, #tpu.memory_space<vmem>>
      %get3A_204 = arith.constant 48 : index
      %get3A_205 = tpu.vector_load %get3A_203[%get3A_204] {strides = array<i32>} : memref<128xi32, #tpu.memory_space<vmem>>, vector<16xi32>,
      %get3A_206 = vector.shape_cast %get3A_205 : vector<16xi32> to vector<16xi32>
      %and3A_207 = arith.constant 65535 : i32
      %and3A_208 = vector.broadcast %and3A_207 : i32 to vector<16xi32>
      %and3A_209 = arith.andi %get3A_206, %and3A_208 : vector<16xi32>
      %swap3A_210 = arith.constant 1 : i32
      %swap3A_211 = arith.constant 0 : i32
      %swap3A_212 = tpu.memref_slice %arg7[%swap3A_210, %swap3A_211] : memref<2x128xi32, #tpu.memory_space<vmem>> -> memref<1x128xi32, #tpu.memory_space<vmem>>
      %swap3A_213 = tpu.memref_squeeze %swap3A_212 : memref<1x128xi32, #tpu.memory_space<vmem>> -> memref<128xi32, #tpu.memory_space<vmem>>
      %swap3A_214 = arith.constant 48 : index
      %swap3A_215 = tpu.vector_load %swap3A_213[%swap3A_214] {strides = array<i32>} : memref<128xi32, #tpu.memory_space<vmem>>, vector<16xi32>,
      %swap3A_216 = vector.shape_cast %swap3A_215 : vector<16xi32> to vector<16xi32>
      %swap3A_217 = vector.shape_cast %and3A_209 : vector<16xi32> to vector<16xi32>
      tpu.vector_store %swap3A_213[%swap3A_214], %swap3A_217 {strides = array<i32>} : memref<128xi32, #tpu.memory_space<vmem>>, vector<16xi32>,
      %shift_right_logical3A_218 = arith.constant 16 : i32
      %shift_right_logical3A_219 = vector.broadcast %shift_right_logical3A_218 : i32 to vector<16xi32>
      %shift_right_logical3A_220 = arith.shrui %get3A_206, %shift_right_logical3A_219 : vector<16xi32>
      %swap3A_221 = arith.constant 1 : i32
      %swap3A_222 = arith.constant 0 : i32
      %swap3A_223 = tpu.memref_slice %arg8[%swap3A_221, %swap3A_222] : memref<2x128xi32, #tpu.memory_space<vmem>> -> memref<1x128xi32, #tpu.memory_space<vmem>>
      %swap3A_224 = tpu.memref_squeeze %swap3A_223 : memref<1x128xi32, #tpu.memory_space<vmem>> -> memref<128xi32, #tpu.memory_space<vmem>>
      %swap3A_225 = arith.constant 48 : index
      %swap3A_226 = tpu.vector_load %swap3A_224[%swap3A_225] {strides = array<i32>} : memref<128xi32, #tpu.memory_space<vmem>>, vector<16xi32>,
      %swap3A_227 = vector.shape_cast %swap3A_226 : vector<16xi32> to vector<16xi32>
      %swap3A_228 = vector.shape_cast %shift_right_logical3A_220 : vector<16xi32> to vector<16xi32>
      tpu.vector_store %swap3A_224[%swap3A_225], %swap3A_228 {strides = array<i32>} : memref<128xi32, #tpu.memory_space<vmem>>, vector<16xi32>,
      %add3A_229 = arith.addi %add3A_115, %sub3A : i32
      %get3A_230 = arith.constant 0 : i32
      %get3A_231 = tpu.memref_slice %arg6[%add3A_229, %get3A_230] : memref<80x128xi32, #tpu.memory_space<vmem>> -> memref<1x128xi32, #tpu.memory_space<vmem>>
      %get3A_232 = tpu.memref_squeeze %get3A_231 : memref<1x128xi32, #tpu.memory_space<vmem>> -> memref<128xi32, #tpu.memory_space<vmem>>
      %get3A_233 = arith.constant 64 : index
      %get3A_234 = tpu.vector_load %get3A_232[%get3A_233] {strides = array<i32>} : memref<128xi32, #tpu.memory_space<vmem>>, vector<16xi32>,
      %get3A_235 = vector.shape_cast %get3A_234 : vector<16xi32> to vector<16xi32>
      %and3A_236 = arith.constant 65535 : i32
      %and3A_237 = vector.broadcast %and3A_236 : i32 to vector<16xi32>
      %and3A_238 = arith.andi %get3A_235, %and3A_237 : vector<16xi32>
      %swap3A_239 = arith.constant 1 : i32
      %swap3A_240 = arith.constant 0 : i32
      %swap3A_241 = tpu.memref_slice %arg7[%swap3A_239, %swap3A_240] : memref<2x128xi32, #tpu.memory_space<vmem>> -> memref<1x128xi32, #tpu.memory_space<vmem>>
      %swap3A_242 = tpu.memref_squeeze %swap3A_241 : memref<1x128xi32, #tpu.memory_space<vmem>> -> memref<128xi32, #tpu.memory_space<vmem>>
      %swap3A_243 = arith.constant 64 : index
      %swap3A_244 = tpu.vector_load %swap3A_242[%swap3A_243] {strides = array<i32>} : memref<128xi32, #tpu.memory_space<vmem>>, vector<16xi32>,
      %swap3A_245 = vector.shape_cast %swap3A_244 : vector<16xi32> to vector<16xi32>
      %swap3A_246 = vector.shape_cast %and3A_238 : vector<16xi32> to vector<16xi32>
      tpu.vector_store %swap3A_242[%swap3A_243], %swap3A_246 {strides = array<i32>} : memref<128xi32, #tpu.memory_space<vmem>>, vector<16xi32>,
      %shift_right_logical3A_247 = arith.constant 16 : i32
      %shift_right_logical3A_248 = vector.broadcast %shift_right_logical3A_247 : i32 to vector<16xi32>
      %shift_right_logical3A_249 = arith.shrui %get3A_235, %shift_right_logical3A_248 : vector<16xi32>
      %swap3A_250 = arith.constant 1 : i32
      %swap3A_251 = arith.constant 0 : i32
      %swap3A_252 = tpu.memref_slice %arg8[%swap3A_250, %swap3A_251] : memref<2x128xi32, #tpu.memory_space<vmem>> -> memref<1x128xi32, #tpu.memory_space<vmem>>
      %swap3A_253 = tpu.memref_squeeze %swap3A_252 : memref<1x128xi32, #tpu.memory_space<vmem>> -> memref<128xi32, #tpu.memory_space<vmem>>
      %swap3A_254 = arith.constant 64 : index
      %swap3A_255 = tpu.vector_load %swap3A_253[%swap3A_254] {strides = array<i32>} : memref<128xi32, #tpu.memory_space<vmem>>, vector<16xi32>,
      %swap3A_256 = vector.shape_cast %swap3A_255 : vector<16xi32> to vector<16xi32>
      %swap3A_257 = vector.shape_cast %shift_right_logical3A_249 : vector<16xi32> to vector<16xi32>
      tpu.vector_store %swap3A_253[%swap3A_254], %swap3A_257 {strides = array<i32>} : memref<128xi32, #tpu.memory_space<vmem>>, vector<16xi32>,
      %add3A_258 = arith.addi %add3A_115, %sub3A : i32
      %get3A_259 = arith.constant 0 : i32
      %get3A_260 = tpu.memref_slice %arg6[%add3A_258, %get3A_259] : memref<80x128xi32, #tpu.memory_space<vmem>> -> memref<1x128xi32, #tpu.memory_space<vmem>>
      %get3A_261 = tpu.memref_squeeze %get3A_260 : memref<1x128xi32, #tpu.memory_space<vmem>> -> memref<128xi32, #tpu.memory_space<vmem>>
      %get3A_262 = arith.constant 80 : index
      %get3A_263 = tpu.vector_load %get3A_261[%get3A_262] {strides = array<i32>} : memref<128xi32, #tpu.memory_space<vmem>>, vector<16xi32>,
      %get3A_264 = vector.shape_cast %get3A_263 : vector<16xi32> to vector<16xi32>
      %and3A_265 = arith.constant 65535 : i32
      %and3A_266 = vector.broadcast %and3A_265 : i32 to vector<16xi32>
      %and3A_267 = arith.andi %get3A_264, %and3A_266 : vector<16xi32>
      %swap3A_268 = arith.constant 1 : i32
      %swap3A_269 = arith.constant 0 : i32
      %swap3A_270 = tpu.memref_slice %arg7[%swap3A_268, %swap3A_269] : memref<2x128xi32, #tpu.memory_space<vmem>> -> memref<1x128xi32, #tpu.memory_space<vmem>>
      %swap3A_271 = tpu.memref_squeeze %swap3A_270 : memref<1x128xi32, #tpu.memory_space<vmem>> -> memref<128xi32, #tpu.memory_space<vmem>>
      %swap3A_272 = arith.constant 80 : index
      %swap3A_273 = tpu.vector_load %swap3A_271[%swap3A_272] {strides = array<i32>} : memref<128xi32, #tpu.memory_space<vmem>>, vector<16xi32>,
      %swap3A_274 = vector.shape_cast %swap3A_273 : vector<16xi32> to vector<16xi32>
      %swap3A_275 = vector.shape_cast %and3A_267 : vector<16xi32> to vector<16xi32>
      tpu.vector_store %swap3A_271[%swap3A_272], %swap3A_275 {strides = array<i32>} : memref<128xi32, #tpu.memory_space<vmem>>, vector<16xi32>,
      %shift_right_logical3A_276 = arith.constant 16 : i32
      %shift_right_logical3A_277 = vector.broadcast %shift_right_logical3A_276 : i32 to vector<16xi32>
      %shift_right_logical3A_278 = arith.shrui %get3A_264, %shift_right_logical3A_277 : vector<16xi32>
      %swap3A_279 = arith.constant 1 : i32
      %swap3A_280 = arith.constant 0 : i32
      %swap3A_281 = tpu.memref_slice %arg8[%swap3A_279, %swap3A_280] : memref<2x128xi32, #tpu.memory_space<vmem>> -> memref<1x128xi32, #tpu.memory_space<vmem>>
      %swap3A_282 = tpu.memref_squeeze %swap3A_281 : memref<1x128xi32, #tpu.memory_space<vmem>> -> memref<128xi32, #tpu.memory_space<vmem>>
      %swap3A_283 = arith.constant 80 : index
      %swap3A_284 = tpu.vector_load %swap3A_282[%swap3A_283] {strides = array<i32>} : memref<128xi32, #tpu.memory_space<vmem>>, vector<16xi32>,
      %swap3A_285 = vector.shape_cast %swap3A_284 : vector<16xi32> to vector<16xi32>
      %swap3A_286 = vector.shape_cast %shift_right_logical3A_278 : vector<16xi32> to vector<16xi32>
      tpu.vector_store %swap3A_282[%swap3A_283], %swap3A_286 {strides = array<i32>} : memref<128xi32, #tpu.memory_space<vmem>>, vector<16xi32>,
      %add3A_287 = arith.addi %add3A_115, %sub3A : i32
      %get3A_288 = arith.constant 0 : i32
      %get3A_289 = tpu.memref_slice %arg6[%add3A_287, %get3A_288] : memref<80x128xi32, #tpu.memory_space<vmem>> -> memref<1x128xi32, #tpu.memory_space<vmem>>
      %get3A_290 = tpu.memref_squeeze %get3A_289 : memref<1x128xi32, #tpu.memory_space<vmem>> -> memref<128xi32, #tpu.memory_space<vmem>>
      %get3A_291 = arith.constant 96 : index
      %get3A_292 = tpu.vector_load %get3A_290[%get3A_291] {strides = array<i32>} : memref<128xi32, #tpu.memory_space<vmem>>, vector<16xi32>,
      %get3A_293 = vector.shape_cast %get3A_292 : vector<16xi32> to vector<16xi32>
      %and3A_294 = arith.constant 65535 : i32
      %and3A_295 = vector.broadcast %and3A_294 : i32 to vector<16xi32>
      %and3A_296 = arith.andi %get3A_293, %and3A_295 : vector<16xi32>
      %swap3A_297 = arith.constant 1 : i32
      %swap3A_298 = arith.constant 0 : i32
      %swap3A_299 = tpu.memref_slice %arg7[%swap3A_297, %swap3A_298] : memref<2x128xi32, #tpu.memory_space<vmem>> -> memref<1x128xi32, #tpu.memory_space<vmem>>
      %swap3A_300 = tpu.memref_squeeze %swap3A_299 : memref<1x128xi32, #tpu.memory_space<vmem>> -> memref<128xi32, #tpu.memory_space<vmem>>
      %swap3A_301 = arith.constant 96 : index
      %swap3A_302 = tpu.vector_load %swap3A_300[%swap3A_301] {strides = array<i32>} : memref<128xi32, #tpu.memory_space<vmem>>, vector<16xi32>,
      %swap3A_303 = vector.shape_cast %swap3A_302 : vector<16xi32> to vector<16xi32>
      %swap3A_304 = vector.shape_cast %and3A_296 : vector<16xi32> to vector<16xi32>
      tpu.vector_store %swap3A_300[%swap3A_301], %swap3A_304 {strides = array<i32>} : memref<128xi32, #tpu.memory_space<vmem>>, vector<16xi32>,
      %shift_right_logical3A_305 = arith.constant 16 : i32
      %shift_right_logical3A_306 = vector.broadcast %shift_right_logical3A_305 : i32 to vector<16xi32>
      %shift_right_logical3A_307 = arith.shrui %get3A_293, %shift_right_logical3A_306 : vector<16xi32>
      %swap3A_308 = arith.constant 1 : i32
      %swap3A_309 = arith.constant 0 : i32
      %swap3A_310 = tpu.memref_slice %arg8[%swap3A_308, %swap3A_309] : memref<2x128xi32, #tpu.memory_space<vmem>> -> memref<1x128xi32, #tpu.memory_space<vmem>>
      %swap3A_311 = tpu.memref_squeeze %swap3A_310 : memref<1x128xi32, #tpu.memory_space<vmem>> -> memref<128xi32, #tpu.memory_space<vmem>>
      %swap3A_312 = arith.constant 96 : index
      %swap3A_313 = tpu.vector_load %swap3A_311[%swap3A_312] {strides = array<i32>} : memref<128xi32, #tpu.memory_space<vmem>>, vector<16xi32>,
      %swap3A_314 = vector.shape_cast %swap3A_313 : vector<16xi32> to vector<16xi32>
      %swap3A_315 = vector.shape_cast %shift_right_logical3A_307 : vector<16xi32> to vector<16xi32>
      tpu.vector_store %swap3A_311[%swap3A_312], %swap3A_315 {strides = array<i32>} : memref<128xi32, #tpu.memory_space<vmem>>, vector<16xi32>,
      %add3A_316 = arith.addi %add3A_115, %sub3A : i32
      %get3A_317 = arith.constant 0 : i32
      %get3A_318 = tpu.memref_slice %arg6[%add3A_316, %get3A_317] : memref<80x128xi32, #tpu.memory_space<vmem>> -> memref<1x128xi32, #tpu.memory_space<vmem>>
      %get3A_319 = tpu.memref_squeeze %get3A_318 : memref<1x128xi32, #tpu.memory_space<vmem>> -> memref<128xi32, #tpu.memory_space<vmem>>
      %get3A_320 = arith.constant 112 : index
      %get3A_321 = tpu.vector_load %get3A_319[%get3A_320] {strides = array<i32>} : memref<128xi32, #tpu.memory_space<vmem>>, vector<16xi32>,
      %get3A_322 = vector.shape_cast %get3A_321 : vector<16xi32> to vector<16xi32>
      %and3A_323 = arith.constant 65535 : i32
      %and3A_324 = vector.broadcast %and3A_323 : i32 to vector<16xi32>
      %and3A_325 = arith.andi %get3A_322, %and3A_324 : vector<16xi32>
      %swap3A_326 = arith.constant 1 : i32
      %swap3A_327 = arith.constant 0 : i32
      %swap3A_328 = tpu.memref_slice %arg7[%swap3A_326, %swap3A_327] : memref<2x128xi32, #tpu.memory_space<vmem>> -> memref<1x128xi32, #tpu.memory_space<vmem>>
      %swap3A_329 = tpu.memref_squeeze %swap3A_328 : memref<1x128xi32, #tpu.memory_space<vmem>> -> memref<128xi32, #tpu.memory_space<vmem>>
      %swap3A_330 = arith.constant 112 : index
      %swap3A_331 = tpu.vector_load %swap3A_329[%swap3A_330] {strides = array<i32>} : memref<128xi32, #tpu.memory_space<vmem>>, vector<16xi32>,
      %swap3A_332 = vector.shape_cast %swap3A_331 : vector<16xi32> to vector<16xi32>
      %swap3A_333 = vector.shape_cast %and3A_325 : vector<16xi32> to vector<16xi32>
      tpu.vector_store %swap3A_329[%swap3A_330], %swap3A_333 {strides = array<i32>} : memref<128xi32, #tpu.memory_space<vmem>>, vector<16xi32>,
      %shift_right_logical3A_334 = arith.constant 16 : i32
      %shift_right_logical3A_335 = vector.broadcast %shift_right_logical3A_334 : i32 to vector<16xi32>
      %shift_right_logical3A_336 = arith.shrui %get3A_322, %shift_right_logical3A_335 : vector<16xi32>
      %swap3A_337 = arith.constant 1 : i32
      %swap3A_338 = arith.constant 0 : i32
      %swap3A_339 = tpu.memref_slice %arg8[%swap3A_337, %swap3A_338] : memref<2x128xi32, #tpu.memory_space<vmem>> -> memref<1x128xi32, #tpu.memory_space<vmem>>
      %swap3A_340 = tpu.memref_squeeze %swap3A_339 : memref<1x128xi32, #tpu.memory_space<vmem>> -> memref<128xi32, #tpu.memory_space<vmem>>
      %swap3A_341 = arith.constant 112 : index
      %swap3A_342 = tpu.vector_load %swap3A_340[%swap3A_341] {strides = array<i32>} : memref<128xi32, #tpu.memory_space<vmem>>, vector<16xi32>,
      %swap3A_343 = vector.shape_cast %swap3A_342 : vector<16xi32> to vector<16xi32>
      %swap3A_344 = vector.shape_cast %shift_right_logical3A_336 : vector<16xi32> to vector<16xi32>
      tpu.vector_store %swap3A_340[%swap3A_341], %swap3A_344 {strides = array<i32>} : memref<128xi32, #tpu.memory_space<vmem>>, vector<16xi32>,
      %dma_start3A = arith.constant 1 : i32
      %dma_start3A_345 = arith.constant 0 : i32
      %dma_start3A_346 = tpu.memref_slice %arg7[%dma_start3A, %dma_start3A_345] : memref<2x128xi32, #tpu.memory_space<vmem>> -> memref<1x128xi32, #tpu.memory_space<vmem>>
      %dma_start3A_347 = tpu.memref_squeeze %dma_start3A_346 : memref<1x128xi32, #tpu.memory_space<vmem>> -> memref<128xi32, #tpu.memory_space<vmem>>
      %dma_start3A_348 = arith.constant 0 : i32
      %dma_start3A_349 = arith.constant 0 : i32
      %dma_start3A_350 = tpu.memref_slice %arg12[%dma_start3A_348, %dma_start3A_349] : memref<10112x64xf32, #tpu.memory_space<vmem_shared>> -> memref<10112x64xf32, #tpu.memory_space<vmem_shared>>
      tpu.enqueue_indirect_dma source(%dma_start3A_350 : memref<10112x64xf32, #tpu.memory_space<vmem_shared>>) target(%arg10 : memref<128x64xf32, #tpu.memory_space<vmem>>) offsets(%dma_start3A_347 : memref<128xi32, #tpu.memory_space<vmem>>) semaphore(%arg14 : memref<!tpu.dma_semaphore, #tpu.memory_space<semaphore_mem>>)
      %dma_wait3A = arith.constant 0 : i32
      %dma_wait3A_351 = arith.constant 0 : i32
      %dma_wait3A_352 = tpu.memref_slice %arg7[%dma_wait3A, %dma_wait3A_351] : memref<2x128xi32, #tpu.memory_space<vmem>> -> memref<1x128xi32, #tpu.memory_space<vmem>>
      %dma_wait3A_353 = tpu.memref_squeeze %dma_wait3A_352 : memref<1x128xi32, #tpu.memory_space<vmem>> -> memref<128xi32, #tpu.memory_space<vmem>>
      %dma_wait3A_354 = arith.constant 0 : i32
      %dma_wait3A_355 = arith.constant 0 : i32
      %dma_wait3A_356 = tpu.memref_slice %arg12[%dma_wait3A_354, %dma_wait3A_355] : memref<10112x64xf32, #tpu.memory_space<vmem_shared>> -> memref<10112x64xf32, #tpu.memory_space<vmem_shared>>
      tpu.wait_indirect_dma semaphore(%arg13 : memref<!tpu.dma_semaphore, #tpu.memory_space<semaphore_mem>>) src(%dma_wait3A_356 : memref<10112x64xf32, #tpu.memory_space<vmem_shared>>) dst(%arg9 : memref<128x64xf32, #tpu.memory_space<vmem>>)
      %run_scoped3A = arith.constant 0 : i32
      "tpu.region"() ({
        %run_scoped3A_394 = tpu.sem_alloc : memref<!tpu.dma_semaphore, #tpu.memory_space<semaphore_mem>>
        %dma_start3A_395 = arith.constant 0 : i32
        %dma_start3A_396 = tpu.memref_slice %arg8[%run_scoped3A, %dma_start3A_395] : memref<2x128xi32, #tpu.memory_space<vmem>> -> memref<1x128xi32, #tpu.memory_space<vmem>>
        %dma_start3A_397 = tpu.memref_squeeze %dma_start3A_396 : memref<1x128xi32, #tpu.memory_space<vmem>> -> memref<128xi32, #tpu.memory_space<vmem>>
        %dma_start3A_398 = arith.constant 0 : i32
        %dma_start3A_399 = arith.constant 0 : i32
        %dma_start3A_400 = tpu.memref_slice %arg11[%dma_start3A_398, %dma_start3A_399] : memref<10112x64xf32, #tpu.memory_space<vmem_shared>> -> memref<10112x64xf32, #tpu.memory_space<vmem_shared>>
        tpu.enqueue_indirect_dma source(%arg9 : memref<128x64xf32, #tpu.memory_space<vmem>>) target(%dma_start3A_400 : memref<10112x64xf32, #tpu.memory_space<vmem_shared>>) offsets(%dma_start3A_397 : memref<128xi32, #tpu.memory_space<vmem>>) semaphore(%run_scoped3A_394 : memref<!tpu.dma_semaphore, #tpu.memory_space<semaphore_mem>>) {add = true}
        %dma_wait3A_401 = arith.constant 0 : i32
        %dma_wait3A_402 = tpu.memref_slice %arg8[%run_scoped3A, %dma_wait3A_401] : memref<2x128xi32, #tpu.memory_space<vmem>> -> memref<1x128xi32, #tpu.memory_space<vmem>>
        %dma_wait3A_403 = tpu.memref_squeeze %dma_wait3A_402 : memref<1x128xi32, #tpu.memory_space<vmem>> -> memref<128xi32, #tpu.memory_space<vmem>>
        %dma_wait3A_404 = arith.constant 0 : i32
        %dma_wait3A_405 = arith.constant 0 : i32
        %dma_wait3A_406 = tpu.memref_slice %arg11[%dma_wait3A_404, %dma_wait3A_405] : memref<10112x64xf32, #tpu.memory_space<vmem_shared>> -> memref<10112x64xf32, #tpu.memory_space<vmem_shared>>
        tpu.wait_indirect_dma semaphore(%run_scoped3A_394 : memref<!tpu.dma_semaphore, #tpu.memory_space<semaphore_mem>>) src(%arg9 : memref<128x64xf32, #tpu.memory_space<vmem>>) dst(%dma_wait3A_406 : memref<10112x64xf32, #tpu.memory_space<vmem_shared>>)
        tpu.yield
      }) : () -> ()
      %jit3A_357 = arith.constant 2 : i32
      %div3A_358 = arith.divsi %select_n3A, %jit3A_357 : i32
      %sign3A_359 = arith.constant 0 : i32
      %sign3A_360 = arith.cmpi sgt, %select_n3A, %sign3A_359 : i32
      %sign3A_361 = arith.extui %sign3A_360 : i1 to i32
      %sign3A_362 = arith.constant 0 : i32
      %sign3A_363 = arith.cmpi slt, %select_n3A, %sign3A_362 : i32
      %sign3A_364 = arith.extui %sign3A_363 : i1 to i32
      %sign3A_365 = arith.subi %sign3A_361, %sign3A_364 : i32
      %sign3A_366 = arith.constant 0 : i32
      %sign3A_367 = arith.cmpi sgt, %jit3A_357, %sign3A_366 : i32
      %sign3A_368 = arith.extui %sign3A_367 : i1 to i32
      %sign3A_369 = arith.constant 0 : i32
      %sign3A_370 = arith.cmpi slt, %jit3A_357, %sign3A_369 : i32
      %sign3A_371 = arith.extui %sign3A_370 : i1 to i32
      %sign3A_372 = arith.subi %sign3A_368, %sign3A_371 : i32
      %ne3A_373 = arith.cmpi ne, %sign3A_365, %sign3A_372 : i32
      %rem3A_374 = arith.remsi %select_n3A, %jit3A_357 : i32
      %ne3A_375 = arith.constant 0 : i32
      %ne3A_376 = arith.cmpi ne, %rem3A_374, %ne3A_375 : i32
      %and3A_377 = arith.andi %ne3A_373, %ne3A_376 : i1
      %sub3A_378 = arith.constant 1 : i32
      %sub3A_379 = arith.subi %div3A_358, %sub3A_378 : i32
      %select_n3A_380 = arith.select %and3A_377, %sub3A_379, %div3A_358 : i32
      %sub3A_381 = arith.constant 1 : i32
      %sub3A_382 = arith.subi %select_n3A_380, %sub3A_381 : i32
      %lt3A = arith.cmpi slt, %while3A_111, %sub3A_382 : i32
      %convert_element_type3A_383 = arith.extui %lt3A : i1 to i32
      %cond3A_384 = arith.constant 0 : i32
      %cond3A_385 = arith.cmpi ne, %convert_element_type3A_383, %cond3A_384 : i32
      scf.if %cond3A_385 {
        %add3A_394 = arith.constant 2 : i32
        %add3A_395 = arith.addi %mul3A_113, %add3A_394 : i32
        %add3A_396 = arith.addi %add3A_395, %sub3A : i32
        %get3A_397 = arith.constant 0 : i32
        %get3A_398 = tpu.memref_slice %arg6[%add3A_396, %get3A_397] : memref<80x128xi32, #tpu.memory_space<vmem>> -> memref<1x128xi32, #tpu.memory_space<vmem>>
        %get3A_399 = tpu.memref_squeeze %get3A_398 : memref<1x128xi32, #tpu.memory_space<vmem>> -> memref<128xi32, #tpu.memory_space<vmem>>
        %get3A_400 = arith.constant 0 : index
        %get3A_401 = tpu.vector_load %get3A_399[%get3A_400] {strides = array<i32>} : memref<128xi32, #tpu.memory_space<vmem>>, vector<16xi32>,
        %get3A_402 = vector.shape_cast %get3A_401 : vector<16xi32> to vector<16xi32>
        %and3A_403 = arith.constant 65535 : i32
        %and3A_404 = vector.broadcast %and3A_403 : i32 to vector<16xi32>
        %and3A_405 = arith.andi %get3A_402, %and3A_404 : vector<16xi32>
        %swap3A_406 = arith.constant 0 : i32
        %swap3A_407 = arith.constant 0 : i32
        %swap3A_408 = tpu.memref_slice %arg7[%swap3A_406, %swap3A_407] : memref<2x128xi32, #tpu.memory_space<vmem>> -> memref<1x128xi32, #tpu.memory_space<vmem>>
        %swap3A_409 = tpu.memref_squeeze %swap3A_408 : memref<1x128xi32, #tpu.memory_space<vmem>> -> memref<128xi32, #tpu.memory_space<vmem>>
        %swap3A_410 = arith.constant 0 : index
        %swap3A_411 = tpu.vector_load %swap3A_409[%swap3A_410] {strides = array<i32>} : memref<128xi32, #tpu.memory_space<vmem>>, vector<16xi32>,
        %swap3A_412 = vector.shape_cast %swap3A_411 : vector<16xi32> to vector<16xi32>
        %swap3A_413 = vector.shape_cast %and3A_405 : vector<16xi32> to vector<16xi32>
        tpu.vector_store %swap3A_409[%swap3A_410], %swap3A_413 {strides = array<i32>} : memref<128xi32, #tpu.memory_space<vmem>>, vector<16xi32>,
        %shift_right_logical3A_414 = arith.constant 16 : i32
        %shift_right_logical3A_415 = vector.broadcast %shift_right_logical3A_414 : i32 to vector<16xi32>
        %shift_right_logical3A_416 = arith.shrui %get3A_402, %shift_right_logical3A_415 : vector<16xi32>
        %swap3A_417 = arith.constant 0 : i32
        %swap3A_418 = arith.constant 0 : i32
        %swap3A_419 = tpu.memref_slice %arg8[%swap3A_417, %swap3A_418] : memref<2x128xi32, #tpu.memory_space<vmem>> -> memref<1x128xi32, #tpu.memory_space<vmem>>
        %swap3A_420 = tpu.memref_squeeze %swap3A_419 : memref<1x128xi32, #tpu.memory_space<vmem>> -> memref<128xi32, #tpu.memory_space<vmem>>
        %swap3A_421 = arith.constant 0 : index
        %swap3A_422 = tpu.vector_load %swap3A_420[%swap3A_421] {strides = array<i32>} : memref<128xi32, #tpu.memory_space<vmem>>, vector<16xi32>,
        %swap3A_423 = vector.shape_cast %swap3A_422 : vector<16xi32> to vector<16xi32>
        %swap3A_424 = vector.shape_cast %shift_right_logical3A_416 : vector<16xi32> to vector<16xi32>
        tpu.vector_store %swap3A_420[%swap3A_421], %swap3A_424 {strides = array<i32>} : memref<128xi32, #tpu.memory_space<vmem>>, vector<16xi32>,
        %add3A_425 = arith.addi %add3A_395, %sub3A : i32
        %get3A_426 = arith.constant 0 : i32
        %get3A_427 = tpu.memref_slice %arg6[%add3A_425, %get3A_426] : memref<80x128xi32, #tpu.memory_space<vmem>> -> memref<1x128xi32, #tpu.memory_space<vmem>>
        %get3A_428 = tpu.memref_squeeze %get3A_427 : memref<1x128xi32, #tpu.memory_space<vmem>> -> memref<128xi32, #tpu.memory_space<vmem>>
        %get3A_429 = arith.constant 16 : index
        %get3A_430 = tpu.vector_load %get3A_428[%get3A_429] {strides = array<i32>} : memref<128xi32, #tpu.memory_space<vmem>>, vector<16xi32>,
        %get3A_431 = vector.shape_cast %get3A_430 : vector<16xi32> to vector<16xi32>
        %and3A_432 = arith.constant 65535 : i32
        %and3A_433 = vector.broadcast %and3A_432 : i32 to vector<16xi32>
        %and3A_434 = arith.andi %get3A_431, %and3A_433 : vector<16xi32>
        %swap3A_435 = arith.constant 0 : i32
        %swap3A_436 = arith.constant 0 : i32
        %swap3A_437 = tpu.memref_slice %arg7[%swap3A_435, %swap3A_436] : memref<2x128xi32, #tpu.memory_space<vmem>> -> memref<1x128xi32, #tpu.memory_space<vmem>>
        %swap3A_438 = tpu.memref_squeeze %swap3A_437 : memref<1x128xi32, #tpu.memory_space<vmem>> -> memref<128xi32, #tpu.memory_space<vmem>>
        %swap3A_439 = arith.constant 16 : index
        %swap3A_440 = tpu.vector_load %swap3A_438[%swap3A_439] {strides = array<i32>} : memref<128xi32, #tpu.memory_space<vmem>>, vector<16xi32>,
        %swap3A_441 = vector.shape_cast %swap3A_440 : vector<16xi32> to vector<16xi32>
        %swap3A_442 = vector.shape_cast %and3A_434 : vector<16xi32> to vector<16xi32>
        tpu.vector_store %swap3A_438[%swap3A_439], %swap3A_442 {strides = array<i32>} : memref<128xi32, #tpu.memory_space<vmem>>, vector<16xi32>,
        %shift_right_logical3A_443 = arith.constant 16 : i32
        %shift_right_logical3A_444 = vector.broadcast %shift_right_logical3A_443 : i32 to vector<16xi32>
        %shift_right_logical3A_445 = arith.shrui %get3A_431, %shift_right_logical3A_444 : vector<16xi32>
        %swap3A_446 = arith.constant 0 : i32
        %swap3A_447 = arith.constant 0 : i32
        %swap3A_448 = tpu.memref_slice %arg8[%swap3A_446, %swap3A_447] : memref<2x128xi32, #tpu.memory_space<vmem>> -> memref<1x128xi32, #tpu.memory_space<vmem>>
        %swap3A_449 = tpu.memref_squeeze %swap3A_448 : memref<1x128xi32, #tpu.memory_space<vmem>> -> memref<128xi32, #tpu.memory_space<vmem>>
        %swap3A_450 = arith.constant 16 : index
        %swap3A_451 = tpu.vector_load %swap3A_449[%swap3A_450] {strides = array<i32>} : memref<128xi32, #tpu.memory_space<vmem>>, vector<16xi32>,
        %swap3A_452 = vector.shape_cast %swap3A_451 : vector<16xi32> to vector<16xi32>
        %swap3A_453 = vector.shape_cast %shift_right_logical3A_445 : vector<16xi32> to vector<16xi32>
        tpu.vector_store %swap3A_449[%swap3A_450], %swap3A_453 {strides = array<i32>} : memref<128xi32, #tpu.memory_space<vmem>>, vector<16xi32>,
        %add3A_454 = arith.addi %add3A_395, %sub3A : i32
        %get3A_455 = arith.constant 0 : i32
        %get3A_456 = tpu.memref_slice %arg6[%add3A_454, %get3A_455] : memref<80x128xi32, #tpu.memory_space<vmem>> -> memref<1x128xi32, #tpu.memory_space<vmem>>
        %get3A_457 = tpu.memref_squeeze %get3A_456 : memref<1x128xi32, #tpu.memory_space<vmem>> -> memref<128xi32, #tpu.memory_space<vmem>>
        %get3A_458 = arith.constant 32 : index
        %get3A_459 = tpu.vector_load %get3A_457[%get3A_458] {strides = array<i32>} : memref<128xi32, #tpu.memory_space<vmem>>, vector<16xi32>,
        %get3A_460 = vector.shape_cast %get3A_459 : vector<16xi32> to vector<16xi32>
        %and3A_461 = arith.constant 65535 : i32
        %and3A_462 = vector.broadcast %and3A_461 : i32 to vector<16xi32>
        %and3A_463 = arith.andi %get3A_460, %and3A_462 : vector<16xi32>
        %swap3A_464 = arith.constant 0 : i32
        %swap3A_465 = arith.constant 0 : i32
        %swap3A_466 = tpu.memref_slice %arg7[%swap3A_464, %swap3A_465] : memref<2x128xi32, #tpu.memory_space<vmem>> -> memref<1x128xi32, #tpu.memory_space<vmem>>
        %swap3A_467 = tpu.memref_squeeze %swap3A_466 : memref<1x128xi32, #tpu.memory_space<vmem>> -> memref<128xi32, #tpu.memory_space<vmem>>
        %swap3A_468 = arith.constant 32 : index
        %swap3A_469 = tpu.vector_load %swap3A_467[%swap3A_468] {strides = array<i32>} : memref<128xi32, #tpu.memory_space<vmem>>, vector<16xi32>,
        %swap3A_470 = vector.shape_cast %swap3A_469 : vector<16xi32> to vector<16xi32>
        %swap3A_471 = vector.shape_cast %and3A_463 : vector<16xi32> to vector<16xi32>
        tpu.vector_store %swap3A_467[%swap3A_468], %swap3A_471 {strides = array<i32>} : memref<128xi32, #tpu.memory_space<vmem>>, vector<16xi32>,
        %shift_right_logical3A_472 = arith.constant 16 : i32
        %shift_right_logical3A_473 = vector.broadcast %shift_right_logical3A_472 : i32 to vector<16xi32>
        %shift_right_logical3A_474 = arith.shrui %get3A_460, %shift_right_logical3A_473 : vector<16xi32>
        %swap3A_475 = arith.constant 0 : i32
        %swap3A_476 = arith.constant 0 : i32
        %swap3A_477 = tpu.memref_slice %arg8[%swap3A_475, %swap3A_476] : memref<2x128xi32, #tpu.memory_space<vmem>> -> memref<1x128xi32, #tpu.memory_space<vmem>>
        %swap3A_478 = tpu.memref_squeeze %swap3A_477 : memref<1x128xi32, #tpu.memory_space<vmem>> -> memref<128xi32, #tpu.memory_space<vmem>>
        %swap3A_479 = arith.constant 32 : index
        %swap3A_480 = tpu.vector_load %swap3A_478[%swap3A_479] {strides = array<i32>} : memref<128xi32, #tpu.memory_space<vmem>>, vector<16xi32>,
        %swap3A_481 = vector.shape_cast %swap3A_480 : vector<16xi32> to vector<16xi32>
        %swap3A_482 = vector.shape_cast %shift_right_logical3A_474 : vector<16xi32> to vector<16xi32>
        tpu.vector_store %swap3A_478[%swap3A_479], %swap3A_482 {strides = array<i32>} : memref<128xi32, #tpu.memory_space<vmem>>, vector<16xi32>,
        %add3A_483 = arith.addi %add3A_395, %sub3A : i32
        %get3A_484 = arith.constant 0 : i32
        %get3A_485 = tpu.memref_slice %arg6[%add3A_483, %get3A_484] : memref<80x128xi32, #tpu.memory_space<vmem>> -> memref<1x128xi32, #tpu.memory_space<vmem>>
        %get3A_486 = tpu.memref_squeeze %get3A_485 : memref<1x128xi32, #tpu.memory_space<vmem>> -> memref<128xi32, #tpu.memory_space<vmem>>
        %get3A_487 = arith.constant 48 : index
        %get3A_488 = tpu.vector_load %get3A_486[%get3A_487] {strides = array<i32>} : memref<128xi32, #tpu.memory_space<vmem>>, vector<16xi32>,
        %get3A_489 = vector.shape_cast %get3A_488 : vector<16xi32> to vector<16xi32>
        %and3A_490 = arith.constant 65535 : i32
        %and3A_491 = vector.broadcast %and3A_490 : i32 to vector<16xi32>
        %and3A_492 = arith.andi %get3A_489, %and3A_491 : vector<16xi32>
        %swap3A_493 = arith.constant 0 : i32
        %swap3A_494 = arith.constant 0 : i32
        %swap3A_495 = tpu.memref_slice %arg7[%swap3A_493, %swap3A_494] : memref<2x128xi32, #tpu.memory_space<vmem>> -> memref<1x128xi32, #tpu.memory_space<vmem>>
        %swap3A_496 = tpu.memref_squeeze %swap3A_495 : memref<1x128xi32, #tpu.memory_space<vmem>> -> memref<128xi32, #tpu.memory_space<vmem>>
        %swap3A_497 = arith.constant 48 : index
        %swap3A_498 = tpu.vector_load %swap3A_496[%swap3A_497] {strides = array<i32>} : memref<128xi32, #tpu.memory_space<vmem>>, vector<16xi32>,
        %swap3A_499 = vector.shape_cast %swap3A_498 : vector<16xi32> to vector<16xi32>
        %swap3A_500 = vector.shape_cast %and3A_492 : vector<16xi32> to vector<16xi32>
        tpu.vector_store %swap3A_496[%swap3A_497], %swap3A_500 {strides = array<i32>} : memref<128xi32, #tpu.memory_space<vmem>>, vector<16xi32>,
        %shift_right_logical3A_501 = arith.constant 16 : i32
        %shift_right_logical3A_502 = vector.broadcast %shift_right_logical3A_501 : i32 to vector<16xi32>
        %shift_right_logical3A_503 = arith.shrui %get3A_489, %shift_right_logical3A_502 : vector<16xi32>
        %swap3A_504 = arith.constant 0 : i32
        %swap3A_505 = arith.constant 0 : i32
        %swap3A_506 = tpu.memref_slice %arg8[%swap3A_504, %swap3A_505] : memref<2x128xi32, #tpu.memory_space<vmem>> -> memref<1x128xi32, #tpu.memory_space<vmem>>
        %swap3A_507 = tpu.memref_squeeze %swap3A_506 : memref<1x128xi32, #tpu.memory_space<vmem>> -> memref<128xi32, #tpu.memory_space<vmem>>
        %swap3A_508 = arith.constant 48 : index
        %swap3A_509 = tpu.vector_load %swap3A_507[%swap3A_508] {strides = array<i32>} : memref<128xi32, #tpu.memory_space<vmem>>, vector<16xi32>,
        %swap3A_510 = vector.shape_cast %swap3A_509 : vector<16xi32> to vector<16xi32>
        %swap3A_511 = vector.shape_cast %shift_right_logical3A_503 : vector<16xi32> to vector<16xi32>
        tpu.vector_store %swap3A_507[%swap3A_508], %swap3A_511 {strides = array<i32>} : memref<128xi32, #tpu.memory_space<vmem>>, vector<16xi32>,
        %add3A_512 = arith.addi %add3A_395, %sub3A : i32
        %get3A_513 = arith.constant 0 : i32
        %get3A_514 = tpu.memref_slice %arg6[%add3A_512, %get3A_513] : memref<80x128xi32, #tpu.memory_space<vmem>> -> memref<1x128xi32, #tpu.memory_space<vmem>>
        %get3A_515 = tpu.memref_squeeze %get3A_514 : memref<1x128xi32, #tpu.memory_space<vmem>> -> memref<128xi32, #tpu.memory_space<vmem>>
        %get3A_516 = arith.constant 64 : index
        %get3A_517 = tpu.vector_load %get3A_515[%get3A_516] {strides = array<i32>} : memref<128xi32, #tpu.memory_space<vmem>>, vector<16xi32>,
        %get3A_518 = vector.shape_cast %get3A_517 : vector<16xi32> to vector<16xi32>
        %and3A_519 = arith.constant 65535 : i32
        %and3A_520 = vector.broadcast %and3A_519 : i32 to vector<16xi32>
        %and3A_521 = arith.andi %get3A_518, %and3A_520 : vector<16xi32>
        %swap3A_522 = arith.constant 0 : i32
        %swap3A_523 = arith.constant 0 : i32
        %swap3A_524 = tpu.memref_slice %arg7[%swap3A_522, %swap3A_523] : memref<2x128xi32, #tpu.memory_space<vmem>> -> memref<1x128xi32, #tpu.memory_space<vmem>>
        %swap3A_525 = tpu.memref_squeeze %swap3A_524 : memref<1x128xi32, #tpu.memory_space<vmem>> -> memref<128xi32, #tpu.memory_space<vmem>>
        %swap3A_526 = arith.constant 64 : index
        %swap3A_527 = tpu.vector_load %swap3A_525[%swap3A_526] {strides = array<i32>} : memref<128xi32, #tpu.memory_space<vmem>>, vector<16xi32>,
        %swap3A_528 = vector.shape_cast %swap3A_527 : vector<16xi32> to vector<16xi32>
        %swap3A_529 = vector.shape_cast %and3A_521 : vector<16xi32> to vector<16xi32>
        tpu.vector_store %swap3A_525[%swap3A_526], %swap3A_529 {strides = array<i32>} : memref<128xi32, #tpu.memory_space<vmem>>, vector<16xi32>,
        %shift_right_logical3A_530 = arith.constant 16 : i32
        %shift_right_logical3A_531 = vector.broadcast %shift_right_logical3A_530 : i32 to vector<16xi32>
        %shift_right_logical3A_532 = arith.shrui %get3A_518, %shift_right_logical3A_531 : vector<16xi32>
        %swap3A_533 = arith.constant 0 : i32
        %swap3A_534 = arith.constant 0 : i32
        %swap3A_535 = tpu.memref_slice %arg8[%swap3A_533, %swap3A_534] : memref<2x128xi32, #tpu.memory_space<vmem>> -> memref<1x128xi32, #tpu.memory_space<vmem>>
        %swap3A_536 = tpu.memref_squeeze %swap3A_535 : memref<1x128xi32, #tpu.memory_space<vmem>> -> memref<128xi32, #tpu.memory_space<vmem>>
        %swap3A_537 = arith.constant 64 : index
        %swap3A_538 = tpu.vector_load %swap3A_536[%swap3A_537] {strides = array<i32>} : memref<128xi32, #tpu.memory_space<vmem>>, vector<16xi32>,
        %swap3A_539 = vector.shape_cast %swap3A_538 : vector<16xi32> to vector<16xi32>
        %swap3A_540 = vector.shape_cast %shift_right_logical3A_532 : vector<16xi32> to vector<16xi32>
        tpu.vector_store %swap3A_536[%swap3A_537], %swap3A_540 {strides = array<i32>} : memref<128xi32, #tpu.memory_space<vmem>>, vector<16xi32>,
        %add3A_541 = arith.addi %add3A_395, %sub3A : i32
        %get3A_542 = arith.constant 0 : i32
        %get3A_543 = tpu.memref_slice %arg6[%add3A_541, %get3A_542] : memref<80x128xi32, #tpu.memory_space<vmem>> -> memref<1x128xi32, #tpu.memory_space<vmem>>
        %get3A_544 = tpu.memref_squeeze %get3A_543 : memref<1x128xi32, #tpu.memory_space<vmem>> -> memref<128xi32, #tpu.memory_space<vmem>>
        %get3A_545 = arith.constant 80 : index
        %get3A_546 = tpu.vector_load %get3A_544[%get3A_545] {strides = array<i32>} : memref<128xi32, #tpu.memory_space<vmem>>, vector<16xi32>,
        %get3A_547 = vector.shape_cast %get3A_546 : vector<16xi32> to vector<16xi32>
        %and3A_548 = arith.constant 65535 : i32
        %and3A_549 = vector.broadcast %and3A_548 : i32 to vector<16xi32>
        %and3A_550 = arith.andi %get3A_547, %and3A_549 : vector<16xi32>
        %swap3A_551 = arith.constant 0 : i32
        %swap3A_552 = arith.constant 0 : i32
        %swap3A_553 = tpu.memref_slice %arg7[%swap3A_551, %swap3A_552] : memref<2x128xi32, #tpu.memory_space<vmem>> -> memref<1x128xi32, #tpu.memory_space<vmem>>
        %swap3A_554 = tpu.memref_squeeze %swap3A_553 : memref<1x128xi32, #tpu.memory_space<vmem>> -> memref<128xi32, #tpu.memory_space<vmem>>
        %swap3A_555 = arith.constant 80 : index
        %swap3A_556 = tpu.vector_load %swap3A_554[%swap3A_555] {strides = array<i32>} : memref<128xi32, #tpu.memory_space<vmem>>, vector<16xi32>,
        %swap3A_557 = vector.shape_cast %swap3A_556 : vector<16xi32> to vector<16xi32>
        %swap3A_558 = vector.shape_cast %and3A_550 : vector<16xi32> to vector<16xi32>
        tpu.vector_store %swap3A_554[%swap3A_555], %swap3A_558 {strides = array<i32>} : memref<128xi32, #tpu.memory_space<vmem>>, vector<16xi32>,
        %shift_right_logical3A_559 = arith.constant 16 : i32
        %shift_right_logical3A_560 = vector.broadcast %shift_right_logical3A_559 : i32 to vector<16xi32>
        %shift_right_logical3A_561 = arith.shrui %get3A_547, %shift_right_logical3A_560 : vector<16xi32>
        %swap3A_562 = arith.constant 0 : i32
        %swap3A_563 = arith.constant 0 : i32
        %swap3A_564 = tpu.memref_slice %arg8[%swap3A_562, %swap3A_563] : memref<2x128xi32, #tpu.memory_space<vmem>> -> memref<1x128xi32, #tpu.memory_space<vmem>>
        %swap3A_565 = tpu.memref_squeeze %swap3A_564 : memref<1x128xi32, #tpu.memory_space<vmem>> -> memref<128xi32, #tpu.memory_space<vmem>>
        %swap3A_566 = arith.constant 80 : index
        %swap3A_567 = tpu.vector_load %swap3A_565[%swap3A_566] {strides = array<i32>} : memref<128xi32, #tpu.memory_space<vmem>>, vector<16xi32>,
        %swap3A_568 = vector.shape_cast %swap3A_567 : vector<16xi32> to vector<16xi32>
        %swap3A_569 = vector.shape_cast %shift_right_logical3A_561 : vector<16xi32> to vector<16xi32>
        tpu.vector_store %swap3A_565[%swap3A_566], %swap3A_569 {strides = array<i32>} : memref<128xi32, #tpu.memory_space<vmem>>, vector<16xi32>,
        %add3A_570 = arith.addi %add3A_395, %sub3A : i32
        %get3A_571 = arith.constant 0 : i32
        %get3A_572 = tpu.memref_slice %arg6[%add3A_570, %get3A_571] : memref<80x128xi32, #tpu.memory_space<vmem>> -> memref<1x128xi32, #tpu.memory_space<vmem>>
        %get3A_573 = tpu.memref_squeeze %get3A_572 : memref<1x128xi32, #tpu.memory_space<vmem>> -> memref<128xi32, #tpu.memory_space<vmem>>
        %get3A_574 = arith.constant 96 : index
        %get3A_575 = tpu.vector_load %get3A_573[%get3A_574] {strides = array<i32>} : memref<128xi32, #tpu.memory_space<vmem>>, vector<16xi32>,
        %get3A_576 = vector.shape_cast %get3A_575 : vector<16xi32> to vector<16xi32>
        %and3A_577 = arith.constant 65535 : i32
        %and3A_578 = vector.broadcast %and3A_577 : i32 to vector<16xi32>
        %and3A_579 = arith.andi %get3A_576, %and3A_578 : vector<16xi32>
        %swap3A_580 = arith.constant 0 : i32
        %swap3A_581 = arith.constant 0 : i32
        %swap3A_582 = tpu.memref_slice %arg7[%swap3A_580, %swap3A_581] : memref<2x128xi32, #tpu.memory_space<vmem>> -> memref<1x128xi32, #tpu.memory_space<vmem>>
        %swap3A_583 = tpu.memref_squeeze %swap3A_582 : memref<1x128xi32, #tpu.memory_space<vmem>> -> memref<128xi32, #tpu.memory_space<vmem>>
        %swap3A_584 = arith.constant 96 : index
        %swap3A_585 = tpu.vector_load %swap3A_583[%swap3A_584] {strides = array<i32>} : memref<128xi32, #tpu.memory_space<vmem>>, vector<16xi32>,
        %swap3A_586 = vector.shape_cast %swap3A_585 : vector<16xi32> to vector<16xi32>
        %swap3A_587 = vector.shape_cast %and3A_579 : vector<16xi32> to vector<16xi32>
        tpu.vector_store %swap3A_583[%swap3A_584], %swap3A_587 {strides = array<i32>} : memref<128xi32, #tpu.memory_space<vmem>>, vector<16xi32>,
        %shift_right_logical3A_588 = arith.constant 16 : i32
        %shift_right_logical3A_589 = vector.broadcast %shift_right_logical3A_588 : i32 to vector<16xi32>
        %shift_right_logical3A_590 = arith.shrui %get3A_576, %shift_right_logical3A_589 : vector<16xi32>
        %swap3A_591 = arith.constant 0 : i32
        %swap3A_592 = arith.constant 0 : i32
        %swap3A_593 = tpu.memref_slice %arg8[%swap3A_591, %swap3A_592] : memref<2x128xi32, #tpu.memory_space<vmem>> -> memref<1x128xi32, #tpu.memory_space<vmem>>
        %swap3A_594 = tpu.memref_squeeze %swap3A_593 : memref<1x128xi32, #tpu.memory_space<vmem>> -> memref<128xi32, #tpu.memory_space<vmem>>
        %swap3A_595 = arith.constant 96 : index
        %swap3A_596 = tpu.vector_load %swap3A_594[%swap3A_595] {strides = array<i32>} : memref<128xi32, #tpu.memory_space<vmem>>, vector<16xi32>,
        %swap3A_597 = vector.shape_cast %swap3A_596 : vector<16xi32> to vector<16xi32>
        %swap3A_598 = vector.shape_cast %shift_right_logical3A_590 : vector<16xi32> to vector<16xi32>
        tpu.vector_store %swap3A_594[%swap3A_595], %swap3A_598 {strides = array<i32>} : memref<128xi32, #tpu.memory_space<vmem>>, vector<16xi32>,
        %add3A_599 = arith.addi %add3A_395, %sub3A : i32
        %get3A_600 = arith.constant 0 : i32
        %get3A_601 = tpu.memref_slice %arg6[%add3A_599, %get3A_600] : memref<80x128xi32, #tpu.memory_space<vmem>> -> memref<1x128xi32, #tpu.memory_space<vmem>>
        %get3A_602 = tpu.memref_squeeze %get3A_601 : memref<1x128xi32, #tpu.memory_space<vmem>> -> memref<128xi32, #tpu.memory_space<vmem>>
        %get3A_603 = arith.constant 112 : index
        %get3A_604 = tpu.vector_load %get3A_602[%get3A_603] {strides = array<i32>} : memref<128xi32, #tpu.memory_space<vmem>>, vector<16xi32>,
        %get3A_605 = vector.shape_cast %get3A_604 : vector<16xi32> to vector<16xi32>
        %and3A_606 = arith.constant 65535 : i32
        %and3A_607 = vector.broadcast %and3A_606 : i32 to vector<16xi32>
        %and3A_608 = arith.andi %get3A_605, %and3A_607 : vector<16xi32>
        %swap3A_609 = arith.constant 0 : i32
        %swap3A_610 = arith.constant 0 : i32
        %swap3A_611 = tpu.memref_slice %arg7[%swap3A_609, %swap3A_610] : memref<2x128xi32, #tpu.memory_space<vmem>> -> memref<1x128xi32, #tpu.memory_space<vmem>>
        %swap3A_612 = tpu.memref_squeeze %swap3A_611 : memref<1x128xi32, #tpu.memory_space<vmem>> -> memref<128xi32, #tpu.memory_space<vmem>>
        %swap3A_613 = arith.constant 112 : index
        %swap3A_614 = tpu.vector_load %swap3A_612[%swap3A_613] {strides = array<i32>} : memref<128xi32, #tpu.memory_space<vmem>>, vector<16xi32>,
        %swap3A_615 = vector.shape_cast %swap3A_614 : vector<16xi32> to vector<16xi32>
        %swap3A_616 = vector.shape_cast %and3A_608 : vector<16xi32> to vector<16xi32>
        tpu.vector_store %swap3A_612[%swap3A_613], %swap3A_616 {strides = array<i32>} : memref<128xi32, #tpu.memory_space<vmem>>, vector<16xi32>,
        %shift_right_logical3A_617 = arith.constant 16 : i32
        %shift_right_logical3A_618 = vector.broadcast %shift_right_logical3A_617 : i32 to vector<16xi32>
        %shift_right_logical3A_619 = arith.shrui %get3A_605, %shift_right_logical3A_618 : vector<16xi32>
        %swap3A_620 = arith.constant 0 : i32
        %swap3A_621 = arith.constant 0 : i32
        %swap3A_622 = tpu.memref_slice %arg8[%swap3A_620, %swap3A_621] : memref<2x128xi32, #tpu.memory_space<vmem>> -> memref<1x128xi32, #tpu.memory_space<vmem>>
        %swap3A_623 = tpu.memref_squeeze %swap3A_622 : memref<1x128xi32, #tpu.memory_space<vmem>> -> memref<128xi32, #tpu.memory_space<vmem>>
        %swap3A_624 = arith.constant 112 : index
        %swap3A_625 = tpu.vector_load %swap3A_623[%swap3A_624] {strides = array<i32>} : memref<128xi32, #tpu.memory_space<vmem>>, vector<16xi32>,
        %swap3A_626 = vector.shape_cast %swap3A_625 : vector<16xi32> to vector<16xi32>
        %swap3A_627 = vector.shape_cast %shift_right_logical3A_619 : vector<16xi32> to vector<16xi32>
        tpu.vector_store %swap3A_623[%swap3A_624], %swap3A_627 {strides = array<i32>} : memref<128xi32, #tpu.memory_space<vmem>>, vector<16xi32>,
        %dma_start3A_628 = arith.constant 0 : i32
        %dma_start3A_629 = arith.constant 0 : i32
        %dma_start3A_630 = tpu.memref_slice %arg7[%dma_start3A_628, %dma_start3A_629] : memref<2x128xi32, #tpu.memory_space<vmem>> -> memref<1x128xi32, #tpu.memory_space<vmem>>
        %dma_start3A_631 = tpu.memref_squeeze %dma_start3A_630 : memref<1x128xi32, #tpu.memory_space<vmem>> -> memref<128xi32, #tpu.memory_space<vmem>>
        %dma_start3A_632 = arith.constant 0 : i32
        %dma_start3A_633 = arith.constant 0 : i32
        %dma_start3A_634 = tpu.memref_slice %arg12[%dma_start3A_632, %dma_start3A_633] : memref<10112x64xf32, #tpu.memory_space<vmem_shared>> -> memref<10112x64xf32, #tpu.memory_space<vmem_shared>>
        tpu.enqueue_indirect_dma source(%dma_start3A_634 : memref<10112x64xf32, #tpu.memory_space<vmem_shared>>) target(%arg9 : memref<128x64xf32, #tpu.memory_space<vmem>>) offsets(%dma_start3A_631 : memref<128xi32, #tpu.memory_space<vmem>>) semaphore(%arg13 : memref<!tpu.dma_semaphore, #tpu.memory_space<semaphore_mem>>)
      } else {
      }
      %dma_wait3A_386 = arith.constant 1 : i32
      %dma_wait3A_387 = arith.constant 0 : i32
      %dma_wait3A_388 = tpu.memref_slice %arg7[%dma_wait3A_386, %dma_wait3A_387] : memref<2x128xi32, #tpu.memory_space<vmem>> -> memref<1x128xi32, #tpu.memory_space<vmem>>
      %dma_wait3A_389 = tpu.memref_squeeze %dma_wait3A_388 : memref<1x128xi32, #tpu.memory_space<vmem>> -> memref<128xi32, #tpu.memory_space<vmem>>
      %dma_wait3A_390 = arith.constant 0 : i32
      %dma_wait3A_391 = arith.constant 0 : i32
      %dma_wait3A_392 = tpu.memref_slice %arg12[%dma_wait3A_390, %dma_wait3A_391] : memref<10112x64xf32, #tpu.memory_space<vmem_shared>> -> memref<10112x64xf32, #tpu.memory_space<vmem_shared>>
      tpu.wait_indirect_dma semaphore(%arg14 : memref<!tpu.dma_semaphore, #tpu.memory_space<semaphore_mem>>) src(%dma_wait3A_392 : memref<10112x64xf32, #tpu.memory_space<vmem_shared>>) dst(%arg10 : memref<128x64xf32, #tpu.memory_space<vmem>>)
      %run_scoped3A_393 = arith.constant 1 : i32
      "tpu.region"() ({
        %run_scoped3A_394 = tpu.sem_alloc : memref<!tpu.dma_semaphore, #tpu.memory_space<semaphore_mem>>
        %dma_start3A_395 = arith.constant 0 : i32
        %dma_start3A_396 = tpu.memref_slice %arg8[%run_scoped3A_393, %dma_start3A_395] : memref<2x128xi32, #tpu.memory_space<vmem>> -> memref<1x128xi32, #tpu.memory_space<vmem>>
        %dma_start3A_397 = tpu.memref_squeeze %dma_start3A_396 : memref<1x128xi32, #tpu.memory_space<vmem>> -> memref<128xi32, #tpu.memory_space<vmem>>
        %dma_start3A_398 = arith.constant 0 : i32
        %dma_start3A_399 = arith.constant 0 : i32
        %dma_start3A_400 = tpu.memref_slice %arg11[%dma_start3A_398, %dma_start3A_399] : memref<10112x64xf32, #tpu.memory_space<vmem_shared>> -> memref<10112x64xf32, #tpu.memory_space<vmem_shared>>
        tpu.enqueue_indirect_dma source(%arg10 : memref<128x64xf32, #tpu.memory_space<vmem>>) target(%dma_start3A_400 : memref<10112x64xf32, #tpu.memory_space<vmem_shared>>) offsets(%dma_start3A_397 : memref<128xi32, #tpu.memory_space<vmem>>) semaphore(%run_scoped3A_394 : memref<!tpu.dma_semaphore, #tpu.memory_space<semaphore_mem>>) {add = true}
        %dma_wait3A_401 = arith.constant 0 : i32
        %dma_wait3A_402 = tpu.memref_slice %arg8[%run_scoped3A_393, %dma_wait3A_401] : memref<2x128xi32, #tpu.memory_space<vmem>> -> memref<1x128xi32, #tpu.memory_space<vmem>>
        %dma_wait3A_403 = tpu.memref_squeeze %dma_wait3A_402 : memref<1x128xi32, #tpu.memory_space<vmem>> -> memref<128xi32, #tpu.memory_space<vmem>>
        %dma_wait3A_404 = arith.constant 0 : i32
        %dma_wait3A_405 = arith.constant 0 : i32
        %dma_wait3A_406 = tpu.memref_slice %arg11[%dma_wait3A_404, %dma_wait3A_405] : memref<10112x64xf32, #tpu.memory_space<vmem_shared>> -> memref<10112x64xf32, #tpu.memory_space<vmem_shared>>
        tpu.wait_indirect_dma semaphore(%run_scoped3A_394 : memref<!tpu.dma_semaphore, #tpu.memory_space<semaphore_mem>>) src(%arg10 : memref<128x64xf32, #tpu.memory_space<vmem>>) dst(%dma_wait3A_406 : memref<10112x64xf32, #tpu.memory_space<vmem_shared>>)
        tpu.yield
      }) : () -> ()
    }
    %barrier3A_110 = arith.constant 0 : index
    tpu.barrier barrier_id(%barrier3A_110)
    "tpu.region"() ({
      %run_scoped3A = tpu.sem_alloc : memref<!tpu.dma_semaphore, #tpu.memory_space<semaphore_mem>>
      %dma_start3A = arith.constant 0 : i32
      %dma_start3A_111 = arith.constant 0 : i32
      %dma_start3A_112 = tpu.memref_slice %arg5[%arg0, %dma_start3A, %dma_start3A_111] : memref<2x10112x128xf32, #tpu.memory_space<hbm>> -> memref<1x10112x128xf32, #tpu.memory_space<hbm>>
      %dma_start3A_113 = tpu.memref_squeeze %dma_start3A_112 : memref<1x10112x128xf32, #tpu.memory_space<hbm>> -> memref<10112x128xf32, #tpu.memory_space<hbm>>
      %dma_start3A_114 = arith.constant 64 : i32
      %dma_start3A_115 = tpu.memref_slice %dma_start3A_113[%mul3A_0, %dma_start3A_114] : memref<10112x128xf32, #tpu.memory_space<hbm>> -> memref<632x64xf32, #tpu.memory_space<hbm>>
      %dma_start3A_116 = arith.constant 0 : i32
      %dma_start3A_117 = tpu.memref_slice %arg11[%mul3A_0, %dma_start3A_116] : memref<10112x64xf32, #tpu.memory_space<vmem_shared>> -> memref<632x64xf32, #tpu.memory_space<vmem_shared>>
      tpu.enqueue_dma source(%dma_start3A_117 : memref<632x64xf32, #tpu.memory_space<vmem_shared>>) target(%dma_start3A_115 : memref<632x64xf32, #tpu.memory_space<hbm>>) target_semaphore(%run_scoped3A : memref<!tpu.dma_semaphore, #tpu.memory_space<semaphore_mem>>)
      %dma_wait3A = arith.constant 0 : i32
      %dma_wait3A_118 = arith.constant 0 : i32
      %dma_wait3A_119 = tpu.memref_slice %arg5[%arg0, %dma_wait3A, %dma_wait3A_118] : memref<2x10112x128xf32, #tpu.memory_space<hbm>> -> memref<1x10112x128xf32, #tpu.memory_space<hbm>>
      %dma_wait3A_120 = tpu.memref_squeeze %dma_wait3A_119 : memref<1x10112x128xf32, #tpu.memory_space<hbm>> -> memref<10112x128xf32, #tpu.memory_space<hbm>>
      %dma_wait3A_121 = arith.constant 64 : i32
      %dma_wait3A_122 = tpu.memref_slice %dma_wait3A_120[%mul3A_0, %dma_wait3A_121] : memref<10112x128xf32, #tpu.memory_space<hbm>> -> memref<632x64xf32, #tpu.memory_space<hbm>>
      %dma_wait3A_123 = arith.constant 0 : i32
      %dma_wait3A_124 = tpu.memref_slice %arg11[%mul3A_0, %dma_wait3A_123] : memref<10112x64xf32, #tpu.memory_space<vmem_shared>> -> memref<632x64xf32, #tpu.memory_space<vmem_shared>>
      tpu.wait_dma2 semaphore(%run_scoped3A : memref<!tpu.dma_semaphore, #tpu.memory_space<semaphore_mem>>) src(%dma_wait3A_124 : memref<632x64xf32, #tpu.memory_space<vmem_shared>>) dst(%dma_wait3A_122 : memref<632x64xf32, #tpu.memory_space<hbm>>)
      tpu.yield
    }) : () -> ()
    return
  }
}

module attributes {stable_mosaic.version = 14 : i64} {
  func.func @_pack_body(%arg0: memref<2x2500x128xi32, #tpu.memory_space<vmem>>, %arg1: memref<2560x128xi32, #tpu.memory_space<vmem>>) attributes {dimension_semantics = [], scalar_prefetch = 0 : i64, scratch_operands = 0 : i64, tpu.core_type = #tpu.core_type<tc>} {
    %get3A = arith.constant 1 : index
    %get3A_0 = arith.constant 0 : index
    %get3A_1 = arith.constant 0 : index
    %get3A_2 = vector.load %arg0[%get3A, %get3A_0, %get3A_1] : memref<2x2500x128xi32, #tpu.memory_space<vmem>>, vector<1x2500x128xi32>
    %get3A_3 = vector.shape_cast %get3A_2 : vector<1x2500x128xi32> to vector<2500x128xi32>
    %shift_left3A = arith.constant 16 : i32
    %shift_left3A_4 = vector.broadcast %shift_left3A : i32 to vector<2500x128xi32>
    %shift_left3A_5 = arith.shli %get3A_3, %shift_left3A_4 : vector<2500x128xi32>
    %get3A_6 = arith.constant 0 : index
    %get3A_7 = arith.constant 0 : index
    %get3A_8 = arith.constant 0 : index
    %get3A_9 = vector.load %arg0[%get3A_6, %get3A_7, %get3A_8] : memref<2x2500x128xi32, #tpu.memory_space<vmem>>, vector<1x2500x128xi32>
    %get3A_10 = vector.shape_cast %get3A_9 : vector<1x2500x128xi32> to vector<2500x128xi32>
    %or3A = arith.ori %shift_left3A_5, %get3A_10 : vector<2500x128xi32>
    %broadcast_in_dim3A = arith.constant 655884288 : i32
    %broadcast_in_dim3A_11 = vector.broadcast %broadcast_in_dim3A : i32 to vector<60x128xi32>
    %concatenate3A = tpu.concatenate %or3A, %broadcast_in_dim3A_11 in 0 : vector<2500x128xi32>, vector<60x128xi32> -> vector<2560x128xi32>
    %swap3A = arith.constant 0 : index
    %swap3A_12 = arith.constant 0 : index
    %swap3A_13 = vector.load %arg1[%swap3A, %swap3A_12] : memref<2560x128xi32, #tpu.memory_space<vmem>>, vector<2560x128xi32>
    tpu.vector_store %arg1[%swap3A, %swap3A_12], %concatenate3A {strides = array<i32>} : memref<2560x128xi32, #tpu.memory_space<vmem>>, vector<2560x128xi32>,
    return
  }
}

module attributes {stable_mosaic.version = 14 : i64} {
  func.func @_mlp_body(%arg0: i32, %arg1: memref<1000x128xf32, #tpu.memory_space<vmem>>, %arg2: memref<2x1000x128xf32, #tpu.memory_space<vmem>>, %arg3: memref<128x256xf32, #tpu.memory_space<vmem>>, %arg4: memref<1x256xf32, #tpu.memory_space<vmem>>, %arg5: memref<256x64xf32, #tpu.memory_space<vmem>>, %arg6: memref<1000x128xf32, #tpu.memory_space<vmem>>) attributes {dimension_semantics = [#tpu.dimension_semantics<arbitrary>], iteration_bounds = array<i64: 10>, scalar_prefetch = 0 : i64, scratch_operands = 0 : i64, tpu.core_type = #tpu.core_type<tc>, window_params = [{transform_indices = @transform_0, window_bounds = array<i64: 1000, 128>}, {transform_indices = @transform_1, window_bounds = array<i64: 2, 1000, 128>}, {pipeline_mode = #tpu.pipeline_mode<synchronous>, transform_indices = @transform_2, window_bounds = array<i64: 128, 256>}, {pipeline_mode = #tpu.pipeline_mode<synchronous>, transform_indices = @transform_3, window_bounds = array<i64: 1, 256>}, {pipeline_mode = #tpu.pipeline_mode<synchronous>, transform_indices = @transform_4, window_bounds = array<i64: 256, 64>}, {transform_indices = @transform_5, window_bounds = array<i64: 1000, 128>}]} {
    %get3A = arith.constant 0 : index
    %get3A_0 = arith.constant 0 : index
    %get3A_1 = vector.load %arg1[%get3A, %get3A_0] : memref<1000x128xf32, #tpu.memory_space<vmem>>, vector<1000x128xf32>
    %get3A_2 = arith.constant 0 : index
    %get3A_3 = arith.constant 0 : index
    %get3A_4 = arith.constant 0 : index
    %get3A_5 = vector.load %arg2[%get3A_2, %get3A_3, %get3A_4] : memref<2x1000x128xf32, #tpu.memory_space<vmem>>, vector<1x1000x128xf32>
    %get3A_6 = vector.shape_cast %get3A_5 : vector<1x1000x128xf32> to vector<1000x128xf32>
    %add3A = arith.addf %get3A_1, %get3A_6 : vector<1000x128xf32>
    %get3A_7 = arith.constant 1 : index
    %get3A_8 = arith.constant 0 : index
    %get3A_9 = arith.constant 0 : index
    %get3A_10 = vector.load %arg2[%get3A_7, %get3A_8, %get3A_9] : memref<2x1000x128xf32, #tpu.memory_space<vmem>>, vector<1x1000x128xf32>
    %get3A_11 = vector.shape_cast %get3A_10 : vector<1x1000x128xf32> to vector<1000x128xf32>
    %add3A_12 = arith.addf %add3A, %get3A_11 : vector<1000x128xf32>
    %get3A_13 = arith.constant 0 : index
    %get3A_14 = arith.constant 0 : index
    %get3A_15 = vector.load %arg3[%get3A_13, %get3A_14] : memref<128x256xf32, #tpu.memory_space<vmem>>, vector<128x256xf32>
    %dot_general3A = arith.constant dense<0.000000e+00> : vector<1000x256xf32>
    %dot_general3A_16 = tpu.matmul %add3A_12, %get3A_15, %dot_general3A {dimension_numbers = #tpu.dot_dimension_numbers<[1], [0], [0], [1], [0, 0, 1, 1], [], []>, transpose_lhs_hint = false} : vector<1000x128xf32>, vector<128x256xf32>, vector<1000x256xf32> -> vector<1000x256xf32>
    %get3A_17 = arith.constant 0 : index
    %get3A_18 = arith.constant 0 : index
    %get3A_19 = vector.load %arg4[%get3A_17, %get3A_18] : memref<1x256xf32, #tpu.memory_space<vmem>>, vector<1x256xf32>
    %add3A_20 = vector.broadcast %get3A_19 : vector<1x256xf32> to vector<1000x256xf32>
    %add3A_21 = arith.addf %dot_general3A_16, %add3A_20 : vector<1000x256xf32>
    %max3A = arith.constant 0.000000e+00 : f32
    %max3A_22 = vector.broadcast %max3A : f32 to vector<1000x256xf32>
    %max3A_23 = arith.maximumf %add3A_21, %max3A_22 : vector<1000x256xf32>
    %get3A_24 = arith.constant 0 : index
    %get3A_25 = arith.constant 0 : index
    %get3A_26 = vector.load %arg5[%get3A_24, %get3A_25] : memref<256x64xf32, #tpu.memory_space<vmem>>, vector<256x64xf32>
    %dot_general3A_27 = arith.constant dense<0.000000e+00> : vector<1000x64xf32>
    %dot_general3A_28 = tpu.matmul %max3A_23, %get3A_26, %dot_general3A_27 {dimension_numbers = #tpu.dot_dimension_numbers<[1], [0], [0], [1], [0, 0, 1, 1], [], []>, transpose_lhs_hint = false} : vector<1000x256xf32>, vector<256x64xf32>, vector<1000x64xf32> -> vector<1000x64xf32>
    %broadcast_in_dim3A = arith.constant 0.000000e+00 : f32
    %broadcast_in_dim3A_29 = vector.broadcast %broadcast_in_dim3A : f32 to vector<1000x64xf32>
    %concatenate3A = tpu.concatenate %dot_general3A_28, %broadcast_in_dim3A_29 in 1 : vector<1000x64xf32>, vector<1000x64xf32> -> vector<1000x128xf32>
    %swap3A = arith.constant 0 : index
    %swap3A_30 = arith.constant 0 : index
    %swap3A_31 = vector.load %arg6[%swap3A, %swap3A_30] : memref<1000x128xf32, #tpu.memory_space<vmem>>, vector<1000x128xf32>
    tpu.vector_store %arg6[%swap3A, %swap3A_30], %concatenate3A {strides = array<i32>} : memref<1000x128xf32, #tpu.memory_space<vmem>>, vector<1000x128xf32>,
    return
  }
  func.func @transform_0(%arg0: i32) -> (i32, i32) {
    %c0_i32 = arith.constant 0 : i32
    %c0_i32_0 = arith.constant 0 : i32
    return %arg0, %c0_i32 : i32, i32
  }
  func.func @transform_1(%arg0: i32) -> (i32, i32, i32) {
    %c0_i32 = arith.constant 0 : i32
    %c0_i32_0 = arith.constant 0 : i32
    %c0_i32_1 = arith.constant 0 : i32
    return %c0_i32, %arg0, %c0_i32_0 : i32, i32, i32
  }
  func.func @transform_2(%arg0: i32) -> (i32, i32) {
    %c0_i32 = arith.constant 0 : i32
    %c0_i32_0 = arith.constant 0 : i32
    %c0_i32_1 = arith.constant 0 : i32
    return %c0_i32, %c0_i32_0 : i32, i32
  }
  func.func @transform_3(%arg0: i32) -> (i32, i32) {
    %c0_i32 = arith.constant 0 : i32
    %c0_i32_0 = arith.constant 0 : i32
    %c0_i32_1 = arith.constant 0 : i32
    return %c0_i32, %c0_i32_0 : i32, i32
  }
  func.func @transform_4(%arg0: i32) -> (i32, i32) {
    %c0_i32 = arith.constant 0 : i32
    %c0_i32_0 = arith.constant 0 : i32
    %c0_i32_1 = arith.constant 0 : i32
    return %c0_i32, %c0_i32_0 : i32, i32
  }
  func.func @transform_5(%arg0: i32) -> (i32, i32) {
    %c0_i32 = arith.constant 0 : i32
    %c0_i32_0 = arith.constant 0 : i32
    return %arg0, %c0_i32 : i32, i32
  }
}

module attributes {stable_mosaic.version = 14 : i64} {
  func.func @_log_softmax_body(%arg0: i32, %arg1: memref<1000x128xf32, #tpu.memory_space<vmem>>, %arg2: memref<2x1000x128xf32, #tpu.memory_space<vmem>>, %arg3: memref<1x64xf32, #tpu.memory_space<vmem>>, %arg4: memref<1000x64xf32, #tpu.memory_space<vmem>>) attributes {dimension_semantics = [#tpu.dimension_semantics<arbitrary>], iteration_bounds = array<i64: 10>, scalar_prefetch = 0 : i64, scratch_operands = 0 : i64, tpu.core_type = #tpu.core_type<tc>, window_params = [{transform_indices = @transform_0, window_bounds = array<i64: 1000, 128>}, {transform_indices = @transform_1, window_bounds = array<i64: 2, 1000, 128>}, {pipeline_mode = #tpu.pipeline_mode<synchronous>, transform_indices = @transform_2, window_bounds = array<i64: 1, 64>}, {transform_indices = @transform_3, window_bounds = array<i64: 1000, 64>}]} {
    %get3A = arith.constant 0 : index
    %get3A_0 = arith.constant 0 : index
    %get3A_1 = vector.load %arg1[%get3A, %get3A_0] : memref<1000x128xf32, #tpu.memory_space<vmem>>, vector<1000x128xf32>
    %slice3A = vector.extract_strided_slice %get3A_1 {offsets = [0, 0], sizes = [1000, 64], strides = [1, 1]} : vector<1000x128xf32> to vector<1000x64xf32>
    %get3A_2 = arith.constant 0 : index
    %get3A_3 = arith.constant 0 : index
    %get3A_4 = arith.constant 0 : index
    %get3A_5 = vector.load %arg2[%get3A_2, %get3A_3, %get3A_4] : memref<2x1000x128xf32, #tpu.memory_space<vmem>>, vector<1x1000x128xf32>
    %get3A_6 = vector.shape_cast %get3A_5 : vector<1x1000x128xf32> to vector<1000x128xf32>
    %slice3A_7 = vector.extract_strided_slice %get3A_6 {offsets = [0, 0], sizes = [1000, 64], strides = [1, 1]} : vector<1000x128xf32> to vector<1000x64xf32>
    %add3A = arith.addf %slice3A, %slice3A_7 : vector<1000x64xf32>
    %get3A_8 = arith.constant 1 : index
    %get3A_9 = arith.constant 0 : index
    %get3A_10 = arith.constant 0 : index
    %get3A_11 = vector.load %arg2[%get3A_8, %get3A_9, %get3A_10] : memref<2x1000x128xf32, #tpu.memory_space<vmem>>, vector<1x1000x128xf32>
    %get3A_12 = vector.shape_cast %get3A_11 : vector<1x1000x128xf32> to vector<1000x128xf32>
    %slice3A_13 = vector.extract_strided_slice %get3A_12 {offsets = [0, 0], sizes = [1000, 64], strides = [1, 1]} : vector<1000x128xf32> to vector<1000x64xf32>
    %add3A_14 = arith.addf %add3A, %slice3A_13 : vector<1000x64xf32>
    %get3A_15 = arith.constant 0 : index
    %get3A_16 = arith.constant 0 : index
    %get3A_17 = vector.load %arg3[%get3A_15, %get3A_16] : memref<1x64xf32, #tpu.memory_space<vmem>>, vector<1x64xf32>
    %add3A_18 = vector.broadcast %get3A_17 : vector<1x64xf32> to vector<1000x64xf32>
    %add3A_19 = arith.addf %add3A_14, %add3A_18 : vector<1000x64xf32>
    %reduce_max3A = arith.constant dense<0xFF800000> : vector<1000xf32>
    %reduce_max3A_20 = vector.multi_reduction <maximumf>, %add3A_19, %reduce_max3A [1] : vector<1000x64xf32> to vector<1000xf32>
    %broadcast_in_dim3A = vector.shape_cast %reduce_max3A_20 : vector<1000xf32> to vector<1000x1xf32>
    %sub3A = vector.broadcast %broadcast_in_dim3A : vector<1000x1xf32> to vector<1000x64xf32>
    %sub3A_21 = arith.subf %add3A_19, %sub3A : vector<1000x64xf32>
    %exp3A = math.exp %sub3A_21 : vector<1000x64xf32>
    %reduce_sum3A = arith.constant dense<0.000000e+00> : vector<1000xf32>
    %reduce_sum3A_22 = vector.multi_reduction <add>, %exp3A, %reduce_sum3A [1] : vector<1000x64xf32> to vector<1000xf32>
    %broadcast_in_dim3A_23 = vector.shape_cast %reduce_sum3A_22 : vector<1000xf32> to vector<1000x1xf32>
    %sub3A_24 = vector.broadcast %broadcast_in_dim3A : vector<1000x1xf32> to vector<1000x64xf32>
    %sub3A_25 = arith.subf %add3A_19, %sub3A_24 : vector<1000x64xf32>
    %log3A = math.log %broadcast_in_dim3A_23 : vector<1000x1xf32>
    %sub3A_26 = vector.broadcast %log3A : vector<1000x1xf32> to vector<1000x64xf32>
    %sub3A_27 = arith.subf %sub3A_25, %sub3A_26 : vector<1000x64xf32>
    %swap3A = arith.constant 0 : index
    %swap3A_28 = arith.constant 0 : index
    %swap3A_29 = vector.load %arg4[%swap3A, %swap3A_28] : memref<1000x64xf32, #tpu.memory_space<vmem>>, vector<1000x64xf32>
    tpu.vector_store %arg4[%swap3A, %swap3A_28], %sub3A_27 {strides = array<i32>} : memref<1000x64xf32, #tpu.memory_space<vmem>>, vector<1000x64xf32>,
    return
  }
  func.func @transform_0(%arg0: i32) -> (i32, i32) {
    %c0_i32 = arith.constant 0 : i32
    %c0_i32_0 = arith.constant 0 : i32
    return %arg0, %c0_i32 : i32, i32
  }
  func.func @transform_1(%arg0: i32) -> (i32, i32, i32) {
    %c0_i32 = arith.constant 0 : i32
    %c0_i32_0 = arith.constant 0 : i32
    %c0_i32_1 = arith.constant 0 : i32
    return %c0_i32, %arg0, %c0_i32_0 : i32, i32, i32
  }
  func.func @transform_2(%arg0: i32) -> (i32, i32) {
    %c0_i32 = arith.constant 0 : i32
    %c0_i32_0 = arith.constant 0 : i32
    %c0_i32_1 = arith.constant 0 : i32
    return %c0_i32, %c0_i32_0 : i32, i32
  }
  func.func @transform_3(%arg0: i32) -> (i32, i32) {
    %c0_i32 = arith.constant 0 : i32
    %c0_i32_0 = arith.constant 0 : i32
    return %arg0, %c0_i32 : i32, i32
  }
}

</mosaic_0001>

<sc_bundles>
// kernel: kernel.10.cloned.1.call-start
scs
__scs_entry_jumppad:
0x0: {  	(pc) =	sbr.rel $0x88, $3  }
0x1: {  	(tag) =	ssettag $0x0;
	lr =	simm.s32 $0x1  }
0x2: {  	[smem:$0x3F9B] =	sst lr;
	_ =	strace $0xD0000000  }
0x3: {  	_ = 	snop  }
0x4: {  	_ = 	snop  }
0x5: {  	_ = 	snop  }
0x6: {  	_ = 	snop  }
0x7: {  	_ = 	snop  }
__scs_overlays_trampoline_lowered:
0x8: {  	[smem:$0x3FAA] =	sst s0  }
0x9: {  	[smem:$0x3FAB] =	sst s1  }
0xa: {  	[smem:$0x3FAC] =	sst s2  }
0xb: {  	[smem:$0x3FAD] =	sst s3  }
0xc: {  	[smem:$0x3FAE] =	sst s4  }
0xd: {  	[smem:$0x3FAF] =	sst s5  }
0xe: {  	[smem:$0x3FB0] =	sst s6  }
0xf: {  	[smem:$0x3FB1] =	sst s7  }
0x10: {  	[smem:$0x3FB2] =	sst s8  }
0x11: {  	[smem:$0x3FB3] =	sst s9;
	s0 =	simm.s32 @!p0 $0x0  }
0x12: {  	s1 =	sld [smem:$0x3F99];
	s0 =	simm.s32 @p0 $0x1  }
0x13: {  	[smem:$0x3FB4] =	sst s0;
	s0 =	simm.s32 @!p1 $0x0  }
0x14: {  	s2 =	sld [smem:$0x3F98];
	s0 =	simm.s32 @p1 $0x1  }
0x15: {  	[smem:$0x3FB5] =	sst s0;
	s0 =	simm.s32 @!p2 $0x0  }
0x16: {  	s3 =	sld [smem:$0x3FDB];
	s0 =	simm.s32 @p2 $0x1  }
0x17: {  	s4 =	simm.s32 $0x1BF5;
	[smem:$0x3FB7] =	sst s0  }
0x18: {  	s0 =	sld [smem:$0x3F9A];
	_ =	swait.ge [sflag:s4], $0x0  }
0x19: {  	s7 =	sld [smem:$0x3F9B]  }
0x1a: {  	s8 =	sadd.s32 $0xFFFFE003, lr  }
0x1b: {  	s9 =	sadd.s32 $0xFFFFFEF7, lr;
	s5 =	simm.s32 $0xFFFFFFFF;
	p2 =	slt.u32 s8, $0xFFFFF086  }
0x1c: {  	p1 =	slt.u32 s9, $0xF7A;
	s5 =	simm.s32 @!p2 $0x0  }
0x1d: {  	s5 =	simm.s32 @p1 $0x1;
	p0 =	seq.s32 s7, s2  }
0x1e: {  	s7 =	smul.u32 @!p0 $0xF7A, s2;
	p2 =	seq.s32 @!p0 s5, $0x0  }
0x1f: {  	s9 =	smul.u32 $0xF7A, s1;
	s8 =	simm.s32 @!p0 $0x1BF5;
	p2 =	por !p2, p0  }
0x20: {  	[sflag:s8] =	ssyncset.s32 @!p0 $0xFFFFF086;
	s6 =	sadd.s32 @!p0 s3, s7;
	s7 =	simm.s32 @!p0 $0x108  }
0x21: {  	s3 =	sadd.s32 s3, s9;
	s6 =	sadd.s32 @!p0 $0x88, s6;
	s7 =	simm.s32 @p2 $0x1082  }
0x22: {  	[simem:s7], [sflag:s8] =	dma.local @!p0 [hbm:s6], $0xF7A  }
0x23: {  	s9 =	sor.u32 $0xD0000000, s2;
	s6 =	simm.s32 $0x108;
	_ =	swait.ge @!p0 [sflag:s8], $0x0  }
0x24: {  	s3 =	sadd.s32 $0x88, s3;
	s6 =	simm.s32 @!p1 $0x1082;
	[sflag:s4] =	ssyncset.s32 $0xFFFFF086  }
0x25: {  	[simem:s6], [sflag:s4] =	dma.local [hbm:s3], $0xF7A  }
0x26: {  	[smem:$0x3F9B] =	sst s1;
	(tag) =	ssettag s2;
	_ =	strace s9  }
0x27: {  	s1 =	sld [smem:$0x3FAB]  }
0x28: {  	s2 =	sld [smem:$0x3FAC]  }
0x29: {  	s4 =	sld [smem:$0x3FAE]  }
0x2a: {  	p0 =	seq.s32 s5, $0x0;
	s5 =	sld [smem:$0x3FAF]  }
0x2b: {  	s6 =	sld [smem:$0x3FB0]  }
0x2c: {  	s7 =	sld [smem:$0x3FB1]  }
0x2d: {  	s3 =	simm.s32 $0x108;
	s8 =	sld [smem:$0x3FB2]  }
0x2e: {  	s3 =	simm.s32 @!p0 $0x1082;
	s9 =	sld [smem:$0x3FB3]  }
0x2f: {  	lr =	sadd.s32 s0, s3;
	s0 =	sld [smem:$0x3FAA]  }
0x30: {  	s3 =	sld [smem:$0x3FAD]  }
0x31: {  	[smem:$0x3FB6] =	sst s10  }
0x32: {  	s10 =	sld [smem:$0x3FB4];
	_ =	sdelay $0x3  }
0x33: {  	p0 =	seq.s32 s10, $0x1;
	s10 =	sld [smem:$0x3FB6];
	_ =	sdelay $0x3  }
0x34: {  	[smem:$0x3FB6] =	sst s10  }
0x35: {  	s10 =	sld [smem:$0x3FB5];
	_ =	sdelay $0x3  }
0x36: {  	p1 =	seq.s32 s10, $0x1;
	s10 =	sld [smem:$0x3FB6];
	_ =	sdelay $0x3  }
0x37: {  	[smem:$0x3FB6] =	sst s10  }
0x38: {  	s10 =	sld [smem:$0x3FB7]  }
0x39: {  	_ = 	snop;
	(pc) =	sbr.ind lr, $3  }
0x3a: {  	_ = 	snop  }
0x3b: {  	_ = 	snop  }
0x3c: {  	p2 =	seq.s32 s10, $0x1;
	s10 =	sld [smem:$0x3FB6]  }
0x3d: {  	_ =	shalt  }
0x3e: {  	_ =	shalt  }
0x3f: {  	_ =	shalt  }
0x40: {  	_ =	shalt  }
0x41: {  	_ =	shalt  }
0x42: {  	_ =	shalt  }
0x43: {  	_ =	shalt  }
0x44: {  	_ =	shalt  }
0x45: {  	_ =	shalt  }
0x46: {  	_ =	shalt  }
0x47: {  	_ =	shalt  }
0x48: {  	_ =	shalt  }
0x49: {  	_ =	shalt  }
0x4a: {  	_ =	shalt  }
0x4b: {  	_ =	shalt  }
0x4c: {  	_ =	shalt  }
0x4d: {  	_ =	shalt  }
0x4e: {  	_ =	shalt  }
0x4f: {  	_ =	shalt  }
0x50: {  	_ =	shalt  }
0x51: {  	_ =	shalt  }
0x52: {  	_ =	shalt  }
0x53: {  	_ =	shalt  }
0x54: {  	_ =	shalt  }
0x55: {  	_ =	shalt  }
0x56: {  	_ =	shalt  }
0x57: {  	_ =	shalt  }
0x58: {  	_ =	shalt  }
0x59: {  	_ =	shalt  }
0x5a: {  	_ =	shalt  }
0x5b: {  	_ =	shalt  }
0x5c: {  	_ =	shalt  }
0x5d: {  	_ =	shalt  }
0x5e: {  	_ =	shalt  }
0x5f: {  	_ =	shalt  }
0x60: {  	_ =	shalt  }
0x61: {  	_ =	shalt  }
0x62: {  	_ =	shalt  }
0x63: {  	_ =	shalt  }
0x64: {  	_ =	shalt  }
0x65: {  	_ =	shalt  }
0x66: {  	_ =	shalt  }
0x67: {  	_ =	shalt  }
0x68: {  	_ =	shalt  }
0x69: {  	_ =	shalt  }
0x6a: {  	_ =	shalt  }
0x6b: {  	_ =	shalt  }
0x6c: {  	_ =	shalt  }
0x6d: {  	_ =	shalt  }
0x6e: {  	_ =	shalt  }
0x6f: {  	_ =	shalt  }
0x70: {  	_ =	shalt  }
0x71: {  	_ =	shalt  }
0x72: {  	_ =	shalt  }
0x73: {  	_ =	shalt  }
0x74: {  	_ =	shalt  }
0x75: {  	_ =	shalt  }
0x76: {  	_ =	shalt  }
0x77: {  	_ =	shalt  }
0x78: {  	_ =	shalt  }
0x79: {  	_ =	shalt  }
0x7a: {  	_ =	shalt  }
0x7b: {  	_ =	shalt  }
0x7c: {  	_ =	shalt  }
0x7d: {  	_ =	shalt  }
0x7e: {  	_ =	shalt  }
0x7f: {  	_ =	shalt  }
0x80: {  	_ =	shalt  }
0x81: {  	_ =	shalt  }
0x82: {  	_ =	shalt  }
0x83: {  	_ =	shalt  }
0x84: {  	_ =	shalt  }
0x85: {  	_ =	shalt  }
0x86: {  	_ =	shalt  }
0x87: {  	_ =	shalt  }
.Lfunc_end0:
.L_simem_size_0:
called_computation.1_lowered:
.L_overlay_start_0:
0x88: {  	s2 =	sld [smem:$0x3FD9]  }
0x89: {  	s3 =	sld [smem:$0x3FFE];
	_ =	sdelay $0x1  }
0x8a: {  	s1 =	srdreg.scid  }
0x8b: {  	s0 =	sand.u32 $0x1, s1  }
0x8c: {  	s17 =	sshll.u32 s0, $0xA;
	s2 =	sadd.s32 s3, s2  }
0x8d: {  	s2 =	sadd.s32 s2, s17  }
0x8e: {  	[smem:$0x3FC2] =	sst s2  }
0x8f: {  	_ = 	snop  }
0x90: {  	s2 =	sld [smem:$0x3FD0];
	(tm) =	ssettm $0x1  }
0x91: {  	s18 =	sld [smem:$0x3FFB];
	_ =	sdelay $0x3  }
0x92: {  	_ =	strace s18  }
0x93: {  	s3 =	sld [smem:$0x3FFC];
	_ =	sdelay $0x3  }
0x94: {  	_ =	strace s3  }
0x95: {  	s3 =	sld [smem:$0x3FFD];
	_ =	sdelay $0x3  }
0x96: {  	_ =	strace s3  }
0x97: {  	_ =	strace $0x8FFFFFFF  }
0x98: {  	s19 =	sld [smem:$0x3FDB];
	_ =	sdelay $0x1  }
0x99: {  	s4 =	simm.s32 $_scs_section_size  }
0x9a: {  	s5 =	simm.s32 $_size__tile_overlayer_lowered;
	s6 =	simm.s32 $_tile_overlayer_lowered  }
0x9b: {  	s22 =	simm.s32 $0x1BFF;
	s21 =	sshll.u32 s6, $0x1;
	s3 =	sadd.s32 s4, s19  }
0x9c: {  	s7 =	simm.s32 $0x0;
	s20 =	sshll.u32 s5, $0x1;
	s5 =	sadd.s32 s21, s3  }
0x9d: {  	[timem:s7], [sflag:s22] =	dma.local [hbm:s5], s20  }
0x9e: {  	_ =	swait.ge [sflag:s22], s20  }
0x9f: {  	s4 =	ssub.s32 $0x0, s20;
	[sflag:s22] =	ssyncset.done $0x0  }
0xa0: {  	[sflag:s22] =	ssyncadd.s32 s4;
	_ =	sdelay $0x1  }
0xa1: {  	s23 =	simm.s32 $0x1B8B  }
0xa2: {  	_ =	swait.ge [sflag:s23], $0x1  }
0xa3: {  	[sflag:s23] =	ssyncset.done $0x0  }
0xa4: {  	s25 =	simm.s32 $0x1B8E;
	s24 =	sld [smem:$0x3FFE];
	[sflag:s23] =	ssyncadd.s32 $0xFFFFFFFF  }
0xa5: {  	s26 =	simm.s32 $execute0_lowered;
	[smem:$0x3FD2] =	sst s25  }
0xa6: {  	s5 =	sshll.u32 s26, $0x1;
	_ =	strace $0x80000049;
	[dreg:$0x1] =	wrdreg $0xFFFFFFFF  }
0xa7: {  	s28 =	simm.s32 $_size_execute0_lowered;
	s3 =	sadd.s32 s3, s5;
	[dreg:$0x0] =	wrdreg $0x0  }
0xa8: {  	s5 =	sshll.u32 s28, $0x1;
	[dreg:$0x2] =	wrdreg s3  }
0xa9: {  	[dreg:$0x3] =	wrdreg s5  }
0xaa: {  	[dreg:$0x4] =	wrdreg $0xC0  }
0xab: {  	_ =	task [dreg:s7], $0x5FFFF  }
0xac: {  	[dreg:$0x1] =	wrdreg $0xFFFFFFFF  }
0xad: {  	[dreg:$0x0] =	wrdreg $0x60  }
0xae: {  	[dreg:$0x2] =	wrdreg s24  }
0xaf: {  	[dreg:$0x3] =	wrdreg s2  }
0xb0: {  	[dreg:$0x4] =	wrdreg $0x108000  }
0xb1: {  	[dreg:$0x5] =	wrdreg $0x6A000  }
0xb2: {  	[dreg:$0x6] =	wrdreg $0x9  }
0xb3: {  	_ =	task.clear_ibuf [dreg:s7], $0x7FFFF;
	_ =	strace $0x90000049  }
0xb4: {  	s29 =	simm.s32 $0x9;
	_ =	strace $0x8000004B  }
0xb5: {  	_ =	swait.ge [sflag:s29], $0x1  }
0xb6: {  	[sflag:s29] =	ssyncadd.s32 $0xFFFFFFFF  }
0xb7: {  	_ =	strace $0x9000004B  }
0xb8: {  	_ =	sfence  }
0xb9: {  	s30 =	sld [smem:$0x0];
	_ =	sdelay $0x2  }
0xba: {  	s31 =	sshll.u32 s1, $0xD;
	s1 =	sshrl.u32 s1, $0x2  }
0xbb: {  	s3 =	sand.u32 $0x4000, s31;
	s1 =	sadd.s32 s1, s30  }
0xbc: {  	s0 =	sor.u32 s3, s0;
	s1 =	sshll.u32 s1, $0x11  }
0xbd: {  	s0 =	sor.u32 s1, s0  }
0xbe: {  	s0 =	sadd.s32 $0x8F2B, s0  }
0xbf: {  	[sflag:s0] =	ssyncadd.remote.s32 $0x1  }
0xc0: {  	_ =	sfence.sel $0xFFFF  }
0xc1: {  	[dreg:$0x0] =	wrdreg $0xFFFFFFFF;
	(pc) =	sbr.abs _section_cstart, $3  }
0xc2: {  	[dreg:$0x1] =	wrdreg $0xFFFFFFFF  }
0xc3: {  	_ =	task.clear_ibuf [dreg:s7], $0x2FFFF;
	_ =	strace $0x9FFFFFFF  }
0xc4: {  	(tm) =	ssettm $0x7FFFFFFF  }
0xc5: {  	_ =	shalt  }
tec
execute0_lowered:
.L_overlay_start_1:
0x0: {  	(tag) =	ssettag $0x1  }
0x1: {  	s0 =	rddreg [dreg:$0x0]  }
0x2: {  	s1 =	rddreg [dreg:$0x1]  }
0x3: {  	s2 =	rddreg [dreg:$0x2]  }
0x4: {  	s15 =	stileid.u32;
	s4 =	srdreg.scid  }
0x5: {  	s3 =	rddreg [dreg:$0x3];
	s6 =	smul.u32 $0x2780, s15  }
0x6: {  	s5 =	simm.s32 $0x0;
	s28 =	simm.s32 $0x2880;
	s10 =	smul.u32 $0xA00, s15  }
0x7: {  	s29 =	simm.s32 $0x4A00;
	s30 =	simm.s32 $0x2900;
	s11 =	smul.u32 $0x27800, s15  }
0x8: {  	s31 =	simm.s32 $0x2;
	s4 =	sand.u32 $0x1, s4;
	s12 =	smul.u32 $0x9E00, s15  }
0x9: {  	[smem:$0x7FF] =	sst s5;
	s5 =	sadd.s32 $0x29400, s0;
	s7 =	smul.u32 $0x27800, s4  }
0xa: {  	s26 =	sshll.u32 s15, $0x6;
	s8 =	smul.u32 $0x500, s4;
	s4 =	ssub.s32 $0x2, s4  }
0xb: {  	_ =	strace $0x8000004A;
	s9 =	sadd.s32 s6, s0;
	s22 =	sshrl.u32 s4, $0x1  }
0xc: {  	s1 =	sadd.s32 s1, s10;
	s23 =	sshrl.u32 s11, $0x2;
	s24 =	sadd.s32 s12, s2  }
0xd: {  	s13 =	sadd.s32 s12, s3;
	s10 =	sor.u32 $0x1C03, s26;
	s12 =	simm.s32 $0x1  }
0xe: {  	s26 =	simm.s32 $0x2A00;
	s0 =	sadd.s32 s7, s0;
	s4 =	ssub.s32 s4, s22  }
0xf: {  	s1 =	sadd.s32 s8, s1;
	s7 =	sadd.s32 s23, s3;
	s25 =	sadd.s32 $0x1C00, s9  }
0x10: {  	s9 =	simm.s32 $0x3;
	s11 =	sshrl.u32 s24, $0x3;
	[dreg:$0x5] =	wrdreg s1  }
0x11: {  	s15 =	sshrl.u32 s13, $0x3;
	s23 =	simm.s32 $0x80;
	[dreg:$0x6] =	wrdreg s25  }
0x12: {  	s14 =	sadd.s32 $0x1400, s7;
	s17 =	sadd.s32 $0x2800, s7;
	s18 =	sadd.s32 $0x3C00, s7  }
0x13: {  	s19 =	sadd.s32 $0x5000, s7;
	s20 =	sadd.s32 $0x6400, s7;
	s21 =	sadd.s32 $0x7800, s7  }
0x14: {  	s7 =	sadd.s32 $0x8C00, s7;
	s0 =	sadd.s32 $0x29800, s0;
	s8 =	smax.u32 s4, $0x1  }
0x15: {  	s25 =	simm.s32 $0x8;
	s1 =	simm.s32 $0x2980;
	s16 =	sshrl.u32 s14, $0x3  }
0x16: {  	s17 =	sshrl.u32 s17, $0x3;
	s18 =	sshrl.u32 s18, $0x3;
	s19 =	sshrl.u32 s19, $0x3  }
0x17: {  	s20 =	sshrl.u32 s20, $0x3;
	s21 =	sshrl.u32 s21, $0x3;
	s22 =	sshrl.u32 s7, $0x3  }
0x18: {  	s7 =	simm.s32 $0x10;
	s24 =	sadd.s32 s6, s0;
	s0 =	simm.s32 $0x0  }
.LBB2_1:
0x19: {  	s4 =	simm.s32 $0x0;
	s6 =	rddreg [dreg:$0x5]  }
0x1a: {  	[tilespmem:s4], [sflag:$0x3] =	stream.linear.gather [hbm4b:s6+s4], $0x2800, $0x38;
	[tilespmem:$0x1A600] =	vst v63  }
0x1b: {  	_ =	swait.ge [sflag:s9], $0x2800  }
0x1c: {  	[sflag:s9] =	ssyncset.done $0x0  }
0x1d: {  	s13 =	rddreg [dreg:$0x6];
	[sflag:s9] =	ssyncadd.s32 $0xFFFFD800  }
0x1e: {  	[spmem:s11@s25], [sflag:s10] =	dma.strided [hbm:s13@s7], $0x13C0, s12, $0x8   }
0x1f: {  	_ =	swait.ge [sflag:s9], $0x13C0  }
0x20: {  	[sflag:s9] =	ssyncset.done $0x0  }
0x21: {  	[sflag:s9] =	ssyncadd.s32 $0xFFFFEC40  }
0x22: {  	[spmem:s15], [sflag:s10] =	dma.local [hbm:s5], $0x280  }
0x23: {  	_ =	swait.ge [sflag:s9], $0x280  }
0x24: {  	[sflag:s9] =	ssyncset.done $0x0  }
0x25: {  	[sflag:s9] =	ssyncadd.s32 $0xFFFFFD80  }
0x26: {  	[spmem:s16], [sflag:s10] =	dma.local [hbm:s5], $0x280  }
0x27: {  	_ =	swait.ge [sflag:s9], $0x280  }
0x28: {  	[sflag:s9] =	ssyncset.done $0x0  }
0x29: {  	[sflag:s9] =	ssyncadd.s32 $0xFFFFFD80  }
0x2a: {  	[spmem:s17], [sflag:s10] =	dma.local [hbm:s5], $0x280  }
0x2b: {  	_ =	swait.ge [sflag:s9], $0x280  }
0x2c: {  	[sflag:s9] =	ssyncset.done $0x0  }
0x2d: {  	[sflag:s9] =	ssyncadd.s32 $0xFFFFFD80  }
0x2e: {  	[spmem:s18], [sflag:s10] =	dma.local [hbm:s5], $0x280  }
0x2f: {  	_ =	swait.ge [sflag:s9], $0x280  }
0x30: {  	[sflag:s9] =	ssyncset.done $0x0  }
0x31: {  	[sflag:s9] =	ssyncadd.s32 $0xFFFFFD80  }
0x32: {  	[spmem:s19], [sflag:s10] =	dma.local [hbm:s5], $0x280  }
0x33: {  	_ =	swait.ge [sflag:s9], $0x280  }
0x34: {  	[sflag:s9] =	ssyncset.done $0x0  }
0x35: {  	[sflag:s9] =	ssyncadd.s32 $0xFFFFFD80  }
0x36: {  	[spmem:s20], [sflag:s10] =	dma.local [hbm:s5], $0x280  }
0x37: {  	_ =	swait.ge [sflag:s9], $0x280  }
0x38: {  	[sflag:s9] =	ssyncset.done $0x0  }
0x39: {  	[sflag:s9] =	ssyncadd.s32 $0xFFFFFD80  }
0x3a: {  	[spmem:s21], [sflag:s10] =	dma.local [hbm:s5], $0x280  }
0x3b: {  	_ =	swait.ge [sflag:s9], $0x280  }
0x3c: {  	[sflag:s9] =	ssyncset.done $0x0  }
0x3d: {  	[sflag:s9] =	ssyncadd.s32 $0xFFFFFD80  }
0x3e: {  	[spmem:s22], [sflag:s10] =	dma.local [hbm:s5], $0x240  }
0x3f: {  	_ =	swait.ge [sflag:s9], $0x240  }
0x40: {  	[sflag:s9] =	ssyncset.done $0x0  }
0x41: {  	[sflag:s9] =	ssyncadd.s32 $0xFFFFFDC0  }
0x42: {  	[bflag:$0x0] =	sbarrier.arrive $0xFFFF  }
0x43: {  	v0 =	vld [tilespmem:$0x0];
	_ =	sdelay $0x1  }
0x44: {  	v1 =	vld [tilespmem:$0x10];
	_ =	sdelay $0x1  }
0x45: {  	v2 =	vld [tilespmem:$0x20]  }
0x46: {  	v3 =	vand.u32 $0xFFFF, v0  }
0x47: {  	v0 =	vshrl.u32 v0, $0x10;
	[tilespmem:$0x2800] =	vst v3;
	v3 =	vld [tilespmem:$0x30]  }
0x48: {  	[tilespmem:$0x2900] =	vst v0;
	v0 =	vand.u32 $0xFFFF, v1  }
0x49: {  	[tilespmem:$0x2810] =	vst v0;
	v0 =	vshrl.u32 v1, $0x10;
	v1 =	vld [tilespmem:$0x40]  }
0x4a: {  	[tilespmem:$0x2910] =	vst v0;
	v0 =	vand.u32 $0xFFFF, v2  }
0x4b: {  	[tilespmem:$0x2820] =	vst v0;
	v0 =	vshrl.u32 v2, $0x10;
	v2 =	vld [tilespmem:$0x50]  }
0x4c: {  	[tilespmem:$0x2920] =	vst v0;
	v0 =	vand.u32 $0xFFFF, v3  }
0x4d: {  	[tilespmem:$0x2830] =	vst v0;
	v0 =	vshrl.u32 v3, $0x10;
	v3 =	vld [tilespmem:$0x60]  }
0x4e: {  	[tilespmem:$0x2930] =	vst v0;
	v0 =	vand.u32 $0xFFFF, v1  }
0x4f: {  	[tilespmem:$0x2840] =	vst v0;
	v0 =	vshrl.u32 v1, $0x10;
	v1 =	vld [tilespmem:$0x70]  }
0x50: {  	[tilespmem:$0x2940] =	vst v0;
	v0 =	vand.u32 $0xFFFF, v2  }
0x51: {  	[tilespmem:$0x2850] =	vst v0;
	v0 =	vshrl.u32 v2, $0x10  }
0x52: {  	[tilespmem:$0x2950] =	vst v0;
	v0 =	vand.u32 $0xFFFF, v3  }
0x53: {  	[tilespmem:$0x2860] =	vst v0;
	v0 =	vshrl.u32 v3, $0x10  }
0x54: {  	[tilespmem:$0x2960] =	vst v0;
	v0 =	vand.u32 $0xFFFF, v1  }
0x55: {  	[tilespmem:$0x2870] =	vst v0;
	v0 =	vshrl.u32 v1, $0x10  }
0x56: {  	s14 =	simm.s32 $0x2800;
	s25 =	simm.s32 $0x0;
	[tilespmem:$0x2970] =	vst v0  }
0x57: {  	[tilespmem:s26], [sflag:$0x1] =	stream.indirect.gather [spmem:s2], $0x40, s14, s23, $0xb8;
	[tilespmem:$0x1A600] =	vst v63  }
0x58: {  	v0 =	vld [tilespmem:s25+$0x80];
	_ =	sdelay $0x4  }
0x59: {  	v1 =	vand.u32 $0xFFFF, v0  }
0x5a: {  	v0 =	vshrl.u32 v0, $0x10;
	[tilespmem:$0x2880] =	vst v1  }
0x5b: {  	[tilespmem:$0x2980] =	vst v0  }
0x5c: {  	v0 =	vld [tilespmem:s25+$0x90];
	_ =	sdelay $0x4  }
0x5d: {  	v1 =	vand.u32 $0xFFFF, v0  }
0x5e: {  	v0 =	vshrl.u32 v0, $0x10;
	[tilespmem:$0x2890] =	vst v1  }
0x5f: {  	[tilespmem:$0x2990] =	vst v0  }
0x60: {  	v0 =	vld [tilespmem:s25+$0xA0];
	_ =	sdelay $0x4  }
0x61: {  	v1 =	vand.u32 $0xFFFF, v0  }
0x62: {  	v0 =	vshrl.u32 v0, $0x10;
	[tilespmem:$0x28A0] =	vst v1  }
0x63: {  	[tilespmem:$0x29A0] =	vst v0  }
0x64: {  	v0 =	vld [tilespmem:s25+$0xB0];
	_ =	sdelay $0x4  }
0x65: {  	v1 =	vand.u32 $0xFFFF, v0  }
0x66: {  	v0 =	vshrl.u32 v0, $0x10;
	[tilespmem:$0x28B0] =	vst v1  }
0x67: {  	[tilespmem:$0x29B0] =	vst v0  }
0x68: {  	v0 =	vld [tilespmem:s25+$0xC0];
	_ =	sdelay $0x4  }
0x69: {  	v1 =	vand.u32 $0xFFFF, v0  }
0x6a: {  	v0 =	vshrl.u32 v0, $0x10;
	[tilespmem:$0x28C0] =	vst v1  }
0x6b: {  	[tilespmem:$0x29C0] =	vst v0  }
0x6c: {  	v0 =	vld [tilespmem:s25+$0xD0];
	_ =	sdelay $0x4  }
0x6d: {  	v1 =	vand.u32 $0xFFFF, v0  }
0x6e: {  	v0 =	vshrl.u32 v0, $0x10;
	[tilespmem:$0x28D0] =	vst v1  }
0x6f: {  	[tilespmem:$0x29D0] =	vst v0  }
0x70: {  	v0 =	vld [tilespmem:s25+$0xE0];
	_ =	sdelay $0x4  }
0x71: {  	v1 =	vand.u32 $0xFFFF, v0  }
0x72: {  	v0 =	vshrl.u32 v0, $0x10;
	[tilespmem:$0x28E0] =	vst v1  }
0x73: {  	[tilespmem:$0x29E0] =	vst v0  }
0x74: {  	v0 =	vld [tilespmem:s25+$0xF0];
	_ =	sdelay $0x4  }
0x75: {  	v1 =	vand.u32 $0xFFFF, v0  }
0x76: {  	v0 =	vshrl.u32 v0, $0x10;
	[tilespmem:$0x28F0] =	vst v1  }
0x77: {  	[tilespmem:$0x29F0] =	vst v0  }
0x78: {  	[tilespmem:s29], [sflag:$0x2] =	stream.indirect.gather [spmem:s2], $0x40, s28, s23, $0xb8;
	[tilespmem:$0x1A600] =	vst v63  }
0x79: {  	_ =	swait.ge [sflag:s12], $0x2000  }
0x7a: {  	[sflag:s12] =	ssyncset.done $0x0  }
0x7b: {  	[sflag:s12] =	ssyncadd.s32 $0xFFFFE000  }
0x7c: {  	[spmem:s3] =	stream.indirect.scatter.add.f32 [tilespmem:s26], [sflag:$0x3], $0x40, s30, s23, $0xb8;
	[tilespmem:$0x1A600] =	vst v63  }
0x7d: {  	_ =	swait.ge [sflag:s9], $0x2000  }
0x7e: {  	p1 =	por $0x0, $0x0;
	[sflag:s9] =	ssyncset.done $0x0  }
0x7f: {  	s25 =	simm.s32 @!p1 $0x0;
	[sflag:s9] =	ssyncadd.s32 $0xFFFFE000  }
0x80: {  	v0 =	vld @!p1 [tilespmem:s25+$0x100];
	_ =	sdelay $0x4  }
0x81: {  	v1 =	vand.u32 @!p1 $0xFFFF, v0  }
0x82: {  	v0 =	vshrl.u32 @!p1 v0, $0x10;
	[tilespmem:$0x2800] =	vst @!p1 v1  }
0x83: {  	[tilespmem:$0x2900] =	vst @!p1 v0  }
0x84: {  	v0 =	vld @!p1 [tilespmem:s25+$0x110];
	_ =	sdelay $0x4  }
0x85: {  	v1 =	vand.u32 @!p1 $0xFFFF, v0  }
0x86: {  	v0 =	vshrl.u32 @!p1 v0, $0x10;
	[tilespmem:$0x2810] =	vst @!p1 v1  }
0x87: {  	[tilespmem:$0x2910] =	vst @!p1 v0  }
0x88: {  	v0 =	vld @!p1 [tilespmem:s25+$0x120];
	_ =	sdelay $0x4  }
0x89: {  	v1 =	vand.u32 @!p1 $0xFFFF, v0  }
0x8a: {  	v0 =	vshrl.u32 @!p1 v0, $0x10;
	[tilespmem:$0x2820] =	vst @!p1 v1  }
0x8b: {  	[tilespmem:$0x2920] =	vst @!p1 v0  }
0x8c: {  	v0 =	vld @!p1 [tilespmem:s25+$0x130];
	_ =	sdelay $0x4  }
0x8d: {  	v1 =	vand.u32 @!p1 $0xFFFF, v0  }
0x8e: {  	v0 =	vshrl.u32 @!p1 v0, $0x10;
	[tilespmem:$0x2830] =	vst @!p1 v1  }
0x8f: {  	[tilespmem:$0x2930] =	vst @!p1 v0  }
0x90: {  	v0 =	vld @!p1 [tilespmem:s25+$0x140];
	_ =	sdelay $0x4  }
0x91: {  	v1 =	vand.u32 @!p1 $0xFFFF, v0  }
0x92: {  	v0 =	vshrl.u32 @!p1 v0, $0x10;
	[tilespmem:$0x2840] =	vst @!p1 v1  }
0x93: {  	[tilespmem:$0x2940] =	vst @!p1 v0  }
0x94: {  	v0 =	vld @!p1 [tilespmem:s25+$0x150];
	_ =	sdelay $0x4  }
0x95: {  	v1 =	vand.u32 @!p1 $0xFFFF, v0  }
0x96: {  	v0 =	vshrl.u32 @!p1 v0, $0x10;
	[tilespmem:$0x2850] =	vst @!p1 v1  }
0x97: {  	[tilespmem:$0x2950] =	vst @!p1 v0  }
0x98: {  	v0 =	vld @!p1 [tilespmem:s25+$0x160];
	_ =	sdelay $0x4  }
0x99: {  	s4 =	simm.s32 $0x400;
	v1 =	vand.u32 @!p1 $0xFFFF, v0  }
0x9a: {  	s7 =	simm.s32 @!p1 $0x80;
	s13 =	simm.s32 @!p1 $0x2800;
	s14 =	simm.s32 @!p1 $0x2A00;
	v0 =	vshrl.u32 @!p1 v0, $0x10;
	[tilespmem:$0x2860] =	vst @!p1 v1  }
.LBB2_2:
0x9b: {  	[tilespmem:$0x2960] =	vst @!p1 v0;
	s6 =	smov.u32 s4;
	s4 =	sadd.s32 $0x400, s4  }
0x9c: {  	p0 =	sne.s32 s4, $0xA000;
	v0 =	vld @!p1 [tilespmem:s25+$0x170];
	_ =	sdelay $0x4  }
0x9d: {  	v1 =	vand.u32 @!p1 $0xFFFF, v0;
	v0 =	vshrl.u32 @!p1 v0, $0x10  }
0x9e: {  	[tilespmem:$0x2870] =	vst @!p1 v1  }
0x9f: {  	[tilespmem:$0x2970] =	vst @!p1 v0  }
0xa0: {  	[tilespmem:s14], [sflag:$0x1] =	stream.indirect.gather @!p1 [spmem:s2], $0x40, s13, s7, $0xb8;
	[tilespmem:$0x1A600] =	vst v63  }
0xa1: {  	_ =	swait.ge [sflag:s31], $0x2000  }
0xa2: {  	[sflag:s31] =	ssyncset.done $0x0  }
0xa3: {  	[sflag:s31] =	ssyncadd.s32 $0xFFFFE000  }
0xa4: {  	[spmem:s3] =	stream.indirect.scatter.add.f32 [tilespmem:s29], [sflag:$0x3], $0x40, s1, s23, $0xb8;
	[tilespmem:$0x1A600] =	vst v63  }
0xa5: {  	_ =	swait.ge [sflag:s9], $0x2000  }
0xa6: {  	[sflag:s9] =	ssyncset.done $0x0  }
0xa7: {  	s25 =	sshra.s32 s6, $0x2;
	[sflag:s9] =	ssyncadd.s32 $0xFFFFE000  }
0xa8: {  	v0 =	vld [tilespmem:s25+$0x80];
	_ =	sdelay $0x4  }
0xa9: {  	v1 =	vand.u32 $0xFFFF, v0;
	v0 =	vshrl.u32 v0, $0x10  }
0xaa: {  	[tilespmem:$0x2880] =	vst v1  }
0xab: {  	[tilespmem:$0x2980] =	vst v0  }
0xac: {  	v0 =	vld [tilespmem:s25+$0x90];
	_ =	sdelay $0x4  }
0xad: {  	v1 =	vand.u32 $0xFFFF, v0;
	v0 =	vshrl.u32 v0, $0x10  }
0xae: {  	[tilespmem:$0x2890] =	vst v1  }
0xaf: {  	[tilespmem:$0x2990] =	vst v0  }
0xb0: {  	v0 =	vld [tilespmem:s25+$0xA0];
	_ =	sdelay $0x4  }
0xb1: {  	v1 =	vand.u32 $0xFFFF, v0;
	v0 =	vshrl.u32 v0, $0x10  }
0xb2: {  	[tilespmem:$0x28A0] =	vst v1  }
0xb3: {  	[tilespmem:$0x29A0] =	vst v0  }
0xb4: {  	v0 =	vld [tilespmem:s25+$0xB0];
	_ =	sdelay $0x4  }
0xb5: {  	v1 =	vand.u32 $0xFFFF, v0;
	v0 =	vshrl.u32 v0, $0x10  }
0xb6: {  	[tilespmem:$0x28B0] =	vst v1  }
0xb7: {  	[tilespmem:$0x29B0] =	vst v0  }
0xb8: {  	v0 =	vld [tilespmem:s25+$0xC0];
	_ =	sdelay $0x4  }
0xb9: {  	v1 =	vand.u32 $0xFFFF, v0;
	v0 =	vshrl.u32 v0, $0x10  }
0xba: {  	[tilespmem:$0x28C0] =	vst v1  }
0xbb: {  	[tilespmem:$0x29C0] =	vst v0  }
0xbc: {  	v0 =	vld [tilespmem:s25+$0xD0];
	_ =	sdelay $0x4  }
0xbd: {  	v1 =	vand.u32 $0xFFFF, v0;
	v0 =	vshrl.u32 v0, $0x10  }
0xbe: {  	[tilespmem:$0x28D0] =	vst v1  }
0xbf: {  	[tilespmem:$0x29D0] =	vst v0  }
0xc0: {  	v0 =	vld [tilespmem:s25+$0xE0];
	_ =	sdelay $0x4  }
0xc1: {  	v1 =	vand.u32 $0xFFFF, v0;
	v0 =	vshrl.u32 v0, $0x10  }
0xc2: {  	[tilespmem:$0x28E0] =	vst v1  }
0xc3: {  	[tilespmem:$0x29E0] =	vst v0  }
0xc4: {  	v0 =	vld [tilespmem:s25+$0xF0];
	_ =	sdelay $0x4  }
0xc5: {  	v1 =	vand.u32 $0xFFFF, v0;
	v0 =	vshrl.u32 v0, $0x10  }
0xc6: {  	p1 =	seq.s32 s6, $0x9C00;
	[tilespmem:$0x28F0] =	vst v1  }
0xc7: {  	s25 =	sshra.s32 @!p1 s6, $0x2;
	[tilespmem:$0x29F0] =	vst v0  }
0xc8: {  	[tilespmem:s29], [sflag:$0x2] =	stream.indirect.gather [spmem:s2], $0x40, s28, s23, $0xb8;
	[tilespmem:$0x1A600] =	vst v63  }
0xc9: {  	_ =	swait.ge [sflag:s12], $0x2000  }
0xca: {  	[sflag:s12] =	ssyncset.done $0x0  }
0xcb: {  	[sflag:s12] =	ssyncadd.s32 $0xFFFFE000  }
0xcc: {  	[spmem:s3] =	stream.indirect.scatter.add.f32 [tilespmem:s26], [sflag:$0x3], $0x40, s30, s23, $0xb8;
	[tilespmem:$0x1A600] =	vst v63  }
0xcd: {  	_ =	swait.ge [sflag:s9], $0x2000  }
0xce: {  	[sflag:s9] =	ssyncset.done $0x0  }
0xcf: {  	[sflag:s9] =	ssyncadd.s32 $0xFFFFE000  }
0xd0: {  	v0 =	vld @!p1 [tilespmem:s25+$0x100];
	_ =	sdelay $0x4  }
0xd1: {  	v1 =	vand.u32 @!p1 $0xFFFF, v0;
	v0 =	vshrl.u32 @!p1 v0, $0x10  }
0xd2: {  	[tilespmem:$0x2800] =	vst @!p1 v1  }
0xd3: {  	[tilespmem:$0x2900] =	vst @!p1 v0  }
0xd4: {  	v0 =	vld @!p1 [tilespmem:s25+$0x110];
	_ =	sdelay $0x4  }
0xd5: {  	v1 =	vand.u32 @!p1 $0xFFFF, v0;
	v0 =	vshrl.u32 @!p1 v0, $0x10  }
0xd6: {  	[tilespmem:$0x2810] =	vst @!p1 v1  }
0xd7: {  	[tilespmem:$0x2910] =	vst @!p1 v0  }
0xd8: {  	v0 =	vld @!p1 [tilespmem:s25+$0x120];
	_ =	sdelay $0x4  }
0xd9: {  	v1 =	vand.u32 @!p1 $0xFFFF, v0;
	v0 =	vshrl.u32 @!p1 v0, $0x10  }
0xda: {  	[tilespmem:$0x2820] =	vst @!p1 v1  }
0xdb: {  	[tilespmem:$0x2920] =	vst @!p1 v0  }
0xdc: {  	v0 =	vld @!p1 [tilespmem:s25+$0x130];
	_ =	sdelay $0x4  }
0xdd: {  	v1 =	vand.u32 @!p1 $0xFFFF, v0;
	v0 =	vshrl.u32 @!p1 v0, $0x10  }
0xde: {  	[tilespmem:$0x2830] =	vst @!p1 v1  }
0xdf: {  	[tilespmem:$0x2930] =	vst @!p1 v0  }
0xe0: {  	v0 =	vld @!p1 [tilespmem:s25+$0x140];
	_ =	sdelay $0x4  }
0xe1: {  	v1 =	vand.u32 @!p1 $0xFFFF, v0;
	v0 =	vshrl.u32 @!p1 v0, $0x10  }
0xe2: {  	[tilespmem:$0x2840] =	vst @!p1 v1  }
0xe3: {  	[tilespmem:$0x2940] =	vst @!p1 v0  }
0xe4: {  	v0 =	vld @!p1 [tilespmem:s25+$0x150];
	_ =	sdelay $0x4  }
0xe5: {  	v1 =	vand.u32 @!p1 $0xFFFF, v0;
	v0 =	vshrl.u32 @!p1 v0, $0x10  }
0xe6: {  	[tilespmem:$0x2850] =	vst @!p1 v1  }
0xe7: {  	s7 =	simm.s32 @!p1 $0x80;
	s13 =	simm.s32 @!p1 $0x2800;
	s14 =	simm.s32 @!p1 $0x2A00;
	[tilespmem:$0x2950] =	vst @!p1 v0  }
0xe8: {  	v0 =	vld @!p1 [tilespmem:s25+$0x160];
	_ =	sdelay $0x1  }
.Ltmp0:
0xe9: {  	(pc) =	sbr.rel @p0 .LBB2_2-.Ltmp0, $3  }
0xea: {  	_ =	sdelay $0x1  }
0xeb: {  	v1 =	vand.u32 @!p1 $0xFFFF, v0;
	v0 =	vshrl.u32 @!p1 v0, $0x10  }
0xec: {  	[tilespmem:$0x2860] =	vst @!p1 v1  }
0xed: {  	[tilespmem:$0x2960] =	vst @!p1 v0  }
0xee: {  	v0 =	vld @!p1 [tilespmem:s25+$0x170];
	_ =	sdelay $0x4  }
0xef: {  	v1 =	vand.u32 @!p1 $0xFFFF, v0  }
0xf0: {  	v0 =	vshrl.u32 @!p1 v0, $0x10;
	[tilespmem:$0x2870] =	vst @!p1 v1  }
0xf1: {  	[tilespmem:$0x2970] =	vst @!p1 v0  }
0xf2: {  	[tilespmem:s14], [sflag:$0x1] =	stream.indirect.gather @!p1 [spmem:s2], $0x40, s13, s7, $0xb8;
	[tilespmem:$0x1A600] =	vst v63  }
0xf3: {  	_ =	swait.ge [sflag:s31], $0x2000  }
0xf4: {  	[sflag:s31] =	ssyncset.done $0x0  }
0xf5: {  	[sflag:s31] =	ssyncadd.s32 $0xFFFFE000  }
0xf6: {  	[spmem:s3] =	stream.indirect.scatter.add.f32 [tilespmem:s29], [sflag:$0x3], $0x40, s1, s23, $0xb8;
	[tilespmem:$0x1A600] =	vst v63  }
0xf7: {  	_ =	swait.ge [sflag:s9], $0x2000  }
0xf8: {  	s0 =	sadd.s32 $0x1, s0;
	[sflag:s9] =	ssyncset.done $0x0  }
0xf9: {  	s25 =	simm.s32 $0x8;
	p0 =	sne.s32 s0, s8;
	[sflag:s9] =	ssyncadd.s32 $0xFFFFE000  }
.Ltmp1:
0xfa: {  	s7 =	simm.s32 $0x10;
	[bflag:$0x0] =	sbarrier.arrive $0xFFFF;
	(pc) =	sbr.rel @p0 .LBB2_1-.Ltmp1, $4  }
0xfb: {  	[hbm:s24@s7], [sflag:s10] =	dma.strided [spmem:s15@s25], $0x13C0, s12, $0x8   }
0xfc: {  	_ =	swait.ge [sflag:s9], $0x13C0  }
0xfd: {  	[sflag:s9] =	ssyncset.done $0x0  }
0xfe: {  	[sflag:s9] =	ssyncadd.s32 $0xFFFFEC40  }
0xff: {  	_ =	sfence.sel $0x180000  }
0x100: {  	[bflag:$0x0] =	sbarrier.arrive $0xFFFF  }
0x101: {  	_ =	strace $0x9000004A  }
0x102: {  	s0 =	stileid.u32;
	[bflag:$0x2] =	sbarrier.arrive $0xFFFF  }
0x103: {  	p0 =	sne.s32 s0, $0x0;
	s0 =	rddreg [dreg:$0x4]  }
0x104: {  	s0 =	sadd.s32 @!p0 $0x100000, s0  }
0x105: {  	[sflag:s0] =	ssyncadd.tile.s32 @!p0 $0x1;
	_ =	shalt  }
.Lfunc_end2:
_tile_overlayer_lowered:
.L_overlay_start_2:
0x106: {  	(tag) =	ssettag $0x2  }
0x107: {  	s0 =	rddreg [dreg:$0x0];
	s2 =	stileid.u32  }
0x108: {  	s1 =	rddreg [dreg:$0x1];
	p0 =	sne.s32 s2, $0x0  }
0x109: {  	s3 =	rddreg [dreg:$0x2];
	[bflag:$0x3] =	sbarrier.arrive $0xFFFF;
	s2 =	simm.s32 @!p0 $0x1C03  }
0x10a: {  	[timem:s3], [sflag:s2] =	dma.local @!p0 [hbm:s0], s1  }
0x10b: {  	s0 =	simm.s32 @!p0 $0x3  }
0x10c: {  	_ =	swait.ge @!p0 [sflag:s0], s1  }
0x10d: {  	s1 =	ssub.s32 @!p0 $0x0, s1;
	[sflag:s0] =	ssyncset.done @!p0 $0x0  }
0x10e: {  	[sflag:s0] =	ssyncadd.s32 @!p0 s1  }
0x10f: {  	[bflag:$0x3] =	sbarrier.arrive $0xFFFF  }
0x110: {  	_ =	shalt  }

// kernel: kernel.7.cloned.1.call-start
scs
__scs_entry_jumppad:
0x0: {  	(pc) =	sbr.rel $0x88, $3  }
0x1: {  	(tag) =	ssettag $0x0;
	lr =	simm.s32 $0x1  }
0x2: {  	[smem:$0x3F9B] =	sst lr;
	_ =	strace $0xD0000000  }
0x3: {  	_ = 	snop  }
0x4: {  	_ = 	snop  }
0x5: {  	_ = 	snop  }
0x6: {  	_ = 	snop  }
0x7: {  	_ = 	snop  }
__scs_overlays_trampoline_lowered:
0x8: {  	[smem:$0x3FAA] =	sst s0  }
0x9: {  	[smem:$0x3FAB] =	sst s1  }
0xa: {  	[smem:$0x3FAC] =	sst s2  }
0xb: {  	[smem:$0x3FAD] =	sst s3  }
0xc: {  	[smem:$0x3FAE] =	sst s4  }
0xd: {  	[smem:$0x3FAF] =	sst s5  }
0xe: {  	[smem:$0x3FB0] =	sst s6  }
0xf: {  	[smem:$0x3FB1] =	sst s7  }
0x10: {  	[smem:$0x3FB2] =	sst s8  }
0x11: {  	[smem:$0x3FB3] =	sst s9;
	s0 =	simm.s32 @!p0 $0x0  }
0x12: {  	s1 =	sld [smem:$0x3F99];
	s0 =	simm.s32 @p0 $0x1  }
0x13: {  	[smem:$0x3FB4] =	sst s0;
	s0 =	simm.s32 @!p1 $0x0  }
0x14: {  	s2 =	sld [smem:$0x3F98];
	s0 =	simm.s32 @p1 $0x1  }
0x15: {  	[smem:$0x3FB5] =	sst s0;
	s0 =	simm.s32 @!p2 $0x0  }
0x16: {  	s3 =	sld [smem:$0x3FDB];
	s0 =	simm.s32 @p2 $0x1  }
0x17: {  	s4 =	simm.s32 $0x1BF5;
	[smem:$0x3FB7] =	sst s0  }
0x18: {  	s0 =	sld [smem:$0x3F9A];
	_ =	swait.ge [sflag:s4], $0x0  }
0x19: {  	s7 =	sld [smem:$0x3F9B]  }
0x1a: {  	s8 =	sadd.s32 $0xFFFFE003, lr  }
0x1b: {  	s9 =	sadd.s32 $0xFFFFFEF7, lr;
	s5 =	simm.s32 $0xFFFFFFFF;
	p2 =	slt.u32 s8, $0xFFFFF086  }
0x1c: {  	p1 =	slt.u32 s9, $0xF7A;
	s5 =	simm.s32 @!p2 $0x0  }
0x1d: {  	s5 =	simm.s32 @p1 $0x1;
	p0 =	seq.s32 s7, s2  }
0x1e: {  	s7 =	smul.u32 @!p0 $0xF7A, s2;
	p2 =	seq.s32 @!p0 s5, $0x0  }
0x1f: {  	s9 =	smul.u32 $0xF7A, s1;
	s8 =	simm.s32 @!p0 $0x1BF5;
	p2 =	por !p2, p0  }
0x20: {  	[sflag:s8] =	ssyncset.s32 @!p0 $0xFFFFF086;
	s6 =	sadd.s32 @!p0 s3, s7;
	s7 =	simm.s32 @!p0 $0x108  }
0x21: {  	s3 =	sadd.s32 s3, s9;
	s6 =	sadd.s32 @!p0 $0x88, s6;
	s7 =	simm.s32 @p2 $0x1082  }
0x22: {  	[simem:s7], [sflag:s8] =	dma.local @!p0 [hbm:s6], $0xF7A  }
0x23: {  	s9 =	sor.u32 $0xD0000000, s2;
	s6 =	simm.s32 $0x108;
	_ =	swait.ge @!p0 [sflag:s8], $0x0  }
0x24: {  	s3 =	sadd.s32 $0x88, s3;
	s6 =	simm.s32 @!p1 $0x1082;
	[sflag:s4] =	ssyncset.s32 $0xFFFFF086  }
0x25: {  	[simem:s6], [sflag:s4] =	dma.local [hbm:s3], $0xF7A  }
0x26: {  	[smem:$0x3F9B] =	sst s1;
	(tag) =	ssettag s2;
	_ =	strace s9  }
0x27: {  	s1 =	sld [smem:$0x3FAB]  }
0x28: {  	s2 =	sld [smem:$0x3FAC]  }
0x29: {  	s4 =	sld [smem:$0x3FAE]  }
0x2a: {  	p0 =	seq.s32 s5, $0x0;
	s5 =	sld [smem:$0x3FAF]  }
0x2b: {  	s6 =	sld [smem:$0x3FB0]  }
0x2c: {  	s7 =	sld [smem:$0x3FB1]  }
0x2d: {  	s3 =	simm.s32 $0x108;
	s8 =	sld [smem:$0x3FB2]  }
0x2e: {  	s3 =	simm.s32 @!p0 $0x1082;
	s9 =	sld [smem:$0x3FB3]  }
0x2f: {  	lr =	sadd.s32 s0, s3;
	s0 =	sld [smem:$0x3FAA]  }
0x30: {  	s3 =	sld [smem:$0x3FAD]  }
0x31: {  	[smem:$0x3FB6] =	sst s10  }
0x32: {  	s10 =	sld [smem:$0x3FB4];
	_ =	sdelay $0x3  }
0x33: {  	p0 =	seq.s32 s10, $0x1;
	s10 =	sld [smem:$0x3FB6];
	_ =	sdelay $0x3  }
0x34: {  	[smem:$0x3FB6] =	sst s10  }
0x35: {  	s10 =	sld [smem:$0x3FB5];
	_ =	sdelay $0x3  }
0x36: {  	p1 =	seq.s32 s10, $0x1;
	s10 =	sld [smem:$0x3FB6];
	_ =	sdelay $0x3  }
0x37: {  	[smem:$0x3FB6] =	sst s10  }
0x38: {  	s10 =	sld [smem:$0x3FB7]  }
0x39: {  	_ = 	snop;
	(pc) =	sbr.ind lr, $3  }
0x3a: {  	_ = 	snop  }
0x3b: {  	_ = 	snop  }
0x3c: {  	p2 =	seq.s32 s10, $0x1;
	s10 =	sld [smem:$0x3FB6]  }
0x3d: {  	_ =	shalt  }
0x3e: {  	_ =	shalt  }
0x3f: {  	_ =	shalt  }
0x40: {  	_ =	shalt  }
0x41: {  	_ =	shalt  }
0x42: {  	_ =	shalt  }
0x43: {  	_ =	shalt  }
0x44: {  	_ =	shalt  }
0x45: {  	_ =	shalt  }
0x46: {  	_ =	shalt  }
0x47: {  	_ =	shalt  }
0x48: {  	_ =	shalt  }
0x49: {  	_ =	shalt  }
0x4a: {  	_ =	shalt  }
0x4b: {  	_ =	shalt  }
0x4c: {  	_ =	shalt  }
0x4d: {  	_ =	shalt  }
0x4e: {  	_ =	shalt  }
0x4f: {  	_ =	shalt  }
0x50: {  	_ =	shalt  }
0x51: {  	_ =	shalt  }
0x52: {  	_ =	shalt  }
0x53: {  	_ =	shalt  }
0x54: {  	_ =	shalt  }
0x55: {  	_ =	shalt  }
0x56: {  	_ =	shalt  }
0x57: {  	_ =	shalt  }
0x58: {  	_ =	shalt  }
0x59: {  	_ =	shalt  }
0x5a: {  	_ =	shalt  }
0x5b: {  	_ =	shalt  }
0x5c: {  	_ =	shalt  }
0x5d: {  	_ =	shalt  }
0x5e: {  	_ =	shalt  }
0x5f: {  	_ =	shalt  }
0x60: {  	_ =	shalt  }
0x61: {  	_ =	shalt  }
0x62: {  	_ =	shalt  }
0x63: {  	_ =	shalt  }
0x64: {  	_ =	shalt  }
0x65: {  	_ =	shalt  }
0x66: {  	_ =	shalt  }
0x67: {  	_ =	shalt  }
0x68: {  	_ =	shalt  }
0x69: {  	_ =	shalt  }
0x6a: {  	_ =	shalt  }
0x6b: {  	_ =	shalt  }
0x6c: {  	_ =	shalt  }
0x6d: {  	_ =	shalt  }
0x6e: {  	_ =	shalt  }
0x6f: {  	_ =	shalt  }
0x70: {  	_ =	shalt  }
0x71: {  	_ =	shalt  }
0x72: {  	_ =	shalt  }
0x73: {  	_ =	shalt  }
0x74: {  	_ =	shalt  }
0x75: {  	_ =	shalt  }
0x76: {  	_ =	shalt  }
0x77: {  	_ =	shalt  }
0x78: {  	_ =	shalt  }
0x79: {  	_ =	shalt  }
0x7a: {  	_ =	shalt  }
0x7b: {  	_ =	shalt  }
0x7c: {  	_ =	shalt  }
0x7d: {  	_ =	shalt  }
0x7e: {  	_ =	shalt  }
0x7f: {  	_ =	shalt  }
0x80: {  	_ =	shalt  }
0x81: {  	_ =	shalt  }
0x82: {  	_ =	shalt  }
0x83: {  	_ =	shalt  }
0x84: {  	_ =	shalt  }
0x85: {  	_ =	shalt  }
0x86: {  	_ =	shalt  }
0x87: {  	_ =	shalt  }
.Lfunc_end0:
.L_simem_size_0:
called_computation_lowered:
.L_overlay_start_0:
0x88: {  	s2 =	sld [smem:$0x3FD9]  }
0x89: {  	s3 =	sld [smem:$0x3FFE];
	_ =	sdelay $0x1  }
0x8a: {  	s1 =	srdreg.scid  }
0x8b: {  	s0 =	sand.u32 $0x1, s1  }
0x8c: {  	s17 =	sshll.u32 s0, $0xA;
	s2 =	sadd.s32 s3, s2  }
0x8d: {  	s2 =	sadd.s32 s2, s17  }
0x8e: {  	[smem:$0x3FC2] =	sst s2  }
0x8f: {  	_ = 	snop  }
0x90: {  	s2 =	sld [smem:$0x3FD0];
	(tm) =	ssettm $0x1  }
0x91: {  	s18 =	sld [smem:$0x3FFB];
	_ =	sdelay $0x3  }
0x92: {  	_ =	strace s18  }
0x93: {  	s3 =	sld [smem:$0x3FFC];
	_ =	sdelay $0x3  }
0x94: {  	_ =	strace s3  }
0x95: {  	s3 =	sld [smem:$0x3FFD];
	_ =	sdelay $0x3  }
0x96: {  	_ =	strace s3  }
0x97: {  	_ =	strace $0x8FFFFFFF  }
0x98: {  	s19 =	sld [smem:$0x3FDB];
	_ =	sdelay $0x1  }
0x99: {  	s4 =	simm.s32 $_scs_section_size  }
0x9a: {  	s5 =	simm.s32 $_size__tile_overlayer_lowered;
	s6 =	simm.s32 $_tile_overlayer_lowered  }
0x9b: {  	s22 =	simm.s32 $0x1BFF;
	s21 =	sshll.u32 s6, $0x1;
	s3 =	sadd.s32 s4, s19  }
0x9c: {  	s7 =	simm.s32 $0x0;
	s20 =	sshll.u32 s5, $0x1;
	s5 =	sadd.s32 s21, s3  }
0x9d: {  	[timem:s7], [sflag:s22] =	dma.local [hbm:s5], s20  }
0x9e: {  	_ =	swait.ge [sflag:s22], s20  }
0x9f: {  	s4 =	ssub.s32 $0x0, s20;
	[sflag:s22] =	ssyncset.done $0x0  }
0xa0: {  	[sflag:s22] =	ssyncadd.s32 s4;
	_ =	sdelay $0x1  }
0xa1: {  	s23 =	simm.s32 $0x1B8B  }
0xa2: {  	_ =	swait.ge [sflag:s23], $0x1  }
0xa3: {  	[sflag:s23] =	ssyncset.done $0x0  }
0xa4: {  	s25 =	simm.s32 $0x1B8E;
	s24 =	sld [smem:$0x3FFE];
	[sflag:s23] =	ssyncadd.s32 $0xFFFFFFFF  }
0xa5: {  	s26 =	simm.s32 $execute0_lowered;
	[smem:$0x3FD2] =	sst s25  }
0xa6: {  	s5 =	sshll.u32 s26, $0x1;
	_ =	strace $0x80000046;
	[dreg:$0x1] =	wrdreg $0xFFFFFFFF  }
0xa7: {  	s28 =	simm.s32 $_size_execute0_lowered;
	s3 =	sadd.s32 s3, s5;
	[dreg:$0x0] =	wrdreg $0x0  }
0xa8: {  	s5 =	sshll.u32 s28, $0x1;
	[dreg:$0x2] =	wrdreg s3  }
0xa9: {  	[dreg:$0x3] =	wrdreg s5  }
0xaa: {  	[dreg:$0x4] =	wrdreg $0xC0  }
0xab: {  	_ =	task [dreg:s7], $0x5FFFF  }
0xac: {  	[dreg:$0x1] =	wrdreg $0xFFFFFFFF  }
0xad: {  	[dreg:$0x0] =	wrdreg $0x60  }
0xae: {  	[dreg:$0x2] =	wrdreg s24  }
0xaf: {  	[dreg:$0x3] =	wrdreg s2  }
0xb0: {  	[dreg:$0x4] =	wrdreg $0x108000  }
0xb1: {  	[dreg:$0x5] =	wrdreg $0x6A000  }
0xb2: {  	[dreg:$0x6] =	wrdreg $0x9  }
0xb3: {  	_ =	task.clear_ibuf [dreg:s7], $0x7FFFF;
	_ =	strace $0x90000046  }
0xb4: {  	s29 =	simm.s32 $0x9;
	_ =	strace $0x80000048  }
0xb5: {  	_ =	swait.ge [sflag:s29], $0x1  }
0xb6: {  	[sflag:s29] =	ssyncadd.s32 $0xFFFFFFFF  }
0xb7: {  	_ =	strace $0x90000048  }
0xb8: {  	_ =	sfence  }
0xb9: {  	s30 =	sld [smem:$0x0];
	_ =	sdelay $0x2  }
0xba: {  	s31 =	sshll.u32 s1, $0xD;
	s1 =	sshrl.u32 s1, $0x2  }
0xbb: {  	s3 =	sand.u32 $0x4000, s31;
	s1 =	sadd.s32 s1, s30  }
0xbc: {  	s0 =	sor.u32 s3, s0;
	s1 =	sshll.u32 s1, $0x11  }
0xbd: {  	s0 =	sor.u32 s1, s0  }
0xbe: {  	s0 =	sadd.s32 $0x8F2B, s0  }
0xbf: {  	[sflag:s0] =	ssyncadd.remote.s32 $0x1  }
0xc0: {  	_ =	sfence.sel $0xFFFF  }
0xc1: {  	[dreg:$0x0] =	wrdreg $0xFFFFFFFF;
	(pc) =	sbr.abs _section_cstart, $3  }
0xc2: {  	[dreg:$0x1] =	wrdreg $0xFFFFFFFF  }
0xc3: {  	_ =	task.clear_ibuf [dreg:s7], $0x2FFFF;
	_ =	strace $0x9FFFFFFF  }
0xc4: {  	(tm) =	ssettm $0x7FFFFFFF  }
0xc5: {  	_ =	shalt  }
tec
execute0_lowered:
.L_overlay_start_1:
0x0: {  	(tag) =	ssettag $0x1  }
0x1: {  	s0 =	rddreg [dreg:$0x0]  }
0x2: {  	s3 =	rddreg [dreg:$0x1]  }
0x3: {  	s1 =	rddreg [dreg:$0x2]  }
0x4: {  	s2 =	rddreg [dreg:$0x3];
	s12 =	stileid.u32  }
0x5: {  	s4 =	srdreg.scid;
	s9 =	smul.u32 $0xA00, s12  }
0x6: {  	s5 =	simm.s32 $0x0;
	s28 =	simm.s32 $0x80;
	s10 =	smul.u32 $0x9E00, s12  }
0x7: {  	s30 =	simm.s32 $0x2A00;
	s31 =	simm.s32 $0x2880;
	s11 =	smul.u32 $0x27800, s12  }
0x8: {  	s4 =	sand.u32 $0x1, s4;
	[smem:$0x7FF] =	sst s5;
	s13 =	smul.u32 $0x2780, s12  }
0x9: {  	s8 =	sadd.s32 $0x1C00, s0;
	s5 =	sadd.s32 $0x29400, s0;
	s6 =	smul.u32 $0x27800, s4  }
0xa: {  	s7 =	smul.u32 $0x500, s4;
	_ =	strace $0x80000047;
	s4 =	ssub.s32 $0x2, s4  }
0xb: {  	s3 =	sadd.s32 s3, s9;
	s16 =	sadd.s32 s8, s13;
	[dreg:$0x5] =	wrdreg s13  }
0xc: {  	s15 =	sshrl.u32 s11, $0x2;
	s17 =	sadd.s32 s10, s2;
	[dreg:$0x7] =	wrdreg s16  }
0xd: {  	s24 =	sor.u32 $0x8, s13;
	s0 =	sadd.s32 s6, s0;
	[dreg:$0x8] =	wrdreg s17  }
0xe: {  	s3 =	sadd.s32 s7, s3;
	s6 =	sadd.s32 s15, s2;
	[dreg:$0x10] =	wrdreg s24  }
0xf: {  	s29 =	sshrl.u32 s4, $0x1;
	[dreg:$0x6] =	wrdreg s3;
	s18 =	sadd.s32 $0x1400, s6  }
0x10: {  	s14 =	sadd.s32 s10, s1;
	s19 =	sadd.s32 $0x2800, s6;
	[dreg:$0x9] =	wrdreg s18  }
0x11: {  	s4 =	ssub.s32 s4, s29;
	s20 =	sadd.s32 $0x3C00, s6;
	[dreg:$0xa] =	wrdreg s19  }
0x12: {  	s29 =	sshll.u32 s12, $0x6;
	s21 =	sadd.s32 $0x5000, s6;
	[dreg:$0xb] =	wrdreg s20  }
0x13: {  	s17 =	simm.s32 $0x8;
	s22 =	sadd.s32 $0x6400, s6;
	[dreg:$0xc] =	wrdreg s21  }
0x14: {  	s7 =	simm.s32 $0x2980;
	s23 =	sadd.s32 $0x7800, s6;
	[dreg:$0xd] =	wrdreg s22  }
0x15: {  	s6 =	sadd.s32 $0x8C00, s6;
	s25 =	sadd.s32 $0x29800, s0;
	[dreg:$0xe] =	wrdreg s23  }
0x16: {  	s0 =	sadd.s32 s8, s24;
	s26 =	smax.u32 s4, $0x1;
	[dreg:$0xf] =	wrdreg s6  }
0x17: {  	s24 =	simm.s32 $0x1;
	s3 =	simm.s32 $0x2900;
	[dreg:$0x11] =	wrdreg s0  }
0x18: {  	s4 =	simm.s32 $0x2;
	s8 =	simm.s32 $0x0;
	[dreg:$0x12] =	wrdreg s26  }
0x19: {  	s21 =	simm.s32 $0x3;
	s22 =	sor.u32 $0x1C03, s29;
	s23 =	sshrl.u32 s14, $0x3  }
0x1a: {  	s26 =	simm.s32 $0x10;
	s18 =	simm.s32 $0x2800;
	s0 =	simm.s32 $0x4A00  }
.LBB2_1:
0x1b: {  	s6 =	simm.s32 $0x0;
	s9 =	rddreg [dreg:$0x6]  }
0x1c: {  	[tilespmem:s6], [sflag:$0x3] =	stream.linear.gather [hbm4b:s9+s6], $0x2800, $0x38;
	[tilespmem:$0x1A600] =	vst v63  }
0x1d: {  	_ =	swait.ge [sflag:s21], $0x2800  }
0x1e: {  	[sflag:s21] =	ssyncset.done $0x0  }
0x1f: {  	s10 =	rddreg [dreg:$0x7];
	[sflag:s21] =	ssyncadd.s32 $0xFFFFD800  }
0x20: {  	[spmem:s23@s17], [sflag:s22] =	dma.strided [hbm:s10@s26], $0x13C0, s24, $0x8   }
0x21: {  	_ =	swait.ge [sflag:s21], $0x13C0  }
0x22: {  	[sflag:s21] =	ssyncset.done $0x0;
	s11 =	rddreg [dreg:$0x8]  }
0x23: {  	[sflag:s21] =	ssyncadd.s32 $0xFFFFEC40;
	s9 =	sshrl.u32 s11, $0x3  }
0x24: {  	[spmem:s9], [sflag:s22] =	dma.local [hbm:s5], $0x280  }
0x25: {  	_ =	swait.ge [sflag:s21], $0x280  }
0x26: {  	[sflag:s21] =	ssyncset.done $0x0;
	s12 =	rddreg [dreg:$0x9]  }
0x27: {  	[sflag:s21] =	ssyncadd.s32 $0xFFFFFD80;
	s10 =	sshrl.u32 s12, $0x3  }
0x28: {  	[spmem:s10], [sflag:s22] =	dma.local [hbm:s5], $0x280  }
0x29: {  	_ =	swait.ge [sflag:s21], $0x280  }
0x2a: {  	[sflag:s21] =	ssyncset.done $0x0;
	s13 =	rddreg [dreg:$0xa]  }
0x2b: {  	[sflag:s21] =	ssyncadd.s32 $0xFFFFFD80;
	s11 =	sshrl.u32 s13, $0x3  }
0x2c: {  	[spmem:s11], [sflag:s22] =	dma.local [hbm:s5], $0x280  }
0x2d: {  	_ =	swait.ge [sflag:s21], $0x280  }
0x2e: {  	[sflag:s21] =	ssyncset.done $0x0;
	s14 =	rddreg [dreg:$0xb]  }
0x2f: {  	[sflag:s21] =	ssyncadd.s32 $0xFFFFFD80;
	s12 =	sshrl.u32 s14, $0x3  }
0x30: {  	[spmem:s12], [sflag:s22] =	dma.local [hbm:s5], $0x280  }
0x31: {  	_ =	swait.ge [sflag:s21], $0x280  }
0x32: {  	[sflag:s21] =	ssyncset.done $0x0;
	s15 =	rddreg [dreg:$0xc]  }
0x33: {  	[sflag:s21] =	ssyncadd.s32 $0xFFFFFD80;
	s13 =	sshrl.u32 s15, $0x3  }
0x34: {  	[spmem:s13], [sflag:s22] =	dma.local [hbm:s5], $0x280  }
0x35: {  	_ =	swait.ge [sflag:s21], $0x280  }
0x36: {  	[sflag:s21] =	ssyncset.done $0x0;
	s16 =	rddreg [dreg:$0xd]  }
0x37: {  	[sflag:s21] =	ssyncadd.s32 $0xFFFFFD80;
	s14 =	sshrl.u32 s16, $0x3  }
0x38: {  	[spmem:s14], [sflag:s22] =	dma.local [hbm:s5], $0x280  }
0x39: {  	_ =	swait.ge [sflag:s21], $0x280  }
0x3a: {  	[sflag:s21] =	ssyncset.done $0x0;
	s17 =	rddreg [dreg:$0xe]  }
0x3b: {  	[sflag:s21] =	ssyncadd.s32 $0xFFFFFD80;
	s29 =	sshrl.u32 s17, $0x3  }
0x3c: {  	[spmem:s29], [sflag:s22] =	dma.local [hbm:s5], $0x280  }
0x3d: {  	_ =	swait.ge [sflag:s21], $0x280  }
0x3e: {  	[sflag:s21] =	ssyncset.done $0x0;
	s19 =	rddreg [dreg:$0xf]  }
0x3f: {  	[sflag:s21] =	ssyncadd.s32 $0xFFFFFD80;
	s15 =	sshrl.u32 s19, $0x3  }
0x40: {  	[spmem:s15], [sflag:s22] =	dma.local [hbm:s5], $0x240  }
0x41: {  	_ =	swait.ge [sflag:s21], $0x240  }
0x42: {  	[sflag:s21] =	ssyncset.done $0x0  }
0x43: {  	[sflag:s21] =	ssyncadd.s32 $0xFFFFFDC0  }
0x44: {  	[bflag:$0x0] =	sbarrier.arrive $0xFFFF  }
0x45: {  	v0 =	vld [tilespmem:$0x0];
	_ =	sdelay $0x1  }
0x46: {  	v1 =	vld [tilespmem:$0x10];
	_ =	sdelay $0x1  }
0x47: {  	v2 =	vld [tilespmem:$0x20]  }
0x48: {  	v3 =	vand.u32 $0xFFFF, v0  }
0x49: {  	v0 =	vshrl.u32 v0, $0x10;
	[tilespmem:$0x2800] =	vst v3;
	v3 =	vld [tilespmem:$0x30]  }
0x4a: {  	[tilespmem:$0x2900] =	vst v0;
	v0 =	vand.u32 $0xFFFF, v1  }
0x4b: {  	[tilespmem:$0x2810] =	vst v0;
	v0 =	vshrl.u32 v1, $0x10;
	v1 =	vld [tilespmem:$0x40]  }
0x4c: {  	[tilespmem:$0x2910] =	vst v0;
	v0 =	vand.u32 $0xFFFF, v2  }
0x4d: {  	[tilespmem:$0x2820] =	vst v0;
	v0 =	vshrl.u32 v2, $0x10;
	v2 =	vld [tilespmem:$0x50]  }
0x4e: {  	[tilespmem:$0x2920] =	vst v0;
	v0 =	vand.u32 $0xFFFF, v3  }
0x4f: {  	[tilespmem:$0x2830] =	vst v0;
	v0 =	vshrl.u32 v3, $0x10;
	v3 =	vld [tilespmem:$0x60]  }
0x50: {  	[tilespmem:$0x2930] =	vst v0;
	v0 =	vand.u32 $0xFFFF, v1  }
0x51: {  	[tilespmem:$0x2840] =	vst v0;
	v0 =	vshrl.u32 v1, $0x10;
	v1 =	vld [tilespmem:$0x70]  }
0x52: {  	[tilespmem:$0x2940] =	vst v0;
	v0 =	vand.u32 $0xFFFF, v2  }
0x53: {  	[tilespmem:$0x2850] =	vst v0;
	v0 =	vshrl.u32 v2, $0x10  }
0x54: {  	[tilespmem:$0x2950] =	vst v0;
	v0 =	vand.u32 $0xFFFF, v3  }
0x55: {  	[tilespmem:$0x2860] =	vst v0;
	v0 =	vshrl.u32 v3, $0x10  }
0x56: {  	[tilespmem:$0x2960] =	vst v0;
	v0 =	vand.u32 $0xFFFF, v1  }
0x57: {  	[tilespmem:$0x2870] =	vst v0;
	v0 =	vshrl.u32 v1, $0x10  }
0x58: {  	s20 =	simm.s32 $0x0;
	[tilespmem:$0x2970] =	vst v0  }
0x59: {  	[tilespmem:s30], [sflag:$0x1] =	stream.indirect.gather [spmem:s1], $0x40, s18, s28, $0xb8;
	[tilespmem:$0x1A600] =	vst v63  }
0x5a: {  	v0 =	vld [tilespmem:s20+$0x80];
	_ =	sdelay $0x4  }
0x5b: {  	v1 =	vand.u32 $0xFFFF, v0  }
0x5c: {  	v0 =	vshrl.u32 v0, $0x10;
	[tilespmem:$0x2880] =	vst v1  }
0x5d: {  	[tilespmem:$0x2980] =	vst v0  }
0x5e: {  	v0 =	vld [tilespmem:s20+$0x90];
	_ =	sdelay $0x4  }
0x5f: {  	v1 =	vand.u32 $0xFFFF, v0  }
0x60: {  	v0 =	vshrl.u32 v0, $0x10;
	[tilespmem:$0x2890] =	vst v1  }
0x61: {  	[tilespmem:$0x2990] =	vst v0  }
0x62: {  	v0 =	vld [tilespmem:s20+$0xA0];
	_ =	sdelay $0x4  }
0x63: {  	v1 =	vand.u32 $0xFFFF, v0  }
0x64: {  	v0 =	vshrl.u32 v0, $0x10;
	[tilespmem:$0x28A0] =	vst v1  }
0x65: {  	[tilespmem:$0x29A0] =	vst v0  }
0x66: {  	v0 =	vld [tilespmem:s20+$0xB0];
	_ =	sdelay $0x4  }
0x67: {  	v1 =	vand.u32 $0xFFFF, v0  }
0x68: {  	v0 =	vshrl.u32 v0, $0x10;
	[tilespmem:$0x28B0] =	vst v1  }
0x69: {  	[tilespmem:$0x29B0] =	vst v0  }
0x6a: {  	v0 =	vld [tilespmem:s20+$0xC0];
	_ =	sdelay $0x4  }
0x6b: {  	v1 =	vand.u32 $0xFFFF, v0  }
0x6c: {  	v0 =	vshrl.u32 v0, $0x10;
	[tilespmem:$0x28C0] =	vst v1  }
0x6d: {  	[tilespmem:$0x29C0] =	vst v0  }
0x6e: {  	v0 =	vld [tilespmem:s20+$0xD0];
	_ =	sdelay $0x4  }
0x6f: {  	v1 =	vand.u32 $0xFFFF, v0  }
0x70: {  	v0 =	vshrl.u32 v0, $0x10;
	[tilespmem:$0x28D0] =	vst v1  }
0x71: {  	[tilespmem:$0x29D0] =	vst v0  }
0x72: {  	v0 =	vld [tilespmem:s20+$0xE0];
	_ =	sdelay $0x4  }
0x73: {  	v1 =	vand.u32 $0xFFFF, v0  }
0x74: {  	v0 =	vshrl.u32 v0, $0x10;
	[tilespmem:$0x28E0] =	vst v1  }
0x75: {  	[tilespmem:$0x29E0] =	vst v0  }
0x76: {  	v0 =	vld [tilespmem:s20+$0xF0];
	_ =	sdelay $0x4  }
0x77: {  	v1 =	vand.u32 $0xFFFF, v0  }
0x78: {  	v0 =	vshrl.u32 v0, $0x10;
	[tilespmem:$0x28F0] =	vst v1  }
0x79: {  	[tilespmem:$0x29F0] =	vst v0  }
0x7a: {  	[tilespmem:s0], [sflag:$0x2] =	stream.indirect.gather [spmem:s1], $0x40, s31, s28, $0xb8;
	[tilespmem:$0x1A600] =	vst v63  }
0x7b: {  	_ =	swait.ge [sflag:s24], $0x2000  }
0x7c: {  	[sflag:s24] =	ssyncset.done $0x0  }
0x7d: {  	[sflag:s24] =	ssyncadd.s32 $0xFFFFE000  }
0x7e: {  	[spmem:s2] =	stream.indirect.scatter.add.f32 [tilespmem:s30], [sflag:$0x3], $0x40, s3, s28, $0xb8;
	[tilespmem:$0x1A600] =	vst v63  }
0x7f: {  	_ =	swait.ge [sflag:s21], $0x2000  }
0x80: {  	p1 =	por $0x0, $0x0;
	[sflag:s21] =	ssyncset.done $0x0  }
0x81: {  	s19 =	simm.s32 @!p1 $0x0;
	[sflag:s21] =	ssyncadd.s32 $0xFFFFE000  }
0x82: {  	v0 =	vld @!p1 [tilespmem:s19+$0x100];
	_ =	sdelay $0x4  }
0x83: {  	v1 =	vand.u32 @!p1 $0xFFFF, v0  }
0x84: {  	v0 =	vshrl.u32 @!p1 v0, $0x10;
	[tilespmem:$0x2800] =	vst @!p1 v1  }
0x85: {  	[tilespmem:$0x2900] =	vst @!p1 v0  }
0x86: {  	v0 =	vld @!p1 [tilespmem:s19+$0x110];
	_ =	sdelay $0x4  }
0x87: {  	v1 =	vand.u32 @!p1 $0xFFFF, v0  }
0x88: {  	v0 =	vshrl.u32 @!p1 v0, $0x10;
	[tilespmem:$0x2810] =	vst @!p1 v1  }
0x89: {  	[tilespmem:$0x2910] =	vst @!p1 v0  }
0x8a: {  	v0 =	vld @!p1 [tilespmem:s19+$0x120];
	_ =	sdelay $0x4  }
0x8b: {  	v1 =	vand.u32 @!p1 $0xFFFF, v0  }
0x8c: {  	v0 =	vshrl.u32 @!p1 v0, $0x10;
	[tilespmem:$0x2820] =	vst @!p1 v1  }
0x8d: {  	[tilespmem:$0x2920] =	vst @!p1 v0  }
0x8e: {  	v0 =	vld @!p1 [tilespmem:s19+$0x130];
	_ =	sdelay $0x4  }
0x8f: {  	v1 =	vand.u32 @!p1 $0xFFFF, v0  }
0x90: {  	v0 =	vshrl.u32 @!p1 v0, $0x10;
	[tilespmem:$0x2830] =	vst @!p1 v1  }
0x91: {  	[tilespmem:$0x2930] =	vst @!p1 v0  }
0x92: {  	v0 =	vld @!p1 [tilespmem:s19+$0x140];
	_ =	sdelay $0x4  }
0x93: {  	v1 =	vand.u32 @!p1 $0xFFFF, v0  }
0x94: {  	v0 =	vshrl.u32 @!p1 v0, $0x10;
	[tilespmem:$0x2840] =	vst @!p1 v1  }
0x95: {  	[tilespmem:$0x2940] =	vst @!p1 v0  }
0x96: {  	v0 =	vld @!p1 [tilespmem:s19+$0x150];
	_ =	sdelay $0x4  }
0x97: {  	v1 =	vand.u32 @!p1 $0xFFFF, v0  }
0x98: {  	v0 =	vshrl.u32 @!p1 v0, $0x10;
	[tilespmem:$0x2850] =	vst @!p1 v1  }
0x99: {  	[tilespmem:$0x2950] =	vst @!p1 v0  }
0x9a: {  	v0 =	vld @!p1 [tilespmem:s19+$0x160];
	_ =	sdelay $0x4  }
0x9b: {  	s6 =	simm.s32 @!p1 $0x2800;
	v1 =	vand.u32 @!p1 $0xFFFF, v0  }
0x9c: {  	s16 =	simm.s32 $0x400;
	s17 =	simm.s32 @!p1 $0x2A00;
	s18 =	simm.s32 @!p1 $0x80;
	v0 =	vshrl.u32 @!p1 v0, $0x10;
	[tilespmem:$0x2860] =	vst @!p1 v1  }
.LBB2_2:
0x9d: {  	[tilespmem:$0x2960] =	vst @!p1 v0;
	s20 =	smov.u32 s16;
	s16 =	sadd.s32 $0x400, s16  }
0x9e: {  	p0 =	sne.s32 s16, $0xA000;
	v0 =	vld @!p1 [tilespmem:s19+$0x170];
	_ =	sdelay $0x4  }
0x9f: {  	v1 =	vand.u32 @!p1 $0xFFFF, v0;
	v0 =	vshrl.u32 @!p1 v0, $0x10  }
0xa0: {  	[tilespmem:$0x2870] =	vst @!p1 v1  }
0xa1: {  	[tilespmem:$0x2970] =	vst @!p1 v0  }
0xa2: {  	[tilespmem:s17], [sflag:$0x1] =	stream.indirect.gather @!p1 [spmem:s1], $0x40, s6, s18, $0xb8;
	[tilespmem:$0x1A600] =	vst v63  }
0xa3: {  	_ =	swait.ge [sflag:s4], $0x2000  }
0xa4: {  	[sflag:s4] =	ssyncset.done $0x0  }
0xa5: {  	[sflag:s4] =	ssyncadd.s32 $0xFFFFE000  }
0xa6: {  	[spmem:s2] =	stream.indirect.scatter.add.f32 [tilespmem:s0], [sflag:$0x3], $0x40, s7, s28, $0xb8;
	[tilespmem:$0x1A600] =	vst v63  }
0xa7: {  	_ =	swait.ge [sflag:s21], $0x2000  }
0xa8: {  	[sflag:s21] =	ssyncset.done $0x0  }
0xa9: {  	s19 =	sshra.s32 s20, $0x2;
	[sflag:s21] =	ssyncadd.s32 $0xFFFFE000  }
0xaa: {  	v0 =	vld [tilespmem:s19+$0x80];
	_ =	sdelay $0x4  }
0xab: {  	v1 =	vand.u32 $0xFFFF, v0;
	v0 =	vshrl.u32 v0, $0x10  }
0xac: {  	[tilespmem:$0x2880] =	vst v1  }
0xad: {  	[tilespmem:$0x2980] =	vst v0  }
0xae: {  	v0 =	vld [tilespmem:s19+$0x90];
	_ =	sdelay $0x4  }
0xaf: {  	v1 =	vand.u32 $0xFFFF, v0;
	v0 =	vshrl.u32 v0, $0x10  }
0xb0: {  	[tilespmem:$0x2890] =	vst v1  }
0xb1: {  	[tilespmem:$0x2990] =	vst v0  }
0xb2: {  	v0 =	vld [tilespmem:s19+$0xA0];
	_ =	sdelay $0x4  }
0xb3: {  	v1 =	vand.u32 $0xFFFF, v0;
	v0 =	vshrl.u32 v0, $0x10  }
0xb4: {  	[tilespmem:$0x28A0] =	vst v1  }
0xb5: {  	[tilespmem:$0x29A0] =	vst v0  }
0xb6: {  	v0 =	vld [tilespmem:s19+$0xB0];
	_ =	sdelay $0x4  }
0xb7: {  	v1 =	vand.u32 $0xFFFF, v0;
	v0 =	vshrl.u32 v0, $0x10  }
0xb8: {  	[tilespmem:$0x28B0] =	vst v1  }
0xb9: {  	[tilespmem:$0x29B0] =	vst v0  }
0xba: {  	v0 =	vld [tilespmem:s19+$0xC0];
	_ =	sdelay $0x4  }
0xbb: {  	v1 =	vand.u32 $0xFFFF, v0;
	v0 =	vshrl.u32 v0, $0x10  }
0xbc: {  	[tilespmem:$0x28C0] =	vst v1  }
0xbd: {  	[tilespmem:$0x29C0] =	vst v0  }
0xbe: {  	v0 =	vld [tilespmem:s19+$0xD0];
	_ =	sdelay $0x4  }
0xbf: {  	v1 =	vand.u32 $0xFFFF, v0;
	v0 =	vshrl.u32 v0, $0x10  }
0xc0: {  	[tilespmem:$0x28D0] =	vst v1  }
0xc1: {  	[tilespmem:$0x29D0] =	vst v0  }
0xc2: {  	v0 =	vld [tilespmem:s19+$0xE0];
	_ =	sdelay $0x4  }
0xc3: {  	v1 =	vand.u32 $0xFFFF, v0;
	v0 =	vshrl.u32 v0, $0x10  }
0xc4: {  	[tilespmem:$0x28E0] =	vst v1  }
0xc5: {  	[tilespmem:$0x29E0] =	vst v0  }
0xc6: {  	v0 =	vld [tilespmem:s19+$0xF0];
	_ =	sdelay $0x4  }
0xc7: {  	v1 =	vand.u32 $0xFFFF, v0;
	v0 =	vshrl.u32 v0, $0x10  }
0xc8: {  	p1 =	seq.s32 s20, $0x9C00;
	[tilespmem:$0x28F0] =	vst v1  }
0xc9: {  	s19 =	sshra.s32 @!p1 s20, $0x2;
	[tilespmem:$0x29F0] =	vst v0  }
0xca: {  	[tilespmem:s0], [sflag:$0x2] =	stream.indirect.gather [spmem:s1], $0x40, s31, s28, $0xb8;
	[tilespmem:$0x1A600] =	vst v63  }
0xcb: {  	_ =	swait.ge [sflag:s24], $0x2000  }
0xcc: {  	[sflag:s24] =	ssyncset.done $0x0  }
0xcd: {  	[sflag:s24] =	ssyncadd.s32 $0xFFFFE000  }
0xce: {  	[spmem:s2] =	stream.indirect.scatter.add.f32 [tilespmem:s30], [sflag:$0x3], $0x40, s3, s28, $0xb8;
	[tilespmem:$0x1A600] =	vst v63  }
0xcf: {  	_ =	swait.ge [sflag:s21], $0x2000  }
0xd0: {  	[sflag:s21] =	ssyncset.done $0x0  }
0xd1: {  	[sflag:s21] =	ssyncadd.s32 $0xFFFFE000  }
0xd2: {  	v0 =	vld @!p1 [tilespmem:s19+$0x100];
	_ =	sdelay $0x4  }
0xd3: {  	v1 =	vand.u32 @!p1 $0xFFFF, v0;
	v0 =	vshrl.u32 @!p1 v0, $0x10  }
0xd4: {  	[tilespmem:$0x2800] =	vst @!p1 v1  }
0xd5: {  	[tilespmem:$0x2900] =	vst @!p1 v0  }
0xd6: {  	v0 =	vld @!p1 [tilespmem:s19+$0x110];
	_ =	sdelay $0x4  }
0xd7: {  	v1 =	vand.u32 @!p1 $0xFFFF, v0;
	v0 =	vshrl.u32 @!p1 v0, $0x10  }
0xd8: {  	[tilespmem:$0x2810] =	vst @!p1 v1  }
0xd9: {  	[tilespmem:$0x2910] =	vst @!p1 v0  }
0xda: {  	v0 =	vld @!p1 [tilespmem:s19+$0x120];
	_ =	sdelay $0x4  }
0xdb: {  	v1 =	vand.u32 @!p1 $0xFFFF, v0;
	v0 =	vshrl.u32 @!p1 v0, $0x10  }
0xdc: {  	[tilespmem:$0x2820] =	vst @!p1 v1  }
0xdd: {  	[tilespmem:$0x2920] =	vst @!p1 v0  }
0xde: {  	v0 =	vld @!p1 [tilespmem:s19+$0x130];
	_ =	sdelay $0x4  }
0xdf: {  	v1 =	vand.u32 @!p1 $0xFFFF, v0;
	v0 =	vshrl.u32 @!p1 v0, $0x10  }
0xe0: {  	[tilespmem:$0x2830] =	vst @!p1 v1  }
0xe1: {  	[tilespmem:$0x2930] =	vst @!p1 v0  }
0xe2: {  	v0 =	vld @!p1 [tilespmem:s19+$0x140];
	_ =	sdelay $0x4  }
0xe3: {  	v1 =	vand.u32 @!p1 $0xFFFF, v0;
	v0 =	vshrl.u32 @!p1 v0, $0x10  }
0xe4: {  	[tilespmem:$0x2840] =	vst @!p1 v1  }
0xe5: {  	[tilespmem:$0x2940] =	vst @!p1 v0  }
0xe6: {  	v0 =	vld @!p1 [tilespmem:s19+$0x150];
	_ =	sdelay $0x4  }
0xe7: {  	v1 =	vand.u32 @!p1 $0xFFFF, v0;
	v0 =	vshrl.u32 @!p1 v0, $0x10  }
0xe8: {  	[tilespmem:$0x2850] =	vst @!p1 v1  }
0xe9: {  	s18 =	simm.s32 @!p1 $0x80;
	s6 =	simm.s32 @!p1 $0x2800;
	s17 =	simm.s32 @!p1 $0x2A00;
	[tilespmem:$0x2950] =	vst @!p1 v0  }
0xea: {  	v0 =	vld @!p1 [tilespmem:s19+$0x160];
	_ =	sdelay $0x1  }
.Ltmp0:
0xeb: {  	(pc) =	sbr.rel @p0 .LBB2_2-.Ltmp0, $3  }
0xec: {  	_ =	sdelay $0x1  }
0xed: {  	v1 =	vand.u32 @!p1 $0xFFFF, v0;
	v0 =	vshrl.u32 @!p1 v0, $0x10  }
0xee: {  	[tilespmem:$0x2860] =	vst @!p1 v1  }
0xef: {  	[tilespmem:$0x2960] =	vst @!p1 v0  }
0xf0: {  	v0 =	vld @!p1 [tilespmem:s19+$0x170];
	_ =	sdelay $0x4  }
0xf1: {  	v1 =	vand.u32 @!p1 $0xFFFF, v0  }
0xf2: {  	v0 =	vshrl.u32 @!p1 v0, $0x10;
	[tilespmem:$0x2870] =	vst @!p1 v1  }
0xf3: {  	[tilespmem:$0x2970] =	vst @!p1 v0  }
0xf4: {  	[tilespmem:s17], [sflag:$0x1] =	stream.indirect.gather @!p1 [spmem:s1], $0x40, s6, s18, $0xb8;
	[tilespmem:$0x1A600] =	vst v63  }
0xf5: {  	_ =	swait.ge [sflag:s4], $0x2000  }
0xf6: {  	[sflag:s4] =	ssyncset.done $0x0  }
0xf7: {  	[sflag:s4] =	ssyncadd.s32 $0xFFFFE000  }
0xf8: {  	[spmem:s2] =	stream.indirect.scatter.add.f32 [tilespmem:s0], [sflag:$0x3], $0x40, s7, s28, $0xb8;
	[tilespmem:$0x1A600] =	vst v63  }
0xf9: {  	_ =	swait.ge [sflag:s21], $0x2000  }
0xfa: {  	[sflag:s21] =	ssyncset.done $0x0  }
0xfb: {  	[sflag:s21] =	ssyncadd.s32 $0xFFFFE000  }
0xfc: {  	[bflag:$0x0] =	sbarrier.arrive $0xFFFF  }
0xfd: {  	s19 =	rddreg [dreg:$0x5]  }
0xfe: {  	s17 =	simm.s32 $0x8;
	s6 =	sadd.s32 s19, s25  }
0xff: {  	[hbm:s6@s26], [sflag:s22] =	dma.strided [spmem:s9@s17], $0x13C0, s24, $0x8   }
0x100: {  	_ =	swait.ge [sflag:s21], $0x13C0  }
0x101: {  	[sflag:s21] =	ssyncset.done $0x0  }
0x102: {  	s20 =	rddreg [dreg:$0x11];
	[sflag:s21] =	ssyncadd.s32 $0xFFFFEC40  }
0x103: {  	[spmem:s23@s17], [sflag:s22] =	dma.strided [hbm:s20@s26], $0x13C0, s24, $0x8   }
0x104: {  	_ =	swait.ge [sflag:s21], $0x13C0  }
0x105: {  	[sflag:s21] =	ssyncset.done $0x0  }
0x106: {  	[sflag:s21] =	ssyncadd.s32 $0xFFFFEC40  }
0x107: {  	[spmem:s9], [sflag:s22] =	dma.local [hbm:s5], $0x280  }
0x108: {  	_ =	swait.ge [sflag:s21], $0x280  }
0x109: {  	[sflag:s21] =	ssyncset.done $0x0  }
0x10a: {  	[sflag:s21] =	ssyncadd.s32 $0xFFFFFD80  }
0x10b: {  	[spmem:s10], [sflag:s22] =	dma.local [hbm:s5], $0x280  }
0x10c: {  	_ =	swait.ge [sflag:s21], $0x280  }
0x10d: {  	[sflag:s21] =	ssyncset.done $0x0  }
0x10e: {  	[sflag:s21] =	ssyncadd.s32 $0xFFFFFD80  }
0x10f: {  	[spmem:s11], [sflag:s22] =	dma.local [hbm:s5], $0x280  }
0x110: {  	_ =	swait.ge [sflag:s21], $0x280  }
0x111: {  	[sflag:s21] =	ssyncset.done $0x0  }
0x112: {  	[sflag:s21] =	ssyncadd.s32 $0xFFFFFD80  }
0x113: {  	[spmem:s12], [sflag:s22] =	dma.local [hbm:s5], $0x280  }
0x114: {  	_ =	swait.ge [sflag:s21], $0x280  }
0x115: {  	[sflag:s21] =	ssyncset.done $0x0  }
0x116: {  	[sflag:s21] =	ssyncadd.s32 $0xFFFFFD80  }
0x117: {  	[spmem:s13], [sflag:s22] =	dma.local [hbm:s5], $0x280  }
0x118: {  	_ =	swait.ge [sflag:s21], $0x280  }
0x119: {  	[sflag:s21] =	ssyncset.done $0x0  }
0x11a: {  	[sflag:s21] =	ssyncadd.s32 $0xFFFFFD80  }
0x11b: {  	[spmem:s14], [sflag:s22] =	dma.local [hbm:s5], $0x280  }
0x11c: {  	_ =	swait.ge [sflag:s21], $0x280  }
0x11d: {  	[sflag:s21] =	ssyncset.done $0x0  }
0x11e: {  	[sflag:s21] =	ssyncadd.s32 $0xFFFFFD80  }
0x11f: {  	[spmem:s29], [sflag:s22] =	dma.local [hbm:s5], $0x280  }
0x120: {  	_ =	swait.ge [sflag:s21], $0x280  }
0x121: {  	[sflag:s21] =	ssyncset.done $0x0  }
0x122: {  	[sflag:s21] =	ssyncadd.s32 $0xFFFFFD80  }
0x123: {  	[spmem:s15], [sflag:s22] =	dma.local [hbm:s5], $0x240  }
0x124: {  	_ =	swait.ge [sflag:s21], $0x240  }
0x125: {  	[sflag:s21] =	ssyncset.done $0x0  }
0x126: {  	[sflag:s21] =	ssyncadd.s32 $0xFFFFFDC0  }
0x127: {  	[bflag:$0x0] =	sbarrier.arrive $0xFFFF  }
0x128: {  	v0 =	vld [tilespmem:$0x0];
	_ =	sdelay $0x1  }
0x129: {  	v1 =	vld [tilespmem:$0x10];
	_ =	sdelay $0x1  }
0x12a: {  	v2 =	vld [tilespmem:$0x20]  }
0x12b: {  	v3 =	vand.u32 $0xFFFF, v0  }
0x12c: {  	v0 =	vshrl.u32 v0, $0x10;
	[tilespmem:$0x2800] =	vst v3;
	v3 =	vld [tilespmem:$0x30]  }
0x12d: {  	[tilespmem:$0x2900] =	vst v0;
	v0 =	vand.u32 $0xFFFF, v1  }
0x12e: {  	[tilespmem:$0x2810] =	vst v0;
	v0 =	vshrl.u32 v1, $0x10;
	v1 =	vld [tilespmem:$0x40]  }
0x12f: {  	[tilespmem:$0x2910] =	vst v0;
	v0 =	vand.u32 $0xFFFF, v2  }
0x130: {  	[tilespmem:$0x2820] =	vst v0;
	v0 =	vshrl.u32 v2, $0x10;
	v2 =	vld [tilespmem:$0x50]  }
0x131: {  	[tilespmem:$0x2920] =	vst v0;
	v0 =	vand.u32 $0xFFFF, v3  }
0x132: {  	[tilespmem:$0x2830] =	vst v0;
	v0 =	vshrl.u32 v3, $0x10;
	v3 =	vld [tilespmem:$0x60]  }
0x133: {  	[tilespmem:$0x2930] =	vst v0;
	v0 =	vand.u32 $0xFFFF, v1  }
0x134: {  	[tilespmem:$0x2840] =	vst v0;
	v0 =	vshrl.u32 v1, $0x10;
	v1 =	vld [tilespmem:$0x70]  }
0x135: {  	[tilespmem:$0x2940] =	vst v0;
	v0 =	vand.u32 $0xFFFF, v2  }
0x136: {  	[tilespmem:$0x2850] =	vst v0;
	v0 =	vshrl.u32 v2, $0x10  }
0x137: {  	[tilespmem:$0x2950] =	vst v0;
	v0 =	vand.u32 $0xFFFF, v3  }
0x138: {  	[tilespmem:$0x2860] =	vst v0;
	v0 =	vshrl.u32 v3, $0x10  }
0x139: {  	[tilespmem:$0x2960] =	vst v0;
	v0 =	vand.u32 $0xFFFF, v1  }
0x13a: {  	[tilespmem:$0x2870] =	vst v0;
	v0 =	vshrl.u32 v1, $0x10  }
0x13b: {  	s18 =	simm.s32 $0x2800;
	s29 =	simm.s32 $0x0;
	[tilespmem:$0x2970] =	vst v0  }
0x13c: {  	[tilespmem:s30], [sflag:$0x1] =	stream.indirect.gather [spmem:s1], $0x40, s18, s28, $0xb8;
	[tilespmem:$0x1A600] =	vst v63  }
0x13d: {  	v0 =	vld [tilespmem:s29+$0x80];
	_ =	sdelay $0x4  }
0x13e: {  	v1 =	vand.u32 $0xFFFF, v0  }
0x13f: {  	v0 =	vshrl.u32 v0, $0x10;
	[tilespmem:$0x2880] =	vst v1  }
0x140: {  	[tilespmem:$0x2980] =	vst v0  }
0x141: {  	v0 =	vld [tilespmem:s29+$0x90];
	_ =	sdelay $0x4  }
0x142: {  	v1 =	vand.u32 $0xFFFF, v0  }
0x143: {  	v0 =	vshrl.u32 v0, $0x10;
	[tilespmem:$0x2890] =	vst v1  }
0x144: {  	[tilespmem:$0x2990] =	vst v0  }
0x145: {  	v0 =	vld [tilespmem:s29+$0xA0];
	_ =	sdelay $0x4  }
0x146: {  	v1 =	vand.u32 $0xFFFF, v0  }
0x147: {  	v0 =	vshrl.u32 v0, $0x10;
	[tilespmem:$0x28A0] =	vst v1  }
0x148: {  	[tilespmem:$0x29A0] =	vst v0  }
0x149: {  	v0 =	vld [tilespmem:s29+$0xB0];
	_ =	sdelay $0x4  }
0x14a: {  	v1 =	vand.u32 $0xFFFF, v0  }
0x14b: {  	v0 =	vshrl.u32 v0, $0x10;
	[tilespmem:$0x28B0] =	vst v1  }
0x14c: {  	[tilespmem:$0x29B0] =	vst v0  }
0x14d: {  	v0 =	vld [tilespmem:s29+$0xC0];
	_ =	sdelay $0x4  }
0x14e: {  	v1 =	vand.u32 $0xFFFF, v0  }
0x14f: {  	v0 =	vshrl.u32 v0, $0x10;
	[tilespmem:$0x28C0] =	vst v1  }
0x150: {  	[tilespmem:$0x29C0] =	vst v0  }
0x151: {  	v0 =	vld [tilespmem:s29+$0xD0];
	_ =	sdelay $0x4  }
0x152: {  	v1 =	vand.u32 $0xFFFF, v0  }
0x153: {  	v0 =	vshrl.u32 v0, $0x10;
	[tilespmem:$0x28D0] =	vst v1  }
0x154: {  	[tilespmem:$0x29D0] =	vst v0  }
0x155: {  	v0 =	vld [tilespmem:s29+$0xE0];
	_ =	sdelay $0x4  }
0x156: {  	v1 =	vand.u32 $0xFFFF, v0  }
0x157: {  	v0 =	vshrl.u32 v0, $0x10;
	[tilespmem:$0x28E0] =	vst v1  }
0x158: {  	[tilespmem:$0x29E0] =	vst v0  }
0x159: {  	v0 =	vld [tilespmem:s29+$0xF0];
	_ =	sdelay $0x4  }
0x15a: {  	v1 =	vand.u32 $0xFFFF, v0  }
0x15b: {  	v0 =	vshrl.u32 v0, $0x10;
	[tilespmem:$0x28F0] =	vst v1  }
0x15c: {  	[tilespmem:$0x29F0] =	vst v0  }
0x15d: {  	[tilespmem:s0], [sflag:$0x2] =	stream.indirect.gather [spmem:s1], $0x40, s31, s28, $0xb8;
	[tilespmem:$0x1A600] =	vst v63  }
0x15e: {  	_ =	swait.ge [sflag:s24], $0x2000  }
0x15f: {  	[sflag:s24] =	ssyncset.done $0x0  }
0x160: {  	[sflag:s24] =	ssyncadd.s32 $0xFFFFE000  }
0x161: {  	[spmem:s2] =	stream.indirect.scatter.add.f32 [tilespmem:s30], [sflag:$0x3], $0x40, s3, s28, $0xb8;
	[tilespmem:$0x1A600] =	vst v63  }
0x162: {  	_ =	swait.ge [sflag:s21], $0x2000  }
0x163: {  	p1 =	por $0x0, $0x0;
	[sflag:s21] =	ssyncset.done $0x0  }
0x164: {  	s11 =	simm.s32 @!p1 $0x0;
	[sflag:s21] =	ssyncadd.s32 $0xFFFFE000  }
0x165: {  	v0 =	vld @!p1 [tilespmem:s11+$0x100];
	_ =	sdelay $0x4  }
0x166: {  	v1 =	vand.u32 @!p1 $0xFFFF, v0  }
0x167: {  	v0 =	vshrl.u32 @!p1 v0, $0x10;
	[tilespmem:$0x2800] =	vst @!p1 v1  }
0x168: {  	[tilespmem:$0x2900] =	vst @!p1 v0  }
0x169: {  	v0 =	vld @!p1 [tilespmem:s11+$0x110];
	_ =	sdelay $0x4  }
0x16a: {  	v1 =	vand.u32 @!p1 $0xFFFF, v0  }
0x16b: {  	v0 =	vshrl.u32 @!p1 v0, $0x10;
	[tilespmem:$0x2810] =	vst @!p1 v1  }
0x16c: {  	[tilespmem:$0x2910] =	vst @!p1 v0  }
0x16d: {  	v0 =	vld @!p1 [tilespmem:s11+$0x120];
	_ =	sdelay $0x4  }
0x16e: {  	v1 =	vand.u32 @!p1 $0xFFFF, v0  }
0x16f: {  	v0 =	vshrl.u32 @!p1 v0, $0x10;
	[tilespmem:$0x2820] =	vst @!p1 v1  }
0x170: {  	[tilespmem:$0x2920] =	vst @!p1 v0  }
0x171: {  	v0 =	vld @!p1 [tilespmem:s11+$0x130];
	_ =	sdelay $0x4  }
0x172: {  	v1 =	vand.u32 @!p1 $0xFFFF, v0  }
0x173: {  	v0 =	vshrl.u32 @!p1 v0, $0x10;
	[tilespmem:$0x2830] =	vst @!p1 v1  }
0x174: {  	[tilespmem:$0x2930] =	vst @!p1 v0  }
0x175: {  	v0 =	vld @!p1 [tilespmem:s11+$0x140];
	_ =	sdelay $0x4  }
0x176: {  	v1 =	vand.u32 @!p1 $0xFFFF, v0  }
0x177: {  	v0 =	vshrl.u32 @!p1 v0, $0x10;
	[tilespmem:$0x2840] =	vst @!p1 v1  }
0x178: {  	[tilespmem:$0x2940] =	vst @!p1 v0  }
0x179: {  	v0 =	vld @!p1 [tilespmem:s11+$0x150];
	_ =	sdelay $0x4  }
0x17a: {  	v1 =	vand.u32 @!p1 $0xFFFF, v0  }
0x17b: {  	v0 =	vshrl.u32 @!p1 v0, $0x10;
	[tilespmem:$0x2850] =	vst @!p1 v1  }
0x17c: {  	[tilespmem:$0x2950] =	vst @!p1 v0  }
0x17d: {  	v0 =	vld @!p1 [tilespmem:s11+$0x160];
	_ =	sdelay $0x4  }
0x17e: {  	s6 =	simm.s32 @!p1 $0x2800;
	v1 =	vand.u32 @!p1 $0xFFFF, v0  }
0x17f: {  	s10 =	simm.s32 $0x400;
	s13 =	simm.s32 @!p1 $0x80;
	s14 =	simm.s32 @!p1 $0x2A00;
	v0 =	vshrl.u32 @!p1 v0, $0x10;
	[tilespmem:$0x2860] =	vst @!p1 v1  }
.LBB2_4:
0x180: {  	[tilespmem:$0x2960] =	vst @!p1 v0;
	s12 =	smov.u32 s10;
	s10 =	sadd.s32 $0x400, s10  }
0x181: {  	p0 =	sne.s32 s10, $0xA000;
	v0 =	vld @!p1 [tilespmem:s11+$0x170];
	_ =	sdelay $0x4  }
0x182: {  	v1 =	vand.u32 @!p1 $0xFFFF, v0;
	v0 =	vshrl.u32 @!p1 v0, $0x10  }
0x183: {  	[tilespmem:$0x2870] =	vst @!p1 v1  }
0x184: {  	[tilespmem:$0x2970] =	vst @!p1 v0  }
0x185: {  	[tilespmem:s14], [sflag:$0x1] =	stream.indirect.gather @!p1 [spmem:s1], $0x40, s6, s13, $0xb8;
	[tilespmem:$0x1A600] =	vst v63  }
0x186: {  	_ =	swait.ge [sflag:s4], $0x2000  }
0x187: {  	[sflag:s4] =	ssyncset.done $0x0  }
0x188: {  	[sflag:s4] =	ssyncadd.s32 $0xFFFFE000  }
0x189: {  	[spmem:s2] =	stream.indirect.scatter.add.f32 [tilespmem:s0], [sflag:$0x3], $0x40, s7, s28, $0xb8;
	[tilespmem:$0x1A600] =	vst v63  }
0x18a: {  	_ =	swait.ge [sflag:s21], $0x2000  }
0x18b: {  	[sflag:s21] =	ssyncset.done $0x0  }
0x18c: {  	s11 =	sshra.s32 s12, $0x2;
	[sflag:s21] =	ssyncadd.s32 $0xFFFFE000  }
0x18d: {  	v0 =	vld [tilespmem:s11+$0x80];
	_ =	sdelay $0x4  }
0x18e: {  	v1 =	vand.u32 $0xFFFF, v0;
	v0 =	vshrl.u32 v0, $0x10  }
0x18f: {  	[tilespmem:$0x2880] =	vst v1  }
0x190: {  	[tilespmem:$0x2980] =	vst v0  }
0x191: {  	v0 =	vld [tilespmem:s11+$0x90];
	_ =	sdelay $0x4  }
0x192: {  	v1 =	vand.u32 $0xFFFF, v0;
	v0 =	vshrl.u32 v0, $0x10  }
0x193: {  	[tilespmem:$0x2890] =	vst v1  }
0x194: {  	[tilespmem:$0x2990] =	vst v0  }
0x195: {  	v0 =	vld [tilespmem:s11+$0xA0];
	_ =	sdelay $0x4  }
0x196: {  	v1 =	vand.u32 $0xFFFF, v0;
	v0 =	vshrl.u32 v0, $0x10  }
0x197: {  	[tilespmem:$0x28A0] =	vst v1  }
0x198: {  	[tilespmem:$0x29A0] =	vst v0  }
0x199: {  	v0 =	vld [tilespmem:s11+$0xB0];
	_ =	sdelay $0x4  }
0x19a: {  	v1 =	vand.u32 $0xFFFF, v0;
	v0 =	vshrl.u32 v0, $0x10  }
0x19b: {  	[tilespmem:$0x28B0] =	vst v1  }
0x19c: {  	[tilespmem:$0x29B0] =	vst v0  }
0x19d: {  	v0 =	vld [tilespmem:s11+$0xC0];
	_ =	sdelay $0x4  }
0x19e: {  	v1 =	vand.u32 $0xFFFF, v0;
	v0 =	vshrl.u32 v0, $0x10  }
0x19f: {  	[tilespmem:$0x28C0] =	vst v1  }
0x1a0: {  	[tilespmem:$0x29C0] =	vst v0  }
0x1a1: {  	v0 =	vld [tilespmem:s11+$0xD0];
	_ =	sdelay $0x4  }
0x1a2: {  	v1 =	vand.u32 $0xFFFF, v0;
	v0 =	vshrl.u32 v0, $0x10  }
0x1a3: {  	[tilespmem:$0x28D0] =	vst v1  }
0x1a4: {  	[tilespmem:$0x29D0] =	vst v0  }
0x1a5: {  	v0 =	vld [tilespmem:s11+$0xE0];
	_ =	sdelay $0x4  }
0x1a6: {  	v1 =	vand.u32 $0xFFFF, v0;
	v0 =	vshrl.u32 v0, $0x10  }
0x1a7: {  	[tilespmem:$0x28E0] =	vst v1  }
0x1a8: {  	[tilespmem:$0x29E0] =	vst v0  }
0x1a9: {  	v0 =	vld [tilespmem:s11+$0xF0];
	_ =	sdelay $0x4  }
0x1aa: {  	v1 =	vand.u32 $0xFFFF, v0;
	v0 =	vshrl.u32 v0, $0x10  }
0x1ab: {  	p1 =	seq.s32 s12, $0x9C00;
	[tilespmem:$0x28F0] =	vst v1  }
0x1ac: {  	s11 =	sshra.s32 @!p1 s12, $0x2;
	[tilespmem:$0x29F0] =	vst v0  }
0x1ad: {  	[tilespmem:s0], [sflag:$0x2] =	stream.indirect.gather [spmem:s1], $0x40, s31, s28, $0xb8;
	[tilespmem:$0x1A600] =	vst v63  }
0x1ae: {  	_ =	swait.ge [sflag:s24], $0x2000  }
0x1af: {  	[sflag:s24] =	ssyncset.done $0x0  }
0x1b0: {  	[sflag:s24] =	ssyncadd.s32 $0xFFFFE000  }
0x1b1: {  	[spmem:s2] =	stream.indirect.scatter.add.f32 [tilespmem:s30], [sflag:$0x3], $0x40, s3, s28, $0xb8;
	[tilespmem:$0x1A600] =	vst v63  }
0x1b2: {  	_ =	swait.ge [sflag:s21], $0x2000  }
0x1b3: {  	[sflag:s21] =	ssyncset.done $0x0  }
0x1b4: {  	[sflag:s21] =	ssyncadd.s32 $0xFFFFE000  }
0x1b5: {  	v0 =	vld @!p1 [tilespmem:s11+$0x100];
	_ =	sdelay $0x4  }
0x1b6: {  	v1 =	vand.u32 @!p1 $0xFFFF, v0;
	v0 =	vshrl.u32 @!p1 v0, $0x10  }
0x1b7: {  	[tilespmem:$0x2800] =	vst @!p1 v1  }
0x1b8: {  	[tilespmem:$0x2900] =	vst @!p1 v0  }
0x1b9: {  	v0 =	vld @!p1 [tilespmem:s11+$0x110];
	_ =	sdelay $0x4  }
0x1ba: {  	v1 =	vand.u32 @!p1 $0xFFFF, v0;
	v0 =	vshrl.u32 @!p1 v0, $0x10  }
0x1bb: {  	[tilespmem:$0x2810] =	vst @!p1 v1  }
0x1bc: {  	[tilespmem:$0x2910] =	vst @!p1 v0  }
0x1bd: {  	v0 =	vld @!p1 [tilespmem:s11+$0x120];
	_ =	sdelay $0x4  }
0x1be: {  	v1 =	vand.u32 @!p1 $0xFFFF, v0;
	v0 =	vshrl.u32 @!p1 v0, $0x10  }
0x1bf: {  	[tilespmem:$0x2820] =	vst @!p1 v1  }
0x1c0: {  	[tilespmem:$0x2920] =	vst @!p1 v0  }
0x1c1: {  	v0 =	vld @!p1 [tilespmem:s11+$0x130];
	_ =	sdelay $0x4  }
0x1c2: {  	v1 =	vand.u32 @!p1 $0xFFFF, v0;
	v0 =	vshrl.u32 @!p1 v0, $0x10  }
0x1c3: {  	[tilespmem:$0x2830] =	vst @!p1 v1  }
0x1c4: {  	[tilespmem:$0x2930] =	vst @!p1 v0  }
0x1c5: {  	v0 =	vld @!p1 [tilespmem:s11+$0x140];
	_ =	sdelay $0x4  }
0x1c6: {  	v1 =	vand.u32 @!p1 $0xFFFF, v0;
	v0 =	vshrl.u32 @!p1 v0, $0x10  }
0x1c7: {  	[tilespmem:$0x2840] =	vst @!p1 v1  }
0x1c8: {  	[tilespmem:$0x2940] =	vst @!p1 v0  }
0x1c9: {  	v0 =	vld @!p1 [tilespmem:s11+$0x150];
	_ =	sdelay $0x4  }
0x1ca: {  	v1 =	vand.u32 @!p1 $0xFFFF, v0;
	v0 =	vshrl.u32 @!p1 v0, $0x10  }
0x1cb: {  	[tilespmem:$0x2850] =	vst @!p1 v1  }
0x1cc: {  	s13 =	simm.s32 @!p1 $0x80;
	s6 =	simm.s32 @!p1 $0x2800;
	s14 =	simm.s32 @!p1 $0x2A00;
	[tilespmem:$0x2950] =	vst @!p1 v0  }
0x1cd: {  	v0 =	vld @!p1 [tilespmem:s11+$0x160];
	_ =	sdelay $0x1  }
.Ltmp1:
0x1ce: {  	(pc) =	sbr.rel @p0 .LBB2_4-.Ltmp1, $3  }
0x1cf: {  	_ =	sdelay $0x1  }
0x1d0: {  	v1 =	vand.u32 @!p1 $0xFFFF, v0;
	v0 =	vshrl.u32 @!p1 v0, $0x10  }
0x1d1: {  	[tilespmem:$0x2860] =	vst @!p1 v1  }
0x1d2: {  	[tilespmem:$0x2960] =	vst @!p1 v0  }
0x1d3: {  	v0 =	vld @!p1 [tilespmem:s11+$0x170];
	_ =	sdelay $0x4  }
0x1d4: {  	v1 =	vand.u32 @!p1 $0xFFFF, v0  }
0x1d5: {  	v0 =	vshrl.u32 @!p1 v0, $0x10;
	[tilespmem:$0x2870] =	vst @!p1 v1  }
0x1d6: {  	[tilespmem:$0x2970] =	vst @!p1 v0  }
0x1d7: {  	[tilespmem:s14], [sflag:$0x1] =	stream.indirect.gather @!p1 [spmem:s1], $0x40, s6, s13, $0xb8;
	[tilespmem:$0x1A600] =	vst v63  }
0x1d8: {  	_ =	swait.ge [sflag:s4], $0x2000  }
0x1d9: {  	[sflag:s4] =	ssyncset.done $0x0  }
0x1da: {  	[sflag:s4] =	ssyncadd.s32 $0xFFFFE000  }
0x1db: {  	[spmem:s2] =	stream.indirect.scatter.add.f32 [tilespmem:s0], [sflag:$0x3], $0x40, s7, s28, $0xb8;
	[tilespmem:$0x1A600] =	vst v63  }
0x1dc: {  	_ =	swait.ge [sflag:s21], $0x2000  }
0x1dd: {  	[sflag:s21] =	ssyncset.done $0x0  }
0x1de: {  	[sflag:s21] =	ssyncadd.s32 $0xFFFFE000  }
0x1df: {  	[bflag:$0x0] =	sbarrier.arrive $0xFFFF  }
0x1e0: {  	s20 =	rddreg [dreg:$0x10]  }
0x1e1: {  	s6 =	sadd.s32 s20, s25  }
0x1e2: {  	[hbm:s6@s26], [sflag:s22] =	dma.strided [spmem:s9@s17], $0x13C0, s24, $0x8   }
0x1e3: {  	_ =	swait.ge [sflag:s21], $0x13C0  }
0x1e4: {  	s8 =	sadd.s32 $0x1, s8;
	s29 =	rddreg [dreg:$0x12]  }
0x1e5: {  	p0 =	sne.s32 s8, s29  }
.Ltmp2:
0x1e6: {  	_ = 	snop;
	(pc) =	sbr.rel @p0 .LBB2_1-.Ltmp2, $3  }
0x1e7: {  	_ =	sdelay $0x1  }
0x1e8: {  	[sflag:s21] =	ssyncset.done $0x0  }
0x1e9: {  	[sflag:s21] =	ssyncadd.s32 $0xFFFFEC40  }
0x1ea: {  	_ =	sfence.sel $0x180000  }
0x1eb: {  	[bflag:$0x0] =	sbarrier.arrive $0xFFFF  }
0x1ec: {  	_ =	strace $0x90000047  }
0x1ed: {  	s0 =	stileid.u32;
	[bflag:$0x2] =	sbarrier.arrive $0xFFFF  }
0x1ee: {  	p0 =	sne.s32 s0, $0x0;
	s0 =	rddreg [dreg:$0x4]  }
0x1ef: {  	s0 =	sadd.s32 @!p0 $0x100000, s0  }
0x1f0: {  	[sflag:s0] =	ssyncadd.tile.s32 @!p0 $0x1;
	_ =	shalt  }
.Lfunc_end2:
_tile_overlayer_lowered:
.L_overlay_start_2:
0x1f1: {  	(tag) =	ssettag $0x2  }
0x1f2: {  	s0 =	rddreg [dreg:$0x0];
	s2 =	stileid.u32  }
0x1f3: {  	s1 =	rddreg [dreg:$0x1];
	p0 =	sne.s32 s2, $0x0  }
0x1f4: {  	s3 =	rddreg [dreg:$0x2];
	[bflag:$0x3] =	sbarrier.arrive $0xFFFF;
	s2 =	simm.s32 @!p0 $0x1C03  }
0x1f5: {  	[timem:s3], [sflag:s2] =	dma.local @!p0 [hbm:s0], s1  }
0x1f6: {  	s0 =	simm.s32 @!p0 $0x3  }
0x1f7: {  	_ =	swait.ge @!p0 [sflag:s0], s1  }
0x1f8: {  	s1 =	ssub.s32 @!p0 $0x0, s1;
	[sflag:s0] =	ssyncset.done @!p0 $0x0  }
0x1f9: {  	[sflag:s0] =	ssyncadd.s32 @!p0 s1  }
0x1fa: {  	[bflag:$0x3] =	sbarrier.arrive $0xFFFF  }
0x1fb: {  	_ =	shalt  }

</sc_bundles>
